<compile_context>
chip_gen: v7x
topology: tpu7x:2x2x1
jax: 0.10.2.dev20260603
libtpu: 0.0.44.dev20260713+nightly
codegen_flags: <defaults>
</compile_context>

<pallas_src>
import jax
import jax.numpy as jnp
from jax import lax
from jax.experimental import pallas as pl
from jax.experimental.pallas import tpu as pltpu
from jax.experimental.pallas import tpu_sc as plsc

EMB_DIM = 32
NW = 32
VOCAB = 1_000_000
N_BLOCKS = (VOCAB + 127) // 128
VOCAB_PAD = N_BLOCKS * 128


def _transpose_body(tab_t, out, vin, rowsl, rsem, wsem):
    c = lax.axis_index("c")
    s = lax.axis_index("s")
    wid = s * 2 + c
    per, rem = N_BLOCKS // NW, N_BLOCKS % NW
    base = wid * per + jnp.minimum(wid, rem)
    count = jnp.where(wid < rem, per + 1, per)
    iota = lax.iota(jnp.int32, 16)

    def fire_reads(blk, p):
        pltpu.async_copy(
            tab_t.at[:, pl.ds(blk * 128, 128)],
            vin.at[p, :, pl.ds(0, 128)],
            rsem.at[p],
        )

    def wait_reads(p):
        pltpu.make_async_copy(
            tab_t.at[:, pl.ds(0, 128)],
            vin.at[p, :, pl.ds(0, 128)],
            rsem.at[p],
        ).wait()

    def wait_write(p):
        pltpu.make_async_copy(
            rowsl.at[p, :, pl.ds(0, 128)], out.at[0], wsem.at[p]
        ).wait()

    fire_reads(base, 0)

    def body(i, _):
        p = i % 2
        blk = base + i

        @pl.when(i + 1 < count)
        def _fire_ahead():
            fire_reads(blk + 1, 1 - p)

        wait_reads(p)

        @pl.when(i >= 2)
        def _reclaim():
            wait_write(p)

        quarter = iota // 4
        colb = (iota % 4) * 32

        def jbody(l0, _):
            rowv = l0 * 4 + quarter
            for f in range(32):
                v = vin[p, f, pl.ds(l0 * 16, 16)]
                plsc.store_scatter(rowsl.at[p], [rowv, colb + f], v)
            return 0

        lax.fori_loop(0, 8, jbody, 0)
        pltpu.async_copy(
            rowsl.at[p, :, pl.ds(0, 128)], out.at[blk], wsem.at[p]
        )
        return 0

    lax.fori_loop(0, count, body, 0)
    wait_write(0)
    wait_write(1)


def _gather_body(idx_t, tabl, out, iv, rows, vt, isem, gsem, wsem):
    c = lax.axis_index("c")
    s = lax.axis_index("s")
    wid = s * 2 + c
    units_per_w = 125
    ubase = wid * units_per_w
    iota = lax.iota(jnp.int32, 16)

    def fire_idx(u, p):
        pw, q = u // 4, u % 4
        for h in range(2):
            pltpu.async_copy(
                idx_t.at[pw, pl.ds(q * 256 + h * 128, 128)],
                iv.at[p, h],
                isem.at[p],
            )

    def wait_idx(p):
        for h in range(2):
            pltpu.make_async_copy(
                idx_t.at[0, pl.ds(0, 128)], iv.at[p, 0], isem.at[p]
            ).wait()

    def fire_gather(p):
        for h in range(2):
            pltpu.async_copy(
                tabl.at[iv.at[p, h]],
                rows.at[p, pl.ds(h * 128, 128)],
                gsem.at[p],
            )

    def wait_gather(p):
        for h in range(2):
            pltpu.make_async_copy(
                tabl.at[pl.ds(0, 128)], rows.at[p, pl.ds(0, 128)], gsem.at[p]
            ).wait()

    def wait_vt(slot):
        for _ in range(2):
            pltpu.make_async_copy(
                vt.at[slot, pl.ds(0, 16), pl.ds(0, 128)],
                out.at[0, 0, pl.ds(0, 16), :],
                wsem.at[slot],
            ).wait()

    fire_idx(ubase, 0)
    wait_idx(0)
    fire_gather(0)

    def body(i, _):
        p = i % 2
        u = ubase + i
        pw, q = u // 4, u % 4

        @pl.when(i + 1 < units_per_w)
        def _fire_ahead():
            fire_idx(u + 1, 1 - p)

        wait_gather(p)

        @pl.when(i + 1 < units_per_w)
        def _gather_ahead():
            wait_idx(1 - p)
            fire_gather(1 - p)

        slot_a = 2 * p

        @pl.when(i >= 2)
        def _reclaim():
            wait_vt(slot_a)
            wait_vt(slot_a + 1)

        for h in range(2):
            rowv = (iota // 8) * 16 + (h * 8 + iota % 8)

            def cbody(u, _, h=h, rowv=rowv):
                for t in range(4):
                    jj = 4 * u + t
                    col = jnp.zeros((16,), jnp.int32) + jj
                    j = h * 128 + jj
                    v0 = rows[p, j, pl.ds(0, 16)]
                    plsc.store_scatter(vt.at[slot_a], [rowv, col], v0)
                    v1 = rows[p, j, pl.ds(16, 16)]
                    plsc.store_scatter(vt.at[slot_a + 1], [rowv, col], v1)
                return 0

            lax.fori_loop(0, 32, cbody, 0)

        for gg in range(2):
            for gt in range(2):
                pltpu.async_copy(
                    vt.at[slot_a + gg, pl.ds(16 * gt, 16), pl.ds(0, 128)],
                    out.at[pw, 2 * gg + gt, pl.ds(q * 16, 16), :],
                    wsem.at[slot_a + gg],
                )
        return 0

    lax.fori_loop(0, units_per_w, body, 0)
    for slot in range(4):
        wait_vt(slot)


def kernel(token_ids, emb_weight):
    b, n_posts, n_words = token_ids.shape
    assert (b, n_posts, n_words) == (1024, 20, 50)
    assert emb_weight.shape == (VOCAB, EMB_DIM)

    mesh = plsc.VectorSubcoreMesh(core_axis_name="c", subcore_axis_name="s")

    transpose_k = pl.kernel(
        _transpose_body,
        out_type=jax.ShapeDtypeStruct((N_BLOCKS, 32, 128), jnp.float32),
        mesh=mesh,
        scratch_types=[
            pltpu.VMEM((2, 32, 129), jnp.float32),
            pltpu.VMEM((2, 32, 129), jnp.float32),
            pltpu.SemaphoreType.DMA((2,)),
            pltpu.SemaphoreType.DMA((2,)),
        ],
        compiler_params=pltpu.CompilerParams(use_tc_tiling_on_sc=True, needs_layout_passes=False),
    )
    tabl = transpose_k(emb_weight.T).reshape(VOCAB_PAD, EMB_DIM)

    idx_t = token_ids.transpose(1, 2, 0).reshape(n_posts * n_words, b)

    gather_k = pl.kernel(
        _gather_body,
        out_type=jax.ShapeDtypeStruct((n_posts * n_words, 4, 64, 128), jnp.float32),
        mesh=mesh,
        scratch_types=[
            pltpu.VMEM((2, 2, 128), jnp.int32),
            pltpu.VMEM((2, 256, 32), jnp.float32),
            pltpu.VMEM((4, 32, 129), jnp.float32),
            pltpu.SemaphoreType.DMA((2,)),
            pltpu.SemaphoreType.DMA((2,)),
            pltpu.SemaphoreType.DMA((4,)),
        ],
        compiler_params=pltpu.CompilerParams(use_tc_tiling_on_sc=False, needs_layout_passes=False),
    )
    x = gather_k(idx_t, tabl)

    out = (
        x.reshape(n_posts, n_words, 4, 8, 8, 128)
        .transpose(3, 5, 0, 1, 2, 4)
        .reshape(b, n_posts, n_words, EMB_DIM)
    )
    return out

# --- scband reference (transcript-rebuilt; emitter-appended) ---
"""Pipeline reference for scband-word-encoder-61984968016068 (READ-ONLY COPY).

The authoritative reference and input builder live on the scoring server;
editing this copy changes nothing except your own understanding.
"""

import jax, jax.numpy as jnp
import numpy as np

VOCAB = 1000000
EMB_DIM = 32

def setup_inputs(seed: int = 0) -> dict:
    key = jax.random.key(seed)
    k1, k2 = jax.random.split(key)
    token_ids = jax.random.randint(k1, (1024, 20, 50), 0, VOCAB, dtype=jnp.int64 if jax.config.jax_enable_x64 else jnp.int32)
    emb_weight = jax.random.normal(k2, (VOCAB, EMB_DIM), dtype=jnp.float32)
    return {"token_ids": token_ids, "emb_weight": emb_weight}

def reference(token_ids, emb_weight):
    # WordEncoder.forward: embedding lookup
    # token_ids: (batch_size, num_posts, num_words) -> (batch_size, num_posts, num_words, emb_dim)
    encoded_we_features = jnp.take(emb_weight, token_ids, axis=0)
    return encoded_we_features

if __name__ == "__main__":
    import jax
    _d = setup_inputs()
    print(jax.jit(kernel)(*tuple(_d.values())))

</pallas_src>

<mosaic_0001>
#map = affine_map<(d0, d1) -> (0, 0)>
#map1 = affine_map<(d0, d1) -> (0, 0, 0)>
module attributes {stable_mosaic.version = 14 : i64} {
  func.func @_transpose_body(%arg0: i32, %arg1: i32, %arg2: memref<32x1000000xf32, #tpu.memory_space<hbm>>, %arg3: memref<7813x32x128xf32, #tpu.memory_space<hbm>>, %arg4: memref<2x32x129xf32, #tpu.memory_space<vmem>>, %arg5: memref<2x32x129xf32, #tpu.memory_space<vmem>>, %arg6: memref<2x!tpu.dma_semaphore, #tpu.memory_space<semaphore_mem>>, %arg7: memref<2x!tpu.dma_semaphore, #tpu.memory_space<semaphore_mem>>) attributes {dimension_semantics = [#tpu.dimension_semantics<core_parallel>, #tpu.dimension_semantics<subcore_parallel>], iteration_bounds = array<i64: 2, 16>, scalar_prefetch = 0 : i64, scratch_operands = 4 : i64, tpu.core_type = #tpu.core_type<sc_vector_subcore>, window_params = [{transform_indices = #map}, {transform_indices = #map1}]} {
    %mul3A = arith.constant 2 : i32
    %mul3A_0 = arith.muli %arg1, %mul3A : i32
    %add3A = arith.addi %mul3A_0, %arg0 : i32
    %mul3A_1 = arith.constant 244 : i32
    %mul3A_2 = arith.muli %add3A, %mul3A_1 : i32
    %min3A = arith.constant 5 : i32
    %min3A_3 = arith.minsi %add3A, %min3A : i32
    %add3A_4 = arith.addi %mul3A_2, %min3A_3 : i32
    %lt3A = arith.constant 5 : i32
    %lt3A_5 = arith.cmpi slt, %add3A, %lt3A : i32
    %jit3A = arith.constant 245 : i32
    %jit3A_6 = arith.constant 244 : i32
    %select_n3A = arith.select %lt3A_5, %jit3A, %jit3A_6 : i32
    %iota3A = tpu.iota {dimensions = array<i32: 0>} : vector<16xi32>
    %mul3A_7 = arith.constant 128 : i32
    %mul3A_8 = arith.muli %add3A_4, %mul3A_7 : i32
    %dma_start3A = arith.constant 0 : i32
    %dma_start3A_9 = arith.constant 0 : i32
    %dma_start3A_10 = arith.constant 0 : i32
    %dma_start3A_11 = arith.constant 0 : i32
    %dma_start3A_12 = tpu.memref_slice %arg4[%dma_start3A, %dma_start3A_10, %dma_start3A_11] : memref<2x32x129xf32, #tpu.memory_space<vmem>> -> memref<1x32x128xf32, #tpu.memory_space<vmem>>
    %dma_start3A_13 = tpu.memref_squeeze %dma_start3A_12 : memref<1x32x128xf32, #tpu.memory_space<vmem>> -> memref<32x128xf32, #tpu.memory_space<vmem>>
    %dma_start3A_14 = arith.constant 0 : i32
    %dma_start3A_15 = tpu.memref_slice %arg2[%dma_start3A_14, %mul3A_8] : memref<32x1000000xf32, #tpu.memory_space<hbm>> -> memref<32x128xf32, #tpu.memory_space<hbm>>
    %dma_start3A_16 = tpu.memref_slice %arg6[%dma_start3A_9] : memref<2x!tpu.dma_semaphore, #tpu.memory_space<semaphore_mem>> -> memref<1x!tpu.dma_semaphore, #tpu.memory_space<semaphore_mem>>
    %dma_start3A_17 = tpu.memref_squeeze %dma_start3A_16 : memref<1x!tpu.dma_semaphore, #tpu.memory_space<semaphore_mem>> -> memref<!tpu.dma_semaphore, #tpu.memory_space<semaphore_mem>>
    %dma_start3A_18 = arith.constant 0 : i32
    %dma_start3A_19 = arith.constant 0 : i32
    %dma_start3A_20 = tpu.memref_slice %arg4[%dma_start3A, %dma_start3A_18, %dma_start3A_19] : memref<2x32x129xf32, #tpu.memory_space<vmem>> -> memref<1x32x128xf32, #tpu.memory_space<vmem>>
    %dma_start3A_21 = tpu.memref_squeeze %dma_start3A_20 : memref<1x32x128xf32, #tpu.memory_space<vmem>> -> memref<32x128xf32, #tpu.memory_space<vmem>>
    %dma_start3A_22 = arith.constant 0 : i32
    %dma_start3A_23 = tpu.memref_slice %arg2[%dma_start3A_22, %mul3A_8] : memref<32x1000000xf32, #tpu.memory_space<hbm>> -> memref<32x128xf32, #tpu.memory_space<hbm>>
    tpu.enqueue_dma source(%dma_start3A_23 : memref<32x128xf32, #tpu.memory_space<hbm>>) target(%dma_start3A_21 : memref<32x128xf32, #tpu.memory_space<vmem>>) target_semaphore(%dma_start3A_17 : memref<!tpu.dma_semaphore, #tpu.memory_space<semaphore_mem>>)
    %while3A = arith.constant 0 : i32
    %while3A_24 = arith.constant 0 : i32
    %while3A_25 = arith.subi %select_n3A, %while3A : i32
    %while3A_26 = arith.addi %while3A, %while3A_25 : i32
    %while3A_27 = arith.constant 1 : i32
    %while3A_28 = arith.divsi %while3A_25, %while3A_27 : i32
    %while3A_29 = arith.muli %while3A_28, %while3A_27 : i32
    %while3A_30 = arith.addi %while3A, %while3A_29 : i32
    %while3A_31 = arith.constant 1 : i32
    %while3A_32 = scf.for %while3A_76 = %while3A to %while3A_30 step %while3A_31 iter_args(%while3A_77 = %while3A_24) -> (i32)  : i32 {
      %jit3A_78 = arith.constant 2 : i32
      %eq3A = arith.constant 0 : i32
      %eq3A_79 = arith.cmpi eq, %jit3A_78, %eq3A : i32
      %jit3A_80 = arith.constant 1 : i32
      %select_n3A_81 = arith.select %eq3A_79, %jit3A_80, %jit3A_78 : i32
      %rem3A = arith.remsi %while3A_76, %select_n3A_81 : i32
      %ne3A = arith.constant 0 : i32
      %ne3A_82 = arith.cmpi ne, %rem3A, %ne3A : i32
      %lt3A_83 = arith.constant 0 : i32
      %lt3A_84 = arith.cmpi slt, %rem3A, %lt3A_83 : i32
      %lt3A_85 = arith.constant 0 : i32
      %lt3A_86 = arith.cmpi slt, %select_n3A_81, %lt3A_85 : i32
      %ne3A_87 = arith.xori %lt3A_84, %lt3A_86 : i1
      %and3A = arith.andi %ne3A_87, %ne3A_82 : i1
      %add3A_88 = arith.addi %rem3A, %select_n3A_81 : i32
      %select_n3A_89 = arith.select %and3A, %add3A_88, %rem3A : i32
      %add3A_90 = arith.addi %add3A_4, %while3A_76 : i32
      %add3A_91 = arith.constant 1 : i32
      %add3A_92 = arith.addi %while3A_76, %add3A_91 : i32
      %lt3A_93 = arith.cmpi slt, %add3A_92, %select_n3A : i32
      %convert_element_type3A = arith.extui %lt3A_93 : i1 to i32
      %cond3A = arith.constant 0 : i32
      %cond3A_94 = arith.cmpi ne, %convert_element_type3A, %cond3A : i32
      scf.if %cond3A_94 {
        %add3A_193 = arith.constant 1 : i32
        %add3A_194 = arith.addi %add3A_90, %add3A_193 : i32
        %sub3A_195 = arith.constant 1 : i32
        %sub3A_196 = arith.subi %sub3A_195, %select_n3A_89 : i32
        %mul3A_197 = arith.constant 128 : i32
        %mul3A_198 = arith.muli %add3A_194, %mul3A_197 : i32
        %dma_start3A_199 = arith.constant 0 : i32
        %dma_start3A_200 = arith.constant 0 : i32
        %dma_start3A_201 = tpu.memref_slice %arg4[%sub3A_196, %dma_start3A_199, %dma_start3A_200] : memref<2x32x129xf32, #tpu.memory_space<vmem>> -> memref<1x32x128xf32, #tpu.memory_space<vmem>>
        %dma_start3A_202 = tpu.memref_squeeze %dma_start3A_201 : memref<1x32x128xf32, #tpu.memory_space<vmem>> -> memref<32x128xf32, #tpu.memory_space<vmem>>
        %dma_start3A_203 = arith.constant 0 : i32
        %dma_start3A_204 = tpu.memref_slice %arg2[%dma_start3A_203, %mul3A_198] : memref<32x1000000xf32, #tpu.memory_space<hbm>> -> memref<32x128xf32, #tpu.memory_space<hbm>>
        %dma_start3A_205 = tpu.memref_slice %arg6[%sub3A_196] : memref<2x!tpu.dma_semaphore, #tpu.memory_space<semaphore_mem>> -> memref<1x!tpu.dma_semaphore, #tpu.memory_space<semaphore_mem>>
        %dma_start3A_206 = tpu.memref_squeeze %dma_start3A_205 : memref<1x!tpu.dma_semaphore, #tpu.memory_space<semaphore_mem>> -> memref<!tpu.dma_semaphore, #tpu.memory_space<semaphore_mem>>
        %dma_start3A_207 = arith.constant 0 : i32
        %dma_start3A_208 = arith.constant 0 : i32
        %dma_start3A_209 = tpu.memref_slice %arg4[%sub3A_196, %dma_start3A_207, %dma_start3A_208] : memref<2x32x129xf32, #tpu.memory_space<vmem>> -> memref<1x32x128xf32, #tpu.memory_space<vmem>>
        %dma_start3A_210 = tpu.memref_squeeze %dma_start3A_209 : memref<1x32x128xf32, #tpu.memory_space<vmem>> -> memref<32x128xf32, #tpu.memory_space<vmem>>
        %dma_start3A_211 = arith.constant 0 : i32
        %dma_start3A_212 = tpu.memref_slice %arg2[%dma_start3A_211, %mul3A_198] : memref<32x1000000xf32, #tpu.memory_space<hbm>> -> memref<32x128xf32, #tpu.memory_space<hbm>>
        tpu.enqueue_dma source(%dma_start3A_212 : memref<32x128xf32, #tpu.memory_space<hbm>>) target(%dma_start3A_210 : memref<32x128xf32, #tpu.memory_space<vmem>>) target_semaphore(%dma_start3A_206 : memref<!tpu.dma_semaphore, #tpu.memory_space<semaphore_mem>>)
      } else {
      }
      %dma_wait3A_95 = arith.constant 0 : i32
      %dma_wait3A_96 = arith.constant 0 : i32
      %dma_wait3A_97 = tpu.memref_slice %arg4[%select_n3A_89, %dma_wait3A_95, %dma_wait3A_96] : memref<2x32x129xf32, #tpu.memory_space<vmem>> -> memref<1x32x128xf32, #tpu.memory_space<vmem>>
      %dma_wait3A_98 = tpu.memref_squeeze %dma_wait3A_97 : memref<1x32x128xf32, #tpu.memory_space<vmem>> -> memref<32x128xf32, #tpu.memory_space<vmem>>
      %dma_wait3A_99 = arith.constant 0 : i32
      %dma_wait3A_100 = arith.constant 0 : i32
      %dma_wait3A_101 = tpu.memref_slice %arg2[%dma_wait3A_99, %dma_wait3A_100] : memref<32x1000000xf32, #tpu.memory_space<hbm>> -> memref<32x128xf32, #tpu.memory_space<hbm>>
      %dma_wait3A_102 = tpu.memref_slice %arg6[%select_n3A_89] : memref<2x!tpu.dma_semaphore, #tpu.memory_space<semaphore_mem>> -> memref<1x!tpu.dma_semaphore, #tpu.memory_space<semaphore_mem>>
      %dma_wait3A_103 = tpu.memref_squeeze %dma_wait3A_102 : memref<1x!tpu.dma_semaphore, #tpu.memory_space<semaphore_mem>> -> memref<!tpu.dma_semaphore, #tpu.memory_space<semaphore_mem>>
      %dma_wait3A_104 = arith.constant 0 : i32
      %dma_wait3A_105 = arith.constant 0 : i32
      %dma_wait3A_106 = tpu.memref_slice %arg4[%select_n3A_89, %dma_wait3A_104, %dma_wait3A_105] : memref<2x32x129xf32, #tpu.memory_space<vmem>> -> memref<1x32x128xf32, #tpu.memory_space<vmem>>
      %dma_wait3A_107 = tpu.memref_squeeze %dma_wait3A_106 : memref<1x32x128xf32, #tpu.memory_space<vmem>> -> memref<32x128xf32, #tpu.memory_space<vmem>>
      %dma_wait3A_108 = arith.constant 0 : i32
      %dma_wait3A_109 = arith.constant 0 : i32
      %dma_wait3A_110 = tpu.memref_slice %arg2[%dma_wait3A_108, %dma_wait3A_109] : memref<32x1000000xf32, #tpu.memory_space<hbm>> -> memref<32x128xf32, #tpu.memory_space<hbm>>
      tpu.wait_dma2 semaphore(%dma_wait3A_103 : memref<!tpu.dma_semaphore, #tpu.memory_space<semaphore_mem>>) src(%dma_wait3A_110 : memref<32x128xf32, #tpu.memory_space<hbm>>) dst(%dma_wait3A_107 : memref<32x128xf32, #tpu.memory_space<vmem>>)
      %ge3A = arith.constant 2 : i32
      %ge3A_111 = arith.cmpi sge, %while3A_76, %ge3A : i32
      %convert_element_type3A_112 = arith.extui %ge3A_111 : i1 to i32
      %cond3A_113 = arith.constant 0 : i32
      %cond3A_114 = arith.cmpi ne, %convert_element_type3A_112, %cond3A_113 : i32
      scf.if %cond3A_114 {
        %dma_wait3A_193 = arith.constant 0 : i32
        %dma_wait3A_194 = arith.constant 0 : i32
        %dma_wait3A_195 = arith.constant 0 : i32
        %dma_wait3A_196 = tpu.memref_slice %arg5[%select_n3A_89, %dma_wait3A_194, %dma_wait3A_195] : memref<2x32x129xf32, #tpu.memory_space<vmem>> -> memref<1x32x128xf32, #tpu.memory_space<vmem>>
        %dma_wait3A_197 = tpu.memref_squeeze %dma_wait3A_196 : memref<1x32x128xf32, #tpu.memory_space<vmem>> -> memref<32x128xf32, #tpu.memory_space<vmem>>
        %dma_wait3A_198 = arith.constant 0 : i32
        %dma_wait3A_199 = arith.constant 0 : i32
        %dma_wait3A_200 = tpu.memref_slice %arg3[%dma_wait3A_193, %dma_wait3A_198, %dma_wait3A_199] : memref<7813x32x128xf32, #tpu.memory_space<hbm>> -> memref<1x32x128xf32, #tpu.memory_space<hbm>>
        %dma_wait3A_201 = tpu.memref_squeeze %dma_wait3A_200 : memref<1x32x128xf32, #tpu.memory_space<hbm>> -> memref<32x128xf32, #tpu.memory_space<hbm>>
        %dma_wait3A_202 = tpu.memref_slice %arg7[%select_n3A_89] : memref<2x!tpu.dma_semaphore, #tpu.memory_space<semaphore_mem>> -> memref<1x!tpu.dma_semaphore, #tpu.memory_space<semaphore_mem>>
        %dma_wait3A_203 = tpu.memref_squeeze %dma_wait3A_202 : memref<1x!tpu.dma_semaphore, #tpu.memory_space<semaphore_mem>> -> memref<!tpu.dma_semaphore, #tpu.memory_space<semaphore_mem>>
        %dma_wait3A_204 = arith.constant 0 : i32
        %dma_wait3A_205 = arith.constant 0 : i32
        %dma_wait3A_206 = tpu.memref_slice %arg3[%dma_wait3A_193, %dma_wait3A_204, %dma_wait3A_205] : memref<7813x32x128xf32, #tpu.memory_space<hbm>> -> memref<1x32x128xf32, #tpu.memory_space<hbm>>
        %dma_wait3A_207 = tpu.memref_squeeze %dma_wait3A_206 : memref<1x32x128xf32, #tpu.memory_space<hbm>> -> memref<32x128xf32, #tpu.memory_space<hbm>>
        %dma_wait3A_208 = arith.constant 0 : i32
        %dma_wait3A_209 = arith.constant 0 : i32
        %dma_wait3A_210 = tpu.memref_slice %arg5[%select_n3A_89, %dma_wait3A_208, %dma_wait3A_209] : memref<2x32x129xf32, #tpu.memory_space<vmem>> -> memref<1x32x128xf32, #tpu.memory_space<vmem>>
        %dma_wait3A_211 = tpu.memref_squeeze %dma_wait3A_210 : memref<1x32x128xf32, #tpu.memory_space<vmem>> -> memref<32x128xf32, #tpu.memory_space<vmem>>
        tpu.wait_dma2 semaphore(%dma_wait3A_203 : memref<!tpu.dma_semaphore, #tpu.memory_space<semaphore_mem>>) src(%dma_wait3A_211 : memref<32x128xf32, #tpu.memory_space<vmem>>) dst(%dma_wait3A_207 : memref<32x128xf32, #tpu.memory_space<hbm>>)
      } else {
      }
      %jit3A_115 = arith.constant 4 : i32
      %div3A = vector.broadcast %jit3A_115 : i32 to vector<16xi32>
      %div3A_116 = arith.divsi %iota3A, %div3A : vector<16xi32>
      %sign3A = arith.constant 0 : i32
      %sign3A_117 = vector.broadcast %sign3A : i32 to vector<16xi32>
      %sign3A_118 = arith.cmpi sgt, %iota3A, %sign3A_117 : vector<16xi32>
      %sign3A_119 = arith.extui %sign3A_118 : vector<16xi1> to vector<16xi32>
      %sign3A_120 = arith.constant 0 : i32
      %sign3A_121 = vector.broadcast %sign3A_120 : i32 to vector<16xi32>
      %sign3A_122 = arith.cmpi slt, %iota3A, %sign3A_121 : vector<16xi32>
      %sign3A_123 = arith.extui %sign3A_122 : vector<16xi1> to vector<16xi32>
      %sign3A_124 = arith.subi %sign3A_119, %sign3A_123 : vector<16xi32>
      %sign3A_125 = arith.constant 0 : i32
      %sign3A_126 = arith.cmpi sgt, %jit3A_115, %sign3A_125 : i32
      %sign3A_127 = arith.extui %sign3A_126 : i1 to i32
      %sign3A_128 = arith.constant 0 : i32
      %sign3A_129 = arith.cmpi slt, %jit3A_115, %sign3A_128 : i32
      %sign3A_130 = arith.extui %sign3A_129 : i1 to i32
      %sign3A_131 = arith.subi %sign3A_127, %sign3A_130 : i32
      %ne3A_132 = vector.broadcast %sign3A_131 : i32 to vector<16xi32>
      %ne3A_133 = arith.cmpi ne, %sign3A_124, %ne3A_132 : vector<16xi32>
      %rem3A_134 = vector.broadcast %jit3A_115 : i32 to vector<16xi32>
      %rem3A_135 = arith.remsi %iota3A, %rem3A_134 : vector<16xi32>
      %ne3A_136 = arith.constant 0 : i32
      %ne3A_137 = vector.broadcast %ne3A_136 : i32 to vector<16xi32>
      %ne3A_138 = arith.cmpi ne, %rem3A_135, %ne3A_137 : vector<16xi32>
      %and3A_139 = arith.andi %ne3A_133, %ne3A_138 : vector<16xi1>
      %sub3A = arith.constant 1 : i32
      %sub3A_140 = vector.broadcast %sub3A : i32 to vector<16xi32>
      %sub3A_141 = arith.subi %div3A_116, %sub3A_140 : vector<16xi32>
      %select_n3A_142 = arith.select %and3A_139, %sub3A_141, %div3A_116 : vector<16xi1>, vector<16xi32>
      %jit3A_143 = arith.constant 4 : i32
      %eq3A_144 = arith.constant 0 : i32
      %eq3A_145 = arith.cmpi eq, %jit3A_143, %eq3A_144 : i32
      %jit3A_146 = arith.constant 1 : i32
      %select_n3A_147 = arith.select %eq3A_145, %jit3A_146, %jit3A_143 : i32
      %rem3A_148 = vector.broadcast %select_n3A_147 : i32 to vector<16xi32>
      %rem3A_149 = arith.remsi %iota3A, %rem3A_148 : vector<16xi32>
      %ne3A_150 = arith.constant 0 : i32
      %ne3A_151 = vector.broadcast %ne3A_150 : i32 to vector<16xi32>
      %ne3A_152 = arith.cmpi ne, %rem3A_149, %ne3A_151 : vector<16xi32>
      %lt3A_153 = arith.constant 0 : i32
      %lt3A_154 = vector.broadcast %lt3A_153 : i32 to vector<16xi32>
      %lt3A_155 = arith.cmpi slt, %rem3A_149, %lt3A_154 : vector<16xi32>
      %lt3A_156 = arith.constant 0 : i32
      %lt3A_157 = arith.cmpi slt, %select_n3A_147, %lt3A_156 : i32
      %ne3A_158 = vector.broadcast %lt3A_157 : i1 to vector<16xi1>
      %ne3A_159 = vector.broadcast %ne3A_158 : vector<16xi1> to vector<16xi1>
      %ne3A_160 = arith.xori %lt3A_155, %ne3A_159 : vector<16xi1>
      %and3A_161 = arith.andi %ne3A_160, %ne3A_152 : vector<16xi1>
      %add3A_162 = vector.broadcast %select_n3A_147 : i32 to vector<16xi32>
      %add3A_163 = arith.addi %rem3A_149, %add3A_162 : vector<16xi32>
      %select_n3A_164 = arith.select %and3A_161, %add3A_163, %rem3A_149 : vector<16xi1>, vector<16xi32>
      %mul3A_165 = arith.constant 32 : i32
      %mul3A_166 = vector.broadcast %mul3A_165 : i32 to vector<16xi32>
      %mul3A_167 = arith.muli %select_n3A_164, %mul3A_166 : vector<16xi32>
      %scan3A = arith.constant 0 : i32
      %scan3A_168 = arith.constant 0 : i32
      %scan3A_169 = arith.constant 8 : i32
      %scan3A_170 = arith.addi %scan3A_168, %scan3A_169 : i32
      %scan3A_171 = arith.constant 1 : i32
      %scan3A_172 = scf.for %scan3A_193 = %scan3A_168 to %scan3A_170 step %scan3A_171 iter_args(%scan3A_194 = %scan3A) -> (i32)  : i32 {
        %mul3A_195 = arith.constant 4 : i32
        %mul3A_196 = arith.muli %scan3A_193, %mul3A_195 : i32
        %add3A_197 = vector.broadcast %mul3A_196 : i32 to vector<16xi32>
        %add3A_198 = arith.addi %add3A_197, %select_n3A_142 : vector<16xi32>
        %mul3A_199 = arith.constant 16 : i32
        %mul3A_200 = arith.muli %scan3A_193, %mul3A_199 : i32
        %get3A = arith.constant 0 : i32
        %get3A_201 = arith.index_cast %select_n3A_89 : i32 to index
        %get3A_202 = arith.index_cast %get3A : i32 to index
        %get3A_203 = arith.index_cast %mul3A_200 : i32 to index
        %get3A_204 = tpu.vector_load %arg4[%get3A_201, %get3A_202, %get3A_203] {strides = array<i32>} : memref<2x32x129xf32, #tpu.memory_space<vmem>>, vector<16xf32>,
        %add3A_205 = arith.constant 0 : i32
        %add3A_206 = vector.broadcast %add3A_205 : i32 to vector<16xi32>
        %add3A_207 = arith.addi %mul3A_167, %add3A_206 : vector<16xi32>
        %scatter3A = arith.constant 0 : i32
        %scatter3A_208 = arith.constant 0 : i32
        %scatter3A_209 = tpu.memref_slice %arg5[%select_n3A_89, %scatter3A, %scatter3A_208] : memref<2x32x129xf32, #tpu.memory_space<vmem>> -> memref<1x32x129xf32, #tpu.memory_space<vmem>>
        %scatter3A_210 = tpu.memref_squeeze %scatter3A_209 : memref<1x32x129xf32, #tpu.memory_space<vmem>> -> memref<32x129xf32, #tpu.memory_space<vmem>>
        tpu.vector_store_idx %scatter3A_210[%add3A_198, %add3A_207], %get3A_204 : memref<32x129xf32, #tpu.memory_space<vmem>>[vector<16xi32>, vector<16xi32>], vector<16xf32>,
        %mul3A_211 = arith.constant 16 : i32
        %mul3A_212 = arith.muli %scan3A_193, %mul3A_211 : i32
        %get3A_213 = arith.constant 1 : i32
        %get3A_214 = arith.index_cast %select_n3A_89 : i32 to index
        %get3A_215 = arith.index_cast %get3A_213 : i32 to index
        %get3A_216 = arith.index_cast %mul3A_212 : i32 to index
        %get3A_217 = tpu.vector_load %arg4[%get3A_214, %get3A_215, %get3A_216] {strides = array<i32>} : memref<2x32x129xf32, #tpu.memory_space<vmem>>, vector<16xf32>,
        %add3A_218 = arith.constant 1 : i32
        %add3A_219 = vector.broadcast %add3A_218 : i32 to vector<16xi32>
        %add3A_220 = arith.addi %mul3A_167, %add3A_219 : vector<16xi32>
        %scatter3A_221 = arith.constant 0 : i32
        %scatter3A_222 = arith.constant 0 : i32
        %scatter3A_223 = tpu.memref_slice %arg5[%select_n3A_89, %scatter3A_221, %scatter3A_222] : memref<2x32x129xf32, #tpu.memory_space<vmem>> -> memref<1x32x129xf32, #tpu.memory_space<vmem>>
        %scatter3A_224 = tpu.memref_squeeze %scatter3A_223 : memref<1x32x129xf32, #tpu.memory_space<vmem>> -> memref<32x129xf32, #tpu.memory_space<vmem>>
        tpu.vector_store_idx %scatter3A_224[%add3A_198, %add3A_220], %get3A_217 : memref<32x129xf32, #tpu.memory_space<vmem>>[vector<16xi32>, vector<16xi32>], vector<16xf32>,
        %mul3A_225 = arith.constant 16 : i32
        %mul3A_226 = arith.muli %scan3A_193, %mul3A_225 : i32
        %get3A_227 = arith.constant 2 : i32
        %get3A_228 = arith.index_cast %select_n3A_89 : i32 to index
        %get3A_229 = arith.index_cast %get3A_227 : i32 to index
        %get3A_230 = arith.index_cast %mul3A_226 : i32 to index
        %get3A_231 = tpu.vector_load %arg4[%get3A_228, %get3A_229, %get3A_230] {strides = array<i32>} : memref<2x32x129xf32, #tpu.memory_space<vmem>>, vector<16xf32>,
        %add3A_232 = arith.constant 2 : i32
        %add3A_233 = vector.broadcast %add3A_232 : i32 to vector<16xi32>
        %add3A_234 = arith.addi %mul3A_167, %add3A_233 : vector<16xi32>
        %scatter3A_235 = arith.constant 0 : i32
        %scatter3A_236 = arith.constant 0 : i32
        %scatter3A_237 = tpu.memref_slice %arg5[%select_n3A_89, %scatter3A_235, %scatter3A_236] : memref<2x32x129xf32, #tpu.memory_space<vmem>> -> memref<1x32x129xf32, #tpu.memory_space<vmem>>
        %scatter3A_238 = tpu.memref_squeeze %scatter3A_237 : memref<1x32x129xf32, #tpu.memory_space<vmem>> -> memref<32x129xf32, #tpu.memory_space<vmem>>
        tpu.vector_store_idx %scatter3A_238[%add3A_198, %add3A_234], %get3A_231 : memref<32x129xf32, #tpu.memory_space<vmem>>[vector<16xi32>, vector<16xi32>], vector<16xf32>,
        %mul3A_239 = arith.constant 16 : i32
        %mul3A_240 = arith.muli %scan3A_193, %mul3A_239 : i32
        %get3A_241 = arith.constant 3 : i32
        %get3A_242 = arith.index_cast %select_n3A_89 : i32 to index
        %get3A_243 = arith.index_cast %get3A_241 : i32 to index
        %get3A_244 = arith.index_cast %mul3A_240 : i32 to index
        %get3A_245 = tpu.vector_load %arg4[%get3A_242, %get3A_243, %get3A_244] {strides = array<i32>} : memref<2x32x129xf32, #tpu.memory_space<vmem>>, vector<16xf32>,
        %add3A_246 = arith.constant 3 : i32
        %add3A_247 = vector.broadcast %add3A_246 : i32 to vector<16xi32>
        %add3A_248 = arith.addi %mul3A_167, %add3A_247 : vector<16xi32>
        %scatter3A_249 = arith.constant 0 : i32
        %scatter3A_250 = arith.constant 0 : i32
        %scatter3A_251 = tpu.memref_slice %arg5[%select_n3A_89, %scatter3A_249, %scatter3A_250] : memref<2x32x129xf32, #tpu.memory_space<vmem>> -> memref<1x32x129xf32, #tpu.memory_space<vmem>>
        %scatter3A_252 = tpu.memref_squeeze %scatter3A_251 : memref<1x32x129xf32, #tpu.memory_space<vmem>> -> memref<32x129xf32, #tpu.memory_space<vmem>>
        tpu.vector_store_idx %scatter3A_252[%add3A_198, %add3A_248], %get3A_245 : memref<32x129xf32, #tpu.memory_space<vmem>>[vector<16xi32>, vector<16xi32>], vector<16xf32>,
        %mul3A_253 = arith.constant 16 : i32
        %mul3A_254 = arith.muli %scan3A_193, %mul3A_253 : i32
        %get3A_255 = arith.constant 4 : i32
        %get3A_256 = arith.index_cast %select_n3A_89 : i32 to index
        %get3A_257 = arith.index_cast %get3A_255 : i32 to index
        %get3A_258 = arith.index_cast %mul3A_254 : i32 to index
        %get3A_259 = tpu.vector_load %arg4[%get3A_256, %get3A_257, %get3A_258] {strides = array<i32>} : memref<2x32x129xf32, #tpu.memory_space<vmem>>, vector<16xf32>,
        %add3A_260 = arith.constant 4 : i32
        %add3A_261 = vector.broadcast %add3A_260 : i32 to vector<16xi32>
        %add3A_262 = arith.addi %mul3A_167, %add3A_261 : vector<16xi32>
        %scatter3A_263 = arith.constant 0 : i32
        %scatter3A_264 = arith.constant 0 : i32
        %scatter3A_265 = tpu.memref_slice %arg5[%select_n3A_89, %scatter3A_263, %scatter3A_264] : memref<2x32x129xf32, #tpu.memory_space<vmem>> -> memref<1x32x129xf32, #tpu.memory_space<vmem>>
        %scatter3A_266 = tpu.memref_squeeze %scatter3A_265 : memref<1x32x129xf32, #tpu.memory_space<vmem>> -> memref<32x129xf32, #tpu.memory_space<vmem>>
        tpu.vector_store_idx %scatter3A_266[%add3A_198, %add3A_262], %get3A_259 : memref<32x129xf32, #tpu.memory_space<vmem>>[vector<16xi32>, vector<16xi32>], vector<16xf32>,
        %mul3A_267 = arith.constant 16 : i32
        %mul3A_268 = arith.muli %scan3A_193, %mul3A_267 : i32
        %get3A_269 = arith.constant 5 : i32
        %get3A_270 = arith.index_cast %select_n3A_89 : i32 to index
        %get3A_271 = arith.index_cast %get3A_269 : i32 to index
        %get3A_272 = arith.index_cast %mul3A_268 : i32 to index
        %get3A_273 = tpu.vector_load %arg4[%get3A_270, %get3A_271, %get3A_272] {strides = array<i32>} : memref<2x32x129xf32, #tpu.memory_space<vmem>>, vector<16xf32>,
        %add3A_274 = arith.constant 5 : i32
        %add3A_275 = vector.broadcast %add3A_274 : i32 to vector<16xi32>
        %add3A_276 = arith.addi %mul3A_167, %add3A_275 : vector<16xi32>
        %scatter3A_277 = arith.constant 0 : i32
        %scatter3A_278 = arith.constant 0 : i32
        %scatter3A_279 = tpu.memref_slice %arg5[%select_n3A_89, %scatter3A_277, %scatter3A_278] : memref<2x32x129xf32, #tpu.memory_space<vmem>> -> memref<1x32x129xf32, #tpu.memory_space<vmem>>
        %scatter3A_280 = tpu.memref_squeeze %scatter3A_279 : memref<1x32x129xf32, #tpu.memory_space<vmem>> -> memref<32x129xf32, #tpu.memory_space<vmem>>
        tpu.vector_store_idx %scatter3A_280[%add3A_198, %add3A_276], %get3A_273 : memref<32x129xf32, #tpu.memory_space<vmem>>[vector<16xi32>, vector<16xi32>], vector<16xf32>,
        %mul3A_281 = arith.constant 16 : i32
        %mul3A_282 = arith.muli %scan3A_193, %mul3A_281 : i32
        %get3A_283 = arith.constant 6 : i32
        %get3A_284 = arith.index_cast %select_n3A_89 : i32 to index
        %get3A_285 = arith.index_cast %get3A_283 : i32 to index
        %get3A_286 = arith.index_cast %mul3A_282 : i32 to index
        %get3A_287 = tpu.vector_load %arg4[%get3A_284, %get3A_285, %get3A_286] {strides = array<i32>} : memref<2x32x129xf32, #tpu.memory_space<vmem>>, vector<16xf32>,
        %add3A_288 = arith.constant 6 : i32
        %add3A_289 = vector.broadcast %add3A_288 : i32 to vector<16xi32>
        %add3A_290 = arith.addi %mul3A_167, %add3A_289 : vector<16xi32>
        %scatter3A_291 = arith.constant 0 : i32
        %scatter3A_292 = arith.constant 0 : i32
        %scatter3A_293 = tpu.memref_slice %arg5[%select_n3A_89, %scatter3A_291, %scatter3A_292] : memref<2x32x129xf32, #tpu.memory_space<vmem>> -> memref<1x32x129xf32, #tpu.memory_space<vmem>>
        %scatter3A_294 = tpu.memref_squeeze %scatter3A_293 : memref<1x32x129xf32, #tpu.memory_space<vmem>> -> memref<32x129xf32, #tpu.memory_space<vmem>>
        tpu.vector_store_idx %scatter3A_294[%add3A_198, %add3A_290], %get3A_287 : memref<32x129xf32, #tpu.memory_space<vmem>>[vector<16xi32>, vector<16xi32>], vector<16xf32>,
        %mul3A_295 = arith.constant 16 : i32
        %mul3A_296 = arith.muli %scan3A_193, %mul3A_295 : i32
        %get3A_297 = arith.constant 7 : i32
        %get3A_298 = arith.index_cast %select_n3A_89 : i32 to index
        %get3A_299 = arith.index_cast %get3A_297 : i32 to index
        %get3A_300 = arith.index_cast %mul3A_296 : i32 to index
        %get3A_301 = tpu.vector_load %arg4[%get3A_298, %get3A_299, %get3A_300] {strides = array<i32>} : memref<2x32x129xf32, #tpu.memory_space<vmem>>, vector<16xf32>,
        %add3A_302 = arith.constant 7 : i32
        %add3A_303 = vector.broadcast %add3A_302 : i32 to vector<16xi32>
        %add3A_304 = arith.addi %mul3A_167, %add3A_303 : vector<16xi32>
        %scatter3A_305 = arith.constant 0 : i32
        %scatter3A_306 = arith.constant 0 : i32
        %scatter3A_307 = tpu.memref_slice %arg5[%select_n3A_89, %scatter3A_305, %scatter3A_306] : memref<2x32x129xf32, #tpu.memory_space<vmem>> -> memref<1x32x129xf32, #tpu.memory_space<vmem>>
        %scatter3A_308 = tpu.memref_squeeze %scatter3A_307 : memref<1x32x129xf32, #tpu.memory_space<vmem>> -> memref<32x129xf32, #tpu.memory_space<vmem>>
        tpu.vector_store_idx %scatter3A_308[%add3A_198, %add3A_304], %get3A_301 : memref<32x129xf32, #tpu.memory_space<vmem>>[vector<16xi32>, vector<16xi32>], vector<16xf32>,
        %mul3A_309 = arith.constant 16 : i32
        %mul3A_310 = arith.muli %scan3A_193, %mul3A_309 : i32
        %get3A_311 = arith.constant 8 : i32
        %get3A_312 = arith.index_cast %select_n3A_89 : i32 to index
        %get3A_313 = arith.index_cast %get3A_311 : i32 to index
        %get3A_314 = arith.index_cast %mul3A_310 : i32 to index
        %get3A_315 = tpu.vector_load %arg4[%get3A_312, %get3A_313, %get3A_314] {strides = array<i32>} : memref<2x32x129xf32, #tpu.memory_space<vmem>>, vector<16xf32>,
        %add3A_316 = arith.constant 8 : i32
        %add3A_317 = vector.broadcast %add3A_316 : i32 to vector<16xi32>
        %add3A_318 = arith.addi %mul3A_167, %add3A_317 : vector<16xi32>
        %scatter3A_319 = arith.constant 0 : i32
        %scatter3A_320 = arith.constant 0 : i32
        %scatter3A_321 = tpu.memref_slice %arg5[%select_n3A_89, %scatter3A_319, %scatter3A_320] : memref<2x32x129xf32, #tpu.memory_space<vmem>> -> memref<1x32x129xf32, #tpu.memory_space<vmem>>
        %scatter3A_322 = tpu.memref_squeeze %scatter3A_321 : memref<1x32x129xf32, #tpu.memory_space<vmem>> -> memref<32x129xf32, #tpu.memory_space<vmem>>
        tpu.vector_store_idx %scatter3A_322[%add3A_198, %add3A_318], %get3A_315 : memref<32x129xf32, #tpu.memory_space<vmem>>[vector<16xi32>, vector<16xi32>], vector<16xf32>,
        %mul3A_323 = arith.constant 16 : i32
        %mul3A_324 = arith.muli %scan3A_193, %mul3A_323 : i32
        %get3A_325 = arith.constant 9 : i32
        %get3A_326 = arith.index_cast %select_n3A_89 : i32 to index
        %get3A_327 = arith.index_cast %get3A_325 : i32 to index
        %get3A_328 = arith.index_cast %mul3A_324 : i32 to index
        %get3A_329 = tpu.vector_load %arg4[%get3A_326, %get3A_327, %get3A_328] {strides = array<i32>} : memref<2x32x129xf32, #tpu.memory_space<vmem>>, vector<16xf32>,
        %add3A_330 = arith.constant 9 : i32
        %add3A_331 = vector.broadcast %add3A_330 : i32 to vector<16xi32>
        %add3A_332 = arith.addi %mul3A_167, %add3A_331 : vector<16xi32>
        %scatter3A_333 = arith.constant 0 : i32
        %scatter3A_334 = arith.constant 0 : i32
        %scatter3A_335 = tpu.memref_slice %arg5[%select_n3A_89, %scatter3A_333, %scatter3A_334] : memref<2x32x129xf32, #tpu.memory_space<vmem>> -> memref<1x32x129xf32, #tpu.memory_space<vmem>>
        %scatter3A_336 = tpu.memref_squeeze %scatter3A_335 : memref<1x32x129xf32, #tpu.memory_space<vmem>> -> memref<32x129xf32, #tpu.memory_space<vmem>>
        tpu.vector_store_idx %scatter3A_336[%add3A_198, %add3A_332], %get3A_329 : memref<32x129xf32, #tpu.memory_space<vmem>>[vector<16xi32>, vector<16xi32>], vector<16xf32>,
        %mul3A_337 = arith.constant 16 : i32
        %mul3A_338 = arith.muli %scan3A_193, %mul3A_337 : i32
        %get3A_339 = arith.constant 10 : i32
        %get3A_340 = arith.index_cast %select_n3A_89 : i32 to index
        %get3A_341 = arith.index_cast %get3A_339 : i32 to index
        %get3A_342 = arith.index_cast %mul3A_338 : i32 to index
        %get3A_343 = tpu.vector_load %arg4[%get3A_340, %get3A_341, %get3A_342] {strides = array<i32>} : memref<2x32x129xf32, #tpu.memory_space<vmem>>, vector<16xf32>,
        %add3A_344 = arith.constant 10 : i32
        %add3A_345 = vector.broadcast %add3A_344 : i32 to vector<16xi32>
        %add3A_346 = arith.addi %mul3A_167, %add3A_345 : vector<16xi32>
        %scatter3A_347 = arith.constant 0 : i32
        %scatter3A_348 = arith.constant 0 : i32
        %scatter3A_349 = tpu.memref_slice %arg5[%select_n3A_89, %scatter3A_347, %scatter3A_348] : memref<2x32x129xf32, #tpu.memory_space<vmem>> -> memref<1x32x129xf32, #tpu.memory_space<vmem>>
        %scatter3A_350 = tpu.memref_squeeze %scatter3A_349 : memref<1x32x129xf32, #tpu.memory_space<vmem>> -> memref<32x129xf32, #tpu.memory_space<vmem>>
        tpu.vector_store_idx %scatter3A_350[%add3A_198, %add3A_346], %get3A_343 : memref<32x129xf32, #tpu.memory_space<vmem>>[vector<16xi32>, vector<16xi32>], vector<16xf32>,
        %mul3A_351 = arith.constant 16 : i32
        %mul3A_352 = arith.muli %scan3A_193, %mul3A_351 : i32
        %get3A_353 = arith.constant 11 : i32
        %get3A_354 = arith.index_cast %select_n3A_89 : i32 to index
        %get3A_355 = arith.index_cast %get3A_353 : i32 to index
        %get3A_356 = arith.index_cast %mul3A_352 : i32 to index
        %get3A_357 = tpu.vector_load %arg4[%get3A_354, %get3A_355, %get3A_356] {strides = array<i32>} : memref<2x32x129xf32, #tpu.memory_space<vmem>>, vector<16xf32>,
        %add3A_358 = arith.constant 11 : i32
        %add3A_359 = vector.broadcast %add3A_358 : i32 to vector<16xi32>
        %add3A_360 = arith.addi %mul3A_167, %add3A_359 : vector<16xi32>
        %scatter3A_361 = arith.constant 0 : i32
        %scatter3A_362 = arith.constant 0 : i32
        %scatter3A_363 = tpu.memref_slice %arg5[%select_n3A_89, %scatter3A_361, %scatter3A_362] : memref<2x32x129xf32, #tpu.memory_space<vmem>> -> memref<1x32x129xf32, #tpu.memory_space<vmem>>
        %scatter3A_364 = tpu.memref_squeeze %scatter3A_363 : memref<1x32x129xf32, #tpu.memory_space<vmem>> -> memref<32x129xf32, #tpu.memory_space<vmem>>
        tpu.vector_store_idx %scatter3A_364[%add3A_198, %add3A_360], %get3A_357 : memref<32x129xf32, #tpu.memory_space<vmem>>[vector<16xi32>, vector<16xi32>], vector<16xf32>,
        %mul3A_365 = arith.constant 16 : i32
        %mul3A_366 = arith.muli %scan3A_193, %mul3A_365 : i32
        %get3A_367 = arith.constant 12 : i32
        %get3A_368 = arith.index_cast %select_n3A_89 : i32 to index
        %get3A_369 = arith.index_cast %get3A_367 : i32 to index
        %get3A_370 = arith.index_cast %mul3A_366 : i32 to index
        %get3A_371 = tpu.vector_load %arg4[%get3A_368, %get3A_369, %get3A_370] {strides = array<i32>} : memref<2x32x129xf32, #tpu.memory_space<vmem>>, vector<16xf32>,
        %add3A_372 = arith.constant 12 : i32
        %add3A_373 = vector.broadcast %add3A_372 : i32 to vector<16xi32>
        %add3A_374 = arith.addi %mul3A_167, %add3A_373 : vector<16xi32>
        %scatter3A_375 = arith.constant 0 : i32
        %scatter3A_376 = arith.constant 0 : i32
        %scatter3A_377 = tpu.memref_slice %arg5[%select_n3A_89, %scatter3A_375, %scatter3A_376] : memref<2x32x129xf32, #tpu.memory_space<vmem>> -> memref<1x32x129xf32, #tpu.memory_space<vmem>>
        %scatter3A_378 = tpu.memref_squeeze %scatter3A_377 : memref<1x32x129xf32, #tpu.memory_space<vmem>> -> memref<32x129xf32, #tpu.memory_space<vmem>>
        tpu.vector_store_idx %scatter3A_378[%add3A_198, %add3A_374], %get3A_371 : memref<32x129xf32, #tpu.memory_space<vmem>>[vector<16xi32>, vector<16xi32>], vector<16xf32>,
        %mul3A_379 = arith.constant 16 : i32
        %mul3A_380 = arith.muli %scan3A_193, %mul3A_379 : i32
        %get3A_381 = arith.constant 13 : i32
        %get3A_382 = arith.index_cast %select_n3A_89 : i32 to index
        %get3A_383 = arith.index_cast %get3A_381 : i32 to index
        %get3A_384 = arith.index_cast %mul3A_380 : i32 to index
        %get3A_385 = tpu.vector_load %arg4[%get3A_382, %get3A_383, %get3A_384] {strides = array<i32>} : memref<2x32x129xf32, #tpu.memory_space<vmem>>, vector<16xf32>,
        %add3A_386 = arith.constant 13 : i32
        %add3A_387 = vector.broadcast %add3A_386 : i32 to vector<16xi32>
        %add3A_388 = arith.addi %mul3A_167, %add3A_387 : vector<16xi32>
        %scatter3A_389 = arith.constant 0 : i32
        %scatter3A_390 = arith.constant 0 : i32
        %scatter3A_391 = tpu.memref_slice %arg5[%select_n3A_89, %scatter3A_389, %scatter3A_390] : memref<2x32x129xf32, #tpu.memory_space<vmem>> -> memref<1x32x129xf32, #tpu.memory_space<vmem>>
        %scatter3A_392 = tpu.memref_squeeze %scatter3A_391 : memref<1x32x129xf32, #tpu.memory_space<vmem>> -> memref<32x129xf32, #tpu.memory_space<vmem>>
        tpu.vector_store_idx %scatter3A_392[%add3A_198, %add3A_388], %get3A_385 : memref<32x129xf32, #tpu.memory_space<vmem>>[vector<16xi32>, vector<16xi32>], vector<16xf32>,
        %mul3A_393 = arith.constant 16 : i32
        %mul3A_394 = arith.muli %scan3A_193, %mul3A_393 : i32
        %get3A_395 = arith.constant 14 : i32
        %get3A_396 = arith.index_cast %select_n3A_89 : i32 to index
        %get3A_397 = arith.index_cast %get3A_395 : i32 to index
        %get3A_398 = arith.index_cast %mul3A_394 : i32 to index
        %get3A_399 = tpu.vector_load %arg4[%get3A_396, %get3A_397, %get3A_398] {strides = array<i32>} : memref<2x32x129xf32, #tpu.memory_space<vmem>>, vector<16xf32>,
        %add3A_400 = arith.constant 14 : i32
        %add3A_401 = vector.broadcast %add3A_400 : i32 to vector<16xi32>
        %add3A_402 = arith.addi %mul3A_167, %add3A_401 : vector<16xi32>
        %scatter3A_403 = arith.constant 0 : i32
        %scatter3A_404 = arith.constant 0 : i32
        %scatter3A_405 = tpu.memref_slice %arg5[%select_n3A_89, %scatter3A_403, %scatter3A_404] : memref<2x32x129xf32, #tpu.memory_space<vmem>> -> memref<1x32x129xf32, #tpu.memory_space<vmem>>
        %scatter3A_406 = tpu.memref_squeeze %scatter3A_405 : memref<1x32x129xf32, #tpu.memory_space<vmem>> -> memref<32x129xf32, #tpu.memory_space<vmem>>
        tpu.vector_store_idx %scatter3A_406[%add3A_198, %add3A_402], %get3A_399 : memref<32x129xf32, #tpu.memory_space<vmem>>[vector<16xi32>, vector<16xi32>], vector<16xf32>,
        %mul3A_407 = arith.constant 16 : i32
        %mul3A_408 = arith.muli %scan3A_193, %mul3A_407 : i32
        %get3A_409 = arith.constant 15 : i32
        %get3A_410 = arith.index_cast %select_n3A_89 : i32 to index
        %get3A_411 = arith.index_cast %get3A_409 : i32 to index
        %get3A_412 = arith.index_cast %mul3A_408 : i32 to index
        %get3A_413 = tpu.vector_load %arg4[%get3A_410, %get3A_411, %get3A_412] {strides = array<i32>} : memref<2x32x129xf32, #tpu.memory_space<vmem>>, vector<16xf32>,
        %add3A_414 = arith.constant 15 : i32
        %add3A_415 = vector.broadcast %add3A_414 : i32 to vector<16xi32>
        %add3A_416 = arith.addi %mul3A_167, %add3A_415 : vector<16xi32>
        %scatter3A_417 = arith.constant 0 : i32
        %scatter3A_418 = arith.constant 0 : i32
        %scatter3A_419 = tpu.memref_slice %arg5[%select_n3A_89, %scatter3A_417, %scatter3A_418] : memref<2x32x129xf32, #tpu.memory_space<vmem>> -> memref<1x32x129xf32, #tpu.memory_space<vmem>>
        %scatter3A_420 = tpu.memref_squeeze %scatter3A_419 : memref<1x32x129xf32, #tpu.memory_space<vmem>> -> memref<32x129xf32, #tpu.memory_space<vmem>>
        tpu.vector_store_idx %scatter3A_420[%add3A_198, %add3A_416], %get3A_413 : memref<32x129xf32, #tpu.memory_space<vmem>>[vector<16xi32>, vector<16xi32>], vector<16xf32>,
        %mul3A_421 = arith.constant 16 : i32
        %mul3A_422 = arith.muli %scan3A_193, %mul3A_421 : i32
        %get3A_423 = arith.constant 16 : i32
        %get3A_424 = arith.index_cast %select_n3A_89 : i32 to index
        %get3A_425 = arith.index_cast %get3A_423 : i32 to index
        %get3A_426 = arith.index_cast %mul3A_422 : i32 to index
        %get3A_427 = tpu.vector_load %arg4[%get3A_424, %get3A_425, %get3A_426] {strides = array<i32>} : memref<2x32x129xf32, #tpu.memory_space<vmem>>, vector<16xf32>,
        %add3A_428 = arith.constant 16 : i32
        %add3A_429 = vector.broadcast %add3A_428 : i32 to vector<16xi32>
        %add3A_430 = arith.addi %mul3A_167, %add3A_429 : vector<16xi32>
        %scatter3A_431 = arith.constant 0 : i32
        %scatter3A_432 = arith.constant 0 : i32
        %scatter3A_433 = tpu.memref_slice %arg5[%select_n3A_89, %scatter3A_431, %scatter3A_432] : memref<2x32x129xf32, #tpu.memory_space<vmem>> -> memref<1x32x129xf32, #tpu.memory_space<vmem>>
        %scatter3A_434 = tpu.memref_squeeze %scatter3A_433 : memref<1x32x129xf32, #tpu.memory_space<vmem>> -> memref<32x129xf32, #tpu.memory_space<vmem>>
        tpu.vector_store_idx %scatter3A_434[%add3A_198, %add3A_430], %get3A_427 : memref<32x129xf32, #tpu.memory_space<vmem>>[vector<16xi32>, vector<16xi32>], vector<16xf32>,
        %mul3A_435 = arith.constant 16 : i32
        %mul3A_436 = arith.muli %scan3A_193, %mul3A_435 : i32
        %get3A_437 = arith.constant 17 : i32
        %get3A_438 = arith.index_cast %select_n3A_89 : i32 to index
        %get3A_439 = arith.index_cast %get3A_437 : i32 to index
        %get3A_440 = arith.index_cast %mul3A_436 : i32 to index
        %get3A_441 = tpu.vector_load %arg4[%get3A_438, %get3A_439, %get3A_440] {strides = array<i32>} : memref<2x32x129xf32, #tpu.memory_space<vmem>>, vector<16xf32>,
        %add3A_442 = arith.constant 17 : i32
        %add3A_443 = vector.broadcast %add3A_442 : i32 to vector<16xi32>
        %add3A_444 = arith.addi %mul3A_167, %add3A_443 : vector<16xi32>
        %scatter3A_445 = arith.constant 0 : i32
        %scatter3A_446 = arith.constant 0 : i32
        %scatter3A_447 = tpu.memref_slice %arg5[%select_n3A_89, %scatter3A_445, %scatter3A_446] : memref<2x32x129xf32, #tpu.memory_space<vmem>> -> memref<1x32x129xf32, #tpu.memory_space<vmem>>
        %scatter3A_448 = tpu.memref_squeeze %scatter3A_447 : memref<1x32x129xf32, #tpu.memory_space<vmem>> -> memref<32x129xf32, #tpu.memory_space<vmem>>
        tpu.vector_store_idx %scatter3A_448[%add3A_198, %add3A_444], %get3A_441 : memref<32x129xf32, #tpu.memory_space<vmem>>[vector<16xi32>, vector<16xi32>], vector<16xf32>,
        %mul3A_449 = arith.constant 16 : i32
        %mul3A_450 = arith.muli %scan3A_193, %mul3A_449 : i32
        %get3A_451 = arith.constant 18 : i32
        %get3A_452 = arith.index_cast %select_n3A_89 : i32 to index
        %get3A_453 = arith.index_cast %get3A_451 : i32 to index
        %get3A_454 = arith.index_cast %mul3A_450 : i32 to index
        %get3A_455 = tpu.vector_load %arg4[%get3A_452, %get3A_453, %get3A_454] {strides = array<i32>} : memref<2x32x129xf32, #tpu.memory_space<vmem>>, vector<16xf32>,
        %add3A_456 = arith.constant 18 : i32
        %add3A_457 = vector.broadcast %add3A_456 : i32 to vector<16xi32>
        %add3A_458 = arith.addi %mul3A_167, %add3A_457 : vector<16xi32>
        %scatter3A_459 = arith.constant 0 : i32
        %scatter3A_460 = arith.constant 0 : i32
        %scatter3A_461 = tpu.memref_slice %arg5[%select_n3A_89, %scatter3A_459, %scatter3A_460] : memref<2x32x129xf32, #tpu.memory_space<vmem>> -> memref<1x32x129xf32, #tpu.memory_space<vmem>>
        %scatter3A_462 = tpu.memref_squeeze %scatter3A_461 : memref<1x32x129xf32, #tpu.memory_space<vmem>> -> memref<32x129xf32, #tpu.memory_space<vmem>>
        tpu.vector_store_idx %scatter3A_462[%add3A_198, %add3A_458], %get3A_455 : memref<32x129xf32, #tpu.memory_space<vmem>>[vector<16xi32>, vector<16xi32>], vector<16xf32>,
        %mul3A_463 = arith.constant 16 : i32
        %mul3A_464 = arith.muli %scan3A_193, %mul3A_463 : i32
        %get3A_465 = arith.constant 19 : i32
        %get3A_466 = arith.index_cast %select_n3A_89 : i32 to index
        %get3A_467 = arith.index_cast %get3A_465 : i32 to index
        %get3A_468 = arith.index_cast %mul3A_464 : i32 to index
        %get3A_469 = tpu.vector_load %arg4[%get3A_466, %get3A_467, %get3A_468] {strides = array<i32>} : memref<2x32x129xf32, #tpu.memory_space<vmem>>, vector<16xf32>,
        %add3A_470 = arith.constant 19 : i32
        %add3A_471 = vector.broadcast %add3A_470 : i32 to vector<16xi32>
        %add3A_472 = arith.addi %mul3A_167, %add3A_471 : vector<16xi32>
        %scatter3A_473 = arith.constant 0 : i32
        %scatter3A_474 = arith.constant 0 : i32
        %scatter3A_475 = tpu.memref_slice %arg5[%select_n3A_89, %scatter3A_473, %scatter3A_474] : memref<2x32x129xf32, #tpu.memory_space<vmem>> -> memref<1x32x129xf32, #tpu.memory_space<vmem>>
        %scatter3A_476 = tpu.memref_squeeze %scatter3A_475 : memref<1x32x129xf32, #tpu.memory_space<vmem>> -> memref<32x129xf32, #tpu.memory_space<vmem>>
        tpu.vector_store_idx %scatter3A_476[%add3A_198, %add3A_472], %get3A_469 : memref<32x129xf32, #tpu.memory_space<vmem>>[vector<16xi32>, vector<16xi32>], vector<16xf32>,
        %mul3A_477 = arith.constant 16 : i32
        %mul3A_478 = arith.muli %scan3A_193, %mul3A_477 : i32
        %get3A_479 = arith.constant 20 : i32
        %get3A_480 = arith.index_cast %select_n3A_89 : i32 to index
        %get3A_481 = arith.index_cast %get3A_479 : i32 to index
        %get3A_482 = arith.index_cast %mul3A_478 : i32 to index
        %get3A_483 = tpu.vector_load %arg4[%get3A_480, %get3A_481, %get3A_482] {strides = array<i32>} : memref<2x32x129xf32, #tpu.memory_space<vmem>>, vector<16xf32>,
        %add3A_484 = arith.constant 20 : i32
        %add3A_485 = vector.broadcast %add3A_484 : i32 to vector<16xi32>
        %add3A_486 = arith.addi %mul3A_167, %add3A_485 : vector<16xi32>
        %scatter3A_487 = arith.constant 0 : i32
        %scatter3A_488 = arith.constant 0 : i32
        %scatter3A_489 = tpu.memref_slice %arg5[%select_n3A_89, %scatter3A_487, %scatter3A_488] : memref<2x32x129xf32, #tpu.memory_space<vmem>> -> memref<1x32x129xf32, #tpu.memory_space<vmem>>
        %scatter3A_490 = tpu.memref_squeeze %scatter3A_489 : memref<1x32x129xf32, #tpu.memory_space<vmem>> -> memref<32x129xf32, #tpu.memory_space<vmem>>
        tpu.vector_store_idx %scatter3A_490[%add3A_198, %add3A_486], %get3A_483 : memref<32x129xf32, #tpu.memory_space<vmem>>[vector<16xi32>, vector<16xi32>], vector<16xf32>,
        %mul3A_491 = arith.constant 16 : i32
        %mul3A_492 = arith.muli %scan3A_193, %mul3A_491 : i32
        %get3A_493 = arith.constant 21 : i32
        %get3A_494 = arith.index_cast %select_n3A_89 : i32 to index
        %get3A_495 = arith.index_cast %get3A_493 : i32 to index
        %get3A_496 = arith.index_cast %mul3A_492 : i32 to index
        %get3A_497 = tpu.vector_load %arg4[%get3A_494, %get3A_495, %get3A_496] {strides = array<i32>} : memref<2x32x129xf32, #tpu.memory_space<vmem>>, vector<16xf32>,
        %add3A_498 = arith.constant 21 : i32
        %add3A_499 = vector.broadcast %add3A_498 : i32 to vector<16xi32>
        %add3A_500 = arith.addi %mul3A_167, %add3A_499 : vector<16xi32>
        %scatter3A_501 = arith.constant 0 : i32
        %scatter3A_502 = arith.constant 0 : i32
        %scatter3A_503 = tpu.memref_slice %arg5[%select_n3A_89, %scatter3A_501, %scatter3A_502] : memref<2x32x129xf32, #tpu.memory_space<vmem>> -> memref<1x32x129xf32, #tpu.memory_space<vmem>>
        %scatter3A_504 = tpu.memref_squeeze %scatter3A_503 : memref<1x32x129xf32, #tpu.memory_space<vmem>> -> memref<32x129xf32, #tpu.memory_space<vmem>>
        tpu.vector_store_idx %scatter3A_504[%add3A_198, %add3A_500], %get3A_497 : memref<32x129xf32, #tpu.memory_space<vmem>>[vector<16xi32>, vector<16xi32>], vector<16xf32>,
        %mul3A_505 = arith.constant 16 : i32
        %mul3A_506 = arith.muli %scan3A_193, %mul3A_505 : i32
        %get3A_507 = arith.constant 22 : i32
        %get3A_508 = arith.index_cast %select_n3A_89 : i32 to index
        %get3A_509 = arith.index_cast %get3A_507 : i32 to index
        %get3A_510 = arith.index_cast %mul3A_506 : i32 to index
        %get3A_511 = tpu.vector_load %arg4[%get3A_508, %get3A_509, %get3A_510] {strides = array<i32>} : memref<2x32x129xf32, #tpu.memory_space<vmem>>, vector<16xf32>,
        %add3A_512 = arith.constant 22 : i32
        %add3A_513 = vector.broadcast %add3A_512 : i32 to vector<16xi32>
        %add3A_514 = arith.addi %mul3A_167, %add3A_513 : vector<16xi32>
        %scatter3A_515 = arith.constant 0 : i32
        %scatter3A_516 = arith.constant 0 : i32
        %scatter3A_517 = tpu.memref_slice %arg5[%select_n3A_89, %scatter3A_515, %scatter3A_516] : memref<2x32x129xf32, #tpu.memory_space<vmem>> -> memref<1x32x129xf32, #tpu.memory_space<vmem>>
        %scatter3A_518 = tpu.memref_squeeze %scatter3A_517 : memref<1x32x129xf32, #tpu.memory_space<vmem>> -> memref<32x129xf32, #tpu.memory_space<vmem>>
        tpu.vector_store_idx %scatter3A_518[%add3A_198, %add3A_514], %get3A_511 : memref<32x129xf32, #tpu.memory_space<vmem>>[vector<16xi32>, vector<16xi32>], vector<16xf32>,
        %mul3A_519 = arith.constant 16 : i32
        %mul3A_520 = arith.muli %scan3A_193, %mul3A_519 : i32
        %get3A_521 = arith.constant 23 : i32
        %get3A_522 = arith.index_cast %select_n3A_89 : i32 to index
        %get3A_523 = arith.index_cast %get3A_521 : i32 to index
        %get3A_524 = arith.index_cast %mul3A_520 : i32 to index
        %get3A_525 = tpu.vector_load %arg4[%get3A_522, %get3A_523, %get3A_524] {strides = array<i32>} : memref<2x32x129xf32, #tpu.memory_space<vmem>>, vector<16xf32>,
        %add3A_526 = arith.constant 23 : i32
        %add3A_527 = vector.broadcast %add3A_526 : i32 to vector<16xi32>
        %add3A_528 = arith.addi %mul3A_167, %add3A_527 : vector<16xi32>
        %scatter3A_529 = arith.constant 0 : i32
        %scatter3A_530 = arith.constant 0 : i32
        %scatter3A_531 = tpu.memref_slice %arg5[%select_n3A_89, %scatter3A_529, %scatter3A_530] : memref<2x32x129xf32, #tpu.memory_space<vmem>> -> memref<1x32x129xf32, #tpu.memory_space<vmem>>
        %scatter3A_532 = tpu.memref_squeeze %scatter3A_531 : memref<1x32x129xf32, #tpu.memory_space<vmem>> -> memref<32x129xf32, #tpu.memory_space<vmem>>
        tpu.vector_store_idx %scatter3A_532[%add3A_198, %add3A_528], %get3A_525 : memref<32x129xf32, #tpu.memory_space<vmem>>[vector<16xi32>, vector<16xi32>], vector<16xf32>,
        %mul3A_533 = arith.constant 16 : i32
        %mul3A_534 = arith.muli %scan3A_193, %mul3A_533 : i32
        %get3A_535 = arith.constant 24 : i32
        %get3A_536 = arith.index_cast %select_n3A_89 : i32 to index
        %get3A_537 = arith.index_cast %get3A_535 : i32 to index
        %get3A_538 = arith.index_cast %mul3A_534 : i32 to index
        %get3A_539 = tpu.vector_load %arg4[%get3A_536, %get3A_537, %get3A_538] {strides = array<i32>} : memref<2x32x129xf32, #tpu.memory_space<vmem>>, vector<16xf32>,
        %add3A_540 = arith.constant 24 : i32
        %add3A_541 = vector.broadcast %add3A_540 : i32 to vector<16xi32>
        %add3A_542 = arith.addi %mul3A_167, %add3A_541 : vector<16xi32>
        %scatter3A_543 = arith.constant 0 : i32
        %scatter3A_544 = arith.constant 0 : i32
        %scatter3A_545 = tpu.memref_slice %arg5[%select_n3A_89, %scatter3A_543, %scatter3A_544] : memref<2x32x129xf32, #tpu.memory_space<vmem>> -> memref<1x32x129xf32, #tpu.memory_space<vmem>>
        %scatter3A_546 = tpu.memref_squeeze %scatter3A_545 : memref<1x32x129xf32, #tpu.memory_space<vmem>> -> memref<32x129xf32, #tpu.memory_space<vmem>>
        tpu.vector_store_idx %scatter3A_546[%add3A_198, %add3A_542], %get3A_539 : memref<32x129xf32, #tpu.memory_space<vmem>>[vector<16xi32>, vector<16xi32>], vector<16xf32>,
        %mul3A_547 = arith.constant 16 : i32
        %mul3A_548 = arith.muli %scan3A_193, %mul3A_547 : i32
        %get3A_549 = arith.constant 25 : i32
        %get3A_550 = arith.index_cast %select_n3A_89 : i32 to index
        %get3A_551 = arith.index_cast %get3A_549 : i32 to index
        %get3A_552 = arith.index_cast %mul3A_548 : i32 to index
        %get3A_553 = tpu.vector_load %arg4[%get3A_550, %get3A_551, %get3A_552] {strides = array<i32>} : memref<2x32x129xf32, #tpu.memory_space<vmem>>, vector<16xf32>,
        %add3A_554 = arith.constant 25 : i32
        %add3A_555 = vector.broadcast %add3A_554 : i32 to vector<16xi32>
        %add3A_556 = arith.addi %mul3A_167, %add3A_555 : vector<16xi32>
        %scatter3A_557 = arith.constant 0 : i32
        %scatter3A_558 = arith.constant 0 : i32
        %scatter3A_559 = tpu.memref_slice %arg5[%select_n3A_89, %scatter3A_557, %scatter3A_558] : memref<2x32x129xf32, #tpu.memory_space<vmem>> -> memref<1x32x129xf32, #tpu.memory_space<vmem>>
        %scatter3A_560 = tpu.memref_squeeze %scatter3A_559 : memref<1x32x129xf32, #tpu.memory_space<vmem>> -> memref<32x129xf32, #tpu.memory_space<vmem>>
        tpu.vector_store_idx %scatter3A_560[%add3A_198, %add3A_556], %get3A_553 : memref<32x129xf32, #tpu.memory_space<vmem>>[vector<16xi32>, vector<16xi32>], vector<16xf32>,
        %mul3A_561 = arith.constant 16 : i32
        %mul3A_562 = arith.muli %scan3A_193, %mul3A_561 : i32
        %get3A_563 = arith.constant 26 : i32
        %get3A_564 = arith.index_cast %select_n3A_89 : i32 to index
        %get3A_565 = arith.index_cast %get3A_563 : i32 to index
        %get3A_566 = arith.index_cast %mul3A_562 : i32 to index
        %get3A_567 = tpu.vector_load %arg4[%get3A_564, %get3A_565, %get3A_566] {strides = array<i32>} : memref<2x32x129xf32, #tpu.memory_space<vmem>>, vector<16xf32>,
        %add3A_568 = arith.constant 26 : i32
        %add3A_569 = vector.broadcast %add3A_568 : i32 to vector<16xi32>
        %add3A_570 = arith.addi %mul3A_167, %add3A_569 : vector<16xi32>
        %scatter3A_571 = arith.constant 0 : i32
        %scatter3A_572 = arith.constant 0 : i32
        %scatter3A_573 = tpu.memref_slice %arg5[%select_n3A_89, %scatter3A_571, %scatter3A_572] : memref<2x32x129xf32, #tpu.memory_space<vmem>> -> memref<1x32x129xf32, #tpu.memory_space<vmem>>
        %scatter3A_574 = tpu.memref_squeeze %scatter3A_573 : memref<1x32x129xf32, #tpu.memory_space<vmem>> -> memref<32x129xf32, #tpu.memory_space<vmem>>
        tpu.vector_store_idx %scatter3A_574[%add3A_198, %add3A_570], %get3A_567 : memref<32x129xf32, #tpu.memory_space<vmem>>[vector<16xi32>, vector<16xi32>], vector<16xf32>,
        %mul3A_575 = arith.constant 16 : i32
        %mul3A_576 = arith.muli %scan3A_193, %mul3A_575 : i32
        %get3A_577 = arith.constant 27 : i32
        %get3A_578 = arith.index_cast %select_n3A_89 : i32 to index
        %get3A_579 = arith.index_cast %get3A_577 : i32 to index
        %get3A_580 = arith.index_cast %mul3A_576 : i32 to index
        %get3A_581 = tpu.vector_load %arg4[%get3A_578, %get3A_579, %get3A_580] {strides = array<i32>} : memref<2x32x129xf32, #tpu.memory_space<vmem>>, vector<16xf32>,
        %add3A_582 = arith.constant 27 : i32
        %add3A_583 = vector.broadcast %add3A_582 : i32 to vector<16xi32>
        %add3A_584 = arith.addi %mul3A_167, %add3A_583 : vector<16xi32>
        %scatter3A_585 = arith.constant 0 : i32
        %scatter3A_586 = arith.constant 0 : i32
        %scatter3A_587 = tpu.memref_slice %arg5[%select_n3A_89, %scatter3A_585, %scatter3A_586] : memref<2x32x129xf32, #tpu.memory_space<vmem>> -> memref<1x32x129xf32, #tpu.memory_space<vmem>>
        %scatter3A_588 = tpu.memref_squeeze %scatter3A_587 : memref<1x32x129xf32, #tpu.memory_space<vmem>> -> memref<32x129xf32, #tpu.memory_space<vmem>>
        tpu.vector_store_idx %scatter3A_588[%add3A_198, %add3A_584], %get3A_581 : memref<32x129xf32, #tpu.memory_space<vmem>>[vector<16xi32>, vector<16xi32>], vector<16xf32>,
        %mul3A_589 = arith.constant 16 : i32
        %mul3A_590 = arith.muli %scan3A_193, %mul3A_589 : i32
        %get3A_591 = arith.constant 28 : i32
        %get3A_592 = arith.index_cast %select_n3A_89 : i32 to index
        %get3A_593 = arith.index_cast %get3A_591 : i32 to index
        %get3A_594 = arith.index_cast %mul3A_590 : i32 to index
        %get3A_595 = tpu.vector_load %arg4[%get3A_592, %get3A_593, %get3A_594] {strides = array<i32>} : memref<2x32x129xf32, #tpu.memory_space<vmem>>, vector<16xf32>,
        %add3A_596 = arith.constant 28 : i32
        %add3A_597 = vector.broadcast %add3A_596 : i32 to vector<16xi32>
        %add3A_598 = arith.addi %mul3A_167, %add3A_597 : vector<16xi32>
        %scatter3A_599 = arith.constant 0 : i32
        %scatter3A_600 = arith.constant 0 : i32
        %scatter3A_601 = tpu.memref_slice %arg5[%select_n3A_89, %scatter3A_599, %scatter3A_600] : memref<2x32x129xf32, #tpu.memory_space<vmem>> -> memref<1x32x129xf32, #tpu.memory_space<vmem>>
        %scatter3A_602 = tpu.memref_squeeze %scatter3A_601 : memref<1x32x129xf32, #tpu.memory_space<vmem>> -> memref<32x129xf32, #tpu.memory_space<vmem>>
        tpu.vector_store_idx %scatter3A_602[%add3A_198, %add3A_598], %get3A_595 : memref<32x129xf32, #tpu.memory_space<vmem>>[vector<16xi32>, vector<16xi32>], vector<16xf32>,
        %mul3A_603 = arith.constant 16 : i32
        %mul3A_604 = arith.muli %scan3A_193, %mul3A_603 : i32
        %get3A_605 = arith.constant 29 : i32
        %get3A_606 = arith.index_cast %select_n3A_89 : i32 to index
        %get3A_607 = arith.index_cast %get3A_605 : i32 to index
        %get3A_608 = arith.index_cast %mul3A_604 : i32 to index
        %get3A_609 = tpu.vector_load %arg4[%get3A_606, %get3A_607, %get3A_608] {strides = array<i32>} : memref<2x32x129xf32, #tpu.memory_space<vmem>>, vector<16xf32>,
        %add3A_610 = arith.constant 29 : i32
        %add3A_611 = vector.broadcast %add3A_610 : i32 to vector<16xi32>
        %add3A_612 = arith.addi %mul3A_167, %add3A_611 : vector<16xi32>
        %scatter3A_613 = arith.constant 0 : i32
        %scatter3A_614 = arith.constant 0 : i32
        %scatter3A_615 = tpu.memref_slice %arg5[%select_n3A_89, %scatter3A_613, %scatter3A_614] : memref<2x32x129xf32, #tpu.memory_space<vmem>> -> memref<1x32x129xf32, #tpu.memory_space<vmem>>
        %scatter3A_616 = tpu.memref_squeeze %scatter3A_615 : memref<1x32x129xf32, #tpu.memory_space<vmem>> -> memref<32x129xf32, #tpu.memory_space<vmem>>
        tpu.vector_store_idx %scatter3A_616[%add3A_198, %add3A_612], %get3A_609 : memref<32x129xf32, #tpu.memory_space<vmem>>[vector<16xi32>, vector<16xi32>], vector<16xf32>,
        %mul3A_617 = arith.constant 16 : i32
        %mul3A_618 = arith.muli %scan3A_193, %mul3A_617 : i32
        %get3A_619 = arith.constant 30 : i32
        %get3A_620 = arith.index_cast %select_n3A_89 : i32 to index
        %get3A_621 = arith.index_cast %get3A_619 : i32 to index
        %get3A_622 = arith.index_cast %mul3A_618 : i32 to index
        %get3A_623 = tpu.vector_load %arg4[%get3A_620, %get3A_621, %get3A_622] {strides = array<i32>} : memref<2x32x129xf32, #tpu.memory_space<vmem>>, vector<16xf32>,
        %add3A_624 = arith.constant 30 : i32
        %add3A_625 = vector.broadcast %add3A_624 : i32 to vector<16xi32>
        %add3A_626 = arith.addi %mul3A_167, %add3A_625 : vector<16xi32>
        %scatter3A_627 = arith.constant 0 : i32
        %scatter3A_628 = arith.constant 0 : i32
        %scatter3A_629 = tpu.memref_slice %arg5[%select_n3A_89, %scatter3A_627, %scatter3A_628] : memref<2x32x129xf32, #tpu.memory_space<vmem>> -> memref<1x32x129xf32, #tpu.memory_space<vmem>>
        %scatter3A_630 = tpu.memref_squeeze %scatter3A_629 : memref<1x32x129xf32, #tpu.memory_space<vmem>> -> memref<32x129xf32, #tpu.memory_space<vmem>>
        tpu.vector_store_idx %scatter3A_630[%add3A_198, %add3A_626], %get3A_623 : memref<32x129xf32, #tpu.memory_space<vmem>>[vector<16xi32>, vector<16xi32>], vector<16xf32>,
        %mul3A_631 = arith.constant 16 : i32
        %mul3A_632 = arith.muli %scan3A_193, %mul3A_631 : i32
        %get3A_633 = arith.constant 31 : i32
        %get3A_634 = arith.index_cast %select_n3A_89 : i32 to index
        %get3A_635 = arith.index_cast %get3A_633 : i32 to index
        %get3A_636 = arith.index_cast %mul3A_632 : i32 to index
        %get3A_637 = tpu.vector_load %arg4[%get3A_634, %get3A_635, %get3A_636] {strides = array<i32>} : memref<2x32x129xf32, #tpu.memory_space<vmem>>, vector<16xf32>,
        %add3A_638 = arith.constant 31 : i32
        %add3A_639 = vector.broadcast %add3A_638 : i32 to vector<16xi32>
        %add3A_640 = arith.addi %mul3A_167, %add3A_639 : vector<16xi32>
        %scatter3A_641 = arith.constant 0 : i32
        %scatter3A_642 = arith.constant 0 : i32
        %scatter3A_643 = tpu.memref_slice %arg5[%select_n3A_89, %scatter3A_641, %scatter3A_642] : memref<2x32x129xf32, #tpu.memory_space<vmem>> -> memref<1x32x129xf32, #tpu.memory_space<vmem>>
        %scatter3A_644 = tpu.memref_squeeze %scatter3A_643 : memref<1x32x129xf32, #tpu.memory_space<vmem>> -> memref<32x129xf32, #tpu.memory_space<vmem>>
        tpu.vector_store_idx %scatter3A_644[%add3A_198, %add3A_640], %get3A_637 : memref<32x129xf32, #tpu.memory_space<vmem>>[vector<16xi32>, vector<16xi32>], vector<16xf32>,
        %scan3A_645 = arith.constant 0 : i32
        scf.yield %scan3A_645 : i32
      }
      %scan3A_173 = arith.constant 8 : i32
      %dma_start3A_174 = arith.constant 0 : i32
      %dma_start3A_175 = arith.constant 0 : i32
      %dma_start3A_176 = tpu.memref_slice %arg5[%select_n3A_89, %dma_start3A_174, %dma_start3A_175] : memref<2x32x129xf32, #tpu.memory_space<vmem>> -> memref<1x32x128xf32, #tpu.memory_space<vmem>>
      %dma_start3A_177 = tpu.memref_squeeze %dma_start3A_176 : memref<1x32x128xf32, #tpu.memory_space<vmem>> -> memref<32x128xf32, #tpu.memory_space<vmem>>
      %dma_start3A_178 = arith.constant 0 : i32
      %dma_start3A_179 = arith.constant 0 : i32
      %dma_start3A_180 = tpu.memref_slice %arg3[%add3A_90, %dma_start3A_178, %dma_start3A_179] : memref<7813x32x128xf32, #tpu.memory_space<hbm>> -> memref<1x32x128xf32, #tpu.memory_space<hbm>>
      %dma_start3A_181 = tpu.memref_squeeze %dma_start3A_180 : memref<1x32x128xf32, #tpu.memory_space<hbm>> -> memref<32x128xf32, #tpu.memory_space<hbm>>
      %dma_start3A_182 = tpu.memref_slice %arg7[%select_n3A_89] : memref<2x!tpu.dma_semaphore, #tpu.memory_space<semaphore_mem>> -> memref<1x!tpu.dma_semaphore, #tpu.memory_space<semaphore_mem>>
      %dma_start3A_183 = tpu.memref_squeeze %dma_start3A_182 : memref<1x!tpu.dma_semaphore, #tpu.memory_space<semaphore_mem>> -> memref<!tpu.dma_semaphore, #tpu.memory_space<semaphore_mem>>
      %dma_start3A_184 = arith.constant 0 : i32
      %dma_start3A_185 = arith.constant 0 : i32
      %dma_start3A_186 = tpu.memref_slice %arg3[%add3A_90, %dma_start3A_184, %dma_start3A_185] : memref<7813x32x128xf32, #tpu.memory_space<hbm>> -> memref<1x32x128xf32, #tpu.memory_space<hbm>>
      %dma_start3A_187 = tpu.memref_squeeze %dma_start3A_186 : memref<1x32x128xf32, #tpu.memory_space<hbm>> -> memref<32x128xf32, #tpu.memory_space<hbm>>
      %dma_start3A_188 = arith.constant 0 : i32
      %dma_start3A_189 = arith.constant 0 : i32
      %dma_start3A_190 = tpu.memref_slice %arg5[%select_n3A_89, %dma_start3A_188, %dma_start3A_189] : memref<2x32x129xf32, #tpu.memory_space<vmem>> -> memref<1x32x128xf32, #tpu.memory_space<vmem>>
      %dma_start3A_191 = tpu.memref_squeeze %dma_start3A_190 : memref<1x32x128xf32, #tpu.memory_space<vmem>> -> memref<32x128xf32, #tpu.memory_space<vmem>>
      tpu.enqueue_dma source(%dma_start3A_191 : memref<32x128xf32, #tpu.memory_space<vmem>>) target(%dma_start3A_187 : memref<32x128xf32, #tpu.memory_space<hbm>>) target_semaphore(%dma_start3A_183 : memref<!tpu.dma_semaphore, #tpu.memory_space<semaphore_mem>>)
      %while3A_192 = arith.constant 0 : i32
      scf.yield %while3A_192 : i32
    }
    %while3A_33 = arith.constant 1 : i32
    %while3A_34 = scf.for %while3A_76 = %while3A_30 to %while3A_26 step %while3A_33 iter_args(%while3A_77 = %while3A_32) -> (i32)  : i32 {
      %jit3A_78 = arith.constant 2 : i32
      %eq3A = arith.constant 0 : i32
      %eq3A_79 = arith.cmpi eq, %jit3A_78, %eq3A : i32
      %jit3A_80 = arith.constant 1 : i32
      %select_n3A_81 = arith.select %eq3A_79, %jit3A_80, %jit3A_78 : i32
      %rem3A = arith.remsi %while3A_76, %select_n3A_81 : i32
      %ne3A = arith.constant 0 : i32
      %ne3A_82 = arith.cmpi ne, %rem3A, %ne3A : i32
      %lt3A_83 = arith.constant 0 : i32
      %lt3A_84 = arith.cmpi slt, %rem3A, %lt3A_83 : i32
      %lt3A_85 = arith.constant 0 : i32
      %lt3A_86 = arith.cmpi slt, %select_n3A_81, %lt3A_85 : i32
      %ne3A_87 = arith.xori %lt3A_84, %lt3A_86 : i1
      %and3A = arith.andi %ne3A_87, %ne3A_82 : i1
      %add3A_88 = arith.addi %rem3A, %select_n3A_81 : i32
      %select_n3A_89 = arith.select %and3A, %add3A_88, %rem3A : i32
      %add3A_90 = arith.addi %add3A_4, %while3A_76 : i32
      %add3A_91 = arith.constant 1 : i32
      %add3A_92 = arith.addi %while3A_76, %add3A_91 : i32
      %lt3A_93 = arith.cmpi slt, %add3A_92, %select_n3A : i32
      %convert_element_type3A = arith.extui %lt3A_93 : i1 to i32
      %cond3A = arith.constant 0 : i32
      %cond3A_94 = arith.cmpi ne, %convert_element_type3A, %cond3A : i32
      scf.if %cond3A_94 {
        %add3A_193 = arith.constant 1 : i32
        %add3A_194 = arith.addi %add3A_90, %add3A_193 : i32
        %sub3A_195 = arith.constant 1 : i32
        %sub3A_196 = arith.subi %sub3A_195, %select_n3A_89 : i32
        %mul3A_197 = arith.constant 128 : i32
        %mul3A_198 = arith.muli %add3A_194, %mul3A_197 : i32
        %dma_start3A_199 = arith.constant 0 : i32
        %dma_start3A_200 = arith.constant 0 : i32
        %dma_start3A_201 = tpu.memref_slice %arg4[%sub3A_196, %dma_start3A_199, %dma_start3A_200] : memref<2x32x129xf32, #tpu.memory_space<vmem>> -> memref<1x32x128xf32, #tpu.memory_space<vmem>>
        %dma_start3A_202 = tpu.memref_squeeze %dma_start3A_201 : memref<1x32x128xf32, #tpu.memory_space<vmem>> -> memref<32x128xf32, #tpu.memory_space<vmem>>
        %dma_start3A_203 = arith.constant 0 : i32
        %dma_start3A_204 = tpu.memref_slice %arg2[%dma_start3A_203, %mul3A_198] : memref<32x1000000xf32, #tpu.memory_space<hbm>> -> memref<32x128xf32, #tpu.memory_space<hbm>>
        %dma_start3A_205 = tpu.memref_slice %arg6[%sub3A_196] : memref<2x!tpu.dma_semaphore, #tpu.memory_space<semaphore_mem>> -> memref<1x!tpu.dma_semaphore, #tpu.memory_space<semaphore_mem>>
        %dma_start3A_206 = tpu.memref_squeeze %dma_start3A_205 : memref<1x!tpu.dma_semaphore, #tpu.memory_space<semaphore_mem>> -> memref<!tpu.dma_semaphore, #tpu.memory_space<semaphore_mem>>
        %dma_start3A_207 = arith.constant 0 : i32
        %dma_start3A_208 = arith.constant 0 : i32
        %dma_start3A_209 = tpu.memref_slice %arg4[%sub3A_196, %dma_start3A_207, %dma_start3A_208] : memref<2x32x129xf32, #tpu.memory_space<vmem>> -> memref<1x32x128xf32, #tpu.memory_space<vmem>>
        %dma_start3A_210 = tpu.memref_squeeze %dma_start3A_209 : memref<1x32x128xf32, #tpu.memory_space<vmem>> -> memref<32x128xf32, #tpu.memory_space<vmem>>
        %dma_start3A_211 = arith.constant 0 : i32
        %dma_start3A_212 = tpu.memref_slice %arg2[%dma_start3A_211, %mul3A_198] : memref<32x1000000xf32, #tpu.memory_space<hbm>> -> memref<32x128xf32, #tpu.memory_space<hbm>>
        tpu.enqueue_dma source(%dma_start3A_212 : memref<32x128xf32, #tpu.memory_space<hbm>>) target(%dma_start3A_210 : memref<32x128xf32, #tpu.memory_space<vmem>>) target_semaphore(%dma_start3A_206 : memref<!tpu.dma_semaphore, #tpu.memory_space<semaphore_mem>>)
      } else {
      }
      %dma_wait3A_95 = arith.constant 0 : i32
      %dma_wait3A_96 = arith.constant 0 : i32
      %dma_wait3A_97 = tpu.memref_slice %arg4[%select_n3A_89, %dma_wait3A_95, %dma_wait3A_96] : memref<2x32x129xf32, #tpu.memory_space<vmem>> -> memref<1x32x128xf32, #tpu.memory_space<vmem>>
      %dma_wait3A_98 = tpu.memref_squeeze %dma_wait3A_97 : memref<1x32x128xf32, #tpu.memory_space<vmem>> -> memref<32x128xf32, #tpu.memory_space<vmem>>
      %dma_wait3A_99 = arith.constant 0 : i32
      %dma_wait3A_100 = arith.constant 0 : i32
      %dma_wait3A_101 = tpu.memref_slice %arg2[%dma_wait3A_99, %dma_wait3A_100] : memref<32x1000000xf32, #tpu.memory_space<hbm>> -> memref<32x128xf32, #tpu.memory_space<hbm>>
      %dma_wait3A_102 = tpu.memref_slice %arg6[%select_n3A_89] : memref<2x!tpu.dma_semaphore, #tpu.memory_space<semaphore_mem>> -> memref<1x!tpu.dma_semaphore, #tpu.memory_space<semaphore_mem>>
      %dma_wait3A_103 = tpu.memref_squeeze %dma_wait3A_102 : memref<1x!tpu.dma_semaphore, #tpu.memory_space<semaphore_mem>> -> memref<!tpu.dma_semaphore, #tpu.memory_space<semaphore_mem>>
      %dma_wait3A_104 = arith.constant 0 : i32
      %dma_wait3A_105 = arith.constant 0 : i32
      %dma_wait3A_106 = tpu.memref_slice %arg4[%select_n3A_89, %dma_wait3A_104, %dma_wait3A_105] : memref<2x32x129xf32, #tpu.memory_space<vmem>> -> memref<1x32x128xf32, #tpu.memory_space<vmem>>
      %dma_wait3A_107 = tpu.memref_squeeze %dma_wait3A_106 : memref<1x32x128xf32, #tpu.memory_space<vmem>> -> memref<32x128xf32, #tpu.memory_space<vmem>>
      %dma_wait3A_108 = arith.constant 0 : i32
      %dma_wait3A_109 = arith.constant 0 : i32
      %dma_wait3A_110 = tpu.memref_slice %arg2[%dma_wait3A_108, %dma_wait3A_109] : memref<32x1000000xf32, #tpu.memory_space<hbm>> -> memref<32x128xf32, #tpu.memory_space<hbm>>
      tpu.wait_dma2 semaphore(%dma_wait3A_103 : memref<!tpu.dma_semaphore, #tpu.memory_space<semaphore_mem>>) src(%dma_wait3A_110 : memref<32x128xf32, #tpu.memory_space<hbm>>) dst(%dma_wait3A_107 : memref<32x128xf32, #tpu.memory_space<vmem>>)
      %ge3A = arith.constant 2 : i32
      %ge3A_111 = arith.cmpi sge, %while3A_76, %ge3A : i32
      %convert_element_type3A_112 = arith.extui %ge3A_111 : i1 to i32
      %cond3A_113 = arith.constant 0 : i32
      %cond3A_114 = arith.cmpi ne, %convert_element_type3A_112, %cond3A_113 : i32
      scf.if %cond3A_114 {
        %dma_wait3A_193 = arith.constant 0 : i32
        %dma_wait3A_194 = arith.constant 0 : i32
        %dma_wait3A_195 = arith.constant 0 : i32
        %dma_wait3A_196 = tpu.memref_slice %arg5[%select_n3A_89, %dma_wait3A_194, %dma_wait3A_195] : memref<2x32x129xf32, #tpu.memory_space<vmem>> -> memref<1x32x128xf32, #tpu.memory_space<vmem>>
        %dma_wait3A_197 = tpu.memref_squeeze %dma_wait3A_196 : memref<1x32x128xf32, #tpu.memory_space<vmem>> -> memref<32x128xf32, #tpu.memory_space<vmem>>
        %dma_wait3A_198 = arith.constant 0 : i32
        %dma_wait3A_199 = arith.constant 0 : i32
        %dma_wait3A_200 = tpu.memref_slice %arg3[%dma_wait3A_193, %dma_wait3A_198, %dma_wait3A_199] : memref<7813x32x128xf32, #tpu.memory_space<hbm>> -> memref<1x32x128xf32, #tpu.memory_space<hbm>>
        %dma_wait3A_201 = tpu.memref_squeeze %dma_wait3A_200 : memref<1x32x128xf32, #tpu.memory_space<hbm>> -> memref<32x128xf32, #tpu.memory_space<hbm>>
        %dma_wait3A_202 = tpu.memref_slice %arg7[%select_n3A_89] : memref<2x!tpu.dma_semaphore, #tpu.memory_space<semaphore_mem>> -> memref<1x!tpu.dma_semaphore, #tpu.memory_space<semaphore_mem>>
        %dma_wait3A_203 = tpu.memref_squeeze %dma_wait3A_202 : memref<1x!tpu.dma_semaphore, #tpu.memory_space<semaphore_mem>> -> memref<!tpu.dma_semaphore, #tpu.memory_space<semaphore_mem>>
        %dma_wait3A_204 = arith.constant 0 : i32
        %dma_wait3A_205 = arith.constant 0 : i32
        %dma_wait3A_206 = tpu.memref_slice %arg3[%dma_wait3A_193, %dma_wait3A_204, %dma_wait3A_205] : memref<7813x32x128xf32, #tpu.memory_space<hbm>> -> memref<1x32x128xf32, #tpu.memory_space<hbm>>
        %dma_wait3A_207 = tpu.memref_squeeze %dma_wait3A_206 : memref<1x32x128xf32, #tpu.memory_space<hbm>> -> memref<32x128xf32, #tpu.memory_space<hbm>>
        %dma_wait3A_208 = arith.constant 0 : i32
        %dma_wait3A_209 = arith.constant 0 : i32
        %dma_wait3A_210 = tpu.memref_slice %arg5[%select_n3A_89, %dma_wait3A_208, %dma_wait3A_209] : memref<2x32x129xf32, #tpu.memory_space<vmem>> -> memref<1x32x128xf32, #tpu.memory_space<vmem>>
        %dma_wait3A_211 = tpu.memref_squeeze %dma_wait3A_210 : memref<1x32x128xf32, #tpu.memory_space<vmem>> -> memref<32x128xf32, #tpu.memory_space<vmem>>
        tpu.wait_dma2 semaphore(%dma_wait3A_203 : memref<!tpu.dma_semaphore, #tpu.memory_space<semaphore_mem>>) src(%dma_wait3A_211 : memref<32x128xf32, #tpu.memory_space<vmem>>) dst(%dma_wait3A_207 : memref<32x128xf32, #tpu.memory_space<hbm>>)
      } else {
      }
      %jit3A_115 = arith.constant 4 : i32
      %div3A = vector.broadcast %jit3A_115 : i32 to vector<16xi32>
      %div3A_116 = arith.divsi %iota3A, %div3A : vector<16xi32>
      %sign3A = arith.constant 0 : i32
      %sign3A_117 = vector.broadcast %sign3A : i32 to vector<16xi32>
      %sign3A_118 = arith.cmpi sgt, %iota3A, %sign3A_117 : vector<16xi32>
      %sign3A_119 = arith.extui %sign3A_118 : vector<16xi1> to vector<16xi32>
      %sign3A_120 = arith.constant 0 : i32
      %sign3A_121 = vector.broadcast %sign3A_120 : i32 to vector<16xi32>
      %sign3A_122 = arith.cmpi slt, %iota3A, %sign3A_121 : vector<16xi32>
      %sign3A_123 = arith.extui %sign3A_122 : vector<16xi1> to vector<16xi32>
      %sign3A_124 = arith.subi %sign3A_119, %sign3A_123 : vector<16xi32>
      %sign3A_125 = arith.constant 0 : i32
      %sign3A_126 = arith.cmpi sgt, %jit3A_115, %sign3A_125 : i32
      %sign3A_127 = arith.extui %sign3A_126 : i1 to i32
      %sign3A_128 = arith.constant 0 : i32
      %sign3A_129 = arith.cmpi slt, %jit3A_115, %sign3A_128 : i32
      %sign3A_130 = arith.extui %sign3A_129 : i1 to i32
      %sign3A_131 = arith.subi %sign3A_127, %sign3A_130 : i32
      %ne3A_132 = vector.broadcast %sign3A_131 : i32 to vector<16xi32>
      %ne3A_133 = arith.cmpi ne, %sign3A_124, %ne3A_132 : vector<16xi32>
      %rem3A_134 = vector.broadcast %jit3A_115 : i32 to vector<16xi32>
      %rem3A_135 = arith.remsi %iota3A, %rem3A_134 : vector<16xi32>
      %ne3A_136 = arith.constant 0 : i32
      %ne3A_137 = vector.broadcast %ne3A_136 : i32 to vector<16xi32>
      %ne3A_138 = arith.cmpi ne, %rem3A_135, %ne3A_137 : vector<16xi32>
      %and3A_139 = arith.andi %ne3A_133, %ne3A_138 : vector<16xi1>
      %sub3A = arith.constant 1 : i32
      %sub3A_140 = vector.broadcast %sub3A : i32 to vector<16xi32>
      %sub3A_141 = arith.subi %div3A_116, %sub3A_140 : vector<16xi32>
      %select_n3A_142 = arith.select %and3A_139, %sub3A_141, %div3A_116 : vector<16xi1>, vector<16xi32>
      %jit3A_143 = arith.constant 4 : i32
      %eq3A_144 = arith.constant 0 : i32
      %eq3A_145 = arith.cmpi eq, %jit3A_143, %eq3A_144 : i32
      %jit3A_146 = arith.constant 1 : i32
      %select_n3A_147 = arith.select %eq3A_145, %jit3A_146, %jit3A_143 : i32
      %rem3A_148 = vector.broadcast %select_n3A_147 : i32 to vector<16xi32>
      %rem3A_149 = arith.remsi %iota3A, %rem3A_148 : vector<16xi32>
      %ne3A_150 = arith.constant 0 : i32
      %ne3A_151 = vector.broadcast %ne3A_150 : i32 to vector<16xi32>
      %ne3A_152 = arith.cmpi ne, %rem3A_149, %ne3A_151 : vector<16xi32>
      %lt3A_153 = arith.constant 0 : i32
      %lt3A_154 = vector.broadcast %lt3A_153 : i32 to vector<16xi32>
      %lt3A_155 = arith.cmpi slt, %rem3A_149, %lt3A_154 : vector<16xi32>
      %lt3A_156 = arith.constant 0 : i32
      %lt3A_157 = arith.cmpi slt, %select_n3A_147, %lt3A_156 : i32
      %ne3A_158 = vector.broadcast %lt3A_157 : i1 to vector<16xi1>
      %ne3A_159 = vector.broadcast %ne3A_158 : vector<16xi1> to vector<16xi1>
      %ne3A_160 = arith.xori %lt3A_155, %ne3A_159 : vector<16xi1>
      %and3A_161 = arith.andi %ne3A_160, %ne3A_152 : vector<16xi1>
      %add3A_162 = vector.broadcast %select_n3A_147 : i32 to vector<16xi32>
      %add3A_163 = arith.addi %rem3A_149, %add3A_162 : vector<16xi32>
      %select_n3A_164 = arith.select %and3A_161, %add3A_163, %rem3A_149 : vector<16xi1>, vector<16xi32>
      %mul3A_165 = arith.constant 32 : i32
      %mul3A_166 = vector.broadcast %mul3A_165 : i32 to vector<16xi32>
      %mul3A_167 = arith.muli %select_n3A_164, %mul3A_166 : vector<16xi32>
      %scan3A = arith.constant 0 : i32
      %scan3A_168 = arith.constant 0 : i32
      %scan3A_169 = arith.constant 8 : i32
      %scan3A_170 = arith.addi %scan3A_168, %scan3A_169 : i32
      %scan3A_171 = arith.constant 1 : i32
      %scan3A_172 = scf.for %scan3A_193 = %scan3A_168 to %scan3A_170 step %scan3A_171 iter_args(%scan3A_194 = %scan3A) -> (i32)  : i32 {
        %mul3A_195 = arith.constant 4 : i32
        %mul3A_196 = arith.muli %scan3A_193, %mul3A_195 : i32
        %add3A_197 = vector.broadcast %mul3A_196 : i32 to vector<16xi32>
        %add3A_198 = arith.addi %add3A_197, %select_n3A_142 : vector<16xi32>
        %mul3A_199 = arith.constant 16 : i32
        %mul3A_200 = arith.muli %scan3A_193, %mul3A_199 : i32
        %get3A = arith.constant 0 : i32
        %get3A_201 = arith.index_cast %select_n3A_89 : i32 to index
        %get3A_202 = arith.index_cast %get3A : i32 to index
        %get3A_203 = arith.index_cast %mul3A_200 : i32 to index
        %get3A_204 = tpu.vector_load %arg4[%get3A_201, %get3A_202, %get3A_203] {strides = array<i32>} : memref<2x32x129xf32, #tpu.memory_space<vmem>>, vector<16xf32>,
        %add3A_205 = arith.constant 0 : i32
        %add3A_206 = vector.broadcast %add3A_205 : i32 to vector<16xi32>
        %add3A_207 = arith.addi %mul3A_167, %add3A_206 : vector<16xi32>
        %scatter3A = arith.constant 0 : i32
        %scatter3A_208 = arith.constant 0 : i32
        %scatter3A_209 = tpu.memref_slice %arg5[%select_n3A_89, %scatter3A, %scatter3A_208] : memref<2x32x129xf32, #tpu.memory_space<vmem>> -> memref<1x32x129xf32, #tpu.memory_space<vmem>>
        %scatter3A_210 = tpu.memref_squeeze %scatter3A_209 : memref<1x32x129xf32, #tpu.memory_space<vmem>> -> memref<32x129xf32, #tpu.memory_space<vmem>>
        tpu.vector_store_idx %scatter3A_210[%add3A_198, %add3A_207], %get3A_204 : memref<32x129xf32, #tpu.memory_space<vmem>>[vector<16xi32>, vector<16xi32>], vector<16xf32>,
        %mul3A_211 = arith.constant 16 : i32
        %mul3A_212 = arith.muli %scan3A_193, %mul3A_211 : i32
        %get3A_213 = arith.constant 1 : i32
        %get3A_214 = arith.index_cast %select_n3A_89 : i32 to index
        %get3A_215 = arith.index_cast %get3A_213 : i32 to index
        %get3A_216 = arith.index_cast %mul3A_212 : i32 to index
        %get3A_217 = tpu.vector_load %arg4[%get3A_214, %get3A_215, %get3A_216] {strides = array<i32>} : memref<2x32x129xf32, #tpu.memory_space<vmem>>, vector<16xf32>,
        %add3A_218 = arith.constant 1 : i32
        %add3A_219 = vector.broadcast %add3A_218 : i32 to vector<16xi32>
        %add3A_220 = arith.addi %mul3A_167, %add3A_219 : vector<16xi32>
        %scatter3A_221 = arith.constant 0 : i32
        %scatter3A_222 = arith.constant 0 : i32
        %scatter3A_223 = tpu.memref_slice %arg5[%select_n3A_89, %scatter3A_221, %scatter3A_222] : memref<2x32x129xf32, #tpu.memory_space<vmem>> -> memref<1x32x129xf32, #tpu.memory_space<vmem>>
        %scatter3A_224 = tpu.memref_squeeze %scatter3A_223 : memref<1x32x129xf32, #tpu.memory_space<vmem>> -> memref<32x129xf32, #tpu.memory_space<vmem>>
        tpu.vector_store_idx %scatter3A_224[%add3A_198, %add3A_220], %get3A_217 : memref<32x129xf32, #tpu.memory_space<vmem>>[vector<16xi32>, vector<16xi32>], vector<16xf32>,
        %mul3A_225 = arith.constant 16 : i32
        %mul3A_226 = arith.muli %scan3A_193, %mul3A_225 : i32
        %get3A_227 = arith.constant 2 : i32
        %get3A_228 = arith.index_cast %select_n3A_89 : i32 to index
        %get3A_229 = arith.index_cast %get3A_227 : i32 to index
        %get3A_230 = arith.index_cast %mul3A_226 : i32 to index
        %get3A_231 = tpu.vector_load %arg4[%get3A_228, %get3A_229, %get3A_230] {strides = array<i32>} : memref<2x32x129xf32, #tpu.memory_space<vmem>>, vector<16xf32>,
        %add3A_232 = arith.constant 2 : i32
        %add3A_233 = vector.broadcast %add3A_232 : i32 to vector<16xi32>
        %add3A_234 = arith.addi %mul3A_167, %add3A_233 : vector<16xi32>
        %scatter3A_235 = arith.constant 0 : i32
        %scatter3A_236 = arith.constant 0 : i32
        %scatter3A_237 = tpu.memref_slice %arg5[%select_n3A_89, %scatter3A_235, %scatter3A_236] : memref<2x32x129xf32, #tpu.memory_space<vmem>> -> memref<1x32x129xf32, #tpu.memory_space<vmem>>
        %scatter3A_238 = tpu.memref_squeeze %scatter3A_237 : memref<1x32x129xf32, #tpu.memory_space<vmem>> -> memref<32x129xf32, #tpu.memory_space<vmem>>
        tpu.vector_store_idx %scatter3A_238[%add3A_198, %add3A_234], %get3A_231 : memref<32x129xf32, #tpu.memory_space<vmem>>[vector<16xi32>, vector<16xi32>], vector<16xf32>,
        %mul3A_239 = arith.constant 16 : i32
        %mul3A_240 = arith.muli %scan3A_193, %mul3A_239 : i32
        %get3A_241 = arith.constant 3 : i32
        %get3A_242 = arith.index_cast %select_n3A_89 : i32 to index
        %get3A_243 = arith.index_cast %get3A_241 : i32 to index
        %get3A_244 = arith.index_cast %mul3A_240 : i32 to index
        %get3A_245 = tpu.vector_load %arg4[%get3A_242, %get3A_243, %get3A_244] {strides = array<i32>} : memref<2x32x129xf32, #tpu.memory_space<vmem>>, vector<16xf32>,
        %add3A_246 = arith.constant 3 : i32
        %add3A_247 = vector.broadcast %add3A_246 : i32 to vector<16xi32>
        %add3A_248 = arith.addi %mul3A_167, %add3A_247 : vector<16xi32>
        %scatter3A_249 = arith.constant 0 : i32
        %scatter3A_250 = arith.constant 0 : i32
        %scatter3A_251 = tpu.memref_slice %arg5[%select_n3A_89, %scatter3A_249, %scatter3A_250] : memref<2x32x129xf32, #tpu.memory_space<vmem>> -> memref<1x32x129xf32, #tpu.memory_space<vmem>>
        %scatter3A_252 = tpu.memref_squeeze %scatter3A_251 : memref<1x32x129xf32, #tpu.memory_space<vmem>> -> memref<32x129xf32, #tpu.memory_space<vmem>>
        tpu.vector_store_idx %scatter3A_252[%add3A_198, %add3A_248], %get3A_245 : memref<32x129xf32, #tpu.memory_space<vmem>>[vector<16xi32>, vector<16xi32>], vector<16xf32>,
        %mul3A_253 = arith.constant 16 : i32
        %mul3A_254 = arith.muli %scan3A_193, %mul3A_253 : i32
        %get3A_255 = arith.constant 4 : i32
        %get3A_256 = arith.index_cast %select_n3A_89 : i32 to index
        %get3A_257 = arith.index_cast %get3A_255 : i32 to index
        %get3A_258 = arith.index_cast %mul3A_254 : i32 to index
        %get3A_259 = tpu.vector_load %arg4[%get3A_256, %get3A_257, %get3A_258] {strides = array<i32>} : memref<2x32x129xf32, #tpu.memory_space<vmem>>, vector<16xf32>,
        %add3A_260 = arith.constant 4 : i32
        %add3A_261 = vector.broadcast %add3A_260 : i32 to vector<16xi32>
        %add3A_262 = arith.addi %mul3A_167, %add3A_261 : vector<16xi32>
        %scatter3A_263 = arith.constant 0 : i32
        %scatter3A_264 = arith.constant 0 : i32
        %scatter3A_265 = tpu.memref_slice %arg5[%select_n3A_89, %scatter3A_263, %scatter3A_264] : memref<2x32x129xf32, #tpu.memory_space<vmem>> -> memref<1x32x129xf32, #tpu.memory_space<vmem>>
        %scatter3A_266 = tpu.memref_squeeze %scatter3A_265 : memref<1x32x129xf32, #tpu.memory_space<vmem>> -> memref<32x129xf32, #tpu.memory_space<vmem>>
        tpu.vector_store_idx %scatter3A_266[%add3A_198, %add3A_262], %get3A_259 : memref<32x129xf32, #tpu.memory_space<vmem>>[vector<16xi32>, vector<16xi32>], vector<16xf32>,
        %mul3A_267 = arith.constant 16 : i32
        %mul3A_268 = arith.muli %scan3A_193, %mul3A_267 : i32
        %get3A_269 = arith.constant 5 : i32
        %get3A_270 = arith.index_cast %select_n3A_89 : i32 to index
        %get3A_271 = arith.index_cast %get3A_269 : i32 to index
        %get3A_272 = arith.index_cast %mul3A_268 : i32 to index
        %get3A_273 = tpu.vector_load %arg4[%get3A_270, %get3A_271, %get3A_272] {strides = array<i32>} : memref<2x32x129xf32, #tpu.memory_space<vmem>>, vector<16xf32>,
        %add3A_274 = arith.constant 5 : i32
        %add3A_275 = vector.broadcast %add3A_274 : i32 to vector<16xi32>
        %add3A_276 = arith.addi %mul3A_167, %add3A_275 : vector<16xi32>
        %scatter3A_277 = arith.constant 0 : i32
        %scatter3A_278 = arith.constant 0 : i32
        %scatter3A_279 = tpu.memref_slice %arg5[%select_n3A_89, %scatter3A_277, %scatter3A_278] : memref<2x32x129xf32, #tpu.memory_space<vmem>> -> memref<1x32x129xf32, #tpu.memory_space<vmem>>
        %scatter3A_280 = tpu.memref_squeeze %scatter3A_279 : memref<1x32x129xf32, #tpu.memory_space<vmem>> -> memref<32x129xf32, #tpu.memory_space<vmem>>
        tpu.vector_store_idx %scatter3A_280[%add3A_198, %add3A_276], %get3A_273 : memref<32x129xf32, #tpu.memory_space<vmem>>[vector<16xi32>, vector<16xi32>], vector<16xf32>,
        %mul3A_281 = arith.constant 16 : i32
        %mul3A_282 = arith.muli %scan3A_193, %mul3A_281 : i32
        %get3A_283 = arith.constant 6 : i32
        %get3A_284 = arith.index_cast %select_n3A_89 : i32 to index
        %get3A_285 = arith.index_cast %get3A_283 : i32 to index
        %get3A_286 = arith.index_cast %mul3A_282 : i32 to index
        %get3A_287 = tpu.vector_load %arg4[%get3A_284, %get3A_285, %get3A_286] {strides = array<i32>} : memref<2x32x129xf32, #tpu.memory_space<vmem>>, vector<16xf32>,
        %add3A_288 = arith.constant 6 : i32
        %add3A_289 = vector.broadcast %add3A_288 : i32 to vector<16xi32>
        %add3A_290 = arith.addi %mul3A_167, %add3A_289 : vector<16xi32>
        %scatter3A_291 = arith.constant 0 : i32
        %scatter3A_292 = arith.constant 0 : i32
        %scatter3A_293 = tpu.memref_slice %arg5[%select_n3A_89, %scatter3A_291, %scatter3A_292] : memref<2x32x129xf32, #tpu.memory_space<vmem>> -> memref<1x32x129xf32, #tpu.memory_space<vmem>>
        %scatter3A_294 = tpu.memref_squeeze %scatter3A_293 : memref<1x32x129xf32, #tpu.memory_space<vmem>> -> memref<32x129xf32, #tpu.memory_space<vmem>>
        tpu.vector_store_idx %scatter3A_294[%add3A_198, %add3A_290], %get3A_287 : memref<32x129xf32, #tpu.memory_space<vmem>>[vector<16xi32>, vector<16xi32>], vector<16xf32>,
        %mul3A_295 = arith.constant 16 : i32
        %mul3A_296 = arith.muli %scan3A_193, %mul3A_295 : i32
        %get3A_297 = arith.constant 7 : i32
        %get3A_298 = arith.index_cast %select_n3A_89 : i32 to index
        %get3A_299 = arith.index_cast %get3A_297 : i32 to index
        %get3A_300 = arith.index_cast %mul3A_296 : i32 to index
        %get3A_301 = tpu.vector_load %arg4[%get3A_298, %get3A_299, %get3A_300] {strides = array<i32>} : memref<2x32x129xf32, #tpu.memory_space<vmem>>, vector<16xf32>,
        %add3A_302 = arith.constant 7 : i32
        %add3A_303 = vector.broadcast %add3A_302 : i32 to vector<16xi32>
        %add3A_304 = arith.addi %mul3A_167, %add3A_303 : vector<16xi32>
        %scatter3A_305 = arith.constant 0 : i32
        %scatter3A_306 = arith.constant 0 : i32
        %scatter3A_307 = tpu.memref_slice %arg5[%select_n3A_89, %scatter3A_305, %scatter3A_306] : memref<2x32x129xf32, #tpu.memory_space<vmem>> -> memref<1x32x129xf32, #tpu.memory_space<vmem>>
        %scatter3A_308 = tpu.memref_squeeze %scatter3A_307 : memref<1x32x129xf32, #tpu.memory_space<vmem>> -> memref<32x129xf32, #tpu.memory_space<vmem>>
        tpu.vector_store_idx %scatter3A_308[%add3A_198, %add3A_304], %get3A_301 : memref<32x129xf32, #tpu.memory_space<vmem>>[vector<16xi32>, vector<16xi32>], vector<16xf32>,
        %mul3A_309 = arith.constant 16 : i32
        %mul3A_310 = arith.muli %scan3A_193, %mul3A_309 : i32
        %get3A_311 = arith.constant 8 : i32
        %get3A_312 = arith.index_cast %select_n3A_89 : i32 to index
        %get3A_313 = arith.index_cast %get3A_311 : i32 to index
        %get3A_314 = arith.index_cast %mul3A_310 : i32 to index
        %get3A_315 = tpu.vector_load %arg4[%get3A_312, %get3A_313, %get3A_314] {strides = array<i32>} : memref<2x32x129xf32, #tpu.memory_space<vmem>>, vector<16xf32>,
        %add3A_316 = arith.constant 8 : i32
        %add3A_317 = vector.broadcast %add3A_316 : i32 to vector<16xi32>
        %add3A_318 = arith.addi %mul3A_167, %add3A_317 : vector<16xi32>
        %scatter3A_319 = arith.constant 0 : i32
        %scatter3A_320 = arith.constant 0 : i32
        %scatter3A_321 = tpu.memref_slice %arg5[%select_n3A_89, %scatter3A_319, %scatter3A_320] : memref<2x32x129xf32, #tpu.memory_space<vmem>> -> memref<1x32x129xf32, #tpu.memory_space<vmem>>
        %scatter3A_322 = tpu.memref_squeeze %scatter3A_321 : memref<1x32x129xf32, #tpu.memory_space<vmem>> -> memref<32x129xf32, #tpu.memory_space<vmem>>
        tpu.vector_store_idx %scatter3A_322[%add3A_198, %add3A_318], %get3A_315 : memref<32x129xf32, #tpu.memory_space<vmem>>[vector<16xi32>, vector<16xi32>], vector<16xf32>,
        %mul3A_323 = arith.constant 16 : i32
        %mul3A_324 = arith.muli %scan3A_193, %mul3A_323 : i32
        %get3A_325 = arith.constant 9 : i32
        %get3A_326 = arith.index_cast %select_n3A_89 : i32 to index
        %get3A_327 = arith.index_cast %get3A_325 : i32 to index
        %get3A_328 = arith.index_cast %mul3A_324 : i32 to index
        %get3A_329 = tpu.vector_load %arg4[%get3A_326, %get3A_327, %get3A_328] {strides = array<i32>} : memref<2x32x129xf32, #tpu.memory_space<vmem>>, vector<16xf32>,
        %add3A_330 = arith.constant 9 : i32
        %add3A_331 = vector.broadcast %add3A_330 : i32 to vector<16xi32>
        %add3A_332 = arith.addi %mul3A_167, %add3A_331 : vector<16xi32>
        %scatter3A_333 = arith.constant 0 : i32
        %scatter3A_334 = arith.constant 0 : i32
        %scatter3A_335 = tpu.memref_slice %arg5[%select_n3A_89, %scatter3A_333, %scatter3A_334] : memref<2x32x129xf32, #tpu.memory_space<vmem>> -> memref<1x32x129xf32, #tpu.memory_space<vmem>>
        %scatter3A_336 = tpu.memref_squeeze %scatter3A_335 : memref<1x32x129xf32, #tpu.memory_space<vmem>> -> memref<32x129xf32, #tpu.memory_space<vmem>>
        tpu.vector_store_idx %scatter3A_336[%add3A_198, %add3A_332], %get3A_329 : memref<32x129xf32, #tpu.memory_space<vmem>>[vector<16xi32>, vector<16xi32>], vector<16xf32>,
        %mul3A_337 = arith.constant 16 : i32
        %mul3A_338 = arith.muli %scan3A_193, %mul3A_337 : i32
        %get3A_339 = arith.constant 10 : i32
        %get3A_340 = arith.index_cast %select_n3A_89 : i32 to index
        %get3A_341 = arith.index_cast %get3A_339 : i32 to index
        %get3A_342 = arith.index_cast %mul3A_338 : i32 to index
        %get3A_343 = tpu.vector_load %arg4[%get3A_340, %get3A_341, %get3A_342] {strides = array<i32>} : memref<2x32x129xf32, #tpu.memory_space<vmem>>, vector<16xf32>,
        %add3A_344 = arith.constant 10 : i32
        %add3A_345 = vector.broadcast %add3A_344 : i32 to vector<16xi32>
        %add3A_346 = arith.addi %mul3A_167, %add3A_345 : vector<16xi32>
        %scatter3A_347 = arith.constant 0 : i32
        %scatter3A_348 = arith.constant 0 : i32
        %scatter3A_349 = tpu.memref_slice %arg5[%select_n3A_89, %scatter3A_347, %scatter3A_348] : memref<2x32x129xf32, #tpu.memory_space<vmem>> -> memref<1x32x129xf32, #tpu.memory_space<vmem>>
        %scatter3A_350 = tpu.memref_squeeze %scatter3A_349 : memref<1x32x129xf32, #tpu.memory_space<vmem>> -> memref<32x129xf32, #tpu.memory_space<vmem>>
        tpu.vector_store_idx %scatter3A_350[%add3A_198, %add3A_346], %get3A_343 : memref<32x129xf32, #tpu.memory_space<vmem>>[vector<16xi32>, vector<16xi32>], vector<16xf32>,
        %mul3A_351 = arith.constant 16 : i32
        %mul3A_352 = arith.muli %scan3A_193, %mul3A_351 : i32
        %get3A_353 = arith.constant 11 : i32
        %get3A_354 = arith.index_cast %select_n3A_89 : i32 to index
        %get3A_355 = arith.index_cast %get3A_353 : i32 to index
        %get3A_356 = arith.index_cast %mul3A_352 : i32 to index
        %get3A_357 = tpu.vector_load %arg4[%get3A_354, %get3A_355, %get3A_356] {strides = array<i32>} : memref<2x32x129xf32, #tpu.memory_space<vmem>>, vector<16xf32>,
        %add3A_358 = arith.constant 11 : i32
        %add3A_359 = vector.broadcast %add3A_358 : i32 to vector<16xi32>
        %add3A_360 = arith.addi %mul3A_167, %add3A_359 : vector<16xi32>
        %scatter3A_361 = arith.constant 0 : i32
        %scatter3A_362 = arith.constant 0 : i32
        %scatter3A_363 = tpu.memref_slice %arg5[%select_n3A_89, %scatter3A_361, %scatter3A_362] : memref<2x32x129xf32, #tpu.memory_space<vmem>> -> memref<1x32x129xf32, #tpu.memory_space<vmem>>
        %scatter3A_364 = tpu.memref_squeeze %scatter3A_363 : memref<1x32x129xf32, #tpu.memory_space<vmem>> -> memref<32x129xf32, #tpu.memory_space<vmem>>
        tpu.vector_store_idx %scatter3A_364[%add3A_198, %add3A_360], %get3A_357 : memref<32x129xf32, #tpu.memory_space<vmem>>[vector<16xi32>, vector<16xi32>], vector<16xf32>,
        %mul3A_365 = arith.constant 16 : i32
        %mul3A_366 = arith.muli %scan3A_193, %mul3A_365 : i32
        %get3A_367 = arith.constant 12 : i32
        %get3A_368 = arith.index_cast %select_n3A_89 : i32 to index
        %get3A_369 = arith.index_cast %get3A_367 : i32 to index
        %get3A_370 = arith.index_cast %mul3A_366 : i32 to index
        %get3A_371 = tpu.vector_load %arg4[%get3A_368, %get3A_369, %get3A_370] {strides = array<i32>} : memref<2x32x129xf32, #tpu.memory_space<vmem>>, vector<16xf32>,
        %add3A_372 = arith.constant 12 : i32
        %add3A_373 = vector.broadcast %add3A_372 : i32 to vector<16xi32>
        %add3A_374 = arith.addi %mul3A_167, %add3A_373 : vector<16xi32>
        %scatter3A_375 = arith.constant 0 : i32
        %scatter3A_376 = arith.constant 0 : i32
        %scatter3A_377 = tpu.memref_slice %arg5[%select_n3A_89, %scatter3A_375, %scatter3A_376] : memref<2x32x129xf32, #tpu.memory_space<vmem>> -> memref<1x32x129xf32, #tpu.memory_space<vmem>>
        %scatter3A_378 = tpu.memref_squeeze %scatter3A_377 : memref<1x32x129xf32, #tpu.memory_space<vmem>> -> memref<32x129xf32, #tpu.memory_space<vmem>>
        tpu.vector_store_idx %scatter3A_378[%add3A_198, %add3A_374], %get3A_371 : memref<32x129xf32, #tpu.memory_space<vmem>>[vector<16xi32>, vector<16xi32>], vector<16xf32>,
        %mul3A_379 = arith.constant 16 : i32
        %mul3A_380 = arith.muli %scan3A_193, %mul3A_379 : i32
        %get3A_381 = arith.constant 13 : i32
        %get3A_382 = arith.index_cast %select_n3A_89 : i32 to index
        %get3A_383 = arith.index_cast %get3A_381 : i32 to index
        %get3A_384 = arith.index_cast %mul3A_380 : i32 to index
        %get3A_385 = tpu.vector_load %arg4[%get3A_382, %get3A_383, %get3A_384] {strides = array<i32>} : memref<2x32x129xf32, #tpu.memory_space<vmem>>, vector<16xf32>,
        %add3A_386 = arith.constant 13 : i32
        %add3A_387 = vector.broadcast %add3A_386 : i32 to vector<16xi32>
        %add3A_388 = arith.addi %mul3A_167, %add3A_387 : vector<16xi32>
        %scatter3A_389 = arith.constant 0 : i32
        %scatter3A_390 = arith.constant 0 : i32
        %scatter3A_391 = tpu.memref_slice %arg5[%select_n3A_89, %scatter3A_389, %scatter3A_390] : memref<2x32x129xf32, #tpu.memory_space<vmem>> -> memref<1x32x129xf32, #tpu.memory_space<vmem>>
        %scatter3A_392 = tpu.memref_squeeze %scatter3A_391 : memref<1x32x129xf32, #tpu.memory_space<vmem>> -> memref<32x129xf32, #tpu.memory_space<vmem>>
        tpu.vector_store_idx %scatter3A_392[%add3A_198, %add3A_388], %get3A_385 : memref<32x129xf32, #tpu.memory_space<vmem>>[vector<16xi32>, vector<16xi32>], vector<16xf32>,
        %mul3A_393 = arith.constant 16 : i32
        %mul3A_394 = arith.muli %scan3A_193, %mul3A_393 : i32
        %get3A_395 = arith.constant 14 : i32
        %get3A_396 = arith.index_cast %select_n3A_89 : i32 to index
        %get3A_397 = arith.index_cast %get3A_395 : i32 to index
        %get3A_398 = arith.index_cast %mul3A_394 : i32 to index
        %get3A_399 = tpu.vector_load %arg4[%get3A_396, %get3A_397, %get3A_398] {strides = array<i32>} : memref<2x32x129xf32, #tpu.memory_space<vmem>>, vector<16xf32>,
        %add3A_400 = arith.constant 14 : i32
        %add3A_401 = vector.broadcast %add3A_400 : i32 to vector<16xi32>
        %add3A_402 = arith.addi %mul3A_167, %add3A_401 : vector<16xi32>
        %scatter3A_403 = arith.constant 0 : i32
        %scatter3A_404 = arith.constant 0 : i32
        %scatter3A_405 = tpu.memref_slice %arg5[%select_n3A_89, %scatter3A_403, %scatter3A_404] : memref<2x32x129xf32, #tpu.memory_space<vmem>> -> memref<1x32x129xf32, #tpu.memory_space<vmem>>
        %scatter3A_406 = tpu.memref_squeeze %scatter3A_405 : memref<1x32x129xf32, #tpu.memory_space<vmem>> -> memref<32x129xf32, #tpu.memory_space<vmem>>
        tpu.vector_store_idx %scatter3A_406[%add3A_198, %add3A_402], %get3A_399 : memref<32x129xf32, #tpu.memory_space<vmem>>[vector<16xi32>, vector<16xi32>], vector<16xf32>,
        %mul3A_407 = arith.constant 16 : i32
        %mul3A_408 = arith.muli %scan3A_193, %mul3A_407 : i32
        %get3A_409 = arith.constant 15 : i32
        %get3A_410 = arith.index_cast %select_n3A_89 : i32 to index
        %get3A_411 = arith.index_cast %get3A_409 : i32 to index
        %get3A_412 = arith.index_cast %mul3A_408 : i32 to index
        %get3A_413 = tpu.vector_load %arg4[%get3A_410, %get3A_411, %get3A_412] {strides = array<i32>} : memref<2x32x129xf32, #tpu.memory_space<vmem>>, vector<16xf32>,
        %add3A_414 = arith.constant 15 : i32
        %add3A_415 = vector.broadcast %add3A_414 : i32 to vector<16xi32>
        %add3A_416 = arith.addi %mul3A_167, %add3A_415 : vector<16xi32>
        %scatter3A_417 = arith.constant 0 : i32
        %scatter3A_418 = arith.constant 0 : i32
        %scatter3A_419 = tpu.memref_slice %arg5[%select_n3A_89, %scatter3A_417, %scatter3A_418] : memref<2x32x129xf32, #tpu.memory_space<vmem>> -> memref<1x32x129xf32, #tpu.memory_space<vmem>>
        %scatter3A_420 = tpu.memref_squeeze %scatter3A_419 : memref<1x32x129xf32, #tpu.memory_space<vmem>> -> memref<32x129xf32, #tpu.memory_space<vmem>>
        tpu.vector_store_idx %scatter3A_420[%add3A_198, %add3A_416], %get3A_413 : memref<32x129xf32, #tpu.memory_space<vmem>>[vector<16xi32>, vector<16xi32>], vector<16xf32>,
        %mul3A_421 = arith.constant 16 : i32
        %mul3A_422 = arith.muli %scan3A_193, %mul3A_421 : i32
        %get3A_423 = arith.constant 16 : i32
        %get3A_424 = arith.index_cast %select_n3A_89 : i32 to index
        %get3A_425 = arith.index_cast %get3A_423 : i32 to index
        %get3A_426 = arith.index_cast %mul3A_422 : i32 to index
        %get3A_427 = tpu.vector_load %arg4[%get3A_424, %get3A_425, %get3A_426] {strides = array<i32>} : memref<2x32x129xf32, #tpu.memory_space<vmem>>, vector<16xf32>,
        %add3A_428 = arith.constant 16 : i32
        %add3A_429 = vector.broadcast %add3A_428 : i32 to vector<16xi32>
        %add3A_430 = arith.addi %mul3A_167, %add3A_429 : vector<16xi32>
        %scatter3A_431 = arith.constant 0 : i32
        %scatter3A_432 = arith.constant 0 : i32
        %scatter3A_433 = tpu.memref_slice %arg5[%select_n3A_89, %scatter3A_431, %scatter3A_432] : memref<2x32x129xf32, #tpu.memory_space<vmem>> -> memref<1x32x129xf32, #tpu.memory_space<vmem>>
        %scatter3A_434 = tpu.memref_squeeze %scatter3A_433 : memref<1x32x129xf32, #tpu.memory_space<vmem>> -> memref<32x129xf32, #tpu.memory_space<vmem>>
        tpu.vector_store_idx %scatter3A_434[%add3A_198, %add3A_430], %get3A_427 : memref<32x129xf32, #tpu.memory_space<vmem>>[vector<16xi32>, vector<16xi32>], vector<16xf32>,
        %mul3A_435 = arith.constant 16 : i32
        %mul3A_436 = arith.muli %scan3A_193, %mul3A_435 : i32
        %get3A_437 = arith.constant 17 : i32
        %get3A_438 = arith.index_cast %select_n3A_89 : i32 to index
        %get3A_439 = arith.index_cast %get3A_437 : i32 to index
        %get3A_440 = arith.index_cast %mul3A_436 : i32 to index
        %get3A_441 = tpu.vector_load %arg4[%get3A_438, %get3A_439, %get3A_440] {strides = array<i32>} : memref<2x32x129xf32, #tpu.memory_space<vmem>>, vector<16xf32>,
        %add3A_442 = arith.constant 17 : i32
        %add3A_443 = vector.broadcast %add3A_442 : i32 to vector<16xi32>
        %add3A_444 = arith.addi %mul3A_167, %add3A_443 : vector<16xi32>
        %scatter3A_445 = arith.constant 0 : i32
        %scatter3A_446 = arith.constant 0 : i32
        %scatter3A_447 = tpu.memref_slice %arg5[%select_n3A_89, %scatter3A_445, %scatter3A_446] : memref<2x32x129xf32, #tpu.memory_space<vmem>> -> memref<1x32x129xf32, #tpu.memory_space<vmem>>
        %scatter3A_448 = tpu.memref_squeeze %scatter3A_447 : memref<1x32x129xf32, #tpu.memory_space<vmem>> -> memref<32x129xf32, #tpu.memory_space<vmem>>
        tpu.vector_store_idx %scatter3A_448[%add3A_198, %add3A_444], %get3A_441 : memref<32x129xf32, #tpu.memory_space<vmem>>[vector<16xi32>, vector<16xi32>], vector<16xf32>,
        %mul3A_449 = arith.constant 16 : i32
        %mul3A_450 = arith.muli %scan3A_193, %mul3A_449 : i32
        %get3A_451 = arith.constant 18 : i32
        %get3A_452 = arith.index_cast %select_n3A_89 : i32 to index
        %get3A_453 = arith.index_cast %get3A_451 : i32 to index
        %get3A_454 = arith.index_cast %mul3A_450 : i32 to index
        %get3A_455 = tpu.vector_load %arg4[%get3A_452, %get3A_453, %get3A_454] {strides = array<i32>} : memref<2x32x129xf32, #tpu.memory_space<vmem>>, vector<16xf32>,
        %add3A_456 = arith.constant 18 : i32
        %add3A_457 = vector.broadcast %add3A_456 : i32 to vector<16xi32>
        %add3A_458 = arith.addi %mul3A_167, %add3A_457 : vector<16xi32>
        %scatter3A_459 = arith.constant 0 : i32
        %scatter3A_460 = arith.constant 0 : i32
        %scatter3A_461 = tpu.memref_slice %arg5[%select_n3A_89, %scatter3A_459, %scatter3A_460] : memref<2x32x129xf32, #tpu.memory_space<vmem>> -> memref<1x32x129xf32, #tpu.memory_space<vmem>>
        %scatter3A_462 = tpu.memref_squeeze %scatter3A_461 : memref<1x32x129xf32, #tpu.memory_space<vmem>> -> memref<32x129xf32, #tpu.memory_space<vmem>>
        tpu.vector_store_idx %scatter3A_462[%add3A_198, %add3A_458], %get3A_455 : memref<32x129xf32, #tpu.memory_space<vmem>>[vector<16xi32>, vector<16xi32>], vector<16xf32>,
        %mul3A_463 = arith.constant 16 : i32
        %mul3A_464 = arith.muli %scan3A_193, %mul3A_463 : i32
        %get3A_465 = arith.constant 19 : i32
        %get3A_466 = arith.index_cast %select_n3A_89 : i32 to index
        %get3A_467 = arith.index_cast %get3A_465 : i32 to index
        %get3A_468 = arith.index_cast %mul3A_464 : i32 to index
        %get3A_469 = tpu.vector_load %arg4[%get3A_466, %get3A_467, %get3A_468] {strides = array<i32>} : memref<2x32x129xf32, #tpu.memory_space<vmem>>, vector<16xf32>,
        %add3A_470 = arith.constant 19 : i32
        %add3A_471 = vector.broadcast %add3A_470 : i32 to vector<16xi32>
        %add3A_472 = arith.addi %mul3A_167, %add3A_471 : vector<16xi32>
        %scatter3A_473 = arith.constant 0 : i32
        %scatter3A_474 = arith.constant 0 : i32
        %scatter3A_475 = tpu.memref_slice %arg5[%select_n3A_89, %scatter3A_473, %scatter3A_474] : memref<2x32x129xf32, #tpu.memory_space<vmem>> -> memref<1x32x129xf32, #tpu.memory_space<vmem>>
        %scatter3A_476 = tpu.memref_squeeze %scatter3A_475 : memref<1x32x129xf32, #tpu.memory_space<vmem>> -> memref<32x129xf32, #tpu.memory_space<vmem>>
        tpu.vector_store_idx %scatter3A_476[%add3A_198, %add3A_472], %get3A_469 : memref<32x129xf32, #tpu.memory_space<vmem>>[vector<16xi32>, vector<16xi32>], vector<16xf32>,
        %mul3A_477 = arith.constant 16 : i32
        %mul3A_478 = arith.muli %scan3A_193, %mul3A_477 : i32
        %get3A_479 = arith.constant 20 : i32
        %get3A_480 = arith.index_cast %select_n3A_89 : i32 to index
        %get3A_481 = arith.index_cast %get3A_479 : i32 to index
        %get3A_482 = arith.index_cast %mul3A_478 : i32 to index
        %get3A_483 = tpu.vector_load %arg4[%get3A_480, %get3A_481, %get3A_482] {strides = array<i32>} : memref<2x32x129xf32, #tpu.memory_space<vmem>>, vector<16xf32>,
        %add3A_484 = arith.constant 20 : i32
        %add3A_485 = vector.broadcast %add3A_484 : i32 to vector<16xi32>
        %add3A_486 = arith.addi %mul3A_167, %add3A_485 : vector<16xi32>
        %scatter3A_487 = arith.constant 0 : i32
        %scatter3A_488 = arith.constant 0 : i32
        %scatter3A_489 = tpu.memref_slice %arg5[%select_n3A_89, %scatter3A_487, %scatter3A_488] : memref<2x32x129xf32, #tpu.memory_space<vmem>> -> memref<1x32x129xf32, #tpu.memory_space<vmem>>
        %scatter3A_490 = tpu.memref_squeeze %scatter3A_489 : memref<1x32x129xf32, #tpu.memory_space<vmem>> -> memref<32x129xf32, #tpu.memory_space<vmem>>
        tpu.vector_store_idx %scatter3A_490[%add3A_198, %add3A_486], %get3A_483 : memref<32x129xf32, #tpu.memory_space<vmem>>[vector<16xi32>, vector<16xi32>], vector<16xf32>,
        %mul3A_491 = arith.constant 16 : i32
        %mul3A_492 = arith.muli %scan3A_193, %mul3A_491 : i32
        %get3A_493 = arith.constant 21 : i32
        %get3A_494 = arith.index_cast %select_n3A_89 : i32 to index
        %get3A_495 = arith.index_cast %get3A_493 : i32 to index
        %get3A_496 = arith.index_cast %mul3A_492 : i32 to index
        %get3A_497 = tpu.vector_load %arg4[%get3A_494, %get3A_495, %get3A_496] {strides = array<i32>} : memref<2x32x129xf32, #tpu.memory_space<vmem>>, vector<16xf32>,
        %add3A_498 = arith.constant 21 : i32
        %add3A_499 = vector.broadcast %add3A_498 : i32 to vector<16xi32>
        %add3A_500 = arith.addi %mul3A_167, %add3A_499 : vector<16xi32>
        %scatter3A_501 = arith.constant 0 : i32
        %scatter3A_502 = arith.constant 0 : i32
        %scatter3A_503 = tpu.memref_slice %arg5[%select_n3A_89, %scatter3A_501, %scatter3A_502] : memref<2x32x129xf32, #tpu.memory_space<vmem>> -> memref<1x32x129xf32, #tpu.memory_space<vmem>>
        %scatter3A_504 = tpu.memref_squeeze %scatter3A_503 : memref<1x32x129xf32, #tpu.memory_space<vmem>> -> memref<32x129xf32, #tpu.memory_space<vmem>>
        tpu.vector_store_idx %scatter3A_504[%add3A_198, %add3A_500], %get3A_497 : memref<32x129xf32, #tpu.memory_space<vmem>>[vector<16xi32>, vector<16xi32>], vector<16xf32>,
        %mul3A_505 = arith.constant 16 : i32
        %mul3A_506 = arith.muli %scan3A_193, %mul3A_505 : i32
        %get3A_507 = arith.constant 22 : i32
        %get3A_508 = arith.index_cast %select_n3A_89 : i32 to index
        %get3A_509 = arith.index_cast %get3A_507 : i32 to index
        %get3A_510 = arith.index_cast %mul3A_506 : i32 to index
        %get3A_511 = tpu.vector_load %arg4[%get3A_508, %get3A_509, %get3A_510] {strides = array<i32>} : memref<2x32x129xf32, #tpu.memory_space<vmem>>, vector<16xf32>,
        %add3A_512 = arith.constant 22 : i32
        %add3A_513 = vector.broadcast %add3A_512 : i32 to vector<16xi32>
        %add3A_514 = arith.addi %mul3A_167, %add3A_513 : vector<16xi32>
        %scatter3A_515 = arith.constant 0 : i32
        %scatter3A_516 = arith.constant 0 : i32
        %scatter3A_517 = tpu.memref_slice %arg5[%select_n3A_89, %scatter3A_515, %scatter3A_516] : memref<2x32x129xf32, #tpu.memory_space<vmem>> -> memref<1x32x129xf32, #tpu.memory_space<vmem>>
        %scatter3A_518 = tpu.memref_squeeze %scatter3A_517 : memref<1x32x129xf32, #tpu.memory_space<vmem>> -> memref<32x129xf32, #tpu.memory_space<vmem>>
        tpu.vector_store_idx %scatter3A_518[%add3A_198, %add3A_514], %get3A_511 : memref<32x129xf32, #tpu.memory_space<vmem>>[vector<16xi32>, vector<16xi32>], vector<16xf32>,
        %mul3A_519 = arith.constant 16 : i32
        %mul3A_520 = arith.muli %scan3A_193, %mul3A_519 : i32
        %get3A_521 = arith.constant 23 : i32
        %get3A_522 = arith.index_cast %select_n3A_89 : i32 to index
        %get3A_523 = arith.index_cast %get3A_521 : i32 to index
        %get3A_524 = arith.index_cast %mul3A_520 : i32 to index
        %get3A_525 = tpu.vector_load %arg4[%get3A_522, %get3A_523, %get3A_524] {strides = array<i32>} : memref<2x32x129xf32, #tpu.memory_space<vmem>>, vector<16xf32>,
        %add3A_526 = arith.constant 23 : i32
        %add3A_527 = vector.broadcast %add3A_526 : i32 to vector<16xi32>
        %add3A_528 = arith.addi %mul3A_167, %add3A_527 : vector<16xi32>
        %scatter3A_529 = arith.constant 0 : i32
        %scatter3A_530 = arith.constant 0 : i32
        %scatter3A_531 = tpu.memref_slice %arg5[%select_n3A_89, %scatter3A_529, %scatter3A_530] : memref<2x32x129xf32, #tpu.memory_space<vmem>> -> memref<1x32x129xf32, #tpu.memory_space<vmem>>
        %scatter3A_532 = tpu.memref_squeeze %scatter3A_531 : memref<1x32x129xf32, #tpu.memory_space<vmem>> -> memref<32x129xf32, #tpu.memory_space<vmem>>
        tpu.vector_store_idx %scatter3A_532[%add3A_198, %add3A_528], %get3A_525 : memref<32x129xf32, #tpu.memory_space<vmem>>[vector<16xi32>, vector<16xi32>], vector<16xf32>,
        %mul3A_533 = arith.constant 16 : i32
        %mul3A_534 = arith.muli %scan3A_193, %mul3A_533 : i32
        %get3A_535 = arith.constant 24 : i32
        %get3A_536 = arith.index_cast %select_n3A_89 : i32 to index
        %get3A_537 = arith.index_cast %get3A_535 : i32 to index
        %get3A_538 = arith.index_cast %mul3A_534 : i32 to index
        %get3A_539 = tpu.vector_load %arg4[%get3A_536, %get3A_537, %get3A_538] {strides = array<i32>} : memref<2x32x129xf32, #tpu.memory_space<vmem>>, vector<16xf32>,
        %add3A_540 = arith.constant 24 : i32
        %add3A_541 = vector.broadcast %add3A_540 : i32 to vector<16xi32>
        %add3A_542 = arith.addi %mul3A_167, %add3A_541 : vector<16xi32>
        %scatter3A_543 = arith.constant 0 : i32
        %scatter3A_544 = arith.constant 0 : i32
        %scatter3A_545 = tpu.memref_slice %arg5[%select_n3A_89, %scatter3A_543, %scatter3A_544] : memref<2x32x129xf32, #tpu.memory_space<vmem>> -> memref<1x32x129xf32, #tpu.memory_space<vmem>>
        %scatter3A_546 = tpu.memref_squeeze %scatter3A_545 : memref<1x32x129xf32, #tpu.memory_space<vmem>> -> memref<32x129xf32, #tpu.memory_space<vmem>>
        tpu.vector_store_idx %scatter3A_546[%add3A_198, %add3A_542], %get3A_539 : memref<32x129xf32, #tpu.memory_space<vmem>>[vector<16xi32>, vector<16xi32>], vector<16xf32>,
        %mul3A_547 = arith.constant 16 : i32
        %mul3A_548 = arith.muli %scan3A_193, %mul3A_547 : i32
        %get3A_549 = arith.constant 25 : i32
        %get3A_550 = arith.index_cast %select_n3A_89 : i32 to index
        %get3A_551 = arith.index_cast %get3A_549 : i32 to index
        %get3A_552 = arith.index_cast %mul3A_548 : i32 to index
        %get3A_553 = tpu.vector_load %arg4[%get3A_550, %get3A_551, %get3A_552] {strides = array<i32>} : memref<2x32x129xf32, #tpu.memory_space<vmem>>, vector<16xf32>,
        %add3A_554 = arith.constant 25 : i32
        %add3A_555 = vector.broadcast %add3A_554 : i32 to vector<16xi32>
        %add3A_556 = arith.addi %mul3A_167, %add3A_555 : vector<16xi32>
        %scatter3A_557 = arith.constant 0 : i32
        %scatter3A_558 = arith.constant 0 : i32
        %scatter3A_559 = tpu.memref_slice %arg5[%select_n3A_89, %scatter3A_557, %scatter3A_558] : memref<2x32x129xf32, #tpu.memory_space<vmem>> -> memref<1x32x129xf32, #tpu.memory_space<vmem>>
        %scatter3A_560 = tpu.memref_squeeze %scatter3A_559 : memref<1x32x129xf32, #tpu.memory_space<vmem>> -> memref<32x129xf32, #tpu.memory_space<vmem>>
        tpu.vector_store_idx %scatter3A_560[%add3A_198, %add3A_556], %get3A_553 : memref<32x129xf32, #tpu.memory_space<vmem>>[vector<16xi32>, vector<16xi32>], vector<16xf32>,
        %mul3A_561 = arith.constant 16 : i32
        %mul3A_562 = arith.muli %scan3A_193, %mul3A_561 : i32
        %get3A_563 = arith.constant 26 : i32
        %get3A_564 = arith.index_cast %select_n3A_89 : i32 to index
        %get3A_565 = arith.index_cast %get3A_563 : i32 to index
        %get3A_566 = arith.index_cast %mul3A_562 : i32 to index
        %get3A_567 = tpu.vector_load %arg4[%get3A_564, %get3A_565, %get3A_566] {strides = array<i32>} : memref<2x32x129xf32, #tpu.memory_space<vmem>>, vector<16xf32>,
        %add3A_568 = arith.constant 26 : i32
        %add3A_569 = vector.broadcast %add3A_568 : i32 to vector<16xi32>
        %add3A_570 = arith.addi %mul3A_167, %add3A_569 : vector<16xi32>
        %scatter3A_571 = arith.constant 0 : i32
        %scatter3A_572 = arith.constant 0 : i32
        %scatter3A_573 = tpu.memref_slice %arg5[%select_n3A_89, %scatter3A_571, %scatter3A_572] : memref<2x32x129xf32, #tpu.memory_space<vmem>> -> memref<1x32x129xf32, #tpu.memory_space<vmem>>
        %scatter3A_574 = tpu.memref_squeeze %scatter3A_573 : memref<1x32x129xf32, #tpu.memory_space<vmem>> -> memref<32x129xf32, #tpu.memory_space<vmem>>
        tpu.vector_store_idx %scatter3A_574[%add3A_198, %add3A_570], %get3A_567 : memref<32x129xf32, #tpu.memory_space<vmem>>[vector<16xi32>, vector<16xi32>], vector<16xf32>,
        %mul3A_575 = arith.constant 16 : i32
        %mul3A_576 = arith.muli %scan3A_193, %mul3A_575 : i32
        %get3A_577 = arith.constant 27 : i32
        %get3A_578 = arith.index_cast %select_n3A_89 : i32 to index
        %get3A_579 = arith.index_cast %get3A_577 : i32 to index
        %get3A_580 = arith.index_cast %mul3A_576 : i32 to index
        %get3A_581 = tpu.vector_load %arg4[%get3A_578, %get3A_579, %get3A_580] {strides = array<i32>} : memref<2x32x129xf32, #tpu.memory_space<vmem>>, vector<16xf32>,
        %add3A_582 = arith.constant 27 : i32
        %add3A_583 = vector.broadcast %add3A_582 : i32 to vector<16xi32>
        %add3A_584 = arith.addi %mul3A_167, %add3A_583 : vector<16xi32>
        %scatter3A_585 = arith.constant 0 : i32
        %scatter3A_586 = arith.constant 0 : i32
        %scatter3A_587 = tpu.memref_slice %arg5[%select_n3A_89, %scatter3A_585, %scatter3A_586] : memref<2x32x129xf32, #tpu.memory_space<vmem>> -> memref<1x32x129xf32, #tpu.memory_space<vmem>>
        %scatter3A_588 = tpu.memref_squeeze %scatter3A_587 : memref<1x32x129xf32, #tpu.memory_space<vmem>> -> memref<32x129xf32, #tpu.memory_space<vmem>>
        tpu.vector_store_idx %scatter3A_588[%add3A_198, %add3A_584], %get3A_581 : memref<32x129xf32, #tpu.memory_space<vmem>>[vector<16xi32>, vector<16xi32>], vector<16xf32>,
        %mul3A_589 = arith.constant 16 : i32
        %mul3A_590 = arith.muli %scan3A_193, %mul3A_589 : i32
        %get3A_591 = arith.constant 28 : i32
        %get3A_592 = arith.index_cast %select_n3A_89 : i32 to index
        %get3A_593 = arith.index_cast %get3A_591 : i32 to index
        %get3A_594 = arith.index_cast %mul3A_590 : i32 to index
        %get3A_595 = tpu.vector_load %arg4[%get3A_592, %get3A_593, %get3A_594] {strides = array<i32>} : memref<2x32x129xf32, #tpu.memory_space<vmem>>, vector<16xf32>,
        %add3A_596 = arith.constant 28 : i32
        %add3A_597 = vector.broadcast %add3A_596 : i32 to vector<16xi32>
        %add3A_598 = arith.addi %mul3A_167, %add3A_597 : vector<16xi32>
        %scatter3A_599 = arith.constant 0 : i32
        %scatter3A_600 = arith.constant 0 : i32
        %scatter3A_601 = tpu.memref_slice %arg5[%select_n3A_89, %scatter3A_599, %scatter3A_600] : memref<2x32x129xf32, #tpu.memory_space<vmem>> -> memref<1x32x129xf32, #tpu.memory_space<vmem>>
        %scatter3A_602 = tpu.memref_squeeze %scatter3A_601 : memref<1x32x129xf32, #tpu.memory_space<vmem>> -> memref<32x129xf32, #tpu.memory_space<vmem>>
        tpu.vector_store_idx %scatter3A_602[%add3A_198, %add3A_598], %get3A_595 : memref<32x129xf32, #tpu.memory_space<vmem>>[vector<16xi32>, vector<16xi32>], vector<16xf32>,
        %mul3A_603 = arith.constant 16 : i32
        %mul3A_604 = arith.muli %scan3A_193, %mul3A_603 : i32
        %get3A_605 = arith.constant 29 : i32
        %get3A_606 = arith.index_cast %select_n3A_89 : i32 to index
        %get3A_607 = arith.index_cast %get3A_605 : i32 to index
        %get3A_608 = arith.index_cast %mul3A_604 : i32 to index
        %get3A_609 = tpu.vector_load %arg4[%get3A_606, %get3A_607, %get3A_608] {strides = array<i32>} : memref<2x32x129xf32, #tpu.memory_space<vmem>>, vector<16xf32>,
        %add3A_610 = arith.constant 29 : i32
        %add3A_611 = vector.broadcast %add3A_610 : i32 to vector<16xi32>
        %add3A_612 = arith.addi %mul3A_167, %add3A_611 : vector<16xi32>
        %scatter3A_613 = arith.constant 0 : i32
        %scatter3A_614 = arith.constant 0 : i32
        %scatter3A_615 = tpu.memref_slice %arg5[%select_n3A_89, %scatter3A_613, %scatter3A_614] : memref<2x32x129xf32, #tpu.memory_space<vmem>> -> memref<1x32x129xf32, #tpu.memory_space<vmem>>
        %scatter3A_616 = tpu.memref_squeeze %scatter3A_615 : memref<1x32x129xf32, #tpu.memory_space<vmem>> -> memref<32x129xf32, #tpu.memory_space<vmem>>
        tpu.vector_store_idx %scatter3A_616[%add3A_198, %add3A_612], %get3A_609 : memref<32x129xf32, #tpu.memory_space<vmem>>[vector<16xi32>, vector<16xi32>], vector<16xf32>,
        %mul3A_617 = arith.constant 16 : i32
        %mul3A_618 = arith.muli %scan3A_193, %mul3A_617 : i32
        %get3A_619 = arith.constant 30 : i32
        %get3A_620 = arith.index_cast %select_n3A_89 : i32 to index
        %get3A_621 = arith.index_cast %get3A_619 : i32 to index
        %get3A_622 = arith.index_cast %mul3A_618 : i32 to index
        %get3A_623 = tpu.vector_load %arg4[%get3A_620, %get3A_621, %get3A_622] {strides = array<i32>} : memref<2x32x129xf32, #tpu.memory_space<vmem>>, vector<16xf32>,
        %add3A_624 = arith.constant 30 : i32
        %add3A_625 = vector.broadcast %add3A_624 : i32 to vector<16xi32>
        %add3A_626 = arith.addi %mul3A_167, %add3A_625 : vector<16xi32>
        %scatter3A_627 = arith.constant 0 : i32
        %scatter3A_628 = arith.constant 0 : i32
        %scatter3A_629 = tpu.memref_slice %arg5[%select_n3A_89, %scatter3A_627, %scatter3A_628] : memref<2x32x129xf32, #tpu.memory_space<vmem>> -> memref<1x32x129xf32, #tpu.memory_space<vmem>>
        %scatter3A_630 = tpu.memref_squeeze %scatter3A_629 : memref<1x32x129xf32, #tpu.memory_space<vmem>> -> memref<32x129xf32, #tpu.memory_space<vmem>>
        tpu.vector_store_idx %scatter3A_630[%add3A_198, %add3A_626], %get3A_623 : memref<32x129xf32, #tpu.memory_space<vmem>>[vector<16xi32>, vector<16xi32>], vector<16xf32>,
        %mul3A_631 = arith.constant 16 : i32
        %mul3A_632 = arith.muli %scan3A_193, %mul3A_631 : i32
        %get3A_633 = arith.constant 31 : i32
        %get3A_634 = arith.index_cast %select_n3A_89 : i32 to index
        %get3A_635 = arith.index_cast %get3A_633 : i32 to index
        %get3A_636 = arith.index_cast %mul3A_632 : i32 to index
        %get3A_637 = tpu.vector_load %arg4[%get3A_634, %get3A_635, %get3A_636] {strides = array<i32>} : memref<2x32x129xf32, #tpu.memory_space<vmem>>, vector<16xf32>,
        %add3A_638 = arith.constant 31 : i32
        %add3A_639 = vector.broadcast %add3A_638 : i32 to vector<16xi32>
        %add3A_640 = arith.addi %mul3A_167, %add3A_639 : vector<16xi32>
        %scatter3A_641 = arith.constant 0 : i32
        %scatter3A_642 = arith.constant 0 : i32
        %scatter3A_643 = tpu.memref_slice %arg5[%select_n3A_89, %scatter3A_641, %scatter3A_642] : memref<2x32x129xf32, #tpu.memory_space<vmem>> -> memref<1x32x129xf32, #tpu.memory_space<vmem>>
        %scatter3A_644 = tpu.memref_squeeze %scatter3A_643 : memref<1x32x129xf32, #tpu.memory_space<vmem>> -> memref<32x129xf32, #tpu.memory_space<vmem>>
        tpu.vector_store_idx %scatter3A_644[%add3A_198, %add3A_640], %get3A_637 : memref<32x129xf32, #tpu.memory_space<vmem>>[vector<16xi32>, vector<16xi32>], vector<16xf32>,
        %scan3A_645 = arith.constant 0 : i32
        scf.yield %scan3A_645 : i32
      }
      %scan3A_173 = arith.constant 8 : i32
      %dma_start3A_174 = arith.constant 0 : i32
      %dma_start3A_175 = arith.constant 0 : i32
      %dma_start3A_176 = tpu.memref_slice %arg5[%select_n3A_89, %dma_start3A_174, %dma_start3A_175] : memref<2x32x129xf32, #tpu.memory_space<vmem>> -> memref<1x32x128xf32, #tpu.memory_space<vmem>>
      %dma_start3A_177 = tpu.memref_squeeze %dma_start3A_176 : memref<1x32x128xf32, #tpu.memory_space<vmem>> -> memref<32x128xf32, #tpu.memory_space<vmem>>
      %dma_start3A_178 = arith.constant 0 : i32
      %dma_start3A_179 = arith.constant 0 : i32
      %dma_start3A_180 = tpu.memref_slice %arg3[%add3A_90, %dma_start3A_178, %dma_start3A_179] : memref<7813x32x128xf32, #tpu.memory_space<hbm>> -> memref<1x32x128xf32, #tpu.memory_space<hbm>>
      %dma_start3A_181 = tpu.memref_squeeze %dma_start3A_180 : memref<1x32x128xf32, #tpu.memory_space<hbm>> -> memref<32x128xf32, #tpu.memory_space<hbm>>
      %dma_start3A_182 = tpu.memref_slice %arg7[%select_n3A_89] : memref<2x!tpu.dma_semaphore, #tpu.memory_space<semaphore_mem>> -> memref<1x!tpu.dma_semaphore, #tpu.memory_space<semaphore_mem>>
      %dma_start3A_183 = tpu.memref_squeeze %dma_start3A_182 : memref<1x!tpu.dma_semaphore, #tpu.memory_space<semaphore_mem>> -> memref<!tpu.dma_semaphore, #tpu.memory_space<semaphore_mem>>
      %dma_start3A_184 = arith.constant 0 : i32
      %dma_start3A_185 = arith.constant 0 : i32
      %dma_start3A_186 = tpu.memref_slice %arg3[%add3A_90, %dma_start3A_184, %dma_start3A_185] : memref<7813x32x128xf32, #tpu.memory_space<hbm>> -> memref<1x32x128xf32, #tpu.memory_space<hbm>>
      %dma_start3A_187 = tpu.memref_squeeze %dma_start3A_186 : memref<1x32x128xf32, #tpu.memory_space<hbm>> -> memref<32x128xf32, #tpu.memory_space<hbm>>
      %dma_start3A_188 = arith.constant 0 : i32
      %dma_start3A_189 = arith.constant 0 : i32
      %dma_start3A_190 = tpu.memref_slice %arg5[%select_n3A_89, %dma_start3A_188, %dma_start3A_189] : memref<2x32x129xf32, #tpu.memory_space<vmem>> -> memref<1x32x128xf32, #tpu.memory_space<vmem>>
      %dma_start3A_191 = tpu.memref_squeeze %dma_start3A_190 : memref<1x32x128xf32, #tpu.memory_space<vmem>> -> memref<32x128xf32, #tpu.memory_space<vmem>>
      tpu.enqueue_dma source(%dma_start3A_191 : memref<32x128xf32, #tpu.memory_space<vmem>>) target(%dma_start3A_187 : memref<32x128xf32, #tpu.memory_space<hbm>>) target_semaphore(%dma_start3A_183 : memref<!tpu.dma_semaphore, #tpu.memory_space<semaphore_mem>>)
      %while3A_192 = arith.constant 0 : i32
      scf.yield %while3A_192 : i32
    }
    %dma_wait3A = arith.constant 0 : i32
    %dma_wait3A_35 = arith.constant 0 : i32
    %dma_wait3A_36 = arith.constant 0 : i32
    %dma_wait3A_37 = arith.constant 0 : i32
    %dma_wait3A_38 = arith.constant 0 : i32
    %dma_wait3A_39 = tpu.memref_slice %arg5[%dma_wait3A, %dma_wait3A_37, %dma_wait3A_38] : memref<2x32x129xf32, #tpu.memory_space<vmem>> -> memref<1x32x128xf32, #tpu.memory_space<vmem>>
    %dma_wait3A_40 = tpu.memref_squeeze %dma_wait3A_39 : memref<1x32x128xf32, #tpu.memory_space<vmem>> -> memref<32x128xf32, #tpu.memory_space<vmem>>
    %dma_wait3A_41 = arith.constant 0 : i32
    %dma_wait3A_42 = arith.constant 0 : i32
    %dma_wait3A_43 = tpu.memref_slice %arg3[%dma_wait3A_35, %dma_wait3A_41, %dma_wait3A_42] : memref<7813x32x128xf32, #tpu.memory_space<hbm>> -> memref<1x32x128xf32, #tpu.memory_space<hbm>>
    %dma_wait3A_44 = tpu.memref_squeeze %dma_wait3A_43 : memref<1x32x128xf32, #tpu.memory_space<hbm>> -> memref<32x128xf32, #tpu.memory_space<hbm>>
    %dma_wait3A_45 = tpu.memref_slice %arg7[%dma_wait3A_36] : memref<2x!tpu.dma_semaphore, #tpu.memory_space<semaphore_mem>> -> memref<1x!tpu.dma_semaphore, #tpu.memory_space<semaphore_mem>>
    %dma_wait3A_46 = tpu.memref_squeeze %dma_wait3A_45 : memref<1x!tpu.dma_semaphore, #tpu.memory_space<semaphore_mem>> -> memref<!tpu.dma_semaphore, #tpu.memory_space<semaphore_mem>>
    %dma_wait3A_47 = arith.constant 0 : i32
    %dma_wait3A_48 = arith.constant 0 : i32
    %dma_wait3A_49 = tpu.memref_slice %arg3[%dma_wait3A_35, %dma_wait3A_47, %dma_wait3A_48] : memref<7813x32x128xf32, #tpu.memory_space<hbm>> -> memref<1x32x128xf32, #tpu.memory_space<hbm>>
    %dma_wait3A_50 = tpu.memref_squeeze %dma_wait3A_49 : memref<1x32x128xf32, #tpu.memory_space<hbm>> -> memref<32x128xf32, #tpu.memory_space<hbm>>
    %dma_wait3A_51 = arith.constant 0 : i32
    %dma_wait3A_52 = arith.constant 0 : i32
    %dma_wait3A_53 = tpu.memref_slice %arg5[%dma_wait3A, %dma_wait3A_51, %dma_wait3A_52] : memref<2x32x129xf32, #tpu.memory_space<vmem>> -> memref<1x32x128xf32, #tpu.memory_space<vmem>>
    %dma_wait3A_54 = tpu.memref_squeeze %dma_wait3A_53 : memref<1x32x128xf32, #tpu.memory_space<vmem>> -> memref<32x128xf32, #tpu.memory_space<vmem>>
    tpu.wait_dma2 semaphore(%dma_wait3A_46 : memref<!tpu.dma_semaphore, #tpu.memory_space<semaphore_mem>>) src(%dma_wait3A_54 : memref<32x128xf32, #tpu.memory_space<vmem>>) dst(%dma_wait3A_50 : memref<32x128xf32, #tpu.memory_space<hbm>>)
    %dma_wait3A_55 = arith.constant 1 : i32
    %dma_wait3A_56 = arith.constant 0 : i32
    %dma_wait3A_57 = arith.constant 1 : i32
    %dma_wait3A_58 = arith.constant 0 : i32
    %dma_wait3A_59 = arith.constant 0 : i32
    %dma_wait3A_60 = tpu.memref_slice %arg5[%dma_wait3A_55, %dma_wait3A_58, %dma_wait3A_59] : memref<2x32x129xf32, #tpu.memory_space<vmem>> -> memref<1x32x128xf32, #tpu.memory_space<vmem>>
    %dma_wait3A_61 = tpu.memref_squeeze %dma_wait3A_60 : memref<1x32x128xf32, #tpu.memory_space<vmem>> -> memref<32x128xf32, #tpu.memory_space<vmem>>
    %dma_wait3A_62 = arith.constant 0 : i32
    %dma_wait3A_63 = arith.constant 0 : i32
    %dma_wait3A_64 = tpu.memref_slice %arg3[%dma_wait3A_56, %dma_wait3A_62, %dma_wait3A_63] : memref<7813x32x128xf32, #tpu.memory_space<hbm>> -> memref<1x32x128xf32, #tpu.memory_space<hbm>>
    %dma_wait3A_65 = tpu.memref_squeeze %dma_wait3A_64 : memref<1x32x128xf32, #tpu.memory_space<hbm>> -> memref<32x128xf32, #tpu.memory_space<hbm>>
    %dma_wait3A_66 = tpu.memref_slice %arg7[%dma_wait3A_57] : memref<2x!tpu.dma_semaphore, #tpu.memory_space<semaphore_mem>> -> memref<1x!tpu.dma_semaphore, #tpu.memory_space<semaphore_mem>>
    %dma_wait3A_67 = tpu.memref_squeeze %dma_wait3A_66 : memref<1x!tpu.dma_semaphore, #tpu.memory_space<semaphore_mem>> -> memref<!tpu.dma_semaphore, #tpu.memory_space<semaphore_mem>>
    %dma_wait3A_68 = arith.constant 0 : i32
    %dma_wait3A_69 = arith.constant 0 : i32
    %dma_wait3A_70 = tpu.memref_slice %arg3[%dma_wait3A_56, %dma_wait3A_68, %dma_wait3A_69] : memref<7813x32x128xf32, #tpu.memory_space<hbm>> -> memref<1x32x128xf32, #tpu.memory_space<hbm>>
    %dma_wait3A_71 = tpu.memref_squeeze %dma_wait3A_70 : memref<1x32x128xf32, #tpu.memory_space<hbm>> -> memref<32x128xf32, #tpu.memory_space<hbm>>
    %dma_wait3A_72 = arith.constant 0 : i32
    %dma_wait3A_73 = arith.constant 0 : i32
    %dma_wait3A_74 = tpu.memref_slice %arg5[%dma_wait3A_55, %dma_wait3A_72, %dma_wait3A_73] : memref<2x32x129xf32, #tpu.memory_space<vmem>> -> memref<1x32x128xf32, #tpu.memory_space<vmem>>
    %dma_wait3A_75 = tpu.memref_squeeze %dma_wait3A_74 : memref<1x32x128xf32, #tpu.memory_space<vmem>> -> memref<32x128xf32, #tpu.memory_space<vmem>>
    tpu.wait_dma2 semaphore(%dma_wait3A_67 : memref<!tpu.dma_semaphore, #tpu.memory_space<semaphore_mem>>) src(%dma_wait3A_75 : memref<32x128xf32, #tpu.memory_space<vmem>>) dst(%dma_wait3A_71 : memref<32x128xf32, #tpu.memory_space<hbm>>)
    return
  }
}

#map = affine_map<(d0, d1) -> (0, 0)>
#map1 = affine_map<(d0, d1) -> (0, 0, 0, 0)>
module attributes {stable_mosaic.version = 14 : i64} {
  func.func @_gather_body(%arg0: i32, %arg1: i32, %arg2: memref<1000x1024xi32, #tpu.memory_space<hbm>>, %arg3: memref<1000064x32xf32, #tpu.memory_space<hbm>>, %arg4: memref<1000x4x64x128xf32, #tpu.memory_space<hbm>>, %arg5: memref<2x2x128xi32, #tpu.memory_space<vmem>>, %arg6: memref<2x256x32xf32, #tpu.memory_space<vmem>>, %arg7: memref<4x32x129xf32, #tpu.memory_space<vmem>>, %arg8: memref<2x!tpu.dma_semaphore, #tpu.memory_space<semaphore_mem>>, %arg9: memref<2x!tpu.dma_semaphore, #tpu.memory_space<semaphore_mem>>, %arg10: memref<4x!tpu.dma_semaphore, #tpu.memory_space<semaphore_mem>>) attributes {dimension_semantics = [#tpu.dimension_semantics<core_parallel>, #tpu.dimension_semantics<subcore_parallel>], iteration_bounds = array<i64: 2, 16>, scalar_prefetch = 0 : i64, scratch_operands = 6 : i64, tpu.core_type = #tpu.core_type<sc_vector_subcore>, window_params = [{transform_indices = #map}, {transform_indices = #map}, {transform_indices = #map1}]} {
    %mul3A = arith.constant 2 : i32
    %mul3A_0 = arith.muli %arg1, %mul3A : i32
    %add3A = arith.addi %mul3A_0, %arg0 : i32
    %mul3A_1 = arith.constant 125 : i32
    %mul3A_2 = arith.muli %add3A, %mul3A_1 : i32
    %iota3A = tpu.iota {dimensions = array<i32: 0>} : vector<16xi32>
    %jit3A = arith.constant 4 : i32
    %div3A = arith.divsi %mul3A_2, %jit3A : i32
    %sign3A = arith.constant 0 : i32
    %sign3A_3 = arith.cmpi sgt, %mul3A_2, %sign3A : i32
    %sign3A_4 = arith.extui %sign3A_3 : i1 to i32
    %sign3A_5 = arith.constant 0 : i32
    %sign3A_6 = arith.cmpi slt, %mul3A_2, %sign3A_5 : i32
    %sign3A_7 = arith.extui %sign3A_6 : i1 to i32
    %sign3A_8 = arith.subi %sign3A_4, %sign3A_7 : i32
    %sign3A_9 = arith.constant 0 : i32
    %sign3A_10 = arith.cmpi sgt, %jit3A, %sign3A_9 : i32
    %sign3A_11 = arith.extui %sign3A_10 : i1 to i32
    %sign3A_12 = arith.constant 0 : i32
    %sign3A_13 = arith.cmpi slt, %jit3A, %sign3A_12 : i32
    %sign3A_14 = arith.extui %sign3A_13 : i1 to i32
    %sign3A_15 = arith.subi %sign3A_11, %sign3A_14 : i32
    %ne3A = arith.cmpi ne, %sign3A_8, %sign3A_15 : i32
    %rem3A = arith.remsi %mul3A_2, %jit3A : i32
    %ne3A_16 = arith.constant 0 : i32
    %ne3A_17 = arith.cmpi ne, %rem3A, %ne3A_16 : i32
    %and3A = arith.andi %ne3A, %ne3A_17 : i1
    %sub3A = arith.constant 1 : i32
    %sub3A_18 = arith.subi %div3A, %sub3A : i32
    %select_n3A = arith.select %and3A, %sub3A_18, %div3A : i32
    %jit3A_19 = arith.constant 4 : i32
    %eq3A = arith.constant 0 : i32
    %eq3A_20 = arith.cmpi eq, %jit3A_19, %eq3A : i32
    %jit3A_21 = arith.constant 1 : i32
    %select_n3A_22 = arith.select %eq3A_20, %jit3A_21, %jit3A_19 : i32
    %rem3A_23 = arith.remsi %mul3A_2, %select_n3A_22 : i32
    %ne3A_24 = arith.constant 0 : i32
    %ne3A_25 = arith.cmpi ne, %rem3A_23, %ne3A_24 : i32
    %lt3A = arith.constant 0 : i32
    %lt3A_26 = arith.cmpi slt, %rem3A_23, %lt3A : i32
    %lt3A_27 = arith.constant 0 : i32
    %lt3A_28 = arith.cmpi slt, %select_n3A_22, %lt3A_27 : i32
    %ne3A_29 = arith.xori %lt3A_26, %lt3A_28 : i1
    %and3A_30 = arith.andi %ne3A_29, %ne3A_25 : i1
    %add3A_31 = arith.addi %rem3A_23, %select_n3A_22 : i32
    %select_n3A_32 = arith.select %and3A_30, %add3A_31, %rem3A_23 : i32
    %mul3A_33 = arith.constant 256 : i32
    %mul3A_34 = arith.muli %select_n3A_32, %mul3A_33 : i32
    %add3A_35 = arith.constant 0 : i32
    %add3A_36 = arith.addi %mul3A_34, %add3A_35 : i32
    %dma_start3A = arith.constant 0 : i32
    %dma_start3A_37 = arith.constant 0 : i32
    %dma_start3A_38 = arith.constant 0 : i32
    %dma_start3A_39 = arith.constant 0 : i32
    %dma_start3A_40 = tpu.memref_slice %arg5[%dma_start3A, %dma_start3A_37, %dma_start3A_39] : memref<2x2x128xi32, #tpu.memory_space<vmem>> -> memref<1x1x128xi32, #tpu.memory_space<vmem>>
    %dma_start3A_41 = tpu.memref_squeeze %dma_start3A_40 : memref<1x1x128xi32, #tpu.memory_space<vmem>> -> memref<128xi32, #tpu.memory_space<vmem>>
    %dma_start3A_42 = tpu.memref_slice %arg2[%select_n3A, %add3A_36] : memref<1000x1024xi32, #tpu.memory_space<hbm>> -> memref<1x128xi32, #tpu.memory_space<hbm>>
    %dma_start3A_43 = tpu.memref_squeeze %dma_start3A_42 : memref<1x128xi32, #tpu.memory_space<hbm>> -> memref<128xi32, #tpu.memory_space<hbm>>
    %dma_start3A_44 = tpu.memref_slice %arg8[%dma_start3A_38] : memref<2x!tpu.dma_semaphore, #tpu.memory_space<semaphore_mem>> -> memref<1x!tpu.dma_semaphore, #tpu.memory_space<semaphore_mem>>
    %dma_start3A_45 = tpu.memref_squeeze %dma_start3A_44 : memref<1x!tpu.dma_semaphore, #tpu.memory_space<semaphore_mem>> -> memref<!tpu.dma_semaphore, #tpu.memory_space<semaphore_mem>>
    %dma_start3A_46 = arith.constant 0 : i32
    %dma_start3A_47 = tpu.memref_slice %arg5[%dma_start3A, %dma_start3A_37, %dma_start3A_46] : memref<2x2x128xi32, #tpu.memory_space<vmem>> -> memref<1x1x128xi32, #tpu.memory_space<vmem>>
    %dma_start3A_48 = tpu.memref_squeeze %dma_start3A_47 : memref<1x1x128xi32, #tpu.memory_space<vmem>> -> memref<128xi32, #tpu.memory_space<vmem>>
    %dma_start3A_49 = tpu.memref_slice %arg2[%select_n3A, %add3A_36] : memref<1000x1024xi32, #tpu.memory_space<hbm>> -> memref<1x128xi32, #tpu.memory_space<hbm>>
    %dma_start3A_50 = tpu.memref_squeeze %dma_start3A_49 : memref<1x128xi32, #tpu.memory_space<hbm>> -> memref<128xi32, #tpu.memory_space<hbm>>
    tpu.enqueue_dma source(%dma_start3A_50 : memref<128xi32, #tpu.memory_space<hbm>>) target(%dma_start3A_48 : memref<128xi32, #tpu.memory_space<vmem>>) target_semaphore(%dma_start3A_45 : memref<!tpu.dma_semaphore, #tpu.memory_space<semaphore_mem>>)
    %mul3A_51 = arith.constant 256 : i32
    %mul3A_52 = arith.muli %select_n3A_32, %mul3A_51 : i32
    %add3A_53 = arith.constant 128 : i32
    %add3A_54 = arith.addi %mul3A_52, %add3A_53 : i32
    %dma_start3A_55 = arith.constant 0 : i32
    %dma_start3A_56 = arith.constant 1 : i32
    %dma_start3A_57 = arith.constant 0 : i32
    %dma_start3A_58 = arith.constant 0 : i32
    %dma_start3A_59 = tpu.memref_slice %arg5[%dma_start3A_55, %dma_start3A_56, %dma_start3A_58] : memref<2x2x128xi32, #tpu.memory_space<vmem>> -> memref<1x1x128xi32, #tpu.memory_space<vmem>>
    %dma_start3A_60 = tpu.memref_squeeze %dma_start3A_59 : memref<1x1x128xi32, #tpu.memory_space<vmem>> -> memref<128xi32, #tpu.memory_space<vmem>>
    %dma_start3A_61 = tpu.memref_slice %arg2[%select_n3A, %add3A_54] : memref<1000x1024xi32, #tpu.memory_space<hbm>> -> memref<1x128xi32, #tpu.memory_space<hbm>>
    %dma_start3A_62 = tpu.memref_squeeze %dma_start3A_61 : memref<1x128xi32, #tpu.memory_space<hbm>> -> memref<128xi32, #tpu.memory_space<hbm>>
    %dma_start3A_63 = tpu.memref_slice %arg8[%dma_start3A_57] : memref<2x!tpu.dma_semaphore, #tpu.memory_space<semaphore_mem>> -> memref<1x!tpu.dma_semaphore, #tpu.memory_space<semaphore_mem>>
    %dma_start3A_64 = tpu.memref_squeeze %dma_start3A_63 : memref<1x!tpu.dma_semaphore, #tpu.memory_space<semaphore_mem>> -> memref<!tpu.dma_semaphore, #tpu.memory_space<semaphore_mem>>
    %dma_start3A_65 = arith.constant 0 : i32
    %dma_start3A_66 = tpu.memref_slice %arg5[%dma_start3A_55, %dma_start3A_56, %dma_start3A_65] : memref<2x2x128xi32, #tpu.memory_space<vmem>> -> memref<1x1x128xi32, #tpu.memory_space<vmem>>
    %dma_start3A_67 = tpu.memref_squeeze %dma_start3A_66 : memref<1x1x128xi32, #tpu.memory_space<vmem>> -> memref<128xi32, #tpu.memory_space<vmem>>
    %dma_start3A_68 = tpu.memref_slice %arg2[%select_n3A, %add3A_54] : memref<1000x1024xi32, #tpu.memory_space<hbm>> -> memref<1x128xi32, #tpu.memory_space<hbm>>
    %dma_start3A_69 = tpu.memref_squeeze %dma_start3A_68 : memref<1x128xi32, #tpu.memory_space<hbm>> -> memref<128xi32, #tpu.memory_space<hbm>>
    tpu.enqueue_dma source(%dma_start3A_69 : memref<128xi32, #tpu.memory_space<hbm>>) target(%dma_start3A_67 : memref<128xi32, #tpu.memory_space<vmem>>) target_semaphore(%dma_start3A_64 : memref<!tpu.dma_semaphore, #tpu.memory_space<semaphore_mem>>)
    %dma_wait3A = arith.constant 0 : i32
    %dma_wait3A_70 = arith.constant 0 : i32
    %dma_wait3A_71 = arith.constant 0 : i32
    %dma_wait3A_72 = arith.constant 0 : i32
    %dma_wait3A_73 = arith.constant 0 : i32
    %dma_wait3A_74 = tpu.memref_slice %arg5[%dma_wait3A_70, %dma_wait3A_71, %dma_wait3A_73] : memref<2x2x128xi32, #tpu.memory_space<vmem>> -> memref<1x1x128xi32, #tpu.memory_space<vmem>>
    %dma_wait3A_75 = tpu.memref_squeeze %dma_wait3A_74 : memref<1x1x128xi32, #tpu.memory_space<vmem>> -> memref<128xi32, #tpu.memory_space<vmem>>
    %dma_wait3A_76 = arith.constant 0 : i32
    %dma_wait3A_77 = tpu.memref_slice %arg2[%dma_wait3A, %dma_wait3A_76] : memref<1000x1024xi32, #tpu.memory_space<hbm>> -> memref<1x128xi32, #tpu.memory_space<hbm>>
    %dma_wait3A_78 = tpu.memref_squeeze %dma_wait3A_77 : memref<1x128xi32, #tpu.memory_space<hbm>> -> memref<128xi32, #tpu.memory_space<hbm>>
    %dma_wait3A_79 = tpu.memref_slice %arg8[%dma_wait3A_72] : memref<2x!tpu.dma_semaphore, #tpu.memory_space<semaphore_mem>> -> memref<1x!tpu.dma_semaphore, #tpu.memory_space<semaphore_mem>>
    %dma_wait3A_80 = tpu.memref_squeeze %dma_wait3A_79 : memref<1x!tpu.dma_semaphore, #tpu.memory_space<semaphore_mem>> -> memref<!tpu.dma_semaphore, #tpu.memory_space<semaphore_mem>>
    %dma_wait3A_81 = arith.constant 0 : i32
    %dma_wait3A_82 = tpu.memref_slice %arg5[%dma_wait3A_70, %dma_wait3A_71, %dma_wait3A_81] : memref<2x2x128xi32, #tpu.memory_space<vmem>> -> memref<1x1x128xi32, #tpu.memory_space<vmem>>
    %dma_wait3A_83 = tpu.memref_squeeze %dma_wait3A_82 : memref<1x1x128xi32, #tpu.memory_space<vmem>> -> memref<128xi32, #tpu.memory_space<vmem>>
    %dma_wait3A_84 = arith.constant 0 : i32
    %dma_wait3A_85 = tpu.memref_slice %arg2[%dma_wait3A, %dma_wait3A_84] : memref<1000x1024xi32, #tpu.memory_space<hbm>> -> memref<1x128xi32, #tpu.memory_space<hbm>>
    %dma_wait3A_86 = tpu.memref_squeeze %dma_wait3A_85 : memref<1x128xi32, #tpu.memory_space<hbm>> -> memref<128xi32, #tpu.memory_space<hbm>>
    tpu.wait_dma2 semaphore(%dma_wait3A_80 : memref<!tpu.dma_semaphore, #tpu.memory_space<semaphore_mem>>) src(%dma_wait3A_86 : memref<128xi32, #tpu.memory_space<hbm>>) dst(%dma_wait3A_83 : memref<128xi32, #tpu.memory_space<vmem>>)
    %dma_wait3A_87 = arith.constant 0 : i32
    %dma_wait3A_88 = arith.constant 0 : i32
    %dma_wait3A_89 = arith.constant 0 : i32
    %dma_wait3A_90 = arith.constant 0 : i32
    %dma_wait3A_91 = arith.constant 0 : i32
    %dma_wait3A_92 = tpu.memref_slice %arg5[%dma_wait3A_88, %dma_wait3A_89, %dma_wait3A_91] : memref<2x2x128xi32, #tpu.memory_space<vmem>> -> memref<1x1x128xi32, #tpu.memory_space<vmem>>
    %dma_wait3A_93 = tpu.memref_squeeze %dma_wait3A_92 : memref<1x1x128xi32, #tpu.memory_space<vmem>> -> memref<128xi32, #tpu.memory_space<vmem>>
    %dma_wait3A_94 = arith.constant 0 : i32
    %dma_wait3A_95 = tpu.memref_slice %arg2[%dma_wait3A_87, %dma_wait3A_94] : memref<1000x1024xi32, #tpu.memory_space<hbm>> -> memref<1x128xi32, #tpu.memory_space<hbm>>
    %dma_wait3A_96 = tpu.memref_squeeze %dma_wait3A_95 : memref<1x128xi32, #tpu.memory_space<hbm>> -> memref<128xi32, #tpu.memory_space<hbm>>
    %dma_wait3A_97 = tpu.memref_slice %arg8[%dma_wait3A_90] : memref<2x!tpu.dma_semaphore, #tpu.memory_space<semaphore_mem>> -> memref<1x!tpu.dma_semaphore, #tpu.memory_space<semaphore_mem>>
    %dma_wait3A_98 = tpu.memref_squeeze %dma_wait3A_97 : memref<1x!tpu.dma_semaphore, #tpu.memory_space<semaphore_mem>> -> memref<!tpu.dma_semaphore, #tpu.memory_space<semaphore_mem>>
    %dma_wait3A_99 = arith.constant 0 : i32
    %dma_wait3A_100 = tpu.memref_slice %arg5[%dma_wait3A_88, %dma_wait3A_89, %dma_wait3A_99] : memref<2x2x128xi32, #tpu.memory_space<vmem>> -> memref<1x1x128xi32, #tpu.memory_space<vmem>>
    %dma_wait3A_101 = tpu.memref_squeeze %dma_wait3A_100 : memref<1x1x128xi32, #tpu.memory_space<vmem>> -> memref<128xi32, #tpu.memory_space<vmem>>
    %dma_wait3A_102 = arith.constant 0 : i32
    %dma_wait3A_103 = tpu.memref_slice %arg2[%dma_wait3A_87, %dma_wait3A_102] : memref<1000x1024xi32, #tpu.memory_space<hbm>> -> memref<1x128xi32, #tpu.memory_space<hbm>>
    %dma_wait3A_104 = tpu.memref_squeeze %dma_wait3A_103 : memref<1x128xi32, #tpu.memory_space<hbm>> -> memref<128xi32, #tpu.memory_space<hbm>>
    tpu.wait_dma2 semaphore(%dma_wait3A_98 : memref<!tpu.dma_semaphore, #tpu.memory_space<semaphore_mem>>) src(%dma_wait3A_104 : memref<128xi32, #tpu.memory_space<hbm>>) dst(%dma_wait3A_101 : memref<128xi32, #tpu.memory_space<vmem>>)
    %dma_start3A_105 = arith.constant 0 : i32
    %dma_start3A_106 = arith.constant 0 : i32
    %dma_start3A_107 = arith.constant 0 : i32
    %dma_start3A_108 = arith.constant 0 : i32
    %dma_start3A_109 = arith.constant 0 : i32
    %dma_start3A_110 = arith.constant 0 : i32
    %dma_start3A_111 = tpu.memref_slice %arg6[%dma_start3A_107, %dma_start3A_109, %dma_start3A_110] : memref<2x256x32xf32, #tpu.memory_space<vmem>> -> memref<1x128x32xf32, #tpu.memory_space<vmem>>
    %dma_start3A_112 = tpu.memref_squeeze %dma_start3A_111 : memref<1x128x32xf32, #tpu.memory_space<vmem>> -> memref<128x32xf32, #tpu.memory_space<vmem>>
    %dma_start3A_113 = arith.constant 0 : i32
    %dma_start3A_114 = tpu.memref_slice %arg5[%dma_start3A_105, %dma_start3A_106, %dma_start3A_113] : memref<2x2x128xi32, #tpu.memory_space<vmem>> -> memref<1x1x128xi32, #tpu.memory_space<vmem>>
    %dma_start3A_115 = tpu.memref_squeeze %dma_start3A_114 : memref<1x1x128xi32, #tpu.memory_space<vmem>> -> memref<128xi32, #tpu.memory_space<vmem>>
    %dma_start3A_116 = arith.constant 0 : i32
    %dma_start3A_117 = arith.constant 0 : i32
    %dma_start3A_118 = tpu.memref_slice %arg3[%dma_start3A_116, %dma_start3A_117] : memref<1000064x32xf32, #tpu.memory_space<hbm>> -> memref<1000064x32xf32, #tpu.memory_space<hbm>>
    %dma_start3A_119 = tpu.memref_slice %arg9[%dma_start3A_108] : memref<2x!tpu.dma_semaphore, #tpu.memory_space<semaphore_mem>> -> memref<1x!tpu.dma_semaphore, #tpu.memory_space<semaphore_mem>>
    %dma_start3A_120 = tpu.memref_squeeze %dma_start3A_119 : memref<1x!tpu.dma_semaphore, #tpu.memory_space<semaphore_mem>> -> memref<!tpu.dma_semaphore, #tpu.memory_space<semaphore_mem>>
    tpu.enqueue_indirect_dma source(%dma_start3A_118 : memref<1000064x32xf32, #tpu.memory_space<hbm>>) target(%dma_start3A_112 : memref<128x32xf32, #tpu.memory_space<vmem>>) offsets(%dma_start3A_115 : memref<128xi32, #tpu.memory_space<vmem>>) semaphore(%dma_start3A_120 : memref<!tpu.dma_semaphore, #tpu.memory_space<semaphore_mem>>)
    %dma_start3A_121 = arith.constant 0 : i32
    %dma_start3A_122 = arith.constant 1 : i32
    %dma_start3A_123 = arith.constant 0 : i32
    %dma_start3A_124 = arith.constant 0 : i32
    %dma_start3A_125 = arith.constant 128 : i32
    %dma_start3A_126 = arith.constant 0 : i32
    %dma_start3A_127 = tpu.memref_slice %arg6[%dma_start3A_123, %dma_start3A_125, %dma_start3A_126] : memref<2x256x32xf32, #tpu.memory_space<vmem>> -> memref<1x128x32xf32, #tpu.memory_space<vmem>>
    %dma_start3A_128 = tpu.memref_squeeze %dma_start3A_127 : memref<1x128x32xf32, #tpu.memory_space<vmem>> -> memref<128x32xf32, #tpu.memory_space<vmem>>
    %dma_start3A_129 = arith.constant 0 : i32
    %dma_start3A_130 = tpu.memref_slice %arg5[%dma_start3A_121, %dma_start3A_122, %dma_start3A_129] : memref<2x2x128xi32, #tpu.memory_space<vmem>> -> memref<1x1x128xi32, #tpu.memory_space<vmem>>
    %dma_start3A_131 = tpu.memref_squeeze %dma_start3A_130 : memref<1x1x128xi32, #tpu.memory_space<vmem>> -> memref<128xi32, #tpu.memory_space<vmem>>
    %dma_start3A_132 = arith.constant 0 : i32
    %dma_start3A_133 = arith.constant 0 : i32
    %dma_start3A_134 = tpu.memref_slice %arg3[%dma_start3A_132, %dma_start3A_133] : memref<1000064x32xf32, #tpu.memory_space<hbm>> -> memref<1000064x32xf32, #tpu.memory_space<hbm>>
    %dma_start3A_135 = tpu.memref_slice %arg9[%dma_start3A_124] : memref<2x!tpu.dma_semaphore, #tpu.memory_space<semaphore_mem>> -> memref<1x!tpu.dma_semaphore, #tpu.memory_space<semaphore_mem>>
    %dma_start3A_136 = tpu.memref_squeeze %dma_start3A_135 : memref<1x!tpu.dma_semaphore, #tpu.memory_space<semaphore_mem>> -> memref<!tpu.dma_semaphore, #tpu.memory_space<semaphore_mem>>
    tpu.enqueue_indirect_dma source(%dma_start3A_134 : memref<1000064x32xf32, #tpu.memory_space<hbm>>) target(%dma_start3A_128 : memref<128x32xf32, #tpu.memory_space<vmem>>) offsets(%dma_start3A_131 : memref<128xi32, #tpu.memory_space<vmem>>) semaphore(%dma_start3A_136 : memref<!tpu.dma_semaphore, #tpu.memory_space<semaphore_mem>>)
    %scan3A = arith.constant 0 : i32
    %scan3A_137 = arith.constant 0 : i32
    %scan3A_138 = arith.constant 125 : i32
    %scan3A_139 = arith.addi %scan3A_137, %scan3A_138 : i32
    %scan3A_140 = arith.constant 1 : i32
    %scan3A_141 = scf.for %scan3A_319 = %scan3A_137 to %scan3A_139 step %scan3A_140 iter_args(%scan3A_320 = %scan3A) -> (i32)  : i32 {
      %jit3A_321 = arith.constant 2 : i32
      %eq3A_322 = arith.constant 0 : i32
      %eq3A_323 = arith.cmpi eq, %jit3A_321, %eq3A_322 : i32
      %jit3A_324 = arith.constant 1 : i32
      %select_n3A_325 = arith.select %eq3A_323, %jit3A_324, %jit3A_321 : i32
      %rem3A_326 = arith.remsi %scan3A_319, %select_n3A_325 : i32
      %ne3A_327 = arith.constant 0 : i32
      %ne3A_328 = arith.cmpi ne, %rem3A_326, %ne3A_327 : i32
      %lt3A_329 = arith.constant 0 : i32
      %lt3A_330 = arith.cmpi slt, %rem3A_326, %lt3A_329 : i32
      %lt3A_331 = arith.constant 0 : i32
      %lt3A_332 = arith.cmpi slt, %select_n3A_325, %lt3A_331 : i32
      %ne3A_333 = arith.xori %lt3A_330, %lt3A_332 : i1
      %and3A_334 = arith.andi %ne3A_333, %ne3A_328 : i1
      %add3A_335 = arith.addi %rem3A_326, %select_n3A_325 : i32
      %select_n3A_336 = arith.select %and3A_334, %add3A_335, %rem3A_326 : i32
      %add3A_337 = arith.addi %mul3A_2, %scan3A_319 : i32
      %jit3A_338 = arith.constant 4 : i32
      %div3A_339 = arith.divsi %add3A_337, %jit3A_338 : i32
      %sign3A_340 = arith.constant 0 : i32
      %sign3A_341 = arith.cmpi sgt, %add3A_337, %sign3A_340 : i32
      %sign3A_342 = arith.extui %sign3A_341 : i1 to i32
      %sign3A_343 = arith.constant 0 : i32
      %sign3A_344 = arith.cmpi slt, %add3A_337, %sign3A_343 : i32
      %sign3A_345 = arith.extui %sign3A_344 : i1 to i32
      %sign3A_346 = arith.subi %sign3A_342, %sign3A_345 : i32
      %sign3A_347 = arith.constant 0 : i32
      %sign3A_348 = arith.cmpi sgt, %jit3A_338, %sign3A_347 : i32
      %sign3A_349 = arith.extui %sign3A_348 : i1 to i32
      %sign3A_350 = arith.constant 0 : i32
      %sign3A_351 = arith.cmpi slt, %jit3A_338, %sign3A_350 : i32
      %sign3A_352 = arith.extui %sign3A_351 : i1 to i32
      %sign3A_353 = arith.subi %sign3A_349, %sign3A_352 : i32
      %ne3A_354 = arith.cmpi ne, %sign3A_346, %sign3A_353 : i32
      %rem3A_355 = arith.remsi %add3A_337, %jit3A_338 : i32
      %ne3A_356 = arith.constant 0 : i32
      %ne3A_357 = arith.cmpi ne, %rem3A_355, %ne3A_356 : i32
      %and3A_358 = arith.andi %ne3A_354, %ne3A_357 : i1
      %sub3A_359 = arith.constant 1 : i32
      %sub3A_360 = arith.subi %div3A_339, %sub3A_359 : i32
      %select_n3A_361 = arith.select %and3A_358, %sub3A_360, %div3A_339 : i32
      %jit3A_362 = arith.constant 4 : i32
      %eq3A_363 = arith.constant 0 : i32
      %eq3A_364 = arith.cmpi eq, %jit3A_362, %eq3A_363 : i32
      %jit3A_365 = arith.constant 1 : i32
      %select_n3A_366 = arith.select %eq3A_364, %jit3A_365, %jit3A_362 : i32
      %rem3A_367 = arith.remsi %add3A_337, %select_n3A_366 : i32
      %ne3A_368 = arith.constant 0 : i32
      %ne3A_369 = arith.cmpi ne, %rem3A_367, %ne3A_368 : i32
      %lt3A_370 = arith.constant 0 : i32
      %lt3A_371 = arith.cmpi slt, %rem3A_367, %lt3A_370 : i32
      %lt3A_372 = arith.constant 0 : i32
      %lt3A_373 = arith.cmpi slt, %select_n3A_366, %lt3A_372 : i32
      %ne3A_374 = arith.xori %lt3A_371, %lt3A_373 : i1
      %and3A_375 = arith.andi %ne3A_374, %ne3A_369 : i1
      %add3A_376 = arith.addi %rem3A_367, %select_n3A_366 : i32
      %select_n3A_377 = arith.select %and3A_375, %add3A_376, %rem3A_367 : i32
      %add3A_378 = arith.constant 1 : i32
      %add3A_379 = arith.addi %scan3A_319, %add3A_378 : i32
      %lt3A_380 = arith.constant 125 : i32
      %lt3A_381 = arith.cmpi slt, %add3A_379, %lt3A_380 : i32
      %convert_element_type3A = arith.extui %lt3A_381 : i1 to i32
      %cond3A = arith.constant 0 : i32
      %cond3A_382 = arith.cmpi ne, %convert_element_type3A, %cond3A : i32
      scf.if %cond3A_382 {
        %add3A_655 = arith.constant 1 : i32
        %add3A_656 = arith.addi %add3A_337, %add3A_655 : i32
        %sub3A_657 = arith.constant 1 : i32
        %sub3A_658 = arith.subi %sub3A_657, %select_n3A_336 : i32
        %jit3A_659 = arith.constant 4 : i32
        %div3A_660 = arith.divsi %add3A_656, %jit3A_659 : i32
        %sign3A_661 = arith.constant 0 : i32
        %sign3A_662 = arith.cmpi sgt, %add3A_656, %sign3A_661 : i32
        %sign3A_663 = arith.extui %sign3A_662 : i1 to i32
        %sign3A_664 = arith.constant 0 : i32
        %sign3A_665 = arith.cmpi slt, %add3A_656, %sign3A_664 : i32
        %sign3A_666 = arith.extui %sign3A_665 : i1 to i32
        %sign3A_667 = arith.subi %sign3A_663, %sign3A_666 : i32
        %sign3A_668 = arith.constant 0 : i32
        %sign3A_669 = arith.cmpi sgt, %jit3A_659, %sign3A_668 : i32
        %sign3A_670 = arith.extui %sign3A_669 : i1 to i32
        %sign3A_671 = arith.constant 0 : i32
        %sign3A_672 = arith.cmpi slt, %jit3A_659, %sign3A_671 : i32
        %sign3A_673 = arith.extui %sign3A_672 : i1 to i32
        %sign3A_674 = arith.subi %sign3A_670, %sign3A_673 : i32
        %ne3A_675 = arith.cmpi ne, %sign3A_667, %sign3A_674 : i32
        %rem3A_676 = arith.remsi %add3A_656, %jit3A_659 : i32
        %ne3A_677 = arith.constant 0 : i32
        %ne3A_678 = arith.cmpi ne, %rem3A_676, %ne3A_677 : i32
        %and3A_679 = arith.andi %ne3A_675, %ne3A_678 : i1
        %sub3A_680 = arith.constant 1 : i32
        %sub3A_681 = arith.subi %div3A_660, %sub3A_680 : i32
        %select_n3A_682 = arith.select %and3A_679, %sub3A_681, %div3A_660 : i32
        %jit3A_683 = arith.constant 4 : i32
        %eq3A_684 = arith.constant 0 : i32
        %eq3A_685 = arith.cmpi eq, %jit3A_683, %eq3A_684 : i32
        %jit3A_686 = arith.constant 1 : i32
        %select_n3A_687 = arith.select %eq3A_685, %jit3A_686, %jit3A_683 : i32
        %rem3A_688 = arith.remsi %add3A_656, %select_n3A_687 : i32
        %ne3A_689 = arith.constant 0 : i32
        %ne3A_690 = arith.cmpi ne, %rem3A_688, %ne3A_689 : i32
        %lt3A_691 = arith.constant 0 : i32
        %lt3A_692 = arith.cmpi slt, %rem3A_688, %lt3A_691 : i32
        %lt3A_693 = arith.constant 0 : i32
        %lt3A_694 = arith.cmpi slt, %select_n3A_687, %lt3A_693 : i32
        %ne3A_695 = arith.xori %lt3A_692, %lt3A_694 : i1
        %and3A_696 = arith.andi %ne3A_695, %ne3A_690 : i1
        %add3A_697 = arith.addi %rem3A_688, %select_n3A_687 : i32
        %select_n3A_698 = arith.select %and3A_696, %add3A_697, %rem3A_688 : i32
        %mul3A_699 = arith.constant 256 : i32
        %mul3A_700 = arith.muli %select_n3A_698, %mul3A_699 : i32
        %add3A_701 = arith.constant 0 : i32
        %add3A_702 = arith.addi %mul3A_700, %add3A_701 : i32
        %dma_start3A_703 = arith.constant 0 : i32
        %dma_start3A_704 = arith.constant 0 : i32
        %dma_start3A_705 = tpu.memref_slice %arg5[%sub3A_658, %dma_start3A_703, %dma_start3A_704] : memref<2x2x128xi32, #tpu.memory_space<vmem>> -> memref<1x1x128xi32, #tpu.memory_space<vmem>>
        %dma_start3A_706 = tpu.memref_squeeze %dma_start3A_705 : memref<1x1x128xi32, #tpu.memory_space<vmem>> -> memref<128xi32, #tpu.memory_space<vmem>>
        %dma_start3A_707 = tpu.memref_slice %arg2[%select_n3A_682, %add3A_702] : memref<1000x1024xi32, #tpu.memory_space<hbm>> -> memref<1x128xi32, #tpu.memory_space<hbm>>
        %dma_start3A_708 = tpu.memref_squeeze %dma_start3A_707 : memref<1x128xi32, #tpu.memory_space<hbm>> -> memref<128xi32, #tpu.memory_space<hbm>>
        %dma_start3A_709 = tpu.memref_slice %arg8[%sub3A_658] : memref<2x!tpu.dma_semaphore, #tpu.memory_space<semaphore_mem>> -> memref<1x!tpu.dma_semaphore, #tpu.memory_space<semaphore_mem>>
        %dma_start3A_710 = tpu.memref_squeeze %dma_start3A_709 : memref<1x!tpu.dma_semaphore, #tpu.memory_space<semaphore_mem>> -> memref<!tpu.dma_semaphore, #tpu.memory_space<semaphore_mem>>
        %dma_start3A_711 = arith.constant 0 : i32
        %dma_start3A_712 = tpu.memref_slice %arg5[%sub3A_658, %dma_start3A_703, %dma_start3A_711] : memref<2x2x128xi32, #tpu.memory_space<vmem>> -> memref<1x1x128xi32, #tpu.memory_space<vmem>>
        %dma_start3A_713 = tpu.memref_squeeze %dma_start3A_712 : memref<1x1x128xi32, #tpu.memory_space<vmem>> -> memref<128xi32, #tpu.memory_space<vmem>>
        %dma_start3A_714 = tpu.memref_slice %arg2[%select_n3A_682, %add3A_702] : memref<1000x1024xi32, #tpu.memory_space<hbm>> -> memref<1x128xi32, #tpu.memory_space<hbm>>
        %dma_start3A_715 = tpu.memref_squeeze %dma_start3A_714 : memref<1x128xi32, #tpu.memory_space<hbm>> -> memref<128xi32, #tpu.memory_space<hbm>>
        tpu.enqueue_dma source(%dma_start3A_715 : memref<128xi32, #tpu.memory_space<hbm>>) target(%dma_start3A_713 : memref<128xi32, #tpu.memory_space<vmem>>) target_semaphore(%dma_start3A_710 : memref<!tpu.dma_semaphore, #tpu.memory_space<semaphore_mem>>)
        %mul3A_716 = arith.constant 256 : i32
        %mul3A_717 = arith.muli %select_n3A_698, %mul3A_716 : i32
        %add3A_718 = arith.constant 128 : i32
        %add3A_719 = arith.addi %mul3A_717, %add3A_718 : i32
        %dma_start3A_720 = arith.constant 1 : i32
        %dma_start3A_721 = arith.constant 0 : i32
        %dma_start3A_722 = tpu.memref_slice %arg5[%sub3A_658, %dma_start3A_720, %dma_start3A_721] : memref<2x2x128xi32, #tpu.memory_space<vmem>> -> memref<1x1x128xi32, #tpu.memory_space<vmem>>
        %dma_start3A_723 = tpu.memref_squeeze %dma_start3A_722 : memref<1x1x128xi32, #tpu.memory_space<vmem>> -> memref<128xi32, #tpu.memory_space<vmem>>
        %dma_start3A_724 = tpu.memref_slice %arg2[%select_n3A_682, %add3A_719] : memref<1000x1024xi32, #tpu.memory_space<hbm>> -> memref<1x128xi32, #tpu.memory_space<hbm>>
        %dma_start3A_725 = tpu.memref_squeeze %dma_start3A_724 : memref<1x128xi32, #tpu.memory_space<hbm>> -> memref<128xi32, #tpu.memory_space<hbm>>
        %dma_start3A_726 = tpu.memref_slice %arg8[%sub3A_658] : memref<2x!tpu.dma_semaphore, #tpu.memory_space<semaphore_mem>> -> memref<1x!tpu.dma_semaphore, #tpu.memory_space<semaphore_mem>>
        %dma_start3A_727 = tpu.memref_squeeze %dma_start3A_726 : memref<1x!tpu.dma_semaphore, #tpu.memory_space<semaphore_mem>> -> memref<!tpu.dma_semaphore, #tpu.memory_space<semaphore_mem>>
        %dma_start3A_728 = arith.constant 0 : i32
        %dma_start3A_729 = tpu.memref_slice %arg5[%sub3A_658, %dma_start3A_720, %dma_start3A_728] : memref<2x2x128xi32, #tpu.memory_space<vmem>> -> memref<1x1x128xi32, #tpu.memory_space<vmem>>
        %dma_start3A_730 = tpu.memref_squeeze %dma_start3A_729 : memref<1x1x128xi32, #tpu.memory_space<vmem>> -> memref<128xi32, #tpu.memory_space<vmem>>
        %dma_start3A_731 = tpu.memref_slice %arg2[%select_n3A_682, %add3A_719] : memref<1000x1024xi32, #tpu.memory_space<hbm>> -> memref<1x128xi32, #tpu.memory_space<hbm>>
        %dma_start3A_732 = tpu.memref_squeeze %dma_start3A_731 : memref<1x128xi32, #tpu.memory_space<hbm>> -> memref<128xi32, #tpu.memory_space<hbm>>
        tpu.enqueue_dma source(%dma_start3A_732 : memref<128xi32, #tpu.memory_space<hbm>>) target(%dma_start3A_730 : memref<128xi32, #tpu.memory_space<vmem>>) target_semaphore(%dma_start3A_727 : memref<!tpu.dma_semaphore, #tpu.memory_space<semaphore_mem>>)
      } else {
      }
      %dma_wait3A_383 = arith.constant 0 : i32
      %dma_wait3A_384 = arith.constant 0 : i32
      %dma_wait3A_385 = tpu.memref_slice %arg6[%select_n3A_336, %dma_wait3A_383, %dma_wait3A_384] : memref<2x256x32xf32, #tpu.memory_space<vmem>> -> memref<1x128x32xf32, #tpu.memory_space<vmem>>
      %dma_wait3A_386 = tpu.memref_squeeze %dma_wait3A_385 : memref<1x128x32xf32, #tpu.memory_space<vmem>> -> memref<128x32xf32, #tpu.memory_space<vmem>>
      %dma_wait3A_387 = arith.constant 0 : i32
      %dma_wait3A_388 = arith.constant 0 : i32
      %dma_wait3A_389 = tpu.memref_slice %arg3[%dma_wait3A_387, %dma_wait3A_388] : memref<1000064x32xf32, #tpu.memory_space<hbm>> -> memref<128x32xf32, #tpu.memory_space<hbm>>
      %dma_wait3A_390 = tpu.memref_slice %arg9[%select_n3A_336] : memref<2x!tpu.dma_semaphore, #tpu.memory_space<semaphore_mem>> -> memref<1x!tpu.dma_semaphore, #tpu.memory_space<semaphore_mem>>
      %dma_wait3A_391 = tpu.memref_squeeze %dma_wait3A_390 : memref<1x!tpu.dma_semaphore, #tpu.memory_space<semaphore_mem>> -> memref<!tpu.dma_semaphore, #tpu.memory_space<semaphore_mem>>
      %dma_wait3A_392 = arith.constant 0 : i32
      %dma_wait3A_393 = arith.constant 0 : i32
      %dma_wait3A_394 = tpu.memref_slice %arg6[%select_n3A_336, %dma_wait3A_392, %dma_wait3A_393] : memref<2x256x32xf32, #tpu.memory_space<vmem>> -> memref<1x128x32xf32, #tpu.memory_space<vmem>>
      %dma_wait3A_395 = tpu.memref_squeeze %dma_wait3A_394 : memref<1x128x32xf32, #tpu.memory_space<vmem>> -> memref<128x32xf32, #tpu.memory_space<vmem>>
      %dma_wait3A_396 = arith.constant 0 : i32
      %dma_wait3A_397 = arith.constant 0 : i32
      %dma_wait3A_398 = tpu.memref_slice %arg3[%dma_wait3A_396, %dma_wait3A_397] : memref<1000064x32xf32, #tpu.memory_space<hbm>> -> memref<128x32xf32, #tpu.memory_space<hbm>>
      tpu.wait_dma2 semaphore(%dma_wait3A_391 : memref<!tpu.dma_semaphore, #tpu.memory_space<semaphore_mem>>) src(%dma_wait3A_398 : memref<128x32xf32, #tpu.memory_space<hbm>>) dst(%dma_wait3A_395 : memref<128x32xf32, #tpu.memory_space<vmem>>)
      %dma_wait3A_399 = arith.constant 0 : i32
      %dma_wait3A_400 = arith.constant 0 : i32
      %dma_wait3A_401 = tpu.memref_slice %arg6[%select_n3A_336, %dma_wait3A_399, %dma_wait3A_400] : memref<2x256x32xf32, #tpu.memory_space<vmem>> -> memref<1x128x32xf32, #tpu.memory_space<vmem>>
      %dma_wait3A_402 = tpu.memref_squeeze %dma_wait3A_401 : memref<1x128x32xf32, #tpu.memory_space<vmem>> -> memref<128x32xf32, #tpu.memory_space<vmem>>
      %dma_wait3A_403 = arith.constant 0 : i32
      %dma_wait3A_404 = arith.constant 0 : i32
      %dma_wait3A_405 = tpu.memref_slice %arg3[%dma_wait3A_403, %dma_wait3A_404] : memref<1000064x32xf32, #tpu.memory_space<hbm>> -> memref<128x32xf32, #tpu.memory_space<hbm>>
      %dma_wait3A_406 = tpu.memref_slice %arg9[%select_n3A_336] : memref<2x!tpu.dma_semaphore, #tpu.memory_space<semaphore_mem>> -> memref<1x!tpu.dma_semaphore, #tpu.memory_space<semaphore_mem>>
      %dma_wait3A_407 = tpu.memref_squeeze %dma_wait3A_406 : memref<1x!tpu.dma_semaphore, #tpu.memory_space<semaphore_mem>> -> memref<!tpu.dma_semaphore, #tpu.memory_space<semaphore_mem>>
      %dma_wait3A_408 = arith.constant 0 : i32
      %dma_wait3A_409 = arith.constant 0 : i32
      %dma_wait3A_410 = tpu.memref_slice %arg6[%select_n3A_336, %dma_wait3A_408, %dma_wait3A_409] : memref<2x256x32xf32, #tpu.memory_space<vmem>> -> memref<1x128x32xf32, #tpu.memory_space<vmem>>
      %dma_wait3A_411 = tpu.memref_squeeze %dma_wait3A_410 : memref<1x128x32xf32, #tpu.memory_space<vmem>> -> memref<128x32xf32, #tpu.memory_space<vmem>>
      %dma_wait3A_412 = arith.constant 0 : i32
      %dma_wait3A_413 = arith.constant 0 : i32
      %dma_wait3A_414 = tpu.memref_slice %arg3[%dma_wait3A_412, %dma_wait3A_413] : memref<1000064x32xf32, #tpu.memory_space<hbm>> -> memref<128x32xf32, #tpu.memory_space<hbm>>
      tpu.wait_dma2 semaphore(%dma_wait3A_407 : memref<!tpu.dma_semaphore, #tpu.memory_space<semaphore_mem>>) src(%dma_wait3A_414 : memref<128x32xf32, #tpu.memory_space<hbm>>) dst(%dma_wait3A_411 : memref<128x32xf32, #tpu.memory_space<vmem>>)
      %add3A_415 = arith.constant 1 : i32
      %add3A_416 = arith.addi %scan3A_319, %add3A_415 : i32
      %lt3A_417 = arith.constant 125 : i32
      %lt3A_418 = arith.cmpi slt, %add3A_416, %lt3A_417 : i32
      %convert_element_type3A_419 = arith.extui %lt3A_418 : i1 to i32
      %cond3A_420 = arith.constant 0 : i32
      %cond3A_421 = arith.cmpi ne, %convert_element_type3A_419, %cond3A_420 : i32
      scf.if %cond3A_421 {
        %sub3A_655 = arith.constant 1 : i32
        %sub3A_656 = arith.subi %sub3A_655, %select_n3A_336 : i32
        %dma_wait3A_657 = arith.constant 0 : i32
        %dma_wait3A_658 = arith.constant 0 : i32
        %dma_wait3A_659 = arith.constant 0 : i32
        %dma_wait3A_660 = tpu.memref_slice %arg5[%sub3A_656, %dma_wait3A_658, %dma_wait3A_659] : memref<2x2x128xi32, #tpu.memory_space<vmem>> -> memref<1x1x128xi32, #tpu.memory_space<vmem>>
        %dma_wait3A_661 = tpu.memref_squeeze %dma_wait3A_660 : memref<1x1x128xi32, #tpu.memory_space<vmem>> -> memref<128xi32, #tpu.memory_space<vmem>>
        %dma_wait3A_662 = arith.constant 0 : i32
        %dma_wait3A_663 = tpu.memref_slice %arg2[%dma_wait3A_657, %dma_wait3A_662] : memref<1000x1024xi32, #tpu.memory_space<hbm>> -> memref<1x128xi32, #tpu.memory_space<hbm>>
        %dma_wait3A_664 = tpu.memref_squeeze %dma_wait3A_663 : memref<1x128xi32, #tpu.memory_space<hbm>> -> memref<128xi32, #tpu.memory_space<hbm>>
        %dma_wait3A_665 = tpu.memref_slice %arg8[%sub3A_656] : memref<2x!tpu.dma_semaphore, #tpu.memory_space<semaphore_mem>> -> memref<1x!tpu.dma_semaphore, #tpu.memory_space<semaphore_mem>>
        %dma_wait3A_666 = tpu.memref_squeeze %dma_wait3A_665 : memref<1x!tpu.dma_semaphore, #tpu.memory_space<semaphore_mem>> -> memref<!tpu.dma_semaphore, #tpu.memory_space<semaphore_mem>>
        %dma_wait3A_667 = arith.constant 0 : i32
        %dma_wait3A_668 = tpu.memref_slice %arg5[%sub3A_656, %dma_wait3A_658, %dma_wait3A_667] : memref<2x2x128xi32, #tpu.memory_space<vmem>> -> memref<1x1x128xi32, #tpu.memory_space<vmem>>
        %dma_wait3A_669 = tpu.memref_squeeze %dma_wait3A_668 : memref<1x1x128xi32, #tpu.memory_space<vmem>> -> memref<128xi32, #tpu.memory_space<vmem>>
        %dma_wait3A_670 = arith.constant 0 : i32
        %dma_wait3A_671 = tpu.memref_slice %arg2[%dma_wait3A_657, %dma_wait3A_670] : memref<1000x1024xi32, #tpu.memory_space<hbm>> -> memref<1x128xi32, #tpu.memory_space<hbm>>
        %dma_wait3A_672 = tpu.memref_squeeze %dma_wait3A_671 : memref<1x128xi32, #tpu.memory_space<hbm>> -> memref<128xi32, #tpu.memory_space<hbm>>
        tpu.wait_dma2 semaphore(%dma_wait3A_666 : memref<!tpu.dma_semaphore, #tpu.memory_space<semaphore_mem>>) src(%dma_wait3A_672 : memref<128xi32, #tpu.memory_space<hbm>>) dst(%dma_wait3A_669 : memref<128xi32, #tpu.memory_space<vmem>>)
        %dma_wait3A_673 = arith.constant 0 : i32
        %dma_wait3A_674 = arith.constant 0 : i32
        %dma_wait3A_675 = arith.constant 0 : i32
        %dma_wait3A_676 = tpu.memref_slice %arg5[%sub3A_656, %dma_wait3A_674, %dma_wait3A_675] : memref<2x2x128xi32, #tpu.memory_space<vmem>> -> memref<1x1x128xi32, #tpu.memory_space<vmem>>
        %dma_wait3A_677 = tpu.memref_squeeze %dma_wait3A_676 : memref<1x1x128xi32, #tpu.memory_space<vmem>> -> memref<128xi32, #tpu.memory_space<vmem>>
        %dma_wait3A_678 = arith.constant 0 : i32
        %dma_wait3A_679 = tpu.memref_slice %arg2[%dma_wait3A_673, %dma_wait3A_678] : memref<1000x1024xi32, #tpu.memory_space<hbm>> -> memref<1x128xi32, #tpu.memory_space<hbm>>
        %dma_wait3A_680 = tpu.memref_squeeze %dma_wait3A_679 : memref<1x128xi32, #tpu.memory_space<hbm>> -> memref<128xi32, #tpu.memory_space<hbm>>
        %dma_wait3A_681 = tpu.memref_slice %arg8[%sub3A_656] : memref<2x!tpu.dma_semaphore, #tpu.memory_space<semaphore_mem>> -> memref<1x!tpu.dma_semaphore, #tpu.memory_space<semaphore_mem>>
        %dma_wait3A_682 = tpu.memref_squeeze %dma_wait3A_681 : memref<1x!tpu.dma_semaphore, #tpu.memory_space<semaphore_mem>> -> memref<!tpu.dma_semaphore, #tpu.memory_space<semaphore_mem>>
        %dma_wait3A_683 = arith.constant 0 : i32
        %dma_wait3A_684 = tpu.memref_slice %arg5[%sub3A_656, %dma_wait3A_674, %dma_wait3A_683] : memref<2x2x128xi32, #tpu.memory_space<vmem>> -> memref<1x1x128xi32, #tpu.memory_space<vmem>>
        %dma_wait3A_685 = tpu.memref_squeeze %dma_wait3A_684 : memref<1x1x128xi32, #tpu.memory_space<vmem>> -> memref<128xi32, #tpu.memory_space<vmem>>
        %dma_wait3A_686 = arith.constant 0 : i32
        %dma_wait3A_687 = tpu.memref_slice %arg2[%dma_wait3A_673, %dma_wait3A_686] : memref<1000x1024xi32, #tpu.memory_space<hbm>> -> memref<1x128xi32, #tpu.memory_space<hbm>>
        %dma_wait3A_688 = tpu.memref_squeeze %dma_wait3A_687 : memref<1x128xi32, #tpu.memory_space<hbm>> -> memref<128xi32, #tpu.memory_space<hbm>>
        tpu.wait_dma2 semaphore(%dma_wait3A_682 : memref<!tpu.dma_semaphore, #tpu.memory_space<semaphore_mem>>) src(%dma_wait3A_688 : memref<128xi32, #tpu.memory_space<hbm>>) dst(%dma_wait3A_685 : memref<128xi32, #tpu.memory_space<vmem>>)
        %sub3A_689 = arith.constant 1 : i32
        %sub3A_690 = arith.subi %sub3A_689, %select_n3A_336 : i32
        %dma_start3A_691 = arith.constant 0 : i32
        %dma_start3A_692 = arith.constant 0 : i32
        %dma_start3A_693 = arith.constant 0 : i32
        %dma_start3A_694 = tpu.memref_slice %arg6[%sub3A_690, %dma_start3A_692, %dma_start3A_693] : memref<2x256x32xf32, #tpu.memory_space<vmem>> -> memref<1x128x32xf32, #tpu.memory_space<vmem>>
        %dma_start3A_695 = tpu.memref_squeeze %dma_start3A_694 : memref<1x128x32xf32, #tpu.memory_space<vmem>> -> memref<128x32xf32, #tpu.memory_space<vmem>>
        %dma_start3A_696 = arith.constant 0 : i32
        %dma_start3A_697 = tpu.memref_slice %arg5[%sub3A_690, %dma_start3A_691, %dma_start3A_696] : memref<2x2x128xi32, #tpu.memory_space<vmem>> -> memref<1x1x128xi32, #tpu.memory_space<vmem>>
        %dma_start3A_698 = tpu.memref_squeeze %dma_start3A_697 : memref<1x1x128xi32, #tpu.memory_space<vmem>> -> memref<128xi32, #tpu.memory_space<vmem>>
        %dma_start3A_699 = arith.constant 0 : i32
        %dma_start3A_700 = arith.constant 0 : i32
        %dma_start3A_701 = tpu.memref_slice %arg3[%dma_start3A_699, %dma_start3A_700] : memref<1000064x32xf32, #tpu.memory_space<hbm>> -> memref<1000064x32xf32, #tpu.memory_space<hbm>>
        %dma_start3A_702 = tpu.memref_slice %arg9[%sub3A_690] : memref<2x!tpu.dma_semaphore, #tpu.memory_space<semaphore_mem>> -> memref<1x!tpu.dma_semaphore, #tpu.memory_space<semaphore_mem>>
        %dma_start3A_703 = tpu.memref_squeeze %dma_start3A_702 : memref<1x!tpu.dma_semaphore, #tpu.memory_space<semaphore_mem>> -> memref<!tpu.dma_semaphore, #tpu.memory_space<semaphore_mem>>
        tpu.enqueue_indirect_dma source(%dma_start3A_701 : memref<1000064x32xf32, #tpu.memory_space<hbm>>) target(%dma_start3A_695 : memref<128x32xf32, #tpu.memory_space<vmem>>) offsets(%dma_start3A_698 : memref<128xi32, #tpu.memory_space<vmem>>) semaphore(%dma_start3A_703 : memref<!tpu.dma_semaphore, #tpu.memory_space<semaphore_mem>>)
        %dma_start3A_704 = arith.constant 1 : i32
        %dma_start3A_705 = arith.constant 128 : i32
        %dma_start3A_706 = arith.constant 0 : i32
        %dma_start3A_707 = tpu.memref_slice %arg6[%sub3A_690, %dma_start3A_705, %dma_start3A_706] : memref<2x256x32xf32, #tpu.memory_space<vmem>> -> memref<1x128x32xf32, #tpu.memory_space<vmem>>
        %dma_start3A_708 = tpu.memref_squeeze %dma_start3A_707 : memref<1x128x32xf32, #tpu.memory_space<vmem>> -> memref<128x32xf32, #tpu.memory_space<vmem>>
        %dma_start3A_709 = arith.constant 0 : i32
        %dma_start3A_710 = tpu.memref_slice %arg5[%sub3A_690, %dma_start3A_704, %dma_start3A_709] : memref<2x2x128xi32, #tpu.memory_space<vmem>> -> memref<1x1x128xi32, #tpu.memory_space<vmem>>
        %dma_start3A_711 = tpu.memref_squeeze %dma_start3A_710 : memref<1x1x128xi32, #tpu.memory_space<vmem>> -> memref<128xi32, #tpu.memory_space<vmem>>
        %dma_start3A_712 = arith.constant 0 : i32
        %dma_start3A_713 = arith.constant 0 : i32
        %dma_start3A_714 = tpu.memref_slice %arg3[%dma_start3A_712, %dma_start3A_713] : memref<1000064x32xf32, #tpu.memory_space<hbm>> -> memref<1000064x32xf32, #tpu.memory_space<hbm>>
        %dma_start3A_715 = tpu.memref_slice %arg9[%sub3A_690] : memref<2x!tpu.dma_semaphore, #tpu.memory_space<semaphore_mem>> -> memref<1x!tpu.dma_semaphore, #tpu.memory_space<semaphore_mem>>
        %dma_start3A_716 = tpu.memref_squeeze %dma_start3A_715 : memref<1x!tpu.dma_semaphore, #tpu.memory_space<semaphore_mem>> -> memref<!tpu.dma_semaphore, #tpu.memory_space<semaphore_mem>>
        tpu.enqueue_indirect_dma source(%dma_start3A_714 : memref<1000064x32xf32, #tpu.memory_space<hbm>>) target(%dma_start3A_708 : memref<128x32xf32, #tpu.memory_space<vmem>>) offsets(%dma_start3A_711 : memref<128xi32, #tpu.memory_space<vmem>>) semaphore(%dma_start3A_716 : memref<!tpu.dma_semaphore, #tpu.memory_space<semaphore_mem>>)
      } else {
      }
      %mul3A_422 = arith.constant 2 : i32
      %mul3A_423 = arith.muli %mul3A_422, %select_n3A_336 : i32
      %ge3A = arith.constant 2 : i32
      %ge3A_424 = arith.cmpi sge, %scan3A_319, %ge3A : i32
      %convert_element_type3A_425 = arith.extui %ge3A_424 : i1 to i32
      %cond3A_426 = arith.constant 0 : i32
      %cond3A_427 = arith.cmpi ne, %convert_element_type3A_425, %cond3A_426 : i32
      scf.if %cond3A_427 {
        %dma_wait3A_655 = arith.constant 0 : i32
        %dma_wait3A_656 = arith.constant 0 : i32
        %dma_wait3A_657 = arith.constant 0 : i32
        %dma_wait3A_658 = arith.constant 0 : i32
        %dma_wait3A_659 = tpu.memref_slice %arg7[%mul3A_423, %dma_wait3A_657, %dma_wait3A_658] : memref<4x32x129xf32, #tpu.memory_space<vmem>> -> memref<1x16x128xf32, #tpu.memory_space<vmem>>
        %dma_wait3A_660 = tpu.memref_squeeze %dma_wait3A_659 : memref<1x16x128xf32, #tpu.memory_space<vmem>> -> memref<16x128xf32, #tpu.memory_space<vmem>>
        %dma_wait3A_661 = arith.constant 0 : i32
        %dma_wait3A_662 = arith.constant 0 : i32
        %dma_wait3A_663 = tpu.memref_slice %arg4[%dma_wait3A_655, %dma_wait3A_656, %dma_wait3A_661, %dma_wait3A_662] : memref<1000x4x64x128xf32, #tpu.memory_space<hbm>> -> memref<1x1x16x128xf32, #tpu.memory_space<hbm>>
        %dma_wait3A_664 = tpu.memref_squeeze %dma_wait3A_663 : memref<1x1x16x128xf32, #tpu.memory_space<hbm>> -> memref<16x128xf32, #tpu.memory_space<hbm>>
        %dma_wait3A_665 = tpu.memref_slice %arg10[%mul3A_423] : memref<4x!tpu.dma_semaphore, #tpu.memory_space<semaphore_mem>> -> memref<1x!tpu.dma_semaphore, #tpu.memory_space<semaphore_mem>>
        %dma_wait3A_666 = tpu.memref_squeeze %dma_wait3A_665 : memref<1x!tpu.dma_semaphore, #tpu.memory_space<semaphore_mem>> -> memref<!tpu.dma_semaphore, #tpu.memory_space<semaphore_mem>>
        %dma_wait3A_667 = arith.constant 0 : i32
        %dma_wait3A_668 = arith.constant 0 : i32
        %dma_wait3A_669 = tpu.memref_slice %arg4[%dma_wait3A_655, %dma_wait3A_656, %dma_wait3A_667, %dma_wait3A_668] : memref<1000x4x64x128xf32, #tpu.memory_space<hbm>> -> memref<1x1x16x128xf32, #tpu.memory_space<hbm>>
        %dma_wait3A_670 = tpu.memref_squeeze %dma_wait3A_669 : memref<1x1x16x128xf32, #tpu.memory_space<hbm>> -> memref<16x128xf32, #tpu.memory_space<hbm>>
        %dma_wait3A_671 = arith.constant 0 : i32
        %dma_wait3A_672 = arith.constant 0 : i32
        %dma_wait3A_673 = tpu.memref_slice %arg7[%mul3A_423, %dma_wait3A_671, %dma_wait3A_672] : memref<4x32x129xf32, #tpu.memory_space<vmem>> -> memref<1x16x128xf32, #tpu.memory_space<vmem>>
        %dma_wait3A_674 = tpu.memref_squeeze %dma_wait3A_673 : memref<1x16x128xf32, #tpu.memory_space<vmem>> -> memref<16x128xf32, #tpu.memory_space<vmem>>
        tpu.wait_dma2 semaphore(%dma_wait3A_666 : memref<!tpu.dma_semaphore, #tpu.memory_space<semaphore_mem>>) src(%dma_wait3A_674 : memref<16x128xf32, #tpu.memory_space<vmem>>) dst(%dma_wait3A_670 : memref<16x128xf32, #tpu.memory_space<hbm>>)
        %dma_wait3A_675 = arith.constant 0 : i32
        %dma_wait3A_676 = arith.constant 0 : i32
        %dma_wait3A_677 = arith.constant 0 : i32
        %dma_wait3A_678 = arith.constant 0 : i32
        %dma_wait3A_679 = tpu.memref_slice %arg7[%mul3A_423, %dma_wait3A_677, %dma_wait3A_678] : memref<4x32x129xf32, #tpu.memory_space<vmem>> -> memref<1x16x128xf32, #tpu.memory_space<vmem>>
        %dma_wait3A_680 = tpu.memref_squeeze %dma_wait3A_679 : memref<1x16x128xf32, #tpu.memory_space<vmem>> -> memref<16x128xf32, #tpu.memory_space<vmem>>
        %dma_wait3A_681 = arith.constant 0 : i32
        %dma_wait3A_682 = arith.constant 0 : i32
        %dma_wait3A_683 = tpu.memref_slice %arg4[%dma_wait3A_675, %dma_wait3A_676, %dma_wait3A_681, %dma_wait3A_682] : memref<1000x4x64x128xf32, #tpu.memory_space<hbm>> -> memref<1x1x16x128xf32, #tpu.memory_space<hbm>>
        %dma_wait3A_684 = tpu.memref_squeeze %dma_wait3A_683 : memref<1x1x16x128xf32, #tpu.memory_space<hbm>> -> memref<16x128xf32, #tpu.memory_space<hbm>>
        %dma_wait3A_685 = tpu.memref_slice %arg10[%mul3A_423] : memref<4x!tpu.dma_semaphore, #tpu.memory_space<semaphore_mem>> -> memref<1x!tpu.dma_semaphore, #tpu.memory_space<semaphore_mem>>
        %dma_wait3A_686 = tpu.memref_squeeze %dma_wait3A_685 : memref<1x!tpu.dma_semaphore, #tpu.memory_space<semaphore_mem>> -> memref<!tpu.dma_semaphore, #tpu.memory_space<semaphore_mem>>
        %dma_wait3A_687 = arith.constant 0 : i32
        %dma_wait3A_688 = arith.constant 0 : i32
        %dma_wait3A_689 = tpu.memref_slice %arg4[%dma_wait3A_675, %dma_wait3A_676, %dma_wait3A_687, %dma_wait3A_688] : memref<1000x4x64x128xf32, #tpu.memory_space<hbm>> -> memref<1x1x16x128xf32, #tpu.memory_space<hbm>>
        %dma_wait3A_690 = tpu.memref_squeeze %dma_wait3A_689 : memref<1x1x16x128xf32, #tpu.memory_space<hbm>> -> memref<16x128xf32, #tpu.memory_space<hbm>>
        %dma_wait3A_691 = arith.constant 0 : i32
        %dma_wait3A_692 = arith.constant 0 : i32
        %dma_wait3A_693 = tpu.memref_slice %arg7[%mul3A_423, %dma_wait3A_691, %dma_wait3A_692] : memref<4x32x129xf32, #tpu.memory_space<vmem>> -> memref<1x16x128xf32, #tpu.memory_space<vmem>>
        %dma_wait3A_694 = tpu.memref_squeeze %dma_wait3A_693 : memref<1x16x128xf32, #tpu.memory_space<vmem>> -> memref<16x128xf32, #tpu.memory_space<vmem>>
        tpu.wait_dma2 semaphore(%dma_wait3A_686 : memref<!tpu.dma_semaphore, #tpu.memory_space<semaphore_mem>>) src(%dma_wait3A_694 : memref<16x128xf32, #tpu.memory_space<vmem>>) dst(%dma_wait3A_690 : memref<16x128xf32, #tpu.memory_space<hbm>>)
        %add3A_695 = arith.constant 1 : i32
        %add3A_696 = arith.addi %mul3A_423, %add3A_695 : i32
        %dma_wait3A_697 = arith.constant 0 : i32
        %dma_wait3A_698 = arith.constant 0 : i32
        %dma_wait3A_699 = arith.constant 0 : i32
        %dma_wait3A_700 = arith.constant 0 : i32
        %dma_wait3A_701 = tpu.memref_slice %arg7[%add3A_696, %dma_wait3A_699, %dma_wait3A_700] : memref<4x32x129xf32, #tpu.memory_space<vmem>> -> memref<1x16x128xf32, #tpu.memory_space<vmem>>
        %dma_wait3A_702 = tpu.memref_squeeze %dma_wait3A_701 : memref<1x16x128xf32, #tpu.memory_space<vmem>> -> memref<16x128xf32, #tpu.memory_space<vmem>>
        %dma_wait3A_703 = arith.constant 0 : i32
        %dma_wait3A_704 = arith.constant 0 : i32
        %dma_wait3A_705 = tpu.memref_slice %arg4[%dma_wait3A_697, %dma_wait3A_698, %dma_wait3A_703, %dma_wait3A_704] : memref<1000x4x64x128xf32, #tpu.memory_space<hbm>> -> memref<1x1x16x128xf32, #tpu.memory_space<hbm>>
        %dma_wait3A_706 = tpu.memref_squeeze %dma_wait3A_705 : memref<1x1x16x128xf32, #tpu.memory_space<hbm>> -> memref<16x128xf32, #tpu.memory_space<hbm>>
        %dma_wait3A_707 = tpu.memref_slice %arg10[%add3A_696] : memref<4x!tpu.dma_semaphore, #tpu.memory_space<semaphore_mem>> -> memref<1x!tpu.dma_semaphore, #tpu.memory_space<semaphore_mem>>
        %dma_wait3A_708 = tpu.memref_squeeze %dma_wait3A_707 : memref<1x!tpu.dma_semaphore, #tpu.memory_space<semaphore_mem>> -> memref<!tpu.dma_semaphore, #tpu.memory_space<semaphore_mem>>
        %dma_wait3A_709 = arith.constant 0 : i32
        %dma_wait3A_710 = arith.constant 0 : i32
        %dma_wait3A_711 = tpu.memref_slice %arg4[%dma_wait3A_697, %dma_wait3A_698, %dma_wait3A_709, %dma_wait3A_710] : memref<1000x4x64x128xf32, #tpu.memory_space<hbm>> -> memref<1x1x16x128xf32, #tpu.memory_space<hbm>>
        %dma_wait3A_712 = tpu.memref_squeeze %dma_wait3A_711 : memref<1x1x16x128xf32, #tpu.memory_space<hbm>> -> memref<16x128xf32, #tpu.memory_space<hbm>>
        %dma_wait3A_713 = arith.constant 0 : i32
        %dma_wait3A_714 = arith.constant 0 : i32
        %dma_wait3A_715 = tpu.memref_slice %arg7[%add3A_696, %dma_wait3A_713, %dma_wait3A_714] : memref<4x32x129xf32, #tpu.memory_space<vmem>> -> memref<1x16x128xf32, #tpu.memory_space<vmem>>
        %dma_wait3A_716 = tpu.memref_squeeze %dma_wait3A_715 : memref<1x16x128xf32, #tpu.memory_space<vmem>> -> memref<16x128xf32, #tpu.memory_space<vmem>>
        tpu.wait_dma2 semaphore(%dma_wait3A_708 : memref<!tpu.dma_semaphore, #tpu.memory_space<semaphore_mem>>) src(%dma_wait3A_716 : memref<16x128xf32, #tpu.memory_space<vmem>>) dst(%dma_wait3A_712 : memref<16x128xf32, #tpu.memory_space<hbm>>)
        %dma_wait3A_717 = arith.constant 0 : i32
        %dma_wait3A_718 = arith.constant 0 : i32
        %dma_wait3A_719 = arith.constant 0 : i32
        %dma_wait3A_720 = arith.constant 0 : i32
        %dma_wait3A_721 = tpu.memref_slice %arg7[%add3A_696, %dma_wait3A_719, %dma_wait3A_720] : memref<4x32x129xf32, #tpu.memory_space<vmem>> -> memref<1x16x128xf32, #tpu.memory_space<vmem>>
        %dma_wait3A_722 = tpu.memref_squeeze %dma_wait3A_721 : memref<1x16x128xf32, #tpu.memory_space<vmem>> -> memref<16x128xf32, #tpu.memory_space<vmem>>
        %dma_wait3A_723 = arith.constant 0 : i32
        %dma_wait3A_724 = arith.constant 0 : i32
        %dma_wait3A_725 = tpu.memref_slice %arg4[%dma_wait3A_717, %dma_wait3A_718, %dma_wait3A_723, %dma_wait3A_724] : memref<1000x4x64x128xf32, #tpu.memory_space<hbm>> -> memref<1x1x16x128xf32, #tpu.memory_space<hbm>>
        %dma_wait3A_726 = tpu.memref_squeeze %dma_wait3A_725 : memref<1x1x16x128xf32, #tpu.memory_space<hbm>> -> memref<16x128xf32, #tpu.memory_space<hbm>>
        %dma_wait3A_727 = tpu.memref_slice %arg10[%add3A_696] : memref<4x!tpu.dma_semaphore, #tpu.memory_space<semaphore_mem>> -> memref<1x!tpu.dma_semaphore, #tpu.memory_space<semaphore_mem>>
        %dma_wait3A_728 = tpu.memref_squeeze %dma_wait3A_727 : memref<1x!tpu.dma_semaphore, #tpu.memory_space<semaphore_mem>> -> memref<!tpu.dma_semaphore, #tpu.memory_space<semaphore_mem>>
        %dma_wait3A_729 = arith.constant 0 : i32
        %dma_wait3A_730 = arith.constant 0 : i32
        %dma_wait3A_731 = tpu.memref_slice %arg4[%dma_wait3A_717, %dma_wait3A_718, %dma_wait3A_729, %dma_wait3A_730] : memref<1000x4x64x128xf32, #tpu.memory_space<hbm>> -> memref<1x1x16x128xf32, #tpu.memory_space<hbm>>
        %dma_wait3A_732 = tpu.memref_squeeze %dma_wait3A_731 : memref<1x1x16x128xf32, #tpu.memory_space<hbm>> -> memref<16x128xf32, #tpu.memory_space<hbm>>
        %dma_wait3A_733 = arith.constant 0 : i32
        %dma_wait3A_734 = arith.constant 0 : i32
        %dma_wait3A_735 = tpu.memref_slice %arg7[%add3A_696, %dma_wait3A_733, %dma_wait3A_734] : memref<4x32x129xf32, #tpu.memory_space<vmem>> -> memref<1x16x128xf32, #tpu.memory_space<vmem>>
        %dma_wait3A_736 = tpu.memref_squeeze %dma_wait3A_735 : memref<1x16x128xf32, #tpu.memory_space<vmem>> -> memref<16x128xf32, #tpu.memory_space<vmem>>
        tpu.wait_dma2 semaphore(%dma_wait3A_728 : memref<!tpu.dma_semaphore, #tpu.memory_space<semaphore_mem>>) src(%dma_wait3A_736 : memref<16x128xf32, #tpu.memory_space<vmem>>) dst(%dma_wait3A_732 : memref<16x128xf32, #tpu.memory_space<hbm>>)
      } else {
      }
      %jit3A_428 = arith.constant 8 : i32
      %div3A_429 = vector.broadcast %jit3A_428 : i32 to vector<16xi32>
      %div3A_430 = arith.divsi %iota3A, %div3A_429 : vector<16xi32>
      %sign3A_431 = arith.constant 0 : i32
      %sign3A_432 = vector.broadcast %sign3A_431 : i32 to vector<16xi32>
      %sign3A_433 = arith.cmpi sgt, %iota3A, %sign3A_432 : vector<16xi32>
      %sign3A_434 = arith.extui %sign3A_433 : vector<16xi1> to vector<16xi32>
      %sign3A_435 = arith.constant 0 : i32
      %sign3A_436 = vector.broadcast %sign3A_435 : i32 to vector<16xi32>
      %sign3A_437 = arith.cmpi slt, %iota3A, %sign3A_436 : vector<16xi32>
      %sign3A_438 = arith.extui %sign3A_437 : vector<16xi1> to vector<16xi32>
      %sign3A_439 = arith.subi %sign3A_434, %sign3A_438 : vector<16xi32>
      %sign3A_440 = arith.constant 0 : i32
      %sign3A_441 = arith.cmpi sgt, %jit3A_428, %sign3A_440 : i32
      %sign3A_442 = arith.extui %sign3A_441 : i1 to i32
      %sign3A_443 = arith.constant 0 : i32
      %sign3A_444 = arith.cmpi slt, %jit3A_428, %sign3A_443 : i32
      %sign3A_445 = arith.extui %sign3A_444 : i1 to i32
      %sign3A_446 = arith.subi %sign3A_442, %sign3A_445 : i32
      %ne3A_447 = vector.broadcast %sign3A_446 : i32 to vector<16xi32>
      %ne3A_448 = arith.cmpi ne, %sign3A_439, %ne3A_447 : vector<16xi32>
      %rem3A_449 = vector.broadcast %jit3A_428 : i32 to vector<16xi32>
      %rem3A_450 = arith.remsi %iota3A, %rem3A_449 : vector<16xi32>
      %ne3A_451 = arith.constant 0 : i32
      %ne3A_452 = vector.broadcast %ne3A_451 : i32 to vector<16xi32>
      %ne3A_453 = arith.cmpi ne, %rem3A_450, %ne3A_452 : vector<16xi32>
      %and3A_454 = arith.andi %ne3A_448, %ne3A_453 : vector<16xi1>
      %sub3A_455 = arith.constant 1 : i32
      %sub3A_456 = vector.broadcast %sub3A_455 : i32 to vector<16xi32>
      %sub3A_457 = arith.subi %div3A_430, %sub3A_456 : vector<16xi32>
      %select_n3A_458 = arith.select %and3A_454, %sub3A_457, %div3A_430 : vector<16xi1>, vector<16xi32>
      %mul3A_459 = arith.constant 16 : i32
      %mul3A_460 = vector.broadcast %mul3A_459 : i32 to vector<16xi32>
      %mul3A_461 = arith.muli %select_n3A_458, %mul3A_460 : vector<16xi32>
      %jit3A_462 = arith.constant 8 : i32
      %eq3A_463 = arith.constant 0 : i32
      %eq3A_464 = arith.cmpi eq, %jit3A_462, %eq3A_463 : i32
      %jit3A_465 = arith.constant 1 : i32
      %select_n3A_466 = arith.select %eq3A_464, %jit3A_465, %jit3A_462 : i32
      %rem3A_467 = vector.broadcast %select_n3A_466 : i32 to vector<16xi32>
      %rem3A_468 = arith.remsi %iota3A, %rem3A_467 : vector<16xi32>
      %ne3A_469 = arith.constant 0 : i32
      %ne3A_470 = vector.broadcast %ne3A_469 : i32 to vector<16xi32>
      %ne3A_471 = arith.cmpi ne, %rem3A_468, %ne3A_470 : vector<16xi32>
      %lt3A_472 = arith.constant 0 : i32
      %lt3A_473 = vector.broadcast %lt3A_472 : i32 to vector<16xi32>
      %lt3A_474 = arith.cmpi slt, %rem3A_468, %lt3A_473 : vector<16xi32>
      %lt3A_475 = arith.constant 0 : i32
      %lt3A_476 = arith.cmpi slt, %select_n3A_466, %lt3A_475 : i32
      %ne3A_477 = vector.broadcast %lt3A_476 : i1 to vector<16xi1>
      %ne3A_478 = vector.broadcast %ne3A_477 : vector<16xi1> to vector<16xi1>
      %ne3A_479 = arith.xori %lt3A_474, %ne3A_478 : vector<16xi1>
      %and3A_480 = arith.andi %ne3A_479, %ne3A_471 : vector<16xi1>
      %add3A_481 = vector.broadcast %select_n3A_466 : i32 to vector<16xi32>
      %add3A_482 = arith.addi %rem3A_468, %add3A_481 : vector<16xi32>
      %select_n3A_483 = arith.select %and3A_480, %add3A_482, %rem3A_468 : vector<16xi1>, vector<16xi32>
      %add3A_484 = arith.constant 0 : i32
      %add3A_485 = vector.broadcast %add3A_484 : i32 to vector<16xi32>
      %add3A_486 = arith.addi %add3A_485, %select_n3A_483 : vector<16xi32>
      %add3A_487 = arith.addi %mul3A_461, %add3A_486 : vector<16xi32>
      %scan3A_488 = arith.constant 0 : i32
      %scan3A_489 = arith.constant 0 : i32
      %scan3A_490 = arith.constant 32 : i32
      %scan3A_491 = arith.addi %scan3A_489, %scan3A_490 : i32
      %scan3A_492 = arith.constant 1 : i32
      %scan3A_493 = scf.for %scan3A_655 = %scan3A_489 to %scan3A_491 step %scan3A_492 iter_args(%scan3A_656 = %scan3A_488) -> (i32)  : i32 {
        %mul3A_657 = arith.constant 4 : i32
        %mul3A_658 = arith.muli %mul3A_657, %scan3A_655 : i32
        %add3A_659 = arith.constant 0 : i32
        %add3A_660 = arith.addi %mul3A_658, %add3A_659 : i32
        %broadcast_in_dim3A = arith.constant 0 : i32
        %broadcast_in_dim3A_661 = vector.broadcast %broadcast_in_dim3A : i32 to vector<16xi32>
        %add3A_662 = vector.broadcast %add3A_660 : i32 to vector<16xi32>
        %add3A_663 = arith.addi %broadcast_in_dim3A_661, %add3A_662 : vector<16xi32>
        %add3A_664 = arith.constant 0 : i32
        %add3A_665 = arith.addi %add3A_664, %add3A_660 : i32
        %get3A = arith.index_cast %select_n3A_336 : i32 to index
        %get3A_666 = arith.index_cast %add3A_665 : i32 to index
        %get3A_667 = arith.constant 0 : index
        %get3A_668 = tpu.vector_load %arg6[%get3A, %get3A_666, %get3A_667] {strides = array<i32>} : memref<2x256x32xf32, #tpu.memory_space<vmem>>, vector<16xf32>,
        %scatter3A = arith.constant 0 : i32
        %scatter3A_669 = arith.constant 0 : i32
        %scatter3A_670 = tpu.memref_slice %arg7[%mul3A_423, %scatter3A, %scatter3A_669] : memref<4x32x129xf32, #tpu.memory_space<vmem>> -> memref<1x32x129xf32, #tpu.memory_space<vmem>>
        %scatter3A_671 = tpu.memref_squeeze %scatter3A_670 : memref<1x32x129xf32, #tpu.memory_space<vmem>> -> memref<32x129xf32, #tpu.memory_space<vmem>>
        tpu.vector_store_idx %scatter3A_671[%add3A_487, %add3A_663], %get3A_668 : memref<32x129xf32, #tpu.memory_space<vmem>>[vector<16xi32>, vector<16xi32>], vector<16xf32>,
        %get3A_672 = arith.index_cast %select_n3A_336 : i32 to index
        %get3A_673 = arith.index_cast %add3A_665 : i32 to index
        %get3A_674 = arith.constant 16 : index
        %get3A_675 = tpu.vector_load %arg6[%get3A_672, %get3A_673, %get3A_674] {strides = array<i32>} : memref<2x256x32xf32, #tpu.memory_space<vmem>>, vector<16xf32>,
        %add3A_676 = arith.constant 1 : i32
        %add3A_677 = arith.addi %mul3A_423, %add3A_676 : i32
        %scatter3A_678 = arith.constant 0 : i32
        %scatter3A_679 = arith.constant 0 : i32
        %scatter3A_680 = tpu.memref_slice %arg7[%add3A_677, %scatter3A_678, %scatter3A_679] : memref<4x32x129xf32, #tpu.memory_space<vmem>> -> memref<1x32x129xf32, #tpu.memory_space<vmem>>
        %scatter3A_681 = tpu.memref_squeeze %scatter3A_680 : memref<1x32x129xf32, #tpu.memory_space<vmem>> -> memref<32x129xf32, #tpu.memory_space<vmem>>
        tpu.vector_store_idx %scatter3A_681[%add3A_487, %add3A_663], %get3A_675 : memref<32x129xf32, #tpu.memory_space<vmem>>[vector<16xi32>, vector<16xi32>], vector<16xf32>,
        %mul3A_682 = arith.constant 4 : i32
        %mul3A_683 = arith.muli %mul3A_682, %scan3A_655 : i32
        %add3A_684 = arith.constant 1 : i32
        %add3A_685 = arith.addi %mul3A_683, %add3A_684 : i32
        %broadcast_in_dim3A_686 = arith.constant 0 : i32
        %broadcast_in_dim3A_687 = vector.broadcast %broadcast_in_dim3A_686 : i32 to vector<16xi32>
        %add3A_688 = vector.broadcast %add3A_685 : i32 to vector<16xi32>
        %add3A_689 = arith.addi %broadcast_in_dim3A_687, %add3A_688 : vector<16xi32>
        %add3A_690 = arith.constant 0 : i32
        %add3A_691 = arith.addi %add3A_690, %add3A_685 : i32
        %get3A_692 = arith.index_cast %select_n3A_336 : i32 to index
        %get3A_693 = arith.index_cast %add3A_691 : i32 to index
        %get3A_694 = arith.constant 0 : index
        %get3A_695 = tpu.vector_load %arg6[%get3A_692, %get3A_693, %get3A_694] {strides = array<i32>} : memref<2x256x32xf32, #tpu.memory_space<vmem>>, vector<16xf32>,
        %scatter3A_696 = arith.constant 0 : i32
        %scatter3A_697 = arith.constant 0 : i32
        %scatter3A_698 = tpu.memref_slice %arg7[%mul3A_423, %scatter3A_696, %scatter3A_697] : memref<4x32x129xf32, #tpu.memory_space<vmem>> -> memref<1x32x129xf32, #tpu.memory_space<vmem>>
        %scatter3A_699 = tpu.memref_squeeze %scatter3A_698 : memref<1x32x129xf32, #tpu.memory_space<vmem>> -> memref<32x129xf32, #tpu.memory_space<vmem>>
        tpu.vector_store_idx %scatter3A_699[%add3A_487, %add3A_689], %get3A_695 : memref<32x129xf32, #tpu.memory_space<vmem>>[vector<16xi32>, vector<16xi32>], vector<16xf32>,
        %get3A_700 = arith.index_cast %select_n3A_336 : i32 to index
        %get3A_701 = arith.index_cast %add3A_691 : i32 to index
        %get3A_702 = arith.constant 16 : index
        %get3A_703 = tpu.vector_load %arg6[%get3A_700, %get3A_701, %get3A_702] {strides = array<i32>} : memref<2x256x32xf32, #tpu.memory_space<vmem>>, vector<16xf32>,
        %add3A_704 = arith.constant 1 : i32
        %add3A_705 = arith.addi %mul3A_423, %add3A_704 : i32
        %scatter3A_706 = arith.constant 0 : i32
        %scatter3A_707 = arith.constant 0 : i32
        %scatter3A_708 = tpu.memref_slice %arg7[%add3A_705, %scatter3A_706, %scatter3A_707] : memref<4x32x129xf32, #tpu.memory_space<vmem>> -> memref<1x32x129xf32, #tpu.memory_space<vmem>>
        %scatter3A_709 = tpu.memref_squeeze %scatter3A_708 : memref<1x32x129xf32, #tpu.memory_space<vmem>> -> memref<32x129xf32, #tpu.memory_space<vmem>>
        tpu.vector_store_idx %scatter3A_709[%add3A_487, %add3A_689], %get3A_703 : memref<32x129xf32, #tpu.memory_space<vmem>>[vector<16xi32>, vector<16xi32>], vector<16xf32>,
        %mul3A_710 = arith.constant 4 : i32
        %mul3A_711 = arith.muli %mul3A_710, %scan3A_655 : i32
        %add3A_712 = arith.constant 2 : i32
        %add3A_713 = arith.addi %mul3A_711, %add3A_712 : i32
        %broadcast_in_dim3A_714 = arith.constant 0 : i32
        %broadcast_in_dim3A_715 = vector.broadcast %broadcast_in_dim3A_714 : i32 to vector<16xi32>
        %add3A_716 = vector.broadcast %add3A_713 : i32 to vector<16xi32>
        %add3A_717 = arith.addi %broadcast_in_dim3A_715, %add3A_716 : vector<16xi32>
        %add3A_718 = arith.constant 0 : i32
        %add3A_719 = arith.addi %add3A_718, %add3A_713 : i32
        %get3A_720 = arith.index_cast %select_n3A_336 : i32 to index
        %get3A_721 = arith.index_cast %add3A_719 : i32 to index
        %get3A_722 = arith.constant 0 : index
        %get3A_723 = tpu.vector_load %arg6[%get3A_720, %get3A_721, %get3A_722] {strides = array<i32>} : memref<2x256x32xf32, #tpu.memory_space<vmem>>, vector<16xf32>,
        %scatter3A_724 = arith.constant 0 : i32
        %scatter3A_725 = arith.constant 0 : i32
        %scatter3A_726 = tpu.memref_slice %arg7[%mul3A_423, %scatter3A_724, %scatter3A_725] : memref<4x32x129xf32, #tpu.memory_space<vmem>> -> memref<1x32x129xf32, #tpu.memory_space<vmem>>
        %scatter3A_727 = tpu.memref_squeeze %scatter3A_726 : memref<1x32x129xf32, #tpu.memory_space<vmem>> -> memref<32x129xf32, #tpu.memory_space<vmem>>
        tpu.vector_store_idx %scatter3A_727[%add3A_487, %add3A_717], %get3A_723 : memref<32x129xf32, #tpu.memory_space<vmem>>[vector<16xi32>, vector<16xi32>], vector<16xf32>,
        %get3A_728 = arith.index_cast %select_n3A_336 : i32 to index
        %get3A_729 = arith.index_cast %add3A_719 : i32 to index
        %get3A_730 = arith.constant 16 : index
        %get3A_731 = tpu.vector_load %arg6[%get3A_728, %get3A_729, %get3A_730] {strides = array<i32>} : memref<2x256x32xf32, #tpu.memory_space<vmem>>, vector<16xf32>,
        %add3A_732 = arith.constant 1 : i32
        %add3A_733 = arith.addi %mul3A_423, %add3A_732 : i32
        %scatter3A_734 = arith.constant 0 : i32
        %scatter3A_735 = arith.constant 0 : i32
        %scatter3A_736 = tpu.memref_slice %arg7[%add3A_733, %scatter3A_734, %scatter3A_735] : memref<4x32x129xf32, #tpu.memory_space<vmem>> -> memref<1x32x129xf32, #tpu.memory_space<vmem>>
        %scatter3A_737 = tpu.memref_squeeze %scatter3A_736 : memref<1x32x129xf32, #tpu.memory_space<vmem>> -> memref<32x129xf32, #tpu.memory_space<vmem>>
        tpu.vector_store_idx %scatter3A_737[%add3A_487, %add3A_717], %get3A_731 : memref<32x129xf32, #tpu.memory_space<vmem>>[vector<16xi32>, vector<16xi32>], vector<16xf32>,
        %mul3A_738 = arith.constant 4 : i32
        %mul3A_739 = arith.muli %mul3A_738, %scan3A_655 : i32
        %add3A_740 = arith.constant 3 : i32
        %add3A_741 = arith.addi %mul3A_739, %add3A_740 : i32
        %broadcast_in_dim3A_742 = arith.constant 0 : i32
        %broadcast_in_dim3A_743 = vector.broadcast %broadcast_in_dim3A_742 : i32 to vector<16xi32>
        %add3A_744 = vector.broadcast %add3A_741 : i32 to vector<16xi32>
        %add3A_745 = arith.addi %broadcast_in_dim3A_743, %add3A_744 : vector<16xi32>
        %add3A_746 = arith.constant 0 : i32
        %add3A_747 = arith.addi %add3A_746, %add3A_741 : i32
        %get3A_748 = arith.index_cast %select_n3A_336 : i32 to index
        %get3A_749 = arith.index_cast %add3A_747 : i32 to index
        %get3A_750 = arith.constant 0 : index
        %get3A_751 = tpu.vector_load %arg6[%get3A_748, %get3A_749, %get3A_750] {strides = array<i32>} : memref<2x256x32xf32, #tpu.memory_space<vmem>>, vector<16xf32>,
        %scatter3A_752 = arith.constant 0 : i32
        %scatter3A_753 = arith.constant 0 : i32
        %scatter3A_754 = tpu.memref_slice %arg7[%mul3A_423, %scatter3A_752, %scatter3A_753] : memref<4x32x129xf32, #tpu.memory_space<vmem>> -> memref<1x32x129xf32, #tpu.memory_space<vmem>>
        %scatter3A_755 = tpu.memref_squeeze %scatter3A_754 : memref<1x32x129xf32, #tpu.memory_space<vmem>> -> memref<32x129xf32, #tpu.memory_space<vmem>>
        tpu.vector_store_idx %scatter3A_755[%add3A_487, %add3A_745], %get3A_751 : memref<32x129xf32, #tpu.memory_space<vmem>>[vector<16xi32>, vector<16xi32>], vector<16xf32>,
        %get3A_756 = arith.index_cast %select_n3A_336 : i32 to index
        %get3A_757 = arith.index_cast %add3A_747 : i32 to index
        %get3A_758 = arith.constant 16 : index
        %get3A_759 = tpu.vector_load %arg6[%get3A_756, %get3A_757, %get3A_758] {strides = array<i32>} : memref<2x256x32xf32, #tpu.memory_space<vmem>>, vector<16xf32>,
        %add3A_760 = arith.constant 1 : i32
        %add3A_761 = arith.addi %mul3A_423, %add3A_760 : i32
        %scatter3A_762 = arith.constant 0 : i32
        %scatter3A_763 = arith.constant 0 : i32
        %scatter3A_764 = tpu.memref_slice %arg7[%add3A_761, %scatter3A_762, %scatter3A_763] : memref<4x32x129xf32, #tpu.memory_space<vmem>> -> memref<1x32x129xf32, #tpu.memory_space<vmem>>
        %scatter3A_765 = tpu.memref_squeeze %scatter3A_764 : memref<1x32x129xf32, #tpu.memory_space<vmem>> -> memref<32x129xf32, #tpu.memory_space<vmem>>
        tpu.vector_store_idx %scatter3A_765[%add3A_487, %add3A_745], %get3A_759 : memref<32x129xf32, #tpu.memory_space<vmem>>[vector<16xi32>, vector<16xi32>], vector<16xf32>,
        %scan3A_766 = arith.constant 0 : i32
        scf.yield %scan3A_766 : i32
      }
      %scan3A_494 = arith.constant 32 : i32
      %jit3A_495 = arith.constant 8 : i32
      %div3A_496 = vector.broadcast %jit3A_495 : i32 to vector<16xi32>
      %div3A_497 = arith.divsi %iota3A, %div3A_496 : vector<16xi32>
      %sign3A_498 = arith.constant 0 : i32
      %sign3A_499 = vector.broadcast %sign3A_498 : i32 to vector<16xi32>
      %sign3A_500 = arith.cmpi sgt, %iota3A, %sign3A_499 : vector<16xi32>
      %sign3A_501 = arith.extui %sign3A_500 : vector<16xi1> to vector<16xi32>
      %sign3A_502 = arith.constant 0 : i32
      %sign3A_503 = vector.broadcast %sign3A_502 : i32 to vector<16xi32>
      %sign3A_504 = arith.cmpi slt, %iota3A, %sign3A_503 : vector<16xi32>
      %sign3A_505 = arith.extui %sign3A_504 : vector<16xi1> to vector<16xi32>
      %sign3A_506 = arith.subi %sign3A_501, %sign3A_505 : vector<16xi32>
      %sign3A_507 = arith.constant 0 : i32
      %sign3A_508 = arith.cmpi sgt, %jit3A_495, %sign3A_507 : i32
      %sign3A_509 = arith.extui %sign3A_508 : i1 to i32
      %sign3A_510 = arith.constant 0 : i32
      %sign3A_511 = arith.cmpi slt, %jit3A_495, %sign3A_510 : i32
      %sign3A_512 = arith.extui %sign3A_511 : i1 to i32
      %sign3A_513 = arith.subi %sign3A_509, %sign3A_512 : i32
      %ne3A_514 = vector.broadcast %sign3A_513 : i32 to vector<16xi32>
      %ne3A_515 = arith.cmpi ne, %sign3A_506, %ne3A_514 : vector<16xi32>
      %rem3A_516 = vector.broadcast %jit3A_495 : i32 to vector<16xi32>
      %rem3A_517 = arith.remsi %iota3A, %rem3A_516 : vector<16xi32>
      %ne3A_518 = arith.constant 0 : i32
      %ne3A_519 = vector.broadcast %ne3A_518 : i32 to vector<16xi32>
      %ne3A_520 = arith.cmpi ne, %rem3A_517, %ne3A_519 : vector<16xi32>
      %and3A_521 = arith.andi %ne3A_515, %ne3A_520 : vector<16xi1>
      %sub3A_522 = arith.constant 1 : i32
      %sub3A_523 = vector.broadcast %sub3A_522 : i32 to vector<16xi32>
      %sub3A_524 = arith.subi %div3A_497, %sub3A_523 : vector<16xi32>
      %select_n3A_525 = arith.select %and3A_521, %sub3A_524, %div3A_497 : vector<16xi1>, vector<16xi32>
      %mul3A_526 = arith.constant 16 : i32
      %mul3A_527 = vector.broadcast %mul3A_526 : i32 to vector<16xi32>
      %mul3A_528 = arith.muli %select_n3A_525, %mul3A_527 : vector<16xi32>
      %jit3A_529 = arith.constant 8 : i32
      %eq3A_530 = arith.constant 0 : i32
      %eq3A_531 = arith.cmpi eq, %jit3A_529, %eq3A_530 : i32
      %jit3A_532 = arith.constant 1 : i32
      %select_n3A_533 = arith.select %eq3A_531, %jit3A_532, %jit3A_529 : i32
      %rem3A_534 = vector.broadcast %select_n3A_533 : i32 to vector<16xi32>
      %rem3A_535 = arith.remsi %iota3A, %rem3A_534 : vector<16xi32>
      %ne3A_536 = arith.constant 0 : i32
      %ne3A_537 = vector.broadcast %ne3A_536 : i32 to vector<16xi32>
      %ne3A_538 = arith.cmpi ne, %rem3A_535, %ne3A_537 : vector<16xi32>
      %lt3A_539 = arith.constant 0 : i32
      %lt3A_540 = vector.broadcast %lt3A_539 : i32 to vector<16xi32>
      %lt3A_541 = arith.cmpi slt, %rem3A_535, %lt3A_540 : vector<16xi32>
      %lt3A_542 = arith.constant 0 : i32
      %lt3A_543 = arith.cmpi slt, %select_n3A_533, %lt3A_542 : i32
      %ne3A_544 = vector.broadcast %lt3A_543 : i1 to vector<16xi1>
      %ne3A_545 = vector.broadcast %ne3A_544 : vector<16xi1> to vector<16xi1>
      %ne3A_546 = arith.xori %lt3A_541, %ne3A_545 : vector<16xi1>
      %and3A_547 = arith.andi %ne3A_546, %ne3A_538 : vector<16xi1>
      %add3A_548 = vector.broadcast %select_n3A_533 : i32 to vector<16xi32>
      %add3A_549 = arith.addi %rem3A_535, %add3A_548 : vector<16xi32>
      %select_n3A_550 = arith.select %and3A_547, %add3A_549, %rem3A_535 : vector<16xi1>, vector<16xi32>
      %add3A_551 = arith.constant 8 : i32
      %add3A_552 = vector.broadcast %add3A_551 : i32 to vector<16xi32>
      %add3A_553 = arith.addi %add3A_552, %select_n3A_550 : vector<16xi32>
      %add3A_554 = arith.addi %mul3A_528, %add3A_553 : vector<16xi32>
      %scan3A_555 = arith.constant 0 : i32
      %scan3A_556 = arith.constant 0 : i32
      %scan3A_557 = arith.constant 32 : i32
      %scan3A_558 = arith.addi %scan3A_556, %scan3A_557 : i32
      %scan3A_559 = arith.constant 1 : i32
      %scan3A_560 = scf.for %scan3A_655 = %scan3A_556 to %scan3A_558 step %scan3A_559 iter_args(%scan3A_656 = %scan3A_555) -> (i32)  : i32 {
        %mul3A_657 = arith.constant 4 : i32
        %mul3A_658 = arith.muli %mul3A_657, %scan3A_655 : i32
        %add3A_659 = arith.constant 0 : i32
        %add3A_660 = arith.addi %mul3A_658, %add3A_659 : i32
        %broadcast_in_dim3A = arith.constant 0 : i32
        %broadcast_in_dim3A_661 = vector.broadcast %broadcast_in_dim3A : i32 to vector<16xi32>
        %add3A_662 = vector.broadcast %add3A_660 : i32 to vector<16xi32>
        %add3A_663 = arith.addi %broadcast_in_dim3A_661, %add3A_662 : vector<16xi32>
        %add3A_664 = arith.constant 128 : i32
        %add3A_665 = arith.addi %add3A_664, %add3A_660 : i32
        %get3A = arith.index_cast %select_n3A_336 : i32 to index
        %get3A_666 = arith.index_cast %add3A_665 : i32 to index
        %get3A_667 = arith.constant 0 : index
        %get3A_668 = tpu.vector_load %arg6[%get3A, %get3A_666, %get3A_667] {strides = array<i32>} : memref<2x256x32xf32, #tpu.memory_space<vmem>>, vector<16xf32>,
        %scatter3A = arith.constant 0 : i32
        %scatter3A_669 = arith.constant 0 : i32
        %scatter3A_670 = tpu.memref_slice %arg7[%mul3A_423, %scatter3A, %scatter3A_669] : memref<4x32x129xf32, #tpu.memory_space<vmem>> -> memref<1x32x129xf32, #tpu.memory_space<vmem>>
        %scatter3A_671 = tpu.memref_squeeze %scatter3A_670 : memref<1x32x129xf32, #tpu.memory_space<vmem>> -> memref<32x129xf32, #tpu.memory_space<vmem>>
        tpu.vector_store_idx %scatter3A_671[%add3A_554, %add3A_663], %get3A_668 : memref<32x129xf32, #tpu.memory_space<vmem>>[vector<16xi32>, vector<16xi32>], vector<16xf32>,
        %get3A_672 = arith.index_cast %select_n3A_336 : i32 to index
        %get3A_673 = arith.index_cast %add3A_665 : i32 to index
        %get3A_674 = arith.constant 16 : index
        %get3A_675 = tpu.vector_load %arg6[%get3A_672, %get3A_673, %get3A_674] {strides = array<i32>} : memref<2x256x32xf32, #tpu.memory_space<vmem>>, vector<16xf32>,
        %add3A_676 = arith.constant 1 : i32
        %add3A_677 = arith.addi %mul3A_423, %add3A_676 : i32
        %scatter3A_678 = arith.constant 0 : i32
        %scatter3A_679 = arith.constant 0 : i32
        %scatter3A_680 = tpu.memref_slice %arg7[%add3A_677, %scatter3A_678, %scatter3A_679] : memref<4x32x129xf32, #tpu.memory_space<vmem>> -> memref<1x32x129xf32, #tpu.memory_space<vmem>>
        %scatter3A_681 = tpu.memref_squeeze %scatter3A_680 : memref<1x32x129xf32, #tpu.memory_space<vmem>> -> memref<32x129xf32, #tpu.memory_space<vmem>>
        tpu.vector_store_idx %scatter3A_681[%add3A_554, %add3A_663], %get3A_675 : memref<32x129xf32, #tpu.memory_space<vmem>>[vector<16xi32>, vector<16xi32>], vector<16xf32>,
        %mul3A_682 = arith.constant 4 : i32
        %mul3A_683 = arith.muli %mul3A_682, %scan3A_655 : i32
        %add3A_684 = arith.constant 1 : i32
        %add3A_685 = arith.addi %mul3A_683, %add3A_684 : i32
        %broadcast_in_dim3A_686 = arith.constant 0 : i32
        %broadcast_in_dim3A_687 = vector.broadcast %broadcast_in_dim3A_686 : i32 to vector<16xi32>
        %add3A_688 = vector.broadcast %add3A_685 : i32 to vector<16xi32>
        %add3A_689 = arith.addi %broadcast_in_dim3A_687, %add3A_688 : vector<16xi32>
        %add3A_690 = arith.constant 128 : i32
        %add3A_691 = arith.addi %add3A_690, %add3A_685 : i32
        %get3A_692 = arith.index_cast %select_n3A_336 : i32 to index
        %get3A_693 = arith.index_cast %add3A_691 : i32 to index
        %get3A_694 = arith.constant 0 : index
        %get3A_695 = tpu.vector_load %arg6[%get3A_692, %get3A_693, %get3A_694] {strides = array<i32>} : memref<2x256x32xf32, #tpu.memory_space<vmem>>, vector<16xf32>,
        %scatter3A_696 = arith.constant 0 : i32
        %scatter3A_697 = arith.constant 0 : i32
        %scatter3A_698 = tpu.memref_slice %arg7[%mul3A_423, %scatter3A_696, %scatter3A_697] : memref<4x32x129xf32, #tpu.memory_space<vmem>> -> memref<1x32x129xf32, #tpu.memory_space<vmem>>
        %scatter3A_699 = tpu.memref_squeeze %scatter3A_698 : memref<1x32x129xf32, #tpu.memory_space<vmem>> -> memref<32x129xf32, #tpu.memory_space<vmem>>
        tpu.vector_store_idx %scatter3A_699[%add3A_554, %add3A_689], %get3A_695 : memref<32x129xf32, #tpu.memory_space<vmem>>[vector<16xi32>, vector<16xi32>], vector<16xf32>,
        %get3A_700 = arith.index_cast %select_n3A_336 : i32 to index
        %get3A_701 = arith.index_cast %add3A_691 : i32 to index
        %get3A_702 = arith.constant 16 : index
        %get3A_703 = tpu.vector_load %arg6[%get3A_700, %get3A_701, %get3A_702] {strides = array<i32>} : memref<2x256x32xf32, #tpu.memory_space<vmem>>, vector<16xf32>,
        %add3A_704 = arith.constant 1 : i32
        %add3A_705 = arith.addi %mul3A_423, %add3A_704 : i32
        %scatter3A_706 = arith.constant 0 : i32
        %scatter3A_707 = arith.constant 0 : i32
        %scatter3A_708 = tpu.memref_slice %arg7[%add3A_705, %scatter3A_706, %scatter3A_707] : memref<4x32x129xf32, #tpu.memory_space<vmem>> -> memref<1x32x129xf32, #tpu.memory_space<vmem>>
        %scatter3A_709 = tpu.memref_squeeze %scatter3A_708 : memref<1x32x129xf32, #tpu.memory_space<vmem>> -> memref<32x129xf32, #tpu.memory_space<vmem>>
        tpu.vector_store_idx %scatter3A_709[%add3A_554, %add3A_689], %get3A_703 : memref<32x129xf32, #tpu.memory_space<vmem>>[vector<16xi32>, vector<16xi32>], vector<16xf32>,
        %mul3A_710 = arith.constant 4 : i32
        %mul3A_711 = arith.muli %mul3A_710, %scan3A_655 : i32
        %add3A_712 = arith.constant 2 : i32
        %add3A_713 = arith.addi %mul3A_711, %add3A_712 : i32
        %broadcast_in_dim3A_714 = arith.constant 0 : i32
        %broadcast_in_dim3A_715 = vector.broadcast %broadcast_in_dim3A_714 : i32 to vector<16xi32>
        %add3A_716 = vector.broadcast %add3A_713 : i32 to vector<16xi32>
        %add3A_717 = arith.addi %broadcast_in_dim3A_715, %add3A_716 : vector<16xi32>
        %add3A_718 = arith.constant 128 : i32
        %add3A_719 = arith.addi %add3A_718, %add3A_713 : i32
        %get3A_720 = arith.index_cast %select_n3A_336 : i32 to index
        %get3A_721 = arith.index_cast %add3A_719 : i32 to index
        %get3A_722 = arith.constant 0 : index
        %get3A_723 = tpu.vector_load %arg6[%get3A_720, %get3A_721, %get3A_722] {strides = array<i32>} : memref<2x256x32xf32, #tpu.memory_space<vmem>>, vector<16xf32>,
        %scatter3A_724 = arith.constant 0 : i32
        %scatter3A_725 = arith.constant 0 : i32
        %scatter3A_726 = tpu.memref_slice %arg7[%mul3A_423, %scatter3A_724, %scatter3A_725] : memref<4x32x129xf32, #tpu.memory_space<vmem>> -> memref<1x32x129xf32, #tpu.memory_space<vmem>>
        %scatter3A_727 = tpu.memref_squeeze %scatter3A_726 : memref<1x32x129xf32, #tpu.memory_space<vmem>> -> memref<32x129xf32, #tpu.memory_space<vmem>>
        tpu.vector_store_idx %scatter3A_727[%add3A_554, %add3A_717], %get3A_723 : memref<32x129xf32, #tpu.memory_space<vmem>>[vector<16xi32>, vector<16xi32>], vector<16xf32>,
        %get3A_728 = arith.index_cast %select_n3A_336 : i32 to index
        %get3A_729 = arith.index_cast %add3A_719 : i32 to index
        %get3A_730 = arith.constant 16 : index
        %get3A_731 = tpu.vector_load %arg6[%get3A_728, %get3A_729, %get3A_730] {strides = array<i32>} : memref<2x256x32xf32, #tpu.memory_space<vmem>>, vector<16xf32>,
        %add3A_732 = arith.constant 1 : i32
        %add3A_733 = arith.addi %mul3A_423, %add3A_732 : i32
        %scatter3A_734 = arith.constant 0 : i32
        %scatter3A_735 = arith.constant 0 : i32
        %scatter3A_736 = tpu.memref_slice %arg7[%add3A_733, %scatter3A_734, %scatter3A_735] : memref<4x32x129xf32, #tpu.memory_space<vmem>> -> memref<1x32x129xf32, #tpu.memory_space<vmem>>
        %scatter3A_737 = tpu.memref_squeeze %scatter3A_736 : memref<1x32x129xf32, #tpu.memory_space<vmem>> -> memref<32x129xf32, #tpu.memory_space<vmem>>
        tpu.vector_store_idx %scatter3A_737[%add3A_554, %add3A_717], %get3A_731 : memref<32x129xf32, #tpu.memory_space<vmem>>[vector<16xi32>, vector<16xi32>], vector<16xf32>,
        %mul3A_738 = arith.constant 4 : i32
        %mul3A_739 = arith.muli %mul3A_738, %scan3A_655 : i32
        %add3A_740 = arith.constant 3 : i32
        %add3A_741 = arith.addi %mul3A_739, %add3A_740 : i32
        %broadcast_in_dim3A_742 = arith.constant 0 : i32
        %broadcast_in_dim3A_743 = vector.broadcast %broadcast_in_dim3A_742 : i32 to vector<16xi32>
        %add3A_744 = vector.broadcast %add3A_741 : i32 to vector<16xi32>
        %add3A_745 = arith.addi %broadcast_in_dim3A_743, %add3A_744 : vector<16xi32>
        %add3A_746 = arith.constant 128 : i32
        %add3A_747 = arith.addi %add3A_746, %add3A_741 : i32
        %get3A_748 = arith.index_cast %select_n3A_336 : i32 to index
        %get3A_749 = arith.index_cast %add3A_747 : i32 to index
        %get3A_750 = arith.constant 0 : index
        %get3A_751 = tpu.vector_load %arg6[%get3A_748, %get3A_749, %get3A_750] {strides = array<i32>} : memref<2x256x32xf32, #tpu.memory_space<vmem>>, vector<16xf32>,
        %scatter3A_752 = arith.constant 0 : i32
        %scatter3A_753 = arith.constant 0 : i32
        %scatter3A_754 = tpu.memref_slice %arg7[%mul3A_423, %scatter3A_752, %scatter3A_753] : memref<4x32x129xf32, #tpu.memory_space<vmem>> -> memref<1x32x129xf32, #tpu.memory_space<vmem>>
        %scatter3A_755 = tpu.memref_squeeze %scatter3A_754 : memref<1x32x129xf32, #tpu.memory_space<vmem>> -> memref<32x129xf32, #tpu.memory_space<vmem>>
        tpu.vector_store_idx %scatter3A_755[%add3A_554, %add3A_745], %get3A_751 : memref<32x129xf32, #tpu.memory_space<vmem>>[vector<16xi32>, vector<16xi32>], vector<16xf32>,
        %get3A_756 = arith.index_cast %select_n3A_336 : i32 to index
        %get3A_757 = arith.index_cast %add3A_747 : i32 to index
        %get3A_758 = arith.constant 16 : index
        %get3A_759 = tpu.vector_load %arg6[%get3A_756, %get3A_757, %get3A_758] {strides = array<i32>} : memref<2x256x32xf32, #tpu.memory_space<vmem>>, vector<16xf32>,
        %add3A_760 = arith.constant 1 : i32
        %add3A_761 = arith.addi %mul3A_423, %add3A_760 : i32
        %scatter3A_762 = arith.constant 0 : i32
        %scatter3A_763 = arith.constant 0 : i32
        %scatter3A_764 = tpu.memref_slice %arg7[%add3A_761, %scatter3A_762, %scatter3A_763] : memref<4x32x129xf32, #tpu.memory_space<vmem>> -> memref<1x32x129xf32, #tpu.memory_space<vmem>>
        %scatter3A_765 = tpu.memref_squeeze %scatter3A_764 : memref<1x32x129xf32, #tpu.memory_space<vmem>> -> memref<32x129xf32, #tpu.memory_space<vmem>>
        tpu.vector_store_idx %scatter3A_765[%add3A_554, %add3A_745], %get3A_759 : memref<32x129xf32, #tpu.memory_space<vmem>>[vector<16xi32>, vector<16xi32>], vector<16xf32>,
        %scan3A_766 = arith.constant 0 : i32
        scf.yield %scan3A_766 : i32
      }
      %scan3A_561 = arith.constant 32 : i32
      %add3A_562 = arith.constant 0 : i32
      %add3A_563 = arith.addi %mul3A_423, %add3A_562 : i32
      %mul3A_564 = arith.constant 16 : i32
      %mul3A_565 = arith.muli %select_n3A_377, %mul3A_564 : i32
      %add3A_566 = arith.constant 0 : i32
      %add3A_567 = arith.addi %mul3A_423, %add3A_566 : i32
      %dma_start3A_568 = arith.constant 0 : i32
      %dma_start3A_569 = arith.constant 0 : i32
      %dma_start3A_570 = arith.constant 0 : i32
      %dma_start3A_571 = tpu.memref_slice %arg7[%add3A_563, %dma_start3A_569, %dma_start3A_570] : memref<4x32x129xf32, #tpu.memory_space<vmem>> -> memref<1x16x128xf32, #tpu.memory_space<vmem>>
      %dma_start3A_572 = tpu.memref_squeeze %dma_start3A_571 : memref<1x16x128xf32, #tpu.memory_space<vmem>> -> memref<16x128xf32, #tpu.memory_space<vmem>>
      %dma_start3A_573 = arith.constant 0 : i32
      %dma_start3A_574 = tpu.memref_slice %arg4[%select_n3A_361, %dma_start3A_568, %mul3A_565, %dma_start3A_573] : memref<1000x4x64x128xf32, #tpu.memory_space<hbm>> -> memref<1x1x16x128xf32, #tpu.memory_space<hbm>>
      %dma_start3A_575 = tpu.memref_squeeze %dma_start3A_574 : memref<1x1x16x128xf32, #tpu.memory_space<hbm>> -> memref<16x128xf32, #tpu.memory_space<hbm>>
      %dma_start3A_576 = tpu.memref_slice %arg10[%add3A_567] : memref<4x!tpu.dma_semaphore, #tpu.memory_space<semaphore_mem>> -> memref<1x!tpu.dma_semaphore, #tpu.memory_space<semaphore_mem>>
      %dma_start3A_577 = tpu.memref_squeeze %dma_start3A_576 : memref<1x!tpu.dma_semaphore, #tpu.memory_space<semaphore_mem>> -> memref<!tpu.dma_semaphore, #tpu.memory_space<semaphore_mem>>
      %dma_start3A_578 = arith.constant 0 : i32
      %dma_start3A_579 = tpu.memref_slice %arg4[%select_n3A_361, %dma_start3A_568, %mul3A_565, %dma_start3A_578] : memref<1000x4x64x128xf32, #tpu.memory_space<hbm>> -> memref<1x1x16x128xf32, #tpu.memory_space<hbm>>
      %dma_start3A_580 = tpu.memref_squeeze %dma_start3A_579 : memref<1x1x16x128xf32, #tpu.memory_space<hbm>> -> memref<16x128xf32, #tpu.memory_space<hbm>>
      %dma_start3A_581 = arith.constant 0 : i32
      %dma_start3A_582 = arith.constant 0 : i32
      %dma_start3A_583 = tpu.memref_slice %arg7[%add3A_563, %dma_start3A_581, %dma_start3A_582] : memref<4x32x129xf32, #tpu.memory_space<vmem>> -> memref<1x16x128xf32, #tpu.memory_space<vmem>>
      %dma_start3A_584 = tpu.memref_squeeze %dma_start3A_583 : memref<1x16x128xf32, #tpu.memory_space<vmem>> -> memref<16x128xf32, #tpu.memory_space<vmem>>
      tpu.enqueue_dma source(%dma_start3A_584 : memref<16x128xf32, #tpu.memory_space<vmem>>) target(%dma_start3A_580 : memref<16x128xf32, #tpu.memory_space<hbm>>) target_semaphore(%dma_start3A_577 : memref<!tpu.dma_semaphore, #tpu.memory_space<semaphore_mem>>)
      %add3A_585 = arith.constant 0 : i32
      %add3A_586 = arith.addi %mul3A_423, %add3A_585 : i32
      %mul3A_587 = arith.constant 16 : i32
      %mul3A_588 = arith.muli %select_n3A_377, %mul3A_587 : i32
      %add3A_589 = arith.constant 0 : i32
      %add3A_590 = arith.addi %mul3A_423, %add3A_589 : i32
      %dma_start3A_591 = arith.constant 1 : i32
      %dma_start3A_592 = arith.constant 16 : i32
      %dma_start3A_593 = arith.constant 0 : i32
      %dma_start3A_594 = tpu.memref_slice %arg7[%add3A_586, %dma_start3A_592, %dma_start3A_593] : memref<4x32x129xf32, #tpu.memory_space<vmem>> -> memref<1x16x128xf32, #tpu.memory_space<vmem>>
      %dma_start3A_595 = tpu.memref_squeeze %dma_start3A_594 : memref<1x16x128xf32, #tpu.memory_space<vmem>> -> memref<16x128xf32, #tpu.memory_space<vmem>>
      %dma_start3A_596 = arith.constant 0 : i32
      %dma_start3A_597 = tpu.memref_slice %arg4[%select_n3A_361, %dma_start3A_591, %mul3A_588, %dma_start3A_596] : memref<1000x4x64x128xf32, #tpu.memory_space<hbm>> -> memref<1x1x16x128xf32, #tpu.memory_space<hbm>>
      %dma_start3A_598 = tpu.memref_squeeze %dma_start3A_597 : memref<1x1x16x128xf32, #tpu.memory_space<hbm>> -> memref<16x128xf32, #tpu.memory_space<hbm>>
      %dma_start3A_599 = tpu.memref_slice %arg10[%add3A_590] : memref<4x!tpu.dma_semaphore, #tpu.memory_space<semaphore_mem>> -> memref<1x!tpu.dma_semaphore, #tpu.memory_space<semaphore_mem>>
      %dma_start3A_600 = tpu.memref_squeeze %dma_start3A_599 : memref<1x!tpu.dma_semaphore, #tpu.memory_space<semaphore_mem>> -> memref<!tpu.dma_semaphore, #tpu.memory_space<semaphore_mem>>
      %dma_start3A_601 = arith.constant 0 : i32
      %dma_start3A_602 = tpu.memref_slice %arg4[%select_n3A_361, %dma_start3A_591, %mul3A_588, %dma_start3A_601] : memref<1000x4x64x128xf32, #tpu.memory_space<hbm>> -> memref<1x1x16x128xf32, #tpu.memory_space<hbm>>
      %dma_start3A_603 = tpu.memref_squeeze %dma_start3A_602 : memref<1x1x16x128xf32, #tpu.memory_space<hbm>> -> memref<16x128xf32, #tpu.memory_space<hbm>>
      %dma_start3A_604 = arith.constant 16 : i32
      %dma_start3A_605 = arith.constant 0 : i32
      %dma_start3A_606 = tpu.memref_slice %arg7[%add3A_586, %dma_start3A_604, %dma_start3A_605] : memref<4x32x129xf32, #tpu.memory_space<vmem>> -> memref<1x16x128xf32, #tpu.memory_space<vmem>>
      %dma_start3A_607 = tpu.memref_squeeze %dma_start3A_606 : memref<1x16x128xf32, #tpu.memory_space<vmem>> -> memref<16x128xf32, #tpu.memory_space<vmem>>
      tpu.enqueue_dma source(%dma_start3A_607 : memref<16x128xf32, #tpu.memory_space<vmem>>) target(%dma_start3A_603 : memref<16x128xf32, #tpu.memory_space<hbm>>) target_semaphore(%dma_start3A_600 : memref<!tpu.dma_semaphore, #tpu.memory_space<semaphore_mem>>)
      %add3A_608 = arith.constant 1 : i32
      %add3A_609 = arith.addi %mul3A_423, %add3A_608 : i32
      %mul3A_610 = arith.constant 16 : i32
      %mul3A_611 = arith.muli %select_n3A_377, %mul3A_610 : i32
      %add3A_612 = arith.constant 1 : i32
      %add3A_613 = arith.addi %mul3A_423, %add3A_612 : i32
      %dma_start3A_614 = arith.constant 2 : i32
      %dma_start3A_615 = arith.constant 0 : i32
      %dma_start3A_616 = arith.constant 0 : i32
      %dma_start3A_617 = tpu.memref_slice %arg7[%add3A_609, %dma_start3A_615, %dma_start3A_616] : memref<4x32x129xf32, #tpu.memory_space<vmem>> -> memref<1x16x128xf32, #tpu.memory_space<vmem>>
      %dma_start3A_618 = tpu.memref_squeeze %dma_start3A_617 : memref<1x16x128xf32, #tpu.memory_space<vmem>> -> memref<16x128xf32, #tpu.memory_space<vmem>>
      %dma_start3A_619 = arith.constant 0 : i32
      %dma_start3A_620 = tpu.memref_slice %arg4[%select_n3A_361, %dma_start3A_614, %mul3A_611, %dma_start3A_619] : memref<1000x4x64x128xf32, #tpu.memory_space<hbm>> -> memref<1x1x16x128xf32, #tpu.memory_space<hbm>>
      %dma_start3A_621 = tpu.memref_squeeze %dma_start3A_620 : memref<1x1x16x128xf32, #tpu.memory_space<hbm>> -> memref<16x128xf32, #tpu.memory_space<hbm>>
      %dma_start3A_622 = tpu.memref_slice %arg10[%add3A_613] : memref<4x!tpu.dma_semaphore, #tpu.memory_space<semaphore_mem>> -> memref<1x!tpu.dma_semaphore, #tpu.memory_space<semaphore_mem>>
      %dma_start3A_623 = tpu.memref_squeeze %dma_start3A_622 : memref<1x!tpu.dma_semaphore, #tpu.memory_space<semaphore_mem>> -> memref<!tpu.dma_semaphore, #tpu.memory_space<semaphore_mem>>
      %dma_start3A_624 = arith.constant 0 : i32
      %dma_start3A_625 = tpu.memref_slice %arg4[%select_n3A_361, %dma_start3A_614, %mul3A_611, %dma_start3A_624] : memref<1000x4x64x128xf32, #tpu.memory_space<hbm>> -> memref<1x1x16x128xf32, #tpu.memory_space<hbm>>
      %dma_start3A_626 = tpu.memref_squeeze %dma_start3A_625 : memref<1x1x16x128xf32, #tpu.memory_space<hbm>> -> memref<16x128xf32, #tpu.memory_space<hbm>>
      %dma_start3A_627 = arith.constant 0 : i32
      %dma_start3A_628 = arith.constant 0 : i32
      %dma_start3A_629 = tpu.memref_slice %arg7[%add3A_609, %dma_start3A_627, %dma_start3A_628] : memref<4x32x129xf32, #tpu.memory_space<vmem>> -> memref<1x16x128xf32, #tpu.memory_space<vmem>>
      %dma_start3A_630 = tpu.memref_squeeze %dma_start3A_629 : memref<1x16x128xf32, #tpu.memory_space<vmem>> -> memref<16x128xf32, #tpu.memory_space<vmem>>
      tpu.enqueue_dma source(%dma_start3A_630 : memref<16x128xf32, #tpu.memory_space<vmem>>) target(%dma_start3A_626 : memref<16x128xf32, #tpu.memory_space<hbm>>) target_semaphore(%dma_start3A_623 : memref<!tpu.dma_semaphore, #tpu.memory_space<semaphore_mem>>)
      %add3A_631 = arith.constant 1 : i32
      %add3A_632 = arith.addi %mul3A_423, %add3A_631 : i32
      %mul3A_633 = arith.constant 16 : i32
      %mul3A_634 = arith.muli %select_n3A_377, %mul3A_633 : i32
      %add3A_635 = arith.constant 1 : i32
      %add3A_636 = arith.addi %mul3A_423, %add3A_635 : i32
      %dma_start3A_637 = arith.constant 3 : i32
      %dma_start3A_638 = arith.constant 16 : i32
      %dma_start3A_639 = arith.constant 0 : i32
      %dma_start3A_640 = tpu.memref_slice %arg7[%add3A_632, %dma_start3A_638, %dma_start3A_639] : memref<4x32x129xf32, #tpu.memory_space<vmem>> -> memref<1x16x128xf32, #tpu.memory_space<vmem>>
      %dma_start3A_641 = tpu.memref_squeeze %dma_start3A_640 : memref<1x16x128xf32, #tpu.memory_space<vmem>> -> memref<16x128xf32, #tpu.memory_space<vmem>>
      %dma_start3A_642 = arith.constant 0 : i32
      %dma_start3A_643 = tpu.memref_slice %arg4[%select_n3A_361, %dma_start3A_637, %mul3A_634, %dma_start3A_642] : memref<1000x4x64x128xf32, #tpu.memory_space<hbm>> -> memref<1x1x16x128xf32, #tpu.memory_space<hbm>>
      %dma_start3A_644 = tpu.memref_squeeze %dma_start3A_643 : memref<1x1x16x128xf32, #tpu.memory_space<hbm>> -> memref<16x128xf32, #tpu.memory_space<hbm>>
      %dma_start3A_645 = tpu.memref_slice %arg10[%add3A_636] : memref<4x!tpu.dma_semaphore, #tpu.memory_space<semaphore_mem>> -> memref<1x!tpu.dma_semaphore, #tpu.memory_space<semaphore_mem>>
      %dma_start3A_646 = tpu.memref_squeeze %dma_start3A_645 : memref<1x!tpu.dma_semaphore, #tpu.memory_space<semaphore_mem>> -> memref<!tpu.dma_semaphore, #tpu.memory_space<semaphore_mem>>
      %dma_start3A_647 = arith.constant 0 : i32
      %dma_start3A_648 = tpu.memref_slice %arg4[%select_n3A_361, %dma_start3A_637, %mul3A_634, %dma_start3A_647] : memref<1000x4x64x128xf32, #tpu.memory_space<hbm>> -> memref<1x1x16x128xf32, #tpu.memory_space<hbm>>
      %dma_start3A_649 = tpu.memref_squeeze %dma_start3A_648 : memref<1x1x16x128xf32, #tpu.memory_space<hbm>> -> memref<16x128xf32, #tpu.memory_space<hbm>>
      %dma_start3A_650 = arith.constant 16 : i32
      %dma_start3A_651 = arith.constant 0 : i32
      %dma_start3A_652 = tpu.memref_slice %arg7[%add3A_632, %dma_start3A_650, %dma_start3A_651] : memref<4x32x129xf32, #tpu.memory_space<vmem>> -> memref<1x16x128xf32, #tpu.memory_space<vmem>>
      %dma_start3A_653 = tpu.memref_squeeze %dma_start3A_652 : memref<1x16x128xf32, #tpu.memory_space<vmem>> -> memref<16x128xf32, #tpu.memory_space<vmem>>
      tpu.enqueue_dma source(%dma_start3A_653 : memref<16x128xf32, #tpu.memory_space<vmem>>) target(%dma_start3A_649 : memref<16x128xf32, #tpu.memory_space<hbm>>) target_semaphore(%dma_start3A_646 : memref<!tpu.dma_semaphore, #tpu.memory_space<semaphore_mem>>)
      %scan3A_654 = arith.constant 0 : i32
      scf.yield %scan3A_654 : i32
    }
    %scan3A_142 = arith.constant 125 : i32
    %dma_wait3A_143 = arith.constant 0 : i32
    %dma_wait3A_144 = arith.constant 0 : i32
    %dma_wait3A_145 = arith.constant 0 : i32
    %dma_wait3A_146 = arith.constant 0 : i32
    %dma_wait3A_147 = arith.constant 0 : i32
    %dma_wait3A_148 = arith.constant 0 : i32
    %dma_wait3A_149 = tpu.memref_slice %arg7[%dma_wait3A_143, %dma_wait3A_147, %dma_wait3A_148] : memref<4x32x129xf32, #tpu.memory_space<vmem>> -> memref<1x16x128xf32, #tpu.memory_space<vmem>>
    %dma_wait3A_150 = tpu.memref_squeeze %dma_wait3A_149 : memref<1x16x128xf32, #tpu.memory_space<vmem>> -> memref<16x128xf32, #tpu.memory_space<vmem>>
    %dma_wait3A_151 = arith.constant 0 : i32
    %dma_wait3A_152 = arith.constant 0 : i32
    %dma_wait3A_153 = tpu.memref_slice %arg4[%dma_wait3A_144, %dma_wait3A_145, %dma_wait3A_151, %dma_wait3A_152] : memref<1000x4x64x128xf32, #tpu.memory_space<hbm>> -> memref<1x1x16x128xf32, #tpu.memory_space<hbm>>
    %dma_wait3A_154 = tpu.memref_squeeze %dma_wait3A_153 : memref<1x1x16x128xf32, #tpu.memory_space<hbm>> -> memref<16x128xf32, #tpu.memory_space<hbm>>
    %dma_wait3A_155 = tpu.memref_slice %arg10[%dma_wait3A_146] : memref<4x!tpu.dma_semaphore, #tpu.memory_space<semaphore_mem>> -> memref<1x!tpu.dma_semaphore, #tpu.memory_space<semaphore_mem>>
    %dma_wait3A_156 = tpu.memref_squeeze %dma_wait3A_155 : memref<1x!tpu.dma_semaphore, #tpu.memory_space<semaphore_mem>> -> memref<!tpu.dma_semaphore, #tpu.memory_space<semaphore_mem>>
    %dma_wait3A_157 = arith.constant 0 : i32
    %dma_wait3A_158 = arith.constant 0 : i32
    %dma_wait3A_159 = tpu.memref_slice %arg4[%dma_wait3A_144, %dma_wait3A_145, %dma_wait3A_157, %dma_wait3A_158] : memref<1000x4x64x128xf32, #tpu.memory_space<hbm>> -> memref<1x1x16x128xf32, #tpu.memory_space<hbm>>
    %dma_wait3A_160 = tpu.memref_squeeze %dma_wait3A_159 : memref<1x1x16x128xf32, #tpu.memory_space<hbm>> -> memref<16x128xf32, #tpu.memory_space<hbm>>
    %dma_wait3A_161 = arith.constant 0 : i32
    %dma_wait3A_162 = arith.constant 0 : i32
    %dma_wait3A_163 = tpu.memref_slice %arg7[%dma_wait3A_143, %dma_wait3A_161, %dma_wait3A_162] : memref<4x32x129xf32, #tpu.memory_space<vmem>> -> memref<1x16x128xf32, #tpu.memory_space<vmem>>
    %dma_wait3A_164 = tpu.memref_squeeze %dma_wait3A_163 : memref<1x16x128xf32, #tpu.memory_space<vmem>> -> memref<16x128xf32, #tpu.memory_space<vmem>>
    tpu.wait_dma2 semaphore(%dma_wait3A_156 : memref<!tpu.dma_semaphore, #tpu.memory_space<semaphore_mem>>) src(%dma_wait3A_164 : memref<16x128xf32, #tpu.memory_space<vmem>>) dst(%dma_wait3A_160 : memref<16x128xf32, #tpu.memory_space<hbm>>)
    %dma_wait3A_165 = arith.constant 0 : i32
    %dma_wait3A_166 = arith.constant 0 : i32
    %dma_wait3A_167 = arith.constant 0 : i32
    %dma_wait3A_168 = arith.constant 0 : i32
    %dma_wait3A_169 = arith.constant 0 : i32
    %dma_wait3A_170 = arith.constant 0 : i32
    %dma_wait3A_171 = tpu.memref_slice %arg7[%dma_wait3A_165, %dma_wait3A_169, %dma_wait3A_170] : memref<4x32x129xf32, #tpu.memory_space<vmem>> -> memref<1x16x128xf32, #tpu.memory_space<vmem>>
    %dma_wait3A_172 = tpu.memref_squeeze %dma_wait3A_171 : memref<1x16x128xf32, #tpu.memory_space<vmem>> -> memref<16x128xf32, #tpu.memory_space<vmem>>
    %dma_wait3A_173 = arith.constant 0 : i32
    %dma_wait3A_174 = arith.constant 0 : i32
    %dma_wait3A_175 = tpu.memref_slice %arg4[%dma_wait3A_166, %dma_wait3A_167, %dma_wait3A_173, %dma_wait3A_174] : memref<1000x4x64x128xf32, #tpu.memory_space<hbm>> -> memref<1x1x16x128xf32, #tpu.memory_space<hbm>>
    %dma_wait3A_176 = tpu.memref_squeeze %dma_wait3A_175 : memref<1x1x16x128xf32, #tpu.memory_space<hbm>> -> memref<16x128xf32, #tpu.memory_space<hbm>>
    %dma_wait3A_177 = tpu.memref_slice %arg10[%dma_wait3A_168] : memref<4x!tpu.dma_semaphore, #tpu.memory_space<semaphore_mem>> -> memref<1x!tpu.dma_semaphore, #tpu.memory_space<semaphore_mem>>
    %dma_wait3A_178 = tpu.memref_squeeze %dma_wait3A_177 : memref<1x!tpu.dma_semaphore, #tpu.memory_space<semaphore_mem>> -> memref<!tpu.dma_semaphore, #tpu.memory_space<semaphore_mem>>
    %dma_wait3A_179 = arith.constant 0 : i32
    %dma_wait3A_180 = arith.constant 0 : i32
    %dma_wait3A_181 = tpu.memref_slice %arg4[%dma_wait3A_166, %dma_wait3A_167, %dma_wait3A_179, %dma_wait3A_180] : memref<1000x4x64x128xf32, #tpu.memory_space<hbm>> -> memref<1x1x16x128xf32, #tpu.memory_space<hbm>>
    %dma_wait3A_182 = tpu.memref_squeeze %dma_wait3A_181 : memref<1x1x16x128xf32, #tpu.memory_space<hbm>> -> memref<16x128xf32, #tpu.memory_space<hbm>>
    %dma_wait3A_183 = arith.constant 0 : i32
    %dma_wait3A_184 = arith.constant 0 : i32
    %dma_wait3A_185 = tpu.memref_slice %arg7[%dma_wait3A_165, %dma_wait3A_183, %dma_wait3A_184] : memref<4x32x129xf32, #tpu.memory_space<vmem>> -> memref<1x16x128xf32, #tpu.memory_space<vmem>>
    %dma_wait3A_186 = tpu.memref_squeeze %dma_wait3A_185 : memref<1x16x128xf32, #tpu.memory_space<vmem>> -> memref<16x128xf32, #tpu.memory_space<vmem>>
    tpu.wait_dma2 semaphore(%dma_wait3A_178 : memref<!tpu.dma_semaphore, #tpu.memory_space<semaphore_mem>>) src(%dma_wait3A_186 : memref<16x128xf32, #tpu.memory_space<vmem>>) dst(%dma_wait3A_182 : memref<16x128xf32, #tpu.memory_space<hbm>>)
    %dma_wait3A_187 = arith.constant 1 : i32
    %dma_wait3A_188 = arith.constant 0 : i32
    %dma_wait3A_189 = arith.constant 0 : i32
    %dma_wait3A_190 = arith.constant 1 : i32
    %dma_wait3A_191 = arith.constant 0 : i32
    %dma_wait3A_192 = arith.constant 0 : i32
    %dma_wait3A_193 = tpu.memref_slice %arg7[%dma_wait3A_187, %dma_wait3A_191, %dma_wait3A_192] : memref<4x32x129xf32, #tpu.memory_space<vmem>> -> memref<1x16x128xf32, #tpu.memory_space<vmem>>
    %dma_wait3A_194 = tpu.memref_squeeze %dma_wait3A_193 : memref<1x16x128xf32, #tpu.memory_space<vmem>> -> memref<16x128xf32, #tpu.memory_space<vmem>>
    %dma_wait3A_195 = arith.constant 0 : i32
    %dma_wait3A_196 = arith.constant 0 : i32
    %dma_wait3A_197 = tpu.memref_slice %arg4[%dma_wait3A_188, %dma_wait3A_189, %dma_wait3A_195, %dma_wait3A_196] : memref<1000x4x64x128xf32, #tpu.memory_space<hbm>> -> memref<1x1x16x128xf32, #tpu.memory_space<hbm>>
    %dma_wait3A_198 = tpu.memref_squeeze %dma_wait3A_197 : memref<1x1x16x128xf32, #tpu.memory_space<hbm>> -> memref<16x128xf32, #tpu.memory_space<hbm>>
    %dma_wait3A_199 = tpu.memref_slice %arg10[%dma_wait3A_190] : memref<4x!tpu.dma_semaphore, #tpu.memory_space<semaphore_mem>> -> memref<1x!tpu.dma_semaphore, #tpu.memory_space<semaphore_mem>>
    %dma_wait3A_200 = tpu.memref_squeeze %dma_wait3A_199 : memref<1x!tpu.dma_semaphore, #tpu.memory_space<semaphore_mem>> -> memref<!tpu.dma_semaphore, #tpu.memory_space<semaphore_mem>>
    %dma_wait3A_201 = arith.constant 0 : i32
    %dma_wait3A_202 = arith.constant 0 : i32
    %dma_wait3A_203 = tpu.memref_slice %arg4[%dma_wait3A_188, %dma_wait3A_189, %dma_wait3A_201, %dma_wait3A_202] : memref<1000x4x64x128xf32, #tpu.memory_space<hbm>> -> memref<1x1x16x128xf32, #tpu.memory_space<hbm>>
    %dma_wait3A_204 = tpu.memref_squeeze %dma_wait3A_203 : memref<1x1x16x128xf32, #tpu.memory_space<hbm>> -> memref<16x128xf32, #tpu.memory_space<hbm>>
    %dma_wait3A_205 = arith.constant 0 : i32
    %dma_wait3A_206 = arith.constant 0 : i32
    %dma_wait3A_207 = tpu.memref_slice %arg7[%dma_wait3A_187, %dma_wait3A_205, %dma_wait3A_206] : memref<4x32x129xf32, #tpu.memory_space<vmem>> -> memref<1x16x128xf32, #tpu.memory_space<vmem>>
    %dma_wait3A_208 = tpu.memref_squeeze %dma_wait3A_207 : memref<1x16x128xf32, #tpu.memory_space<vmem>> -> memref<16x128xf32, #tpu.memory_space<vmem>>
    tpu.wait_dma2 semaphore(%dma_wait3A_200 : memref<!tpu.dma_semaphore, #tpu.memory_space<semaphore_mem>>) src(%dma_wait3A_208 : memref<16x128xf32, #tpu.memory_space<vmem>>) dst(%dma_wait3A_204 : memref<16x128xf32, #tpu.memory_space<hbm>>)
    %dma_wait3A_209 = arith.constant 1 : i32
    %dma_wait3A_210 = arith.constant 0 : i32
    %dma_wait3A_211 = arith.constant 0 : i32
    %dma_wait3A_212 = arith.constant 1 : i32
    %dma_wait3A_213 = arith.constant 0 : i32
    %dma_wait3A_214 = arith.constant 0 : i32
    %dma_wait3A_215 = tpu.memref_slice %arg7[%dma_wait3A_209, %dma_wait3A_213, %dma_wait3A_214] : memref<4x32x129xf32, #tpu.memory_space<vmem>> -> memref<1x16x128xf32, #tpu.memory_space<vmem>>
    %dma_wait3A_216 = tpu.memref_squeeze %dma_wait3A_215 : memref<1x16x128xf32, #tpu.memory_space<vmem>> -> memref<16x128xf32, #tpu.memory_space<vmem>>
    %dma_wait3A_217 = arith.constant 0 : i32
    %dma_wait3A_218 = arith.constant 0 : i32
    %dma_wait3A_219 = tpu.memref_slice %arg4[%dma_wait3A_210, %dma_wait3A_211, %dma_wait3A_217, %dma_wait3A_218] : memref<1000x4x64x128xf32, #tpu.memory_space<hbm>> -> memref<1x1x16x128xf32, #tpu.memory_space<hbm>>
    %dma_wait3A_220 = tpu.memref_squeeze %dma_wait3A_219 : memref<1x1x16x128xf32, #tpu.memory_space<hbm>> -> memref<16x128xf32, #tpu.memory_space<hbm>>
    %dma_wait3A_221 = tpu.memref_slice %arg10[%dma_wait3A_212] : memref<4x!tpu.dma_semaphore, #tpu.memory_space<semaphore_mem>> -> memref<1x!tpu.dma_semaphore, #tpu.memory_space<semaphore_mem>>
    %dma_wait3A_222 = tpu.memref_squeeze %dma_wait3A_221 : memref<1x!tpu.dma_semaphore, #tpu.memory_space<semaphore_mem>> -> memref<!tpu.dma_semaphore, #tpu.memory_space<semaphore_mem>>
    %dma_wait3A_223 = arith.constant 0 : i32
    %dma_wait3A_224 = arith.constant 0 : i32
    %dma_wait3A_225 = tpu.memref_slice %arg4[%dma_wait3A_210, %dma_wait3A_211, %dma_wait3A_223, %dma_wait3A_224] : memref<1000x4x64x128xf32, #tpu.memory_space<hbm>> -> memref<1x1x16x128xf32, #tpu.memory_space<hbm>>
    %dma_wait3A_226 = tpu.memref_squeeze %dma_wait3A_225 : memref<1x1x16x128xf32, #tpu.memory_space<hbm>> -> memref<16x128xf32, #tpu.memory_space<hbm>>
    %dma_wait3A_227 = arith.constant 0 : i32
    %dma_wait3A_228 = arith.constant 0 : i32
    %dma_wait3A_229 = tpu.memref_slice %arg7[%dma_wait3A_209, %dma_wait3A_227, %dma_wait3A_228] : memref<4x32x129xf32, #tpu.memory_space<vmem>> -> memref<1x16x128xf32, #tpu.memory_space<vmem>>
    %dma_wait3A_230 = tpu.memref_squeeze %dma_wait3A_229 : memref<1x16x128xf32, #tpu.memory_space<vmem>> -> memref<16x128xf32, #tpu.memory_space<vmem>>
    tpu.wait_dma2 semaphore(%dma_wait3A_222 : memref<!tpu.dma_semaphore, #tpu.memory_space<semaphore_mem>>) src(%dma_wait3A_230 : memref<16x128xf32, #tpu.memory_space<vmem>>) dst(%dma_wait3A_226 : memref<16x128xf32, #tpu.memory_space<hbm>>)
    %dma_wait3A_231 = arith.constant 2 : i32
    %dma_wait3A_232 = arith.constant 0 : i32
    %dma_wait3A_233 = arith.constant 0 : i32
    %dma_wait3A_234 = arith.constant 2 : i32
    %dma_wait3A_235 = arith.constant 0 : i32
    %dma_wait3A_236 = arith.constant 0 : i32
    %dma_wait3A_237 = tpu.memref_slice %arg7[%dma_wait3A_231, %dma_wait3A_235, %dma_wait3A_236] : memref<4x32x129xf32, #tpu.memory_space<vmem>> -> memref<1x16x128xf32, #tpu.memory_space<vmem>>
    %dma_wait3A_238 = tpu.memref_squeeze %dma_wait3A_237 : memref<1x16x128xf32, #tpu.memory_space<vmem>> -> memref<16x128xf32, #tpu.memory_space<vmem>>
    %dma_wait3A_239 = arith.constant 0 : i32
    %dma_wait3A_240 = arith.constant 0 : i32
    %dma_wait3A_241 = tpu.memref_slice %arg4[%dma_wait3A_232, %dma_wait3A_233, %dma_wait3A_239, %dma_wait3A_240] : memref<1000x4x64x128xf32, #tpu.memory_space<hbm>> -> memref<1x1x16x128xf32, #tpu.memory_space<hbm>>
    %dma_wait3A_242 = tpu.memref_squeeze %dma_wait3A_241 : memref<1x1x16x128xf32, #tpu.memory_space<hbm>> -> memref<16x128xf32, #tpu.memory_space<hbm>>
    %dma_wait3A_243 = tpu.memref_slice %arg10[%dma_wait3A_234] : memref<4x!tpu.dma_semaphore, #tpu.memory_space<semaphore_mem>> -> memref<1x!tpu.dma_semaphore, #tpu.memory_space<semaphore_mem>>
    %dma_wait3A_244 = tpu.memref_squeeze %dma_wait3A_243 : memref<1x!tpu.dma_semaphore, #tpu.memory_space<semaphore_mem>> -> memref<!tpu.dma_semaphore, #tpu.memory_space<semaphore_mem>>
    %dma_wait3A_245 = arith.constant 0 : i32
    %dma_wait3A_246 = arith.constant 0 : i32
    %dma_wait3A_247 = tpu.memref_slice %arg4[%dma_wait3A_232, %dma_wait3A_233, %dma_wait3A_245, %dma_wait3A_246] : memref<1000x4x64x128xf32, #tpu.memory_space<hbm>> -> memref<1x1x16x128xf32, #tpu.memory_space<hbm>>
    %dma_wait3A_248 = tpu.memref_squeeze %dma_wait3A_247 : memref<1x1x16x128xf32, #tpu.memory_space<hbm>> -> memref<16x128xf32, #tpu.memory_space<hbm>>
    %dma_wait3A_249 = arith.constant 0 : i32
    %dma_wait3A_250 = arith.constant 0 : i32
    %dma_wait3A_251 = tpu.memref_slice %arg7[%dma_wait3A_231, %dma_wait3A_249, %dma_wait3A_250] : memref<4x32x129xf32, #tpu.memory_space<vmem>> -> memref<1x16x128xf32, #tpu.memory_space<vmem>>
    %dma_wait3A_252 = tpu.memref_squeeze %dma_wait3A_251 : memref<1x16x128xf32, #tpu.memory_space<vmem>> -> memref<16x128xf32, #tpu.memory_space<vmem>>
    tpu.wait_dma2 semaphore(%dma_wait3A_244 : memref<!tpu.dma_semaphore, #tpu.memory_space<semaphore_mem>>) src(%dma_wait3A_252 : memref<16x128xf32, #tpu.memory_space<vmem>>) dst(%dma_wait3A_248 : memref<16x128xf32, #tpu.memory_space<hbm>>)
    %dma_wait3A_253 = arith.constant 2 : i32
    %dma_wait3A_254 = arith.constant 0 : i32
    %dma_wait3A_255 = arith.constant 0 : i32
    %dma_wait3A_256 = arith.constant 2 : i32
    %dma_wait3A_257 = arith.constant 0 : i32
    %dma_wait3A_258 = arith.constant 0 : i32
    %dma_wait3A_259 = tpu.memref_slice %arg7[%dma_wait3A_253, %dma_wait3A_257, %dma_wait3A_258] : memref<4x32x129xf32, #tpu.memory_space<vmem>> -> memref<1x16x128xf32, #tpu.memory_space<vmem>>
    %dma_wait3A_260 = tpu.memref_squeeze %dma_wait3A_259 : memref<1x16x128xf32, #tpu.memory_space<vmem>> -> memref<16x128xf32, #tpu.memory_space<vmem>>
    %dma_wait3A_261 = arith.constant 0 : i32
    %dma_wait3A_262 = arith.constant 0 : i32
    %dma_wait3A_263 = tpu.memref_slice %arg4[%dma_wait3A_254, %dma_wait3A_255, %dma_wait3A_261, %dma_wait3A_262] : memref<1000x4x64x128xf32, #tpu.memory_space<hbm>> -> memref<1x1x16x128xf32, #tpu.memory_space<hbm>>
    %dma_wait3A_264 = tpu.memref_squeeze %dma_wait3A_263 : memref<1x1x16x128xf32, #tpu.memory_space<hbm>> -> memref<16x128xf32, #tpu.memory_space<hbm>>
    %dma_wait3A_265 = tpu.memref_slice %arg10[%dma_wait3A_256] : memref<4x!tpu.dma_semaphore, #tpu.memory_space<semaphore_mem>> -> memref<1x!tpu.dma_semaphore, #tpu.memory_space<semaphore_mem>>
    %dma_wait3A_266 = tpu.memref_squeeze %dma_wait3A_265 : memref<1x!tpu.dma_semaphore, #tpu.memory_space<semaphore_mem>> -> memref<!tpu.dma_semaphore, #tpu.memory_space<semaphore_mem>>
    %dma_wait3A_267 = arith.constant 0 : i32
    %dma_wait3A_268 = arith.constant 0 : i32
    %dma_wait3A_269 = tpu.memref_slice %arg4[%dma_wait3A_254, %dma_wait3A_255, %dma_wait3A_267, %dma_wait3A_268] : memref<1000x4x64x128xf32, #tpu.memory_space<hbm>> -> memref<1x1x16x128xf32, #tpu.memory_space<hbm>>
    %dma_wait3A_270 = tpu.memref_squeeze %dma_wait3A_269 : memref<1x1x16x128xf32, #tpu.memory_space<hbm>> -> memref<16x128xf32, #tpu.memory_space<hbm>>
    %dma_wait3A_271 = arith.constant 0 : i32
    %dma_wait3A_272 = arith.constant 0 : i32
    %dma_wait3A_273 = tpu.memref_slice %arg7[%dma_wait3A_253, %dma_wait3A_271, %dma_wait3A_272] : memref<4x32x129xf32, #tpu.memory_space<vmem>> -> memref<1x16x128xf32, #tpu.memory_space<vmem>>
    %dma_wait3A_274 = tpu.memref_squeeze %dma_wait3A_273 : memref<1x16x128xf32, #tpu.memory_space<vmem>> -> memref<16x128xf32, #tpu.memory_space<vmem>>
    tpu.wait_dma2 semaphore(%dma_wait3A_266 : memref<!tpu.dma_semaphore, #tpu.memory_space<semaphore_mem>>) src(%dma_wait3A_274 : memref<16x128xf32, #tpu.memory_space<vmem>>) dst(%dma_wait3A_270 : memref<16x128xf32, #tpu.memory_space<hbm>>)
    %dma_wait3A_275 = arith.constant 3 : i32
    %dma_wait3A_276 = arith.constant 0 : i32
    %dma_wait3A_277 = arith.constant 0 : i32
    %dma_wait3A_278 = arith.constant 3 : i32
    %dma_wait3A_279 = arith.constant 0 : i32
    %dma_wait3A_280 = arith.constant 0 : i32
    %dma_wait3A_281 = tpu.memref_slice %arg7[%dma_wait3A_275, %dma_wait3A_279, %dma_wait3A_280] : memref<4x32x129xf32, #tpu.memory_space<vmem>> -> memref<1x16x128xf32, #tpu.memory_space<vmem>>
    %dma_wait3A_282 = tpu.memref_squeeze %dma_wait3A_281 : memref<1x16x128xf32, #tpu.memory_space<vmem>> -> memref<16x128xf32, #tpu.memory_space<vmem>>
    %dma_wait3A_283 = arith.constant 0 : i32
    %dma_wait3A_284 = arith.constant 0 : i32
    %dma_wait3A_285 = tpu.memref_slice %arg4[%dma_wait3A_276, %dma_wait3A_277, %dma_wait3A_283, %dma_wait3A_284] : memref<1000x4x64x128xf32, #tpu.memory_space<hbm>> -> memref<1x1x16x128xf32, #tpu.memory_space<hbm>>
    %dma_wait3A_286 = tpu.memref_squeeze %dma_wait3A_285 : memref<1x1x16x128xf32, #tpu.memory_space<hbm>> -> memref<16x128xf32, #tpu.memory_space<hbm>>
    %dma_wait3A_287 = tpu.memref_slice %arg10[%dma_wait3A_278] : memref<4x!tpu.dma_semaphore, #tpu.memory_space<semaphore_mem>> -> memref<1x!tpu.dma_semaphore, #tpu.memory_space<semaphore_mem>>
    %dma_wait3A_288 = tpu.memref_squeeze %dma_wait3A_287 : memref<1x!tpu.dma_semaphore, #tpu.memory_space<semaphore_mem>> -> memref<!tpu.dma_semaphore, #tpu.memory_space<semaphore_mem>>
    %dma_wait3A_289 = arith.constant 0 : i32
    %dma_wait3A_290 = arith.constant 0 : i32
    %dma_wait3A_291 = tpu.memref_slice %arg4[%dma_wait3A_276, %dma_wait3A_277, %dma_wait3A_289, %dma_wait3A_290] : memref<1000x4x64x128xf32, #tpu.memory_space<hbm>> -> memref<1x1x16x128xf32, #tpu.memory_space<hbm>>
    %dma_wait3A_292 = tpu.memref_squeeze %dma_wait3A_291 : memref<1x1x16x128xf32, #tpu.memory_space<hbm>> -> memref<16x128xf32, #tpu.memory_space<hbm>>
    %dma_wait3A_293 = arith.constant 0 : i32
    %dma_wait3A_294 = arith.constant 0 : i32
    %dma_wait3A_295 = tpu.memref_slice %arg7[%dma_wait3A_275, %dma_wait3A_293, %dma_wait3A_294] : memref<4x32x129xf32, #tpu.memory_space<vmem>> -> memref<1x16x128xf32, #tpu.memory_space<vmem>>
    %dma_wait3A_296 = tpu.memref_squeeze %dma_wait3A_295 : memref<1x16x128xf32, #tpu.memory_space<vmem>> -> memref<16x128xf32, #tpu.memory_space<vmem>>
    tpu.wait_dma2 semaphore(%dma_wait3A_288 : memref<!tpu.dma_semaphore, #tpu.memory_space<semaphore_mem>>) src(%dma_wait3A_296 : memref<16x128xf32, #tpu.memory_space<vmem>>) dst(%dma_wait3A_292 : memref<16x128xf32, #tpu.memory_space<hbm>>)
    %dma_wait3A_297 = arith.constant 3 : i32
    %dma_wait3A_298 = arith.constant 0 : i32
    %dma_wait3A_299 = arith.constant 0 : i32
    %dma_wait3A_300 = arith.constant 3 : i32
    %dma_wait3A_301 = arith.constant 0 : i32
    %dma_wait3A_302 = arith.constant 0 : i32
    %dma_wait3A_303 = tpu.memref_slice %arg7[%dma_wait3A_297, %dma_wait3A_301, %dma_wait3A_302] : memref<4x32x129xf32, #tpu.memory_space<vmem>> -> memref<1x16x128xf32, #tpu.memory_space<vmem>>
    %dma_wait3A_304 = tpu.memref_squeeze %dma_wait3A_303 : memref<1x16x128xf32, #tpu.memory_space<vmem>> -> memref<16x128xf32, #tpu.memory_space<vmem>>
    %dma_wait3A_305 = arith.constant 0 : i32
    %dma_wait3A_306 = arith.constant 0 : i32
    %dma_wait3A_307 = tpu.memref_slice %arg4[%dma_wait3A_298, %dma_wait3A_299, %dma_wait3A_305, %dma_wait3A_306] : memref<1000x4x64x128xf32, #tpu.memory_space<hbm>> -> memref<1x1x16x128xf32, #tpu.memory_space<hbm>>
    %dma_wait3A_308 = tpu.memref_squeeze %dma_wait3A_307 : memref<1x1x16x128xf32, #tpu.memory_space<hbm>> -> memref<16x128xf32, #tpu.memory_space<hbm>>
    %dma_wait3A_309 = tpu.memref_slice %arg10[%dma_wait3A_300] : memref<4x!tpu.dma_semaphore, #tpu.memory_space<semaphore_mem>> -> memref<1x!tpu.dma_semaphore, #tpu.memory_space<semaphore_mem>>
    %dma_wait3A_310 = tpu.memref_squeeze %dma_wait3A_309 : memref<1x!tpu.dma_semaphore, #tpu.memory_space<semaphore_mem>> -> memref<!tpu.dma_semaphore, #tpu.memory_space<semaphore_mem>>
    %dma_wait3A_311 = arith.constant 0 : i32
    %dma_wait3A_312 = arith.constant 0 : i32
    %dma_wait3A_313 = tpu.memref_slice %arg4[%dma_wait3A_298, %dma_wait3A_299, %dma_wait3A_311, %dma_wait3A_312] : memref<1000x4x64x128xf32, #tpu.memory_space<hbm>> -> memref<1x1x16x128xf32, #tpu.memory_space<hbm>>
    %dma_wait3A_314 = tpu.memref_squeeze %dma_wait3A_313 : memref<1x1x16x128xf32, #tpu.memory_space<hbm>> -> memref<16x128xf32, #tpu.memory_space<hbm>>
    %dma_wait3A_315 = arith.constant 0 : i32
    %dma_wait3A_316 = arith.constant 0 : i32
    %dma_wait3A_317 = tpu.memref_slice %arg7[%dma_wait3A_297, %dma_wait3A_315, %dma_wait3A_316] : memref<4x32x129xf32, #tpu.memory_space<vmem>> -> memref<1x16x128xf32, #tpu.memory_space<vmem>>
    %dma_wait3A_318 = tpu.memref_squeeze %dma_wait3A_317 : memref<1x16x128xf32, #tpu.memory_space<vmem>> -> memref<16x128xf32, #tpu.memory_space<vmem>>
    tpu.wait_dma2 semaphore(%dma_wait3A_310 : memref<!tpu.dma_semaphore, #tpu.memory_space<semaphore_mem>>) src(%dma_wait3A_318 : memref<16x128xf32, #tpu.memory_space<vmem>>) dst(%dma_wait3A_314 : memref<16x128xf32, #tpu.memory_space<hbm>>)
    return
  }
}

</mosaic_0001>

<sc_bundles>
// kernel: kernel.4.cloned.1.call-start
scs
__scs_entry_jumppad:
0x0: {  	(pc) =	sbr.rel $0x88, $3  }
0x1: {  	(tag) =	ssettag $0x0;
	lr =	simm.s32 $0x1  }
0x2: {  	[smem:$0x3F9F] =	sst lr;
	_ =	strace $0xD0000000  }
0x3: {  	_ = 	snop  }
0x4: {  	_ = 	snop  }
0x5: {  	_ = 	snop  }
0x6: {  	_ = 	snop  }
0x7: {  	_ = 	snop  }
__scs_overlays_trampoline_lowered:
0x8: {  	[smem:$0x3FAE] =	sst s0  }
0x9: {  	[smem:$0x3FAF] =	sst s1  }
0xa: {  	[smem:$0x3FB0] =	sst s2  }
0xb: {  	[smem:$0x3FB1] =	sst s3  }
0xc: {  	[smem:$0x3FB2] =	sst s4  }
0xd: {  	[smem:$0x3FB3] =	sst s5  }
0xe: {  	[smem:$0x3FB4] =	sst s6  }
0xf: {  	[smem:$0x3FB5] =	sst s7  }
0x10: {  	[smem:$0x3FB6] =	sst s8  }
0x11: {  	[smem:$0x3FB7] =	sst s9;
	s0 =	simm.s32 @!p0 $0x0  }
0x12: {  	s1 =	sld [smem:$0x3F9D];
	s0 =	simm.s32 @p0 $0x1  }
0x13: {  	[smem:$0x3FB8] =	sst s0;
	s0 =	simm.s32 @!p1 $0x0  }
0x14: {  	s2 =	sld [smem:$0x3F9C];
	s0 =	simm.s32 @p1 $0x1  }
0x15: {  	[smem:$0x3FB9] =	sst s0;
	s0 =	simm.s32 @!p2 $0x0  }
0x16: {  	s3 =	sld [smem:$0x3FDB];
	s0 =	simm.s32 @p2 $0x1  }
0x17: {  	s4 =	simm.s32 $0x1BF5;
	[smem:$0x3FBB] =	sst s0  }
0x18: {  	s0 =	sld [smem:$0x3F9E];
	_ =	swait.ge [sflag:s4], $0x0  }
0x19: {  	s7 =	sld [smem:$0x3F9F]  }
0x1a: {  	s8 =	sadd.s32 $0xFFFFE003, lr  }
0x1b: {  	s9 =	sadd.s32 $0xFFFFFEF7, lr;
	s5 =	simm.s32 $0xFFFFFFFF;
	p2 =	slt.u32 s8, $0xFFFFF086  }
0x1c: {  	p1 =	slt.u32 s9, $0xF7A;
	s5 =	simm.s32 @!p2 $0x0  }
0x1d: {  	s5 =	simm.s32 @p1 $0x1;
	p0 =	seq.s32 s7, s2  }
0x1e: {  	s7 =	smul.u32 @!p0 $0xF7A, s2;
	p2 =	seq.s32 @!p0 s5, $0x0  }
0x1f: {  	s9 =	smul.u32 $0xF7A, s1;
	s8 =	simm.s32 @!p0 $0x1BF5;
	p2 =	por !p2, p0  }
0x20: {  	[sflag:s8] =	ssyncset.s32 @!p0 $0xFFFFF086;
	s6 =	sadd.s32 @!p0 s3, s7;
	s7 =	simm.s32 @!p0 $0x108  }
0x21: {  	s3 =	sadd.s32 s3, s9;
	s6 =	sadd.s32 @!p0 $0x88, s6;
	s7 =	simm.s32 @p2 $0x1082  }
0x22: {  	[simem:s7], [sflag:s8] =	dma.local @!p0 [hbm:s6], $0xF7A  }
0x23: {  	s9 =	sor.u32 $0xD0000000, s2;
	s6 =	simm.s32 $0x108;
	_ =	swait.ge @!p0 [sflag:s8], $0x0  }
0x24: {  	s3 =	sadd.s32 $0x88, s3;
	s6 =	simm.s32 @!p1 $0x1082;
	[sflag:s4] =	ssyncset.s32 $0xFFFFF086  }
0x25: {  	[simem:s6], [sflag:s4] =	dma.local [hbm:s3], $0xF7A  }
0x26: {  	[smem:$0x3F9F] =	sst s1;
	(tag) =	ssettag s2;
	_ =	strace s9  }
0x27: {  	s1 =	sld [smem:$0x3FAF]  }
0x28: {  	s2 =	sld [smem:$0x3FB0]  }
0x29: {  	s4 =	sld [smem:$0x3FB2]  }
0x2a: {  	p0 =	seq.s32 s5, $0x0;
	s5 =	sld [smem:$0x3FB3]  }
0x2b: {  	s6 =	sld [smem:$0x3FB4]  }
0x2c: {  	s7 =	sld [smem:$0x3FB5]  }
0x2d: {  	s3 =	simm.s32 $0x108;
	s8 =	sld [smem:$0x3FB6]  }
0x2e: {  	s3 =	simm.s32 @!p0 $0x1082;
	s9 =	sld [smem:$0x3FB7]  }
0x2f: {  	lr =	sadd.s32 s0, s3;
	s0 =	sld [smem:$0x3FAE]  }
0x30: {  	s3 =	sld [smem:$0x3FB1]  }
0x31: {  	[smem:$0x3FBA] =	sst s10  }
0x32: {  	s10 =	sld [smem:$0x3FB8];
	_ =	sdelay $0x3  }
0x33: {  	p0 =	seq.s32 s10, $0x1;
	s10 =	sld [smem:$0x3FBA];
	_ =	sdelay $0x3  }
0x34: {  	[smem:$0x3FBA] =	sst s10  }
0x35: {  	s10 =	sld [smem:$0x3FB9];
	_ =	sdelay $0x3  }
0x36: {  	p1 =	seq.s32 s10, $0x1;
	s10 =	sld [smem:$0x3FBA];
	_ =	sdelay $0x3  }
0x37: {  	[smem:$0x3FBA] =	sst s10  }
0x38: {  	s10 =	sld [smem:$0x3FBB]  }
0x39: {  	_ = 	snop;
	(pc) =	sbr.ind lr, $3  }
0x3a: {  	_ = 	snop  }
0x3b: {  	_ = 	snop  }
0x3c: {  	p2 =	seq.s32 s10, $0x1;
	s10 =	sld [smem:$0x3FBA]  }
0x3d: {  	_ =	shalt  }
0x3e: {  	_ =	shalt  }
0x3f: {  	_ =	shalt  }
0x40: {  	_ =	shalt  }
0x41: {  	_ =	shalt  }
0x42: {  	_ =	shalt  }
0x43: {  	_ =	shalt  }
0x44: {  	_ =	shalt  }
0x45: {  	_ =	shalt  }
0x46: {  	_ =	shalt  }
0x47: {  	_ =	shalt  }
0x48: {  	_ =	shalt  }
0x49: {  	_ =	shalt  }
0x4a: {  	_ =	shalt  }
0x4b: {  	_ =	shalt  }
0x4c: {  	_ =	shalt  }
0x4d: {  	_ =	shalt  }
0x4e: {  	_ =	shalt  }
0x4f: {  	_ =	shalt  }
0x50: {  	_ =	shalt  }
0x51: {  	_ =	shalt  }
0x52: {  	_ =	shalt  }
0x53: {  	_ =	shalt  }
0x54: {  	_ =	shalt  }
0x55: {  	_ =	shalt  }
0x56: {  	_ =	shalt  }
0x57: {  	_ =	shalt  }
0x58: {  	_ =	shalt  }
0x59: {  	_ =	shalt  }
0x5a: {  	_ =	shalt  }
0x5b: {  	_ =	shalt  }
0x5c: {  	_ =	shalt  }
0x5d: {  	_ =	shalt  }
0x5e: {  	_ =	shalt  }
0x5f: {  	_ =	shalt  }
0x60: {  	_ =	shalt  }
0x61: {  	_ =	shalt  }
0x62: {  	_ =	shalt  }
0x63: {  	_ =	shalt  }
0x64: {  	_ =	shalt  }
0x65: {  	_ =	shalt  }
0x66: {  	_ =	shalt  }
0x67: {  	_ =	shalt  }
0x68: {  	_ =	shalt  }
0x69: {  	_ =	shalt  }
0x6a: {  	_ =	shalt  }
0x6b: {  	_ =	shalt  }
0x6c: {  	_ =	shalt  }
0x6d: {  	_ =	shalt  }
0x6e: {  	_ =	shalt  }
0x6f: {  	_ =	shalt  }
0x70: {  	_ =	shalt  }
0x71: {  	_ =	shalt  }
0x72: {  	_ =	shalt  }
0x73: {  	_ =	shalt  }
0x74: {  	_ =	shalt  }
0x75: {  	_ =	shalt  }
0x76: {  	_ =	shalt  }
0x77: {  	_ =	shalt  }
0x78: {  	_ =	shalt  }
0x79: {  	_ =	shalt  }
0x7a: {  	_ =	shalt  }
0x7b: {  	_ =	shalt  }
0x7c: {  	_ =	shalt  }
0x7d: {  	_ =	shalt  }
0x7e: {  	_ =	shalt  }
0x7f: {  	_ =	shalt  }
0x80: {  	_ =	shalt  }
0x81: {  	_ =	shalt  }
0x82: {  	_ =	shalt  }
0x83: {  	_ =	shalt  }
0x84: {  	_ =	shalt  }
0x85: {  	_ =	shalt  }
0x86: {  	_ =	shalt  }
0x87: {  	_ =	shalt  }
.Lfunc_end0:
.L_simem_size_0:
called_computation_lowered:
.L_overlay_start_0:
0x88: {  	s2 =	sld [smem:$0x3FD9]  }
0x89: {  	s3 =	sld [smem:$0x3FFE];
	_ =	sdelay $0x1  }
0x8a: {  	s1 =	srdreg.scid  }
0x8b: {  	s0 =	sand.u32 $0x1, s1  }
0x8c: {  	s17 =	sshll.u32 s0, $0xA;
	s2 =	sadd.s32 s3, s2  }
0x8d: {  	s2 =	sadd.s32 s2, s17  }
0x8e: {  	[smem:$0x3FC6] =	sst s2  }
0x8f: {  	_ = 	snop  }
0x90: {  	s2 =	sld [smem:$0x3FC8];
	(tm) =	ssettm $0x1  }
0x91: {  	s18 =	sld [smem:$0x3FFB];
	_ =	sdelay $0x3  }
0x92: {  	_ =	strace s18  }
0x93: {  	s3 =	sld [smem:$0x3FFC];
	_ =	sdelay $0x3  }
0x94: {  	_ =	strace s3  }
0x95: {  	s3 =	sld [smem:$0x3FFD];
	_ =	sdelay $0x3  }
0x96: {  	_ =	strace s3  }
0x97: {  	_ =	strace $0x8FFFFFFF  }
0x98: {  	s19 =	sld [smem:$0x3FDB];
	_ =	sdelay $0x1  }
0x99: {  	s4 =	simm.s32 $_scs_section_size  }
0x9a: {  	s5 =	simm.s32 $_size__tile_overlayer_lowered;
	s6 =	simm.s32 $_tile_overlayer_lowered  }
0x9b: {  	s22 =	simm.s32 $0x1BFF;
	s21 =	sshll.u32 s6, $0x1;
	s3 =	sadd.s32 s4, s19  }
0x9c: {  	s7 =	simm.s32 $0x0;
	s20 =	sshll.u32 s5, $0x1;
	s5 =	sadd.s32 s21, s3  }
0x9d: {  	[timem:s7], [sflag:s22] =	dma.local [hbm:s5], s20  }
0x9e: {  	_ =	swait.ge [sflag:s22], s20  }
0x9f: {  	s4 =	ssub.s32 $0x0, s20;
	[sflag:s22] =	ssyncset.done $0x0  }
0xa0: {  	[sflag:s22] =	ssyncadd.s32 s4;
	_ =	sdelay $0x1  }
0xa1: {  	s23 =	simm.s32 $0x1B8B  }
0xa2: {  	_ =	swait.ge [sflag:s23], $0x1  }
0xa3: {  	[sflag:s23] =	ssyncset.done $0x0  }
0xa4: {  	s25 =	simm.s32 $0x1B8E;
	s24 =	sld [smem:$0x3FFE];
	[sflag:s23] =	ssyncadd.s32 $0xFFFFFFFF  }
0xa5: {  	s26 =	simm.s32 $execute0_lowered;
	[smem:$0x3FD2] =	sst s25  }
0xa6: {  	s5 =	sshll.u32 s26, $0x1;
	_ =	strace $0x80000046;
	[dreg:$0x1] =	wrdreg $0xFFFFFFFF  }
0xa7: {  	s28 =	simm.s32 $_size_execute0_lowered;
	s3 =	sadd.s32 s3, s5;
	[dreg:$0x0] =	wrdreg $0x0  }
0xa8: {  	s5 =	sshll.u32 s28, $0x1;
	[dreg:$0x2] =	wrdreg s3  }
0xa9: {  	[dreg:$0x3] =	wrdreg s5  }
0xaa: {  	[dreg:$0x4] =	wrdreg $0xC0  }
0xab: {  	_ =	task [dreg:s7], $0x5FFFF  }
0xac: {  	[dreg:$0x1] =	wrdreg $0xFFFFFFFF  }
0xad: {  	[dreg:$0x0] =	wrdreg $0x60  }
0xae: {  	[dreg:$0x2] =	wrdreg s2  }
0xaf: {  	[dreg:$0x3] =	wrdreg s24  }
0xb0: {  	[dreg:$0x4] =	wrdreg $0x9  }
0xb1: {  	_ =	task.clear_ibuf [dreg:s7], $0x5FFFF;
	_ =	strace $0x90000046  }
0xb2: {  	s29 =	simm.s32 $0x9;
	_ =	strace $0x80000048  }
0xb3: {  	_ =	swait.ge [sflag:s29], $0x1  }
0xb4: {  	[sflag:s29] =	ssyncadd.s32 $0xFFFFFFFF  }
0xb5: {  	_ =	strace $0x90000048  }
0xb6: {  	_ =	sfence  }
0xb7: {  	s30 =	sld [smem:$0x0];
	_ =	sdelay $0x2  }
0xb8: {  	s31 =	sshll.u32 s1, $0xD;
	s1 =	sshrl.u32 s1, $0x2  }
0xb9: {  	s3 =	sand.u32 $0x4000, s31;
	s1 =	sadd.s32 s1, s30  }
0xba: {  	s0 =	sor.u32 s3, s0;
	s1 =	sshll.u32 s1, $0x11  }
0xbb: {  	s0 =	sor.u32 s1, s0  }
0xbc: {  	s0 =	sadd.s32 $0x8F2B, s0  }
0xbd: {  	[sflag:s0] =	ssyncadd.remote.s32 $0x1  }
0xbe: {  	_ =	sfence.sel $0xFFFF  }
0xbf: {  	[dreg:$0x0] =	wrdreg $0xFFFFFFFF;
	(pc) =	sbr.abs _section_cstart, $3  }
0xc0: {  	[dreg:$0x1] =	wrdreg $0xFFFFFFFF  }
0xc1: {  	_ =	task.clear_ibuf [dreg:s7], $0x2FFFF;
	_ =	strace $0x9FFFFFFF  }
0xc2: {  	(tm) =	ssettm $0x7FFFFFFF  }
0xc3: {  	_ =	shalt  }
tec
execute0_lowered:
.L_overlay_start_1:
0x0: {  	(tag) =	ssettag $0x1  }
0x1: {  	v1 =	vlaneseq.u32  }
0x2: {  	v0 =	vand.u32 $0x3, v1  }
0x3: {  	v0 =	vmul.u32 $0x20, v0  }
0x4: {  	s2 =	srdreg.scid;
	v1 =	vshrl.u32 v1, $0x2  }
0x5: {  	s0 =	stileid.u32;
	s1 =	rddreg [dreg:$0x0];
	v1 =	vmul.u32 $0x80, v1;
	v2 =	vor.u32 $0x1, v0  }
0x6: {  	s5 =	rddreg [dreg:$0x1];
	s3 =	simm.s32 $0x0;
	s12 =	simm.s32 $0x800;
	v3 =	vor.u32 $0x2, v0;
	v4 =	vor.u32 $0x3, v0;
	v5 =	vor.u32 $0x4, v0  }
0x7: {  	s13 =	simm.s32 $0x1000;
	s4 =	sand.u32 $0x1, s2;
	s30 =	sshll.u32 s0, $0x1;
	v6 =	vor.u32 $0x5, v0;
	v7 =	vor.u32 $0x6, v0;
	v8 =	vor.u32 $0x7, v0  }
0x8: {  	s14 =	simm.s32 $0x1800;
	s15 =	simm.s32 $0x3;
	s6 =	sor.u32 s4, s30;
	v9 =	vor.u32 $0x8, v0;
	v10 =	vor.u32 $0x9, v0;
	v11 =	vor.u32 $0xA, v0  }
0x9: {  	s16 =	simm.s32 $0x4;
	s2 =	rddreg [dreg:$0x2];
	s7 =	smul.u32 $0xF4, s6;
	v12 =	vor.u32 $0xB, v0;
	v13 =	vor.u32 $0xC, v0;
	v14 =	vor.u32 $0xD, v0  }
0xa: {  	s17 =	simm.s32 $0x0;
	[smem:$0x7FF] =	sst s3;
	s8 =	smin.u32 s6, $0x5;
	v15 =	vor.u32 $0xE, v0;
	v16 =	vor.u32 $0xF, v0;
	v17 =	vor.u32 $0x10, v0  }
0xb: {  	s5 =	sadd.s32 $0xA00, s5;
	s9 =	ssub.s32 $0x2, s4;
	v18 =	vor.u32 $0x11, v0;
	v19 =	vor.u32 $0x12, v0;
	v20 =	vor.u32 $0x13, v0;
	s4 =	sadd.s32 s8, s7  }
0xc: {  	_ =	strace $0x80000047;
	s31 =	sshrl.u32 s9, $0x1;
	v21 =	vor.u32 $0x14, v0;
	v22 =	vor.u32 $0x15, v0;
	v23 =	vor.u32 $0x16, v0;
	s7 =	sshll.u32 s4, $0x7  }
0xd: {  	p0 =	slt.u32 s6, $0x5;
	s6 =	simm.s32 $0xF5;
	v24 =	vor.u32 $0x17, v0;
	v25 =	vor.u32 $0x18, v0;
	v26 =	vor.u32 $0x19, v0;
	s7 =	sadd.s32 s1, s7  }
0xe: {  	s9 =	ssub.s32 s9, s31;
	s6 =	simm.s32 @!p0 $0xF4;
	v27 =	vor.u32 $0x1A, v0;
	v28 =	vor.u32 $0x1B, v0;
	v29 =	vor.u32 $0x1C, v0;
	s8 =	sadd.s32 $0x1E8500, s7  }
0xf: {  	v30 =	vor.u32 $0x1D, v0;
	v31 =	vor.u32 $0x1E, v0;
	v32 =	vor.u32 $0x1F, v0;
	s9 =	smax.u32 s9, $0x1;
	s10 =	sadd.s32 $0xF4280, s7;
	s11 =	sadd.s32 $0x2DC780, s7  }
.LBB2_1:
0x10: {  	[tilespmem:s3], [sflag:$0x1] =	stream.linear.gather [hbm4b:s7+s3], $0x400, $0x38;
	[tilespmem:$0x8000] =	vst v63  }
0x11: {  	_ = 	snop  }
0x12: {  	[tilespmem:s12], [sflag:$0x1] =	stream.linear.gather [hbm4b:s10+s3], $0x400, $0x38;
	[tilespmem:$0x8000] =	vst v63  }
0x13: {  	_ = 	snop  }
0x14: {  	[tilespmem:s13], [sflag:$0x1] =	stream.linear.gather [hbm4b:s8+s3], $0x400, $0x38;
	[tilespmem:$0x8000] =	vst v63  }
0x15: {  	p0 =	por $0x0, $0x0;
	s18 =	simm.s32 $0x0  }
0x16: {  	[tilespmem:s14], [sflag:$0x1] =	stream.linear.gather [hbm4b:s11+s3], $0x400, $0x38;
	[tilespmem:$0x8000] =	vst v63  }
.LBB2_2:
0x17: {  	s21 =	smov.u32 s18;
	s18 =	sadd.s32 $0x1, s18  }
0x18: {  	s20 =	sadd.s32 s4, s21;
	p1 =	sge.u32 s18, s6  }
0x19: {  	s22 =	sshll.u32 @!p1 s20, $0x7  }
0x1a: {  	s19 =	sand.u32 $0x1, s21;
	s22 =	sand.u32 @!p1 $0x1FFFFF80, s22  }
0x1b: {  	s23 =	sxor.u32 @!p1 $0x1, s19;
	s26 =	simm.s32 @!p1 $0x0;
	s22 =	sadd.s32 @!p1 s1, s22  }
0x1c: {  	s24 =	sadd.s32 @!p1 $0x1, s23;
	s23 =	sshll.u32 @!p1 s23, $0xD;
	s25 =	sadd.s32 @!p1 $0x80, s22  }
0x1d: {  	[tilespmem:s23], [sflag:s24] =	stream.linear.gather @!p1 [hbm4b:s25+s26], $0x400, $0x38;
	[tilespmem:$0x8000] =	vst v63  }
0x1e: {  	s28 =	sor.u32 @!p1 $0x800, s23;
	s25 =	sadd.s32 @!p1 $0xF4300, s22  }
0x1f: {  	[tilespmem:s28], [sflag:s24] =	stream.linear.gather @!p1 [hbm4b:s25+s26], $0x400, $0x38;
	[tilespmem:$0x8000] =	vst v63  }
0x20: {  	s25 =	sadd.s32 @!p1 $0x1E8580, s22;
	s28 =	sor.u32 @!p1 $0x1000, s23  }
0x21: {  	[tilespmem:s28], [sflag:s24] =	stream.linear.gather @!p1 [hbm4b:s25+s26], $0x400, $0x38;
	[tilespmem:$0x8000] =	vst v63  }
0x22: {  	s29 =	sadd.s32 $0x1, s19;
	s22 =	sadd.s32 @!p1 $0x2DC800, s22;
	s23 =	sor.u32 @!p1 $0x1800, s23  }
0x23: {  	[tilespmem:s23], [sflag:s24] =	stream.linear.gather @!p1 [hbm4b:s22+s26], $0x400, $0x38;
	[tilespmem:$0x8000] =	vst v63  }
0x24: {  	s30 =	simm.s32 $0x0;
	_ =	swait.ge [sflag:s29], $0x1000  }
0x25: {  	v33 =	vmov s30;
	p1 =	slt.u32 s21, $0x2;
	[sflag:s29] =	ssyncset.done $0x0  }
0x26: {  	v34 =	vshll.u32 v33, $0x7;
	s21 =	simm.s32 $0x1;
	s22 =	sadd.s32 @!p1 $0x3, s19;
	[sflag:s29] =	ssyncadd.s32 $0xFFFFF000  }
0x27: {  	v33 =	vshll.u32 v33, $0x8;
	v34 =	vor.u32 v1, v34;
	s21 =	simm.s32 @!p0 $0x0;
	_ =	swait.ge @!p1 [sflag:s22], $0x1000  }
0x28: {  	v33 =	vand.u32 $0x1800, v33;
	v34 =	vand.u32 $0x380, v34;
	s21 =	sshll.u32 s21, $0xD;
	[sflag:s22] =	ssyncset.done @!p1 $0x0  }
0x29: {  	v33 =	vor.u32 v33, v34;
	s23 =	sor.u32 $0x1000, s21;
	[sflag:s22] =	ssyncadd.s32 @!p1 $0xFFFFF000  }
0x2a: {  	v35 =	vor.u32 v0, v33;
	v61 =	vld [tilespmem:s23+$0xFFFFF000];
	_ =	sdelay $0x2  }
0x2b: {  	s21 =	sshll.u32 s19, $0xD  }
0x2c: {  	s22 =	sor.u32 $0x4000, s21  }
0x2d: {  	[tilespmem:v35+s22+$0x0] =	vst.idx.msk $0xffff, v61  }
0x2e: {  	v62 =	vor.u32 v2, v33;
	v34 =	vld [tilespmem:s23+$0xFFFFF080];
	_ =	sdelay $0x4  }
0x2f: {  	[tilespmem:v62+s22+$0x0] =	vst.idx.msk $0xffff, v34  }
0x30: {  	v63 =	vor.u32 v3, v33;
	v34 =	vld [tilespmem:s23+$0xFFFFF100];
	_ =	sdelay $0x4  }
0x31: {  	[tilespmem:v63+s22+$0x0] =	vst.idx.msk $0xffff, v34  }
0x32: {  	v36 =	vor.u32 v4, v33;
	v34 =	vld [tilespmem:s23+$0xFFFFF180];
	_ =	sdelay $0x4  }
0x33: {  	[tilespmem:v36+s22+$0x0] =	vst.idx.msk $0xffff, v34  }
0x34: {  	v37 =	vor.u32 v5, v33;
	v34 =	vld [tilespmem:s23+$0xFFFFF200];
	_ =	sdelay $0x4  }
0x35: {  	[tilespmem:v37+s22+$0x0] =	vst.idx.msk $0xffff, v34  }
0x36: {  	v38 =	vor.u32 v6, v33;
	v34 =	vld [tilespmem:s23+$0xFFFFF280];
	_ =	sdelay $0x4  }
0x37: {  	[tilespmem:v38+s22+$0x0] =	vst.idx.msk $0xffff, v34  }
0x38: {  	v39 =	vor.u32 v7, v33;
	v34 =	vld [tilespmem:s23+$0xFFFFF300];
	_ =	sdelay $0x4  }
0x39: {  	[tilespmem:v39+s22+$0x0] =	vst.idx.msk $0xffff, v34  }
0x3a: {  	v40 =	vor.u32 v8, v33;
	v34 =	vld [tilespmem:s23+$0xFFFFF380];
	_ =	sdelay $0x4  }
0x3b: {  	[tilespmem:v40+s22+$0x0] =	vst.idx.msk $0xffff, v34  }
0x3c: {  	v41 =	vor.u32 v9, v33;
	v34 =	vld [tilespmem:s23+$0xFFFFF800];
	_ =	sdelay $0x4  }
0x3d: {  	[tilespmem:v41+s22+$0x0] =	vst.idx.msk $0xffff, v34  }
0x3e: {  	v42 =	vor.u32 v10, v33;
	v34 =	vld [tilespmem:s23+$0xFFFFF880];
	_ =	sdelay $0x4  }
0x3f: {  	[tilespmem:v42+s22+$0x0] =	vst.idx.msk $0xffff, v34  }
0x40: {  	v43 =	vor.u32 v11, v33;
	v34 =	vld [tilespmem:s23+$0xFFFFF900];
	_ =	sdelay $0x4  }
0x41: {  	[tilespmem:v43+s22+$0x0] =	vst.idx.msk $0xffff, v34  }
0x42: {  	v44 =	vor.u32 v12, v33;
	v34 =	vld [tilespmem:s23+$0xFFFFF980];
	_ =	sdelay $0x4  }
0x43: {  	[tilespmem:v44+s22+$0x0] =	vst.idx.msk $0xffff, v34  }
0x44: {  	v45 =	vor.u32 v13, v33;
	v34 =	vld [tilespmem:s23+$0xFFFFFA00];
	_ =	sdelay $0x4  }
0x45: {  	[tilespmem:v45+s22+$0x0] =	vst.idx.msk $0xffff, v34  }
0x46: {  	v46 =	vor.u32 v14, v33;
	v34 =	vld [tilespmem:s23+$0xFFFFFA80];
	_ =	sdelay $0x4  }
0x47: {  	[tilespmem:v46+s22+$0x0] =	vst.idx.msk $0xffff, v34  }
0x48: {  	v47 =	vor.u32 v15, v33;
	v34 =	vld [tilespmem:s23+$0xFFFFFB00];
	_ =	sdelay $0x4  }
0x49: {  	[tilespmem:v47+s22+$0x0] =	vst.idx.msk $0xffff, v34  }
0x4a: {  	v48 =	vor.u32 v16, v33;
	v34 =	vld [tilespmem:s23+$0xFFFFFB80];
	_ =	sdelay $0x4  }
0x4b: {  	[tilespmem:v48+s22+$0x0] =	vst.idx.msk $0xffff, v34  }
0x4c: {  	v49 =	vor.u32 v17, v33;
	v34 =	vld [tilespmem:s23+$0x0];
	_ =	sdelay $0x4  }
0x4d: {  	[tilespmem:v49+s22+$0x0] =	vst.idx.msk $0xffff, v34  }
0x4e: {  	v50 =	vor.u32 v18, v33;
	v34 =	vld [tilespmem:s23+$0x80];
	_ =	sdelay $0x4  }
0x4f: {  	[tilespmem:v50+s22+$0x0] =	vst.idx.msk $0xffff, v34  }
0x50: {  	v51 =	vor.u32 v19, v33;
	v34 =	vld [tilespmem:s23+$0x100];
	_ =	sdelay $0x4  }
0x51: {  	[tilespmem:v51+s22+$0x0] =	vst.idx.msk $0xffff, v34  }
0x52: {  	v52 =	vor.u32 v20, v33;
	v34 =	vld [tilespmem:s23+$0x180];
	_ =	sdelay $0x4  }
0x53: {  	[tilespmem:v52+s22+$0x0] =	vst.idx.msk $0xffff, v34  }
0x54: {  	v53 =	vor.u32 v21, v33;
	v34 =	vld [tilespmem:s23+$0x200];
	_ =	sdelay $0x4  }
0x55: {  	[tilespmem:v53+s22+$0x0] =	vst.idx.msk $0xffff, v34  }
0x56: {  	v54 =	vor.u32 v22, v33;
	v34 =	vld [tilespmem:s23+$0x280];
	_ =	sdelay $0x4  }
0x57: {  	[tilespmem:v54+s22+$0x0] =	vst.idx.msk $0xffff, v34  }
0x58: {  	v55 =	vor.u32 v23, v33;
	v34 =	vld [tilespmem:s23+$0x300];
	_ =	sdelay $0x4  }
0x59: {  	[tilespmem:v55+s22+$0x0] =	vst.idx.msk $0xffff, v34  }
0x5a: {  	v56 =	vor.u32 v24, v33;
	v34 =	vld [tilespmem:s23+$0x380];
	_ =	sdelay $0x4  }
0x5b: {  	[tilespmem:v56+s22+$0x0] =	vst.idx.msk $0xffff, v34  }
0x5c: {  	v57 =	vor.u32 v25, v33;
	v34 =	vld [tilespmem:s23+$0x800];
	_ =	sdelay $0x4  }
0x5d: {  	[tilespmem:v57+s22+$0x0] =	vst.idx.msk $0xffff, v34  }
0x5e: {  	v58 =	vor.u32 v26, v33;
	v34 =	vld [tilespmem:s23+$0x880];
	_ =	sdelay $0x4  }
0x5f: {  	[tilespmem:v58+s22+$0x0] =	vst.idx.msk $0xffff, v34  }
0x60: {  	v59 =	vor.u32 v27, v33;
	v34 =	vld [tilespmem:s23+$0x900];
	_ =	sdelay $0x4  }
0x61: {  	[tilespmem:v59+s22+$0x0] =	vst.idx.msk $0xffff, v34  }
0x62: {  	v60 =	vor.u32 v28, v33;
	v34 =	vld [tilespmem:s23+$0x980];
	_ =	sdelay $0x4  }
0x63: {  	[tilespmem:v60+s22+$0x0] =	vst.idx.msk $0xffff, v34  }
0x64: {  	v61 =	vor.u32 v29, v33;
	v34 =	vld [tilespmem:s23+$0xA00];
	_ =	sdelay $0x4  }
0x65: {  	[tilespmem:v61+s22+$0x0] =	vst.idx.msk $0xffff, v34  }
0x66: {  	v62 =	vor.u32 v30, v33;
	v34 =	vld [tilespmem:s23+$0xA80];
	_ =	sdelay $0x4  }
0x67: {  	[tilespmem:v62+s22+$0x0] =	vst.idx.msk $0xffff, v34  }
0x68: {  	v63 =	vor.u32 v31, v33;
	v34 =	vld [tilespmem:s23+$0xB00];
	_ =	sdelay $0x4  }
0x69: {  	[tilespmem:v63+s22+$0x0] =	vst.idx.msk $0xffff, v34  }
0x6a: {  	s31 =	simm.s32 $0x4;
	v35 =	vor.u32 v32, v33;
	v34 =	vld [tilespmem:s23+$0xB80]  }
0x6b: {  	s24 =	simm.s32 $0x8;
	v33 =	vmov s31  }
.LBB2_3:
0x6c: {  	p1 =	sne.s32 s24, $0x1C;
	v36 =	vshll.u32 v33, $0x7  }
0x6d: {  	v33 =	vshll.u32 v33, $0x8;
	v36 =	vor.u32 v1, v36  }
0x6e: {  	v33 =	vand.u32 $0x1800, v33;
	v36 =	vand.u32 $0x380, v36  }
0x6f: {  	s23 =	sadd.s32 $0x10, s23;
	v33 =	vor.u32 v33, v36;
	[tilespmem:v35+s22+$0x0] =	vst.idx.msk $0xffff, v34  }
0x70: {  	v34 =	vld [tilespmem:s23+$0xFFFFF000];
	v35 =	vor.u32 v0, v33;
	_ =	sdelay $0x4  }
0x71: {  	[tilespmem:v35+s22+$0x0] =	vst.idx.msk $0xffff, v34  }
0x72: {  	v35 =	vor.u32 v2, v33;
	v34 =	vld [tilespmem:s23+$0xFFFFF080];
	_ =	sdelay $0x4  }
0x73: {  	[tilespmem:v35+s22+$0x0] =	vst.idx.msk $0xffff, v34  }
0x74: {  	v35 =	vor.u32 v3, v33;
	v34 =	vld [tilespmem:s23+$0xFFFFF100];
	_ =	sdelay $0x4  }
0x75: {  	[tilespmem:v35+s22+$0x0] =	vst.idx.msk $0xffff, v34  }
0x76: {  	v35 =	vor.u32 v4, v33;
	v34 =	vld [tilespmem:s23+$0xFFFFF180];
	_ =	sdelay $0x4  }
0x77: {  	[tilespmem:v35+s22+$0x0] =	vst.idx.msk $0xffff, v34  }
0x78: {  	v35 =	vor.u32 v5, v33;
	v34 =	vld [tilespmem:s23+$0xFFFFF200];
	_ =	sdelay $0x4  }
0x79: {  	[tilespmem:v35+s22+$0x0] =	vst.idx.msk $0xffff, v34  }
0x7a: {  	v35 =	vor.u32 v6, v33;
	v34 =	vld [tilespmem:s23+$0xFFFFF280];
	_ =	sdelay $0x4  }
0x7b: {  	[tilespmem:v35+s22+$0x0] =	vst.idx.msk $0xffff, v34  }
0x7c: {  	v35 =	vor.u32 v7, v33;
	v34 =	vld [tilespmem:s23+$0xFFFFF300];
	_ =	sdelay $0x4  }
0x7d: {  	[tilespmem:v35+s22+$0x0] =	vst.idx.msk $0xffff, v34  }
0x7e: {  	v35 =	vor.u32 v8, v33;
	v34 =	vld [tilespmem:s23+$0xFFFFF380];
	_ =	sdelay $0x4  }
0x7f: {  	[tilespmem:v35+s22+$0x0] =	vst.idx.msk $0xffff, v34  }
0x80: {  	v35 =	vor.u32 v9, v33;
	v34 =	vld [tilespmem:s23+$0xFFFFF800];
	_ =	sdelay $0x4  }
0x81: {  	[tilespmem:v35+s22+$0x0] =	vst.idx.msk $0xffff, v34  }
0x82: {  	v35 =	vor.u32 v10, v33;
	v34 =	vld [tilespmem:s23+$0xFFFFF880];
	_ =	sdelay $0x4  }
0x83: {  	[tilespmem:v35+s22+$0x0] =	vst.idx.msk $0xffff, v34  }
0x84: {  	v35 =	vor.u32 v11, v33;
	v34 =	vld [tilespmem:s23+$0xFFFFF900];
	_ =	sdelay $0x4  }
0x85: {  	[tilespmem:v35+s22+$0x0] =	vst.idx.msk $0xffff, v34  }
0x86: {  	v35 =	vor.u32 v12, v33;
	v34 =	vld [tilespmem:s23+$0xFFFFF980];
	_ =	sdelay $0x4  }
0x87: {  	[tilespmem:v35+s22+$0x0] =	vst.idx.msk $0xffff, v34  }
0x88: {  	v35 =	vor.u32 v13, v33;
	v34 =	vld [tilespmem:s23+$0xFFFFFA00];
	_ =	sdelay $0x4  }
0x89: {  	[tilespmem:v35+s22+$0x0] =	vst.idx.msk $0xffff, v34  }
0x8a: {  	v35 =	vor.u32 v14, v33;
	v34 =	vld [tilespmem:s23+$0xFFFFFA80];
	_ =	sdelay $0x4  }
0x8b: {  	[tilespmem:v35+s22+$0x0] =	vst.idx.msk $0xffff, v34  }
0x8c: {  	v35 =	vor.u32 v15, v33;
	v34 =	vld [tilespmem:s23+$0xFFFFFB00];
	_ =	sdelay $0x4  }
0x8d: {  	[tilespmem:v35+s22+$0x0] =	vst.idx.msk $0xffff, v34  }
0x8e: {  	v35 =	vor.u32 v16, v33;
	v34 =	vld [tilespmem:s23+$0xFFFFFB80];
	_ =	sdelay $0x4  }
0x8f: {  	[tilespmem:v35+s22+$0x0] =	vst.idx.msk $0xffff, v34  }
0x90: {  	v35 =	vor.u32 v17, v33;
	v34 =	vld [tilespmem:s23+$0x0];
	_ =	sdelay $0x4  }
0x91: {  	[tilespmem:v35+s22+$0x0] =	vst.idx.msk $0xffff, v34  }
0x92: {  	v35 =	vor.u32 v18, v33;
	v34 =	vld [tilespmem:s23+$0x80];
	_ =	sdelay $0x4  }
0x93: {  	[tilespmem:v35+s22+$0x0] =	vst.idx.msk $0xffff, v34  }
0x94: {  	v35 =	vor.u32 v19, v33;
	v34 =	vld [tilespmem:s23+$0x100];
	_ =	sdelay $0x4  }
0x95: {  	[tilespmem:v35+s22+$0x0] =	vst.idx.msk $0xffff, v34  }
0x96: {  	v35 =	vor.u32 v20, v33;
	v34 =	vld [tilespmem:s23+$0x180];
	_ =	sdelay $0x4  }
0x97: {  	[tilespmem:v35+s22+$0x0] =	vst.idx.msk $0xffff, v34  }
0x98: {  	v35 =	vor.u32 v21, v33;
	v34 =	vld [tilespmem:s23+$0x200];
	_ =	sdelay $0x4  }
0x99: {  	[tilespmem:v35+s22+$0x0] =	vst.idx.msk $0xffff, v34  }
0x9a: {  	v35 =	vor.u32 v22, v33;
	v34 =	vld [tilespmem:s23+$0x280];
	_ =	sdelay $0x4  }
0x9b: {  	[tilespmem:v35+s22+$0x0] =	vst.idx.msk $0xffff, v34  }
0x9c: {  	v35 =	vor.u32 v23, v33;
	v34 =	vld [tilespmem:s23+$0x300];
	_ =	sdelay $0x4  }
0x9d: {  	[tilespmem:v35+s22+$0x0] =	vst.idx.msk $0xffff, v34  }
0x9e: {  	v35 =	vor.u32 v24, v33;
	v34 =	vld [tilespmem:s23+$0x380];
	_ =	sdelay $0x4  }
0x9f: {  	[tilespmem:v35+s22+$0x0] =	vst.idx.msk $0xffff, v34  }
0xa0: {  	v35 =	vor.u32 v25, v33;
	v34 =	vld [tilespmem:s23+$0x800];
	_ =	sdelay $0x4  }
0xa1: {  	[tilespmem:v35+s22+$0x0] =	vst.idx.msk $0xffff, v34  }
0xa2: {  	v35 =	vor.u32 v26, v33;
	v34 =	vld [tilespmem:s23+$0x880];
	_ =	sdelay $0x4  }
0xa3: {  	[tilespmem:v35+s22+$0x0] =	vst.idx.msk $0xffff, v34  }
0xa4: {  	v35 =	vor.u32 v27, v33;
	v34 =	vld [tilespmem:s23+$0x900];
	_ =	sdelay $0x4  }
0xa5: {  	[tilespmem:v35+s22+$0x0] =	vst.idx.msk $0xffff, v34  }
0xa6: {  	v35 =	vor.u32 v28, v33;
	v34 =	vld [tilespmem:s23+$0x980];
	_ =	sdelay $0x4  }
0xa7: {  	[tilespmem:v35+s22+$0x0] =	vst.idx.msk $0xffff, v34  }
0xa8: {  	v35 =	vor.u32 v29, v33;
	v34 =	vld [tilespmem:s23+$0xA00];
	_ =	sdelay $0x4  }
0xa9: {  	[tilespmem:v35+s22+$0x0] =	vst.idx.msk $0xffff, v34  }
0xaa: {  	v35 =	vor.u32 v30, v33;
	v34 =	vld [tilespmem:s23+$0xA80];
	_ =	sdelay $0x4  }
0xab: {  	[tilespmem:v35+s22+$0x0] =	vst.idx.msk $0xffff, v34  }
0xac: {  	v35 =	vor.u32 v31, v33;
	v34 =	vld [tilespmem:s23+$0xB00];
	_ =	sdelay $0x2  }
.Ltmp0:
0xad: {  	(pc) =	sbr.rel @p1 .LBB2_3-.Ltmp0, $4  }
0xae: {  	_ = 	snop  }
0xaf: {  	[tilespmem:v35+s22+$0x0] =	vst.idx.msk $0xffff, v34  }
0xb0: {  	v35 =	vor.u32 v32, v33;
	v34 =	vld [tilespmem:s23+$0xB80]  }
0xb1: {  	v33 =	vmov s24;
	s24 =	sadd.s32 $0x4, s24  }
0xb2: {  	_ = 	snop  }
0xb3: {  	v36 =	vshll.u32 v33, $0x7  }
0xb4: {  	v60 =	vshll.u32 v33, $0x8;
	v36 =	vor.u32 v1, v36  }
0xb5: {  	v33 =	vand.u32 $0x1800, v60;
	v36 =	vand.u32 $0x380, v36  }
0xb6: {  	s23 =	sadd.s32 $0x10, s23;
	v33 =	vor.u32 v33, v36;
	[tilespmem:v35+s22+$0x0] =	vst.idx.msk $0xffff, v34  }
0xb7: {  	v34 =	vld [tilespmem:s23+$0xFFFFF000];
	v61 =	vor.u32 v0, v33;
	_ =	sdelay $0x4  }
0xb8: {  	[tilespmem:v61+s22+$0x0] =	vst.idx.msk $0xffff, v34  }
0xb9: {  	v62 =	vor.u32 v2, v33;
	v34 =	vld [tilespmem:s23+$0xFFFFF080];
	_ =	sdelay $0x4  }
0xba: {  	[tilespmem:v62+s22+$0x0] =	vst.idx.msk $0xffff, v34  }
0xbb: {  	v63 =	vor.u32 v3, v33;
	v34 =	vld [tilespmem:s23+$0xFFFFF100];
	_ =	sdelay $0x4  }
0xbc: {  	[tilespmem:v63+s22+$0x0] =	vst.idx.msk $0xffff, v34  }
0xbd: {  	v36 =	vor.u32 v4, v33;
	v34 =	vld [tilespmem:s23+$0xFFFFF180];
	_ =	sdelay $0x4  }
0xbe: {  	[tilespmem:v36+s22+$0x0] =	vst.idx.msk $0xffff, v34  }
0xbf: {  	v37 =	vor.u32 v5, v33;
	v34 =	vld [tilespmem:s23+$0xFFFFF200];
	_ =	sdelay $0x4  }
0xc0: {  	[tilespmem:v37+s22+$0x0] =	vst.idx.msk $0xffff, v34  }
0xc1: {  	v38 =	vor.u32 v6, v33;
	v34 =	vld [tilespmem:s23+$0xFFFFF280];
	_ =	sdelay $0x4  }
0xc2: {  	[tilespmem:v38+s22+$0x0] =	vst.idx.msk $0xffff, v34  }
0xc3: {  	v39 =	vor.u32 v7, v33;
	v34 =	vld [tilespmem:s23+$0xFFFFF300];
	_ =	sdelay $0x4  }
0xc4: {  	[tilespmem:v39+s22+$0x0] =	vst.idx.msk $0xffff, v34  }
0xc5: {  	v40 =	vor.u32 v8, v33;
	v34 =	vld [tilespmem:s23+$0xFFFFF380];
	_ =	sdelay $0x4  }
0xc6: {  	[tilespmem:v40+s22+$0x0] =	vst.idx.msk $0xffff, v34  }
0xc7: {  	v41 =	vor.u32 v9, v33;
	v34 =	vld [tilespmem:s23+$0xFFFFF800];
	_ =	sdelay $0x4  }
0xc8: {  	[tilespmem:v41+s22+$0x0] =	vst.idx.msk $0xffff, v34  }
0xc9: {  	v42 =	vor.u32 v10, v33;
	v34 =	vld [tilespmem:s23+$0xFFFFF880];
	_ =	sdelay $0x4  }
0xca: {  	[tilespmem:v42+s22+$0x0] =	vst.idx.msk $0xffff, v34  }
0xcb: {  	v43 =	vor.u32 v11, v33;
	v34 =	vld [tilespmem:s23+$0xFFFFF900];
	_ =	sdelay $0x4  }
0xcc: {  	[tilespmem:v43+s22+$0x0] =	vst.idx.msk $0xffff, v34  }
0xcd: {  	v44 =	vor.u32 v12, v33;
	v34 =	vld [tilespmem:s23+$0xFFFFF980];
	_ =	sdelay $0x4  }
0xce: {  	[tilespmem:v44+s22+$0x0] =	vst.idx.msk $0xffff, v34  }
0xcf: {  	v45 =	vor.u32 v13, v33;
	v34 =	vld [tilespmem:s23+$0xFFFFFA00];
	_ =	sdelay $0x4  }
0xd0: {  	[tilespmem:v45+s22+$0x0] =	vst.idx.msk $0xffff, v34  }
0xd1: {  	v46 =	vor.u32 v14, v33;
	v34 =	vld [tilespmem:s23+$0xFFFFFA80];
	_ =	sdelay $0x4  }
0xd2: {  	[tilespmem:v46+s22+$0x0] =	vst.idx.msk $0xffff, v34  }
0xd3: {  	v47 =	vor.u32 v15, v33;
	v34 =	vld [tilespmem:s23+$0xFFFFFB00];
	_ =	sdelay $0x4  }
0xd4: {  	[tilespmem:v47+s22+$0x0] =	vst.idx.msk $0xffff, v34  }
0xd5: {  	v48 =	vor.u32 v16, v33;
	v34 =	vld [tilespmem:s23+$0xFFFFFB80];
	_ =	sdelay $0x4  }
0xd6: {  	[tilespmem:v48+s22+$0x0] =	vst.idx.msk $0xffff, v34  }
0xd7: {  	v49 =	vor.u32 v17, v33;
	v34 =	vld [tilespmem:s23+$0x0];
	_ =	sdelay $0x4  }
0xd8: {  	[tilespmem:v49+s22+$0x0] =	vst.idx.msk $0xffff, v34  }
0xd9: {  	v50 =	vor.u32 v18, v33;
	v34 =	vld [tilespmem:s23+$0x80];
	_ =	sdelay $0x4  }
0xda: {  	[tilespmem:v50+s22+$0x0] =	vst.idx.msk $0xffff, v34  }
0xdb: {  	v51 =	vor.u32 v19, v33;
	v34 =	vld [tilespmem:s23+$0x100];
	_ =	sdelay $0x4  }
0xdc: {  	[tilespmem:v51+s22+$0x0] =	vst.idx.msk $0xffff, v34  }
0xdd: {  	v52 =	vor.u32 v20, v33;
	v34 =	vld [tilespmem:s23+$0x180];
	_ =	sdelay $0x4  }
0xde: {  	[tilespmem:v52+s22+$0x0] =	vst.idx.msk $0xffff, v34  }
0xdf: {  	v53 =	vor.u32 v21, v33;
	v34 =	vld [tilespmem:s23+$0x200];
	_ =	sdelay $0x4  }
0xe0: {  	[tilespmem:v53+s22+$0x0] =	vst.idx.msk $0xffff, v34  }
0xe1: {  	v54 =	vor.u32 v22, v33;
	v34 =	vld [tilespmem:s23+$0x280];
	_ =	sdelay $0x4  }
0xe2: {  	[tilespmem:v54+s22+$0x0] =	vst.idx.msk $0xffff, v34  }
0xe3: {  	v55 =	vor.u32 v23, v33;
	v34 =	vld [tilespmem:s23+$0x300];
	_ =	sdelay $0x4  }
0xe4: {  	[tilespmem:v55+s22+$0x0] =	vst.idx.msk $0xffff, v34  }
0xe5: {  	v56 =	vor.u32 v24, v33;
	v34 =	vld [tilespmem:s23+$0x380];
	_ =	sdelay $0x4  }
0xe6: {  	[tilespmem:v56+s22+$0x0] =	vst.idx.msk $0xffff, v34  }
0xe7: {  	v57 =	vor.u32 v25, v33;
	v34 =	vld [tilespmem:s23+$0x800];
	_ =	sdelay $0x4  }
0xe8: {  	[tilespmem:v57+s22+$0x0] =	vst.idx.msk $0xffff, v34  }
0xe9: {  	v58 =	vor.u32 v26, v33;
	v34 =	vld [tilespmem:s23+$0x880];
	_ =	sdelay $0x4  }
0xea: {  	[tilespmem:v58+s22+$0x0] =	vst.idx.msk $0xffff, v34  }
0xeb: {  	v59 =	vor.u32 v27, v33;
	v34 =	vld [tilespmem:s23+$0x900];
	_ =	sdelay $0x4  }
0xec: {  	[tilespmem:v59+s22+$0x0] =	vst.idx.msk $0xffff, v34  }
0xed: {  	v60 =	vor.u32 v28, v33;
	v34 =	vld [tilespmem:s23+$0x980];
	_ =	sdelay $0x4  }
0xee: {  	[tilespmem:v60+s22+$0x0] =	vst.idx.msk $0xffff, v34  }
0xef: {  	v61 =	vor.u32 v29, v33;
	v34 =	vld [tilespmem:s23+$0xA00];
	_ =	sdelay $0x4  }
0xf0: {  	[tilespmem:v61+s22+$0x0] =	vst.idx.msk $0xffff, v34  }
0xf1: {  	v62 =	vor.u32 v30, v33;
	v34 =	vld [tilespmem:s23+$0xA80];
	_ =	sdelay $0x4  }
0xf2: {  	[tilespmem:v62+s22+$0x0] =	vst.idx.msk $0xffff, v34  }
0xf3: {  	v63 =	vor.u32 v31, v33;
	v34 =	vld [tilespmem:s23+$0xB00];
	_ =	sdelay $0x4  }
0xf4: {  	[tilespmem:v63+s22+$0x0] =	vst.idx.msk $0xffff, v34  }
0xf5: {  	v33 =	vor.u32 v32, v33;
	v34 =	vld [tilespmem:s23+$0xB80];
	_ =	sdelay $0x2  }
0xf6: {  	s20 =	sshll.u32 s20, $0x9  }
0xf7: {  	s20 =	sand.u32 $0x1FFFFE00, s20  }
0xf8: {  	s19 =	sadd.s32 $0x3, s19;
	s20 =	sadd.s32 s5, s20;
	[tilespmem:v33+s22+$0x0] =	vst.idx.msk $0xffff, v34  }
0xf9: {  	[hbm4b:s20+s3] =	stream.linear.scatter [tilespmem:s22], [sflag:s19], $0x400, $0x38;
	[tilespmem:$0x8000] =	vst v63  }
0xfa: {  	s26 =	sor.u32 $0x4800, s21;
	p1 =	sne.s32 s18, s6;
	s28 =	sadd.s32 $0x80, s20  }
0xfb: {  	[hbm4b:s28+s3] =	stream.linear.scatter [tilespmem:s26], [sflag:s19], $0x400, $0x38;
	[tilespmem:$0x8000] =	vst v63  }
.Ltmp1:
0xfc: {  	_ = 	snop;
	(pc) =	sbr.rel @p1 .LBB2_2-.Ltmp1, $4  }
0xfd: {  	s29 =	sor.u32 $0x5000, s21;
	s30 =	sadd.s32 $0x100, s20  }
0xfe: {  	[hbm4b:s30+s3] =	stream.linear.scatter [tilespmem:s29], [sflag:s19], $0x400, $0x38;
	[tilespmem:$0x8000] =	vst v63  }
0xff: {  	s31 =	sor.u32 $0x5800, s21;
	p0 =	por !p0, !p0;
	s20 =	sadd.s32 $0x180, s20  }
0x100: {  	[hbm4b:s20+s3] =	stream.linear.scatter [tilespmem:s31], [sflag:s19], $0x400, $0x38;
	[tilespmem:$0x8000] =	vst v63  }
0x101: {  	s17 =	sadd.s32 $0x1, s17  }
0x102: {  	_ =	swait.ge [sflag:s15], $0x1000;
	p0 =	sne.s32 s17, s9  }
.Ltmp2:
0x103: {  	[sflag:s15] =	ssyncset.done $0x0;
	(pc) =	sbr.rel @p0 .LBB2_1-.Ltmp2, $4  }
0x104: {  	[sflag:s15] =	ssyncadd.s32 $0xFFFFF000  }
0x105: {  	_ =	swait.ge [sflag:s16], $0x1000  }
0x106: {  	[sflag:s16] =	ssyncset.done $0x0  }
0x107: {  	[sflag:s16] =	ssyncadd.s32 $0xFFFFF000  }
0x108: {  	_ =	sfence.sel $0x180000  }
0x109: {  	[bflag:$0x0] =	sbarrier.arrive $0xFFFF  }
0x10a: {  	p0 =	sne.s32 s0, $0x0;
	_ =	strace $0x90000047  }
0x10b: {  	s0 =	sadd.s32 @!p0 $0x100000, s2;
	[bflag:$0x2] =	sbarrier.arrive $0xFFFF  }
0x10c: {  	[sflag:s0] =	ssyncadd.tile.s32 @!p0 $0x1;
	_ =	shalt  }
.Lfunc_end2:
_tile_overlayer_lowered:
.L_overlay_start_2:
0x10d: {  	(tag) =	ssettag $0x2  }
0x10e: {  	s0 =	rddreg [dreg:$0x0];
	s2 =	stileid.u32  }
0x10f: {  	s1 =	rddreg [dreg:$0x1];
	p0 =	sne.s32 s2, $0x0  }
0x110: {  	s3 =	rddreg [dreg:$0x2];
	[bflag:$0x3] =	sbarrier.arrive $0xFFFF;
	s2 =	simm.s32 @!p0 $0x1C05  }
0x111: {  	[timem:s3], [sflag:s2] =	dma.local @!p0 [hbm:s0], s1  }
0x112: {  	s0 =	simm.s32 @!p0 $0x5  }
0x113: {  	_ =	swait.ge @!p0 [sflag:s0], s1  }
0x114: {  	s1 =	ssub.s32 @!p0 $0x0, s1;
	[sflag:s0] =	ssyncset.done @!p0 $0x0  }
0x115: {  	[sflag:s0] =	ssyncadd.s32 @!p0 s1  }
0x116: {  	[bflag:$0x3] =	sbarrier.arrive $0xFFFF  }
0x117: {  	_ =	shalt  }

// kernel: kernel.7.cloned.1.call-start
scs
__scs_entry_jumppad:
0x0: {  	(pc) =	sbr.rel $0x88, $3  }
0x1: {  	(tag) =	ssettag $0x0;
	lr =	simm.s32 $0x1  }
0x2: {  	[smem:$0x3F9F] =	sst lr;
	_ =	strace $0xD0000000  }
0x3: {  	_ = 	snop  }
0x4: {  	_ = 	snop  }
0x5: {  	_ = 	snop  }
0x6: {  	_ = 	snop  }
0x7: {  	_ = 	snop  }
__scs_overlays_trampoline_lowered:
0x8: {  	[smem:$0x3FAE] =	sst s0  }
0x9: {  	[smem:$0x3FAF] =	sst s1  }
0xa: {  	[smem:$0x3FB0] =	sst s2  }
0xb: {  	[smem:$0x3FB1] =	sst s3  }
0xc: {  	[smem:$0x3FB2] =	sst s4  }
0xd: {  	[smem:$0x3FB3] =	sst s5  }
0xe: {  	[smem:$0x3FB4] =	sst s6  }
0xf: {  	[smem:$0x3FB5] =	sst s7  }
0x10: {  	[smem:$0x3FB6] =	sst s8  }
0x11: {  	[smem:$0x3FB7] =	sst s9;
	s0 =	simm.s32 @!p0 $0x0  }
0x12: {  	s1 =	sld [smem:$0x3F9D];
	s0 =	simm.s32 @p0 $0x1  }
0x13: {  	[smem:$0x3FB8] =	sst s0;
	s0 =	simm.s32 @!p1 $0x0  }
0x14: {  	s2 =	sld [smem:$0x3F9C];
	s0 =	simm.s32 @p1 $0x1  }
0x15: {  	[smem:$0x3FB9] =	sst s0;
	s0 =	simm.s32 @!p2 $0x0  }
0x16: {  	s3 =	sld [smem:$0x3FDB];
	s0 =	simm.s32 @p2 $0x1  }
0x17: {  	s4 =	simm.s32 $0x1BF5;
	[smem:$0x3FBB] =	sst s0  }
0x18: {  	s0 =	sld [smem:$0x3F9E];
	_ =	swait.ge [sflag:s4], $0x0  }
0x19: {  	s7 =	sld [smem:$0x3F9F]  }
0x1a: {  	s8 =	sadd.s32 $0xFFFFE003, lr  }
0x1b: {  	s9 =	sadd.s32 $0xFFFFFEF7, lr;
	s5 =	simm.s32 $0xFFFFFFFF;
	p2 =	slt.u32 s8, $0xFFFFF086  }
0x1c: {  	p1 =	slt.u32 s9, $0xF7A;
	s5 =	simm.s32 @!p2 $0x0  }
0x1d: {  	s5 =	simm.s32 @p1 $0x1;
	p0 =	seq.s32 s7, s2  }
0x1e: {  	s7 =	smul.u32 @!p0 $0xF7A, s2;
	p2 =	seq.s32 @!p0 s5, $0x0  }
0x1f: {  	s9 =	smul.u32 $0xF7A, s1;
	s8 =	simm.s32 @!p0 $0x1BF5;
	p2 =	por !p2, p0  }
0x20: {  	[sflag:s8] =	ssyncset.s32 @!p0 $0xFFFFF086;
	s6 =	sadd.s32 @!p0 s3, s7;
	s7 =	simm.s32 @!p0 $0x108  }
0x21: {  	s3 =	sadd.s32 s3, s9;
	s6 =	sadd.s32 @!p0 $0x88, s6;
	s7 =	simm.s32 @p2 $0x1082  }
0x22: {  	[simem:s7], [sflag:s8] =	dma.local @!p0 [hbm:s6], $0xF7A  }
0x23: {  	s9 =	sor.u32 $0xD0000000, s2;
	s6 =	simm.s32 $0x108;
	_ =	swait.ge @!p0 [sflag:s8], $0x0  }
0x24: {  	s3 =	sadd.s32 $0x88, s3;
	s6 =	simm.s32 @!p1 $0x1082;
	[sflag:s4] =	ssyncset.s32 $0xFFFFF086  }
0x25: {  	[simem:s6], [sflag:s4] =	dma.local [hbm:s3], $0xF7A  }
0x26: {  	[smem:$0x3F9F] =	sst s1;
	(tag) =	ssettag s2;
	_ =	strace s9  }
0x27: {  	s1 =	sld [smem:$0x3FAF]  }
0x28: {  	s2 =	sld [smem:$0x3FB0]  }
0x29: {  	s4 =	sld [smem:$0x3FB2]  }
0x2a: {  	p0 =	seq.s32 s5, $0x0;
	s5 =	sld [smem:$0x3FB3]  }
0x2b: {  	s6 =	sld [smem:$0x3FB4]  }
0x2c: {  	s7 =	sld [smem:$0x3FB5]  }
0x2d: {  	s3 =	simm.s32 $0x108;
	s8 =	sld [smem:$0x3FB6]  }
0x2e: {  	s3 =	simm.s32 @!p0 $0x1082;
	s9 =	sld [smem:$0x3FB7]  }
0x2f: {  	lr =	sadd.s32 s0, s3;
	s0 =	sld [smem:$0x3FAE]  }
0x30: {  	s3 =	sld [smem:$0x3FB1]  }
0x31: {  	[smem:$0x3FBA] =	sst s10  }
0x32: {  	s10 =	sld [smem:$0x3FB8];
	_ =	sdelay $0x3  }
0x33: {  	p0 =	seq.s32 s10, $0x1;
	s10 =	sld [smem:$0x3FBA];
	_ =	sdelay $0x3  }
0x34: {  	[smem:$0x3FBA] =	sst s10  }
0x35: {  	s10 =	sld [smem:$0x3FB9];
	_ =	sdelay $0x3  }
0x36: {  	p1 =	seq.s32 s10, $0x1;
	s10 =	sld [smem:$0x3FBA];
	_ =	sdelay $0x3  }
0x37: {  	[smem:$0x3FBA] =	sst s10  }
0x38: {  	s10 =	sld [smem:$0x3FBB]  }
0x39: {  	_ = 	snop;
	(pc) =	sbr.ind lr, $3  }
0x3a: {  	_ = 	snop  }
0x3b: {  	_ = 	snop  }
0x3c: {  	p2 =	seq.s32 s10, $0x1;
	s10 =	sld [smem:$0x3FBA]  }
0x3d: {  	_ =	shalt  }
0x3e: {  	_ =	shalt  }
0x3f: {  	_ =	shalt  }
0x40: {  	_ =	shalt  }
0x41: {  	_ =	shalt  }
0x42: {  	_ =	shalt  }
0x43: {  	_ =	shalt  }
0x44: {  	_ =	shalt  }
0x45: {  	_ =	shalt  }
0x46: {  	_ =	shalt  }
0x47: {  	_ =	shalt  }
0x48: {  	_ =	shalt  }
0x49: {  	_ =	shalt  }
0x4a: {  	_ =	shalt  }
0x4b: {  	_ =	shalt  }
0x4c: {  	_ =	shalt  }
0x4d: {  	_ =	shalt  }
0x4e: {  	_ =	shalt  }
0x4f: {  	_ =	shalt  }
0x50: {  	_ =	shalt  }
0x51: {  	_ =	shalt  }
0x52: {  	_ =	shalt  }
0x53: {  	_ =	shalt  }
0x54: {  	_ =	shalt  }
0x55: {  	_ =	shalt  }
0x56: {  	_ =	shalt  }
0x57: {  	_ =	shalt  }
0x58: {  	_ =	shalt  }
0x59: {  	_ =	shalt  }
0x5a: {  	_ =	shalt  }
0x5b: {  	_ =	shalt  }
0x5c: {  	_ =	shalt  }
0x5d: {  	_ =	shalt  }
0x5e: {  	_ =	shalt  }
0x5f: {  	_ =	shalt  }
0x60: {  	_ =	shalt  }
0x61: {  	_ =	shalt  }
0x62: {  	_ =	shalt  }
0x63: {  	_ =	shalt  }
0x64: {  	_ =	shalt  }
0x65: {  	_ =	shalt  }
0x66: {  	_ =	shalt  }
0x67: {  	_ =	shalt  }
0x68: {  	_ =	shalt  }
0x69: {  	_ =	shalt  }
0x6a: {  	_ =	shalt  }
0x6b: {  	_ =	shalt  }
0x6c: {  	_ =	shalt  }
0x6d: {  	_ =	shalt  }
0x6e: {  	_ =	shalt  }
0x6f: {  	_ =	shalt  }
0x70: {  	_ =	shalt  }
0x71: {  	_ =	shalt  }
0x72: {  	_ =	shalt  }
0x73: {  	_ =	shalt  }
0x74: {  	_ =	shalt  }
0x75: {  	_ =	shalt  }
0x76: {  	_ =	shalt  }
0x77: {  	_ =	shalt  }
0x78: {  	_ =	shalt  }
0x79: {  	_ =	shalt  }
0x7a: {  	_ =	shalt  }
0x7b: {  	_ =	shalt  }
0x7c: {  	_ =	shalt  }
0x7d: {  	_ =	shalt  }
0x7e: {  	_ =	shalt  }
0x7f: {  	_ =	shalt  }
0x80: {  	_ =	shalt  }
0x81: {  	_ =	shalt  }
0x82: {  	_ =	shalt  }
0x83: {  	_ =	shalt  }
0x84: {  	_ =	shalt  }
0x85: {  	_ =	shalt  }
0x86: {  	_ =	shalt  }
0x87: {  	_ =	shalt  }
.Lfunc_end0:
.L_simem_size_0:
called_computation.1_lowered:
.L_overlay_start_0:
0x88: {  	s2 =	sld [smem:$0x3FD9]  }
0x89: {  	s3 =	sld [smem:$0x3FFE];
	_ =	sdelay $0x1  }
0x8a: {  	s1 =	srdreg.scid  }
0x8b: {  	s0 =	sand.u32 $0x1, s1  }
0x8c: {  	s17 =	sshll.u32 s0, $0xA;
	s2 =	sadd.s32 s3, s2  }
0x8d: {  	s2 =	sadd.s32 s2, s17  }
0x8e: {  	[smem:$0x3FC6] =	sst s2  }
0x8f: {  	_ = 	snop  }
0x90: {  	s2 =	sld [smem:$0x3FD0];
	(tm) =	ssettm $0x1  }
0x91: {  	s18 =	sld [smem:$0x3FFB];
	_ =	sdelay $0x3  }
0x92: {  	_ =	strace s18  }
0x93: {  	s3 =	sld [smem:$0x3FFC];
	_ =	sdelay $0x3  }
0x94: {  	_ =	strace s3  }
0x95: {  	s3 =	sld [smem:$0x3FFD];
	_ =	sdelay $0x3  }
0x96: {  	_ =	strace s3  }
0x97: {  	_ =	strace $0x8FFFFFFF  }
0x98: {  	s19 =	sld [smem:$0x3FDB];
	_ =	sdelay $0x1  }
0x99: {  	s4 =	simm.s32 $_scs_section_size  }
0x9a: {  	s5 =	simm.s32 $_size__tile_overlayer_lowered;
	s6 =	simm.s32 $_tile_overlayer_lowered  }
0x9b: {  	s22 =	simm.s32 $0x1BFF;
	s21 =	sshll.u32 s6, $0x1;
	s3 =	sadd.s32 s4, s19  }
0x9c: {  	s7 =	simm.s32 $0x0;
	s20 =	sshll.u32 s5, $0x1;
	s5 =	sadd.s32 s21, s3  }
0x9d: {  	[timem:s7], [sflag:s22] =	dma.local [hbm:s5], s20  }
0x9e: {  	_ =	swait.ge [sflag:s22], s20  }
0x9f: {  	s4 =	ssub.s32 $0x0, s20;
	[sflag:s22] =	ssyncset.done $0x0  }
0xa0: {  	[sflag:s22] =	ssyncadd.s32 s4;
	_ =	sdelay $0x1  }
0xa1: {  	s23 =	simm.s32 $0x1B8B  }
0xa2: {  	_ =	swait.ge [sflag:s23], $0x1  }
0xa3: {  	[sflag:s23] =	ssyncset.done $0x0  }
0xa4: {  	s25 =	simm.s32 $0x1B8E;
	s24 =	sld [smem:$0x3FFE];
	[sflag:s23] =	ssyncadd.s32 $0xFFFFFFFF  }
0xa5: {  	s26 =	simm.s32 $execute0_lowered;
	[smem:$0x3FD2] =	sst s25  }
0xa6: {  	s5 =	sshll.u32 s26, $0x1;
	_ =	strace $0x80000049;
	[dreg:$0x1] =	wrdreg $0xFFFFFFFF  }
0xa7: {  	s28 =	simm.s32 $_size_execute0_lowered;
	s3 =	sadd.s32 s3, s5;
	[dreg:$0x0] =	wrdreg $0x0  }
0xa8: {  	s5 =	sshll.u32 s28, $0x1;
	[dreg:$0x2] =	wrdreg s3  }
0xa9: {  	[dreg:$0x3] =	wrdreg s5  }
0xaa: {  	[dreg:$0x4] =	wrdreg $0xC0  }
0xab: {  	_ =	task [dreg:s7], $0x5FFFF  }
0xac: {  	[dreg:$0x1] =	wrdreg $0xFFFFFFFF  }
0xad: {  	[dreg:$0x0] =	wrdreg $0x60  }
0xae: {  	[dreg:$0x2] =	wrdreg s24  }
0xaf: {  	[dreg:$0x3] =	wrdreg s2  }
0xb0: {  	[dreg:$0x4] =	wrdreg $0x9  }
0xb1: {  	_ =	task.clear_ibuf [dreg:s7], $0x5FFFF;
	_ =	strace $0x90000049  }
0xb2: {  	s29 =	simm.s32 $0x9;
	_ =	strace $0x8000004B  }
0xb3: {  	_ =	swait.ge [sflag:s29], $0x1  }
0xb4: {  	[sflag:s29] =	ssyncadd.s32 $0xFFFFFFFF  }
0xb5: {  	_ =	strace $0x9000004B  }
0xb6: {  	_ =	sfence  }
0xb7: {  	s30 =	sld [smem:$0x0];
	_ =	sdelay $0x2  }
0xb8: {  	s31 =	sshll.u32 s1, $0xD;
	s1 =	sshrl.u32 s1, $0x2  }
0xb9: {  	s3 =	sand.u32 $0x4000, s31;
	s1 =	sadd.s32 s1, s30  }
0xba: {  	s0 =	sor.u32 s3, s0;
	s1 =	sshll.u32 s1, $0x11  }
0xbb: {  	s0 =	sor.u32 s1, s0  }
0xbc: {  	s0 =	sadd.s32 $0x8F2B, s0  }
0xbd: {  	[sflag:s0] =	ssyncadd.remote.s32 $0x1  }
0xbe: {  	_ =	sfence.sel $0xFFFF  }
0xbf: {  	[dreg:$0x0] =	wrdreg $0xFFFFFFFF;
	(pc) =	sbr.abs _section_cstart, $3  }
0xc0: {  	[dreg:$0x1] =	wrdreg $0xFFFFFFFF  }
0xc1: {  	_ =	task.clear_ibuf [dreg:s7], $0x2FFFF;
	_ =	strace $0x9FFFFFFF  }
0xc2: {  	(tm) =	ssettm $0x7FFFFFFF  }
0xc3: {  	_ =	shalt  }
tec
execute0_lowered:
.L_overlay_start_1:
0x0: {  	(tag) =	ssettag $0x1  }
0x1: {  	v0 =	vimm.s32 $0xC38  }
0x2: {  	vm0 =	vcmask $0x300;
	v1 =	vimm.s32 $0x1078;
	vm1 =	vcmask $0x704  }
0x3: {  	vm15 =	vcmask $0xB08;
	v0 =	vsel vm0, $0x0, v0;
	v1 =	vsel vm0, $0x440, v1  }
0x4: {  	vm4 =	vcmask $0xF0C;
	v0 =	vsel vm1, $0x88, v0;
	v1 =	vsel vm1, $0x4C8, v1  }
0x5: {  	s0 =	rddreg [dreg:$0x0];
	vm5 =	vcmask $0x1310;
	v0 =	vsel vm15, $0x110, v0;
	v1 =	vsel vm15, $0x550, v1  }
0x6: {  	s1 =	srdreg.scid;
	s3 =	stileid.u32;
	vm6 =	vcmask $0x1714;
	v0 =	vsel vm4, $0x198, v0;
	v1 =	vsel vm4, $0x5D8, v1  }
0x7: {  	s2 =	rddreg [dreg:$0x1];
	vm7 =	vcmask $0x1B18;
	s14 =	simm.s32 $0x80;
	s15 =	simm.s32 $0x1;
	v0 =	vsel vm5, $0x220, v0;
	v1 =	vsel vm5, $0x660, v1  }
0x8: {  	vm8 =	vcmask $0x1F1C;
	s18 =	simm.s32 $0x5;
	s19 =	simm.s32 $0x6;
	s20 =	simm.s32 $0x7;
	v0 =	vsel vm6, $0x2A8, v0;
	v1 =	vsel vm6, $0x6E8, v1  }
0x9: {  	vm9 =	vcmask $0x2320;
	s21 =	simm.s32 $0x8;
	s1 =	sand.u32 $0x1, s1;
	s4 =	sshll.u32 s3, $0x1;
	v0 =	vsel vm7, $0x330, v0;
	v1 =	vsel vm7, $0x770, v1  }
0xa: {  	vm10 =	vcmask $0x2724;
	s22 =	simm.s32 $0x0;
	s3 =	simm.s32 $0x0;
	s6 =	sor.u32 s1, s4;
	v0 =	vsel vm8, $0x3B8, v0;
	v1 =	vsel vm8, $0x7F8, v1  }
0xb: {  	s9 =	sadd.s32 $0x3D1410, s0;
	s10 =	sadd.s32 $0x400, s2;
	s4 =	smul.u32 $0x7D00, s6;
	v0 =	vsel vm9, $0x880, v0;
	v1 =	vsel vm9, $0xCC0, v1  }
0xc: {  	vm11 =	vcmask $0x2B28;
	s11 =	sadd.s32 $0x800, s2;
	s12 =	sadd.s32 $0xC00, s2;
	s5 =	sshll.u32 s6, $0x8;
	v0 =	vsel vm10, $0x908, v0;
	v1 =	vsel vm10, $0xD48, v1  }
0xd: {  	vm12 =	vcmask $0x2F2C;
	[smem:$0x7FF] =	sst s3;
	s5 =	sand.u32 $0x300, s5;
	s7 =	sand.u32 $0xFFC00, s4;
	v0 =	vsel vm11, $0x990, v0;
	v1 =	vsel vm11, $0xDD0, v1  }
0xe: {  	vm13 =	vcmask $0x3330;
	s1 =	ssub.s32 $0x2, s1;
	_ =	strace $0x8000004A;
	s7 =	sor.u32 s5, s7;
	v0 =	vsel vm12, $0xA18, v0;
	v1 =	vsel vm12, $0xE58, v1  }
0xf: {  	vm14 =	vcmask $0x3734;
	s8 =	sshrl.u32 s1, $0x1;
	s4 =	sadd.s32 $0x3D1400, s0;
	s7 =	sshrl.u32 s7, $0x3;
	v0 =	vsel vm13, $0xAA0, v0;
	v1 =	vsel vm13, $0xEE0, v1  }
0x10: {  	s6 =	smul.u32 $0x7D, s6;
	vm15 =	vcmask $0x3B38;
	s1 =	ssub.s32 s1, s8;
	s7 =	sadd.s32 s4, s7;
	v0 =	vsel vm14, $0xB28, v0;
	v1 =	vsel vm14, $0xF68, v1  }
0x11: {  	s13 =	smax.u32 s1, $0x1;
	s5 =	sadd.s32 $0xA00, s0;
	s8 =	sadd.s32 $0x10, s7;
	v0 =	vsel vm15, $0xBB0, v0;
	v1 =	vsel vm15, $0xFF0, v1  }
.LBB2_1:
0x12: {  	[tilespmem:s3], [sflag:$0x1] =	stream.linear.gather [hbm4b:s7+s3], $0x80, $0x38;
	[tilespmem:$0x8600] =	vst v63  }
0x13: {  	_ = 	snop  }
0x14: {  	[tilespmem:s14], [sflag:$0x1] =	stream.linear.gather [hbm4b:s8+s3], $0x80, $0x38;
	[tilespmem:$0x8600] =	vst v63  }
0x15: {  	_ =	swait.ge [sflag:s15], $0x80  }
0x16: {  	[sflag:s15] =	ssyncset.done $0x0  }
0x17: {  	[sflag:s15] =	ssyncadd.s32 $0xFFFFFF80  }
0x18: {  	_ =	swait.ge [sflag:s15], $0x80  }
0x19: {  	[sflag:s15] =	ssyncset.done $0x0  }
0x1a: {  	s0 =	simm.s32 $0x200;
	[sflag:s15] =	ssyncadd.s32 $0xFFFFFF80  }
0x1b: {  	[tilespmem:s0], [sflag:$0x3] =	stream.indirect.gather [hbm4b:s5+s14], $0x20, s3, s14, $0xb8;
	[tilespmem:$0x8600] =	vst v63  }
0x1c: {  	s31 =	simm.s32 $0x1200;
	p0 =	por $0x0, $0x0;
	s23 =	simm.s32 $0x0  }
0x1d: {  	[tilespmem:s31], [sflag:$0x3] =	stream.indirect.gather [hbm4b:s5+s14], $0x20, s14, s14, $0xb8;
	[tilespmem:$0x8600] =	vst v63  }
.LBB2_2:
0x1e: {  	p1 =	sne.s32 s23, $0x7C  }
.Ltmp0:
0x1f: {  	_ = 	snop;
	(pc) =	sbr.rel @p1 .LBB2_4-.Ltmp0, $3  }
0x20: {  	_ =	sdelay $0x1  }
0x21: {  	s0 =	sand.u32 $0x1, s23  }
0x22: {  	s26 =	sadd.s32 s6, s23;
	s1 =	sadd.s32 $0x3, s0  }
0x23: {  	_ =	swait.ge [sflag:s1], $0x1000  }
.Ltmp1:
0x24: {  	[sflag:s1] =	ssyncset.done $0x0;
	(pc) =	sbr.rel .LBB2_5-.Ltmp1, $4  }
0x25: {  	[sflag:s1] =	ssyncadd.s32 $0xFFFFF000  }
0x26: {  	_ =	swait.ge [sflag:s1], $0x1000  }
0x27: {  	[sflag:s1] =	ssyncset.done $0x0  }
0x28: {  	s24 =	simm.s32 $0x0;
	[sflag:s1] =	ssyncadd.s32 $0xFFFFF000  }
.LBB2_4:
0x29: {  	s16 =	sshll.u32 s26, $0x5  }
0x2a: {  	s16 =	sand.u32 $0x1FFFFFE0, s16  }
0x2b: {  	s24 =	sxor.u32 $0x1, s0;
	s16 =	sadd.s32 $0x20, s16  }
0x2c: {  	s25 =	sadd.s32 $0x1, s24;
	s28 =	sshll.u32 s24, $0x8;
	s29 =	sadd.s32 s4, s16  }
0x2d: {  	[tilespmem:s28], [sflag:s25] =	stream.linear.gather [hbm4b:s29+s3], $0x80, $0x38;
	[tilespmem:$0x8600] =	vst v63  }
0x2e: {  	s17 =	sor.u32 $0x80, s28;
	s16 =	sadd.s32 s16, s9  }
0x2f: {  	[tilespmem:s17], [sflag:s25] =	stream.linear.gather [hbm4b:s16+s3], $0x80, $0x38;
	[tilespmem:$0x8600] =	vst v63  }
0x30: {  	_ =	swait.ge [sflag:s1], $0x1000  }
0x31: {  	[sflag:s1] =	ssyncset.done $0x0  }
0x32: {  	[sflag:s1] =	ssyncadd.s32 $0xFFFFF000  }
0x33: {  	_ =	swait.ge [sflag:s1], $0x1000  }
0x34: {  	[sflag:s1] =	ssyncset.done $0x0  }
0x35: {  	[sflag:s1] =	ssyncadd.s32 $0xFFFFF000  }
0x36: {  	_ =	swait.ge [sflag:s25], $0x80  }
0x37: {  	[sflag:s25] =	ssyncset.done $0x0  }
0x38: {  	[sflag:s25] =	ssyncadd.s32 $0xFFFFFF80  }
0x39: {  	p1 =	slt.u32 s23, $0x2;
	_ =	swait.ge [sflag:s25], $0x80  }
0x3a: {  	s30 =	sshll.u32 s24, $0xD;
	s24 =	sadd.s32 $0x3, s24;
	[sflag:s25] =	ssyncset.done $0x0  }
.Ltmp2:
0x3b: {  	s31 =	sor.u32 $0x200, s30;
	[sflag:s25] =	ssyncadd.s32 $0xFFFFFF80;
	(pc) =	sbr.rel @p1 .LBB2_6-.Ltmp2, $4  }
0x3c: {  	[tilespmem:s31], [sflag:s24] =	stream.indirect.gather [hbm4b:s5+s14], $0x20, s28, s14, $0xb8;
	[tilespmem:$0x8600] =	vst v63  }
0x3d: {  	s1 =	sor.u32 $0x1200, s30  }
0x3e: {  	[tilespmem:s1], [sflag:s24] =	stream.indirect.gather [hbm4b:s5+s14], $0x20, s17, s14, $0xb8;
	[tilespmem:$0x8600] =	vst v63  }
0x3f: {  	s24 =	sshll.u32 s0, $0x1  }
.LBB2_5:
0x40: {  	s1 =	sadd.s32 $0x5, s24  }
0x41: {  	_ =	swait.ge [sflag:s1], $0x800  }
0x42: {  	[sflag:s1] =	ssyncset.done $0x0  }
0x43: {  	[sflag:s1] =	ssyncadd.s32 $0xFFFFF800  }
0x44: {  	_ =	swait.ge [sflag:s1], $0x800  }
0x45: {  	[sflag:s1] =	ssyncset.done $0x0  }
0x46: {  	s31 =	sadd.s32 $0x6, s24;
	[sflag:s1] =	ssyncadd.s32 $0xFFFFF800  }
0x47: {  	_ =	swait.ge [sflag:s31], $0x800  }
0x48: {  	[sflag:s31] =	ssyncset.done $0x0  }
0x49: {  	[sflag:s31] =	ssyncadd.s32 $0xFFFFF800  }
0x4a: {  	_ =	swait.ge [sflag:s31], $0x800  }
0x4b: {  	[sflag:s31] =	ssyncset.done $0x0  }
0x4c: {  	[sflag:s31] =	ssyncadd.s32 $0xFFFFF800  }
.LBB2_6:
0x4d: {  	s1 =	simm.s32 $0x1  }
0x4e: {  	s16 =	simm.s32 $0x0;
	s1 =	simm.s32 @!p0 $0x0  }
0x4f: {  	v2 =	vmov s16;
	s30 =	sshll.u32 s1, $0xD  }
0x50: {  	v2 =	vand.u32 $0x7C, v2;
	s1 =	sor.u32 $0x240, s30  }
0x51: {  	v4 =	vadd.s32 v0, v2;
	v3 =	vld [tilespmem:s1+$0xFFFFFFC0]  }
0x52: {  	s0 =	smul.u32 $0x8800, s0;
	_ =	sdelay $0x1  }
0x53: {  	s25 =	sshrl.u32 s0, $0x2  }
0x54: {  	s28 =	sadd.s32 $0x4200, s25  }
0x55: {  	[tilespmem:v4+s28+$0x0] =	vst.idx.msk $0xffff, v3  }
0x56: {  	v3 =	vld [tilespmem:s1+$0xFFFFFFD0];
	_ =	sdelay $0x2  }
0x57: {  	s17 =	simm.s32 $0x1  }
0x58: {  	v5 =	vmov s17;
	s29 =	sadd.s32 $0x5300, s25  }
0x59: {  	[tilespmem:v4+s29+$0x0] =	vst.idx.msk $0xffff, v3;
	v3 =	vand.u32 $0x7D, v5  }
0x5a: {  	v4 =	vld [tilespmem:s1+$0xFFFFFFE0];
	v5 =	vadd.s32 v0, v3;
	_ =	sdelay $0x4  }
0x5b: {  	[tilespmem:v5+s28+$0x0] =	vst.idx.msk $0xffff, v4  }
0x5c: {  	v4 =	vld [tilespmem:s1+$0xFFFFFFF0];
	_ =	sdelay $0x2  }
0x5d: {  	s16 =	simm.s32 $0x2  }
0x5e: {  	v6 =	vmov s16  }
0x5f: {  	[tilespmem:v5+s29+$0x0] =	vst.idx.msk $0xffff, v4;
	v4 =	vand.u32 $0x7E, v6  }
0x60: {  	v5 =	vld [tilespmem:s1+$0x0];
	v6 =	vadd.s32 v0, v4;
	_ =	sdelay $0x4  }
0x61: {  	[tilespmem:v6+s28+$0x0] =	vst.idx.msk $0xffff, v5  }
0x62: {  	v5 =	vld [tilespmem:s1+$0x10];
	_ =	sdelay $0x2  }
0x63: {  	s17 =	simm.s32 $0x3  }
0x64: {  	v7 =	vmov s17  }
0x65: {  	[tilespmem:v6+s29+$0x0] =	vst.idx.msk $0xffff, v5;
	v5 =	vand.u32 $0x7F, v7  }
0x66: {  	v7 =	vld [tilespmem:s1+$0x20];
	v6 =	vadd.s32 v0, v5;
	_ =	sdelay $0x4  }
0x67: {  	[tilespmem:v6+s28+$0x0] =	vst.idx.msk $0xffff, v7  }
0x68: {  	v7 =	vld [tilespmem:s1+$0x30];
	_ =	sdelay $0x2  }
0x69: {  	s31 =	sor.u32 $0x1270, s30;
	s30 =	simm.s32 $0x4  }
0x6a: {  	s23 =	sadd.s32 $0x1, s23;
	s16 =	simm.s32 $0x8;
	s0 =	simm.s32 $0x4;
	v8 =	vmov s30  }
.LBB2_7:
0x6b: {  	p1 =	sne.s32 s16, $0x7C;
	v8 =	vand.u32 $0x7C, v8;
	[tilespmem:v6+s29+$0x0] =	vst.idx.msk $0xffff, v7;
	s1 =	sadd.s32 $0x80, s1  }
0x6c: {  	v6 =	vld [tilespmem:s1+$0xFFFFFFC0];
	v7 =	vadd.s32 v0, v8;
	_ =	sdelay $0x4  }
0x6d: {  	[tilespmem:v7+s28+$0x0] =	vst.idx.msk $0xffff, v6  }
0x6e: {  	v6 =	vld [tilespmem:s1+$0xFFFFFFD0];
	_ =	sdelay $0x2  }
0x6f: {  	s17 =	sadd.s32 $0x1, s0  }
0x70: {  	v8 =	vmov s17  }
0x71: {  	[tilespmem:v7+s29+$0x0] =	vst.idx.msk $0xffff, v6;
	v6 =	vand.u32 $0x7D, v8  }
0x72: {  	v7 =	vld [tilespmem:s1+$0xFFFFFFE0];
	v6 =	vadd.s32 v0, v6;
	_ =	sdelay $0x4  }
0x73: {  	[tilespmem:v6+s28+$0x0] =	vst.idx.msk $0xffff, v7  }
0x74: {  	v7 =	vld [tilespmem:s1+$0xFFFFFFF0];
	_ =	sdelay $0x2  }
0x75: {  	s17 =	sadd.s32 $0x2, s0  }
0x76: {  	v8 =	vmov s17  }
0x77: {  	[tilespmem:v6+s29+$0x0] =	vst.idx.msk $0xffff, v7;
	v6 =	vand.u32 $0x7E, v8  }
0x78: {  	v7 =	vld [tilespmem:s1+$0x0];
	v6 =	vadd.s32 v0, v6;
	_ =	sdelay $0x4  }
0x79: {  	[tilespmem:v6+s28+$0x0] =	vst.idx.msk $0xffff, v7  }
0x7a: {  	v7 =	vld [tilespmem:s1+$0x10];
	_ =	sdelay $0x2  }
0x7b: {  	s17 =	sadd.s32 $0x3, s0;
	s0 =	smov.u32 s16  }
0x7c: {  	v8 =	vmov s17  }
0x7d: {  	[tilespmem:v6+s29+$0x0] =	vst.idx.msk $0xffff, v7;
	v6 =	vand.u32 $0x7F, v8  }
0x7e: {  	v7 =	vld [tilespmem:s1+$0x20];
	v6 =	vadd.s32 v0, v6;
	_ =	sdelay $0x4  }
0x7f: {  	[tilespmem:v6+s28+$0x0] =	vst.idx.msk $0xffff, v7  }
.Ltmp3:
0x80: {  	v7 =	vld [tilespmem:s1+$0x30];
	(pc) =	sbr.rel @p1 .LBB2_7-.Ltmp3, $2  }
0x81: {  	_ =	sdelay $0x2  }
0x82: {  	s16 =	sadd.s32 $0x4, s16;
	v8 =	vmov s0  }
0x83: {  	_ =	sdelay $0x3  }
0x84: {  	v8 =	vand.u32 $0x7C, v8;
	[tilespmem:v6+s29+$0x0] =	vst.idx.msk $0xffff, v7;
	s1 =	sadd.s32 $0x80, s1  }
0x85: {  	v6 =	vld [tilespmem:s1+$0xFFFFFFC0];
	v7 =	vadd.s32 v0, v8;
	_ =	sdelay $0x4  }
0x86: {  	[tilespmem:v7+s28+$0x0] =	vst.idx.msk $0xffff, v6  }
0x87: {  	v6 =	vld [tilespmem:s1+$0xFFFFFFD0];
	_ =	sdelay $0x2  }
0x88: {  	s16 =	sadd.s32 $0x1, s0  }
0x89: {  	v61 =	vmov s16  }
0x8a: {  	[tilespmem:v7+s29+$0x0] =	vst.idx.msk $0xffff, v6;
	v6 =	vand.u32 $0x7D, v61  }
0x8b: {  	v7 =	vld [tilespmem:s1+$0xFFFFFFE0];
	v6 =	vadd.s32 v0, v6;
	_ =	sdelay $0x4  }
0x8c: {  	[tilespmem:v6+s28+$0x0] =	vst.idx.msk $0xffff, v7  }
0x8d: {  	v7 =	vld [tilespmem:s1+$0xFFFFFFF0];
	_ =	sdelay $0x2  }
0x8e: {  	s17 =	sadd.s32 $0x2, s0  }
0x8f: {  	v62 =	vmov s17  }
0x90: {  	[tilespmem:v6+s29+$0x0] =	vst.idx.msk $0xffff, v7;
	v6 =	vand.u32 $0x7E, v62  }
0x91: {  	v7 =	vld [tilespmem:s1+$0x0];
	v6 =	vadd.s32 v0, v6;
	_ =	sdelay $0x4  }
0x92: {  	[tilespmem:v6+s28+$0x0] =	vst.idx.msk $0xffff, v7  }
0x93: {  	v7 =	vld [tilespmem:s1+$0x10];
	_ =	sdelay $0x2  }
0x94: {  	s17 =	sadd.s32 $0x3, s0  }
0x95: {  	v63 =	vmov s17  }
0x96: {  	[tilespmem:v6+s29+$0x0] =	vst.idx.msk $0xffff, v7;
	v6 =	vand.u32 $0x7F, v63  }
0x97: {  	v7 =	vld [tilespmem:s1+$0x20];
	v6 =	vadd.s32 v0, v6;
	_ =	sdelay $0x4  }
0x98: {  	[tilespmem:v6+s28+$0x0] =	vst.idx.msk $0xffff, v7  }
0x99: {  	v7 =	vld [tilespmem:s1+$0x30];
	_ =	sdelay $0x4  }
0x9a: {  	[tilespmem:v6+s29+$0x0] =	vst.idx.msk $0xffff, v7  }
0x9b: {  	v2 =	vadd.s32 v1, v2;
	v6 =	vld [tilespmem:s31+$0xFFFFFF90];
	_ =	sdelay $0x4  }
0x9c: {  	[tilespmem:v2+s28+$0x0] =	vst.idx.msk $0xffff, v6  }
0x9d: {  	v6 =	vld [tilespmem:s31+$0xFFFFFFA0];
	_ =	sdelay $0x4  }
0x9e: {  	[tilespmem:v2+s29+$0x0] =	vst.idx.msk $0xffff, v6  }
0x9f: {  	v3 =	vadd.s32 v1, v3;
	v2 =	vld [tilespmem:s31+$0xFFFFFFB0];
	_ =	sdelay $0x4  }
0xa0: {  	[tilespmem:v3+s28+$0x0] =	vst.idx.msk $0xffff, v2  }
0xa1: {  	v2 =	vld [tilespmem:s31+$0xFFFFFFC0];
	_ =	sdelay $0x4  }
0xa2: {  	[tilespmem:v3+s29+$0x0] =	vst.idx.msk $0xffff, v2  }
0xa3: {  	v3 =	vadd.s32 v1, v4;
	v2 =	vld [tilespmem:s31+$0xFFFFFFD0];
	_ =	sdelay $0x4  }
0xa4: {  	[tilespmem:v3+s28+$0x0] =	vst.idx.msk $0xffff, v2  }
0xa5: {  	v2 =	vld [tilespmem:s31+$0xFFFFFFE0];
	_ =	sdelay $0x4  }
0xa6: {  	[tilespmem:v3+s29+$0x0] =	vst.idx.msk $0xffff, v2  }
0xa7: {  	v2 =	vadd.s32 v1, v5;
	v3 =	vld [tilespmem:s31+$0xFFFFFFF0];
	_ =	sdelay $0x4  }
0xa8: {  	[tilespmem:v2+s28+$0x0] =	vst.idx.msk $0xffff, v3  }
0xa9: {  	v3 =	vld [tilespmem:s31+$0x0];
	_ =	sdelay $0x3  }
0xaa: {  	s0 =	simm.s32 $0x8;
	v4 =	vmov s30  }
.LBB2_9:
0xab: {  	p1 =	sne.s32 s0, $0x7C;
	v4 =	vand.u32 $0x7C, v4;
	[tilespmem:v2+s29+$0x0] =	vst.idx.msk $0xffff, v3;
	s31 =	sadd.s32 $0x80, s31  }
0xac: {  	v2 =	vld [tilespmem:s31+$0xFFFFFF90];
	v3 =	vadd.s32 v1, v4;
	_ =	sdelay $0x4  }
0xad: {  	[tilespmem:v3+s28+$0x0] =	vst.idx.msk $0xffff, v2  }
0xae: {  	v2 =	vld [tilespmem:s31+$0xFFFFFFA0];
	_ =	sdelay $0x2  }
0xaf: {  	s1 =	sadd.s32 $0x1, s30  }
0xb0: {  	v4 =	vmov s1  }
0xb1: {  	[tilespmem:v3+s29+$0x0] =	vst.idx.msk $0xffff, v2;
	v2 =	vand.u32 $0x7D, v4  }
0xb2: {  	v3 =	vld [tilespmem:s31+$0xFFFFFFB0];
	v2 =	vadd.s32 v1, v2;
	_ =	sdelay $0x4  }
0xb3: {  	[tilespmem:v2+s28+$0x0] =	vst.idx.msk $0xffff, v3  }
0xb4: {  	v3 =	vld [tilespmem:s31+$0xFFFFFFC0];
	_ =	sdelay $0x2  }
0xb5: {  	s1 =	sadd.s32 $0x2, s30  }
0xb6: {  	v4 =	vmov s1  }
0xb7: {  	[tilespmem:v2+s29+$0x0] =	vst.idx.msk $0xffff, v3;
	v2 =	vand.u32 $0x7E, v4  }
0xb8: {  	v3 =	vld [tilespmem:s31+$0xFFFFFFD0];
	v2 =	vadd.s32 v1, v2;
	_ =	sdelay $0x4  }
0xb9: {  	[tilespmem:v2+s28+$0x0] =	vst.idx.msk $0xffff, v3  }
0xba: {  	v3 =	vld [tilespmem:s31+$0xFFFFFFE0];
	_ =	sdelay $0x2  }
0xbb: {  	s1 =	sadd.s32 $0x3, s30;
	s30 =	smov.u32 s0  }
0xbc: {  	v4 =	vmov s1  }
0xbd: {  	[tilespmem:v2+s29+$0x0] =	vst.idx.msk $0xffff, v3;
	v2 =	vand.u32 $0x7F, v4  }
0xbe: {  	v3 =	vld [tilespmem:s31+$0xFFFFFFF0];
	v2 =	vadd.s32 v1, v2;
	_ =	sdelay $0x4  }
0xbf: {  	[tilespmem:v2+s28+$0x0] =	vst.idx.msk $0xffff, v3  }
.Ltmp4:
0xc0: {  	v3 =	vld [tilespmem:s31+$0x0];
	(pc) =	sbr.rel @p1 .LBB2_9-.Ltmp4, $2  }
0xc1: {  	_ =	sdelay $0x2  }
0xc2: {  	s0 =	sadd.s32 $0x4, s0;
	v4 =	vmov s30  }
0xc3: {  	_ =	sdelay $0x3  }
0xc4: {  	v4 =	vand.u32 $0x7C, v4;
	[tilespmem:v2+s29+$0x0] =	vst.idx.msk $0xffff, v3;
	s0 =	sadd.s32 $0x80, s31  }
0xc5: {  	v2 =	vld [tilespmem:s0+$0xFFFFFF90];
	v3 =	vadd.s32 v1, v4;
	_ =	sdelay $0x4  }
0xc6: {  	[tilespmem:v3+s28+$0x0] =	vst.idx.msk $0xffff, v2  }
0xc7: {  	v2 =	vld [tilespmem:s0+$0xFFFFFFA0];
	_ =	sdelay $0x2  }
0xc8: {  	s1 =	sadd.s32 $0x1, s30  }
0xc9: {  	v61 =	vmov s1  }
0xca: {  	[tilespmem:v3+s29+$0x0] =	vst.idx.msk $0xffff, v2;
	v2 =	vand.u32 $0x7D, v61  }
0xcb: {  	v3 =	vld [tilespmem:s0+$0xFFFFFFB0];
	v2 =	vadd.s32 v1, v2;
	_ =	sdelay $0x4  }
0xcc: {  	[tilespmem:v2+s28+$0x0] =	vst.idx.msk $0xffff, v3  }
0xcd: {  	v3 =	vld [tilespmem:s0+$0xFFFFFFC0];
	_ =	sdelay $0x2  }
0xce: {  	s31 =	sadd.s32 $0x2, s30  }
0xcf: {  	v62 =	vmov s31  }
0xd0: {  	[tilespmem:v2+s29+$0x0] =	vst.idx.msk $0xffff, v3;
	v2 =	vand.u32 $0x7E, v62  }
0xd1: {  	v3 =	vld [tilespmem:s0+$0xFFFFFFD0];
	v2 =	vadd.s32 v1, v2;
	_ =	sdelay $0x4  }
0xd2: {  	[tilespmem:v2+s28+$0x0] =	vst.idx.msk $0xffff, v3  }
0xd3: {  	v3 =	vld [tilespmem:s0+$0xFFFFFFE0];
	_ =	sdelay $0x2  }
0xd4: {  	s16 =	sadd.s32 $0x3, s30  }
0xd5: {  	v63 =	vmov s16  }
0xd6: {  	[tilespmem:v2+s29+$0x0] =	vst.idx.msk $0xffff, v3;
	v2 =	vand.u32 $0x7F, v63  }
0xd7: {  	v3 =	vld [tilespmem:s0+$0xFFFFFFF0];
	v2 =	vadd.s32 v1, v2;
	_ =	sdelay $0x4  }
0xd8: {  	[tilespmem:v2+s28+$0x0] =	vst.idx.msk $0xffff, v3  }
0xd9: {  	v3 =	vld [tilespmem:s0+$0x0];
	_ =	sdelay $0x1  }
0xda: {  	s17 =	sshll.u32 s26, $0x8;
	s26 =	sshll.u32 s26, $0xA  }
0xdb: {  	s1 =	sand.u32 $0xFFFF000, s26;
	s0 =	sand.u32 $0x300, s17  }
0xdc: {  	s26 =	sor.u32 s0, s1  }
0xdd: {  	s0 =	sadd.s32 $0x5, s24;
	s1 =	sadd.s32 s2, s26;
	[tilespmem:v2+s29+$0x0] =	vst.idx.msk $0xffff, v3  }
0xde: {  	[hbm4b:s1+s3] =	stream.linear.scatter [tilespmem:s28], [sflag:s0], $0x80, $0x38;
	[tilespmem:$0x8600] =	vst v63  }
0xdf: {  	s16 =	sadd.s32 $0x4288, s25;
	s17 =	sadd.s32 $0x10, s1  }
0xe0: {  	[hbm4b:s17+s3] =	stream.linear.scatter [tilespmem:s16], [sflag:s0], $0x80, $0x38;
	[tilespmem:$0x8600] =	vst v63  }
0xe1: {  	s30 =	sadd.s32 $0x4310, s25;
	s31 =	sadd.s32 $0x20, s1  }
0xe2: {  	[hbm4b:s31+s3] =	stream.linear.scatter [tilespmem:s30], [sflag:s0], $0x80, $0x38;
	[tilespmem:$0x8600] =	vst v63  }
0xe3: {  	s29 =	sadd.s32 $0x30, s1;
	s28 =	sadd.s32 $0x4398, s25  }
0xe4: {  	[hbm4b:s29+s3] =	stream.linear.scatter [tilespmem:s28], [sflag:s0], $0x80, $0x38;
	[tilespmem:$0x8600] =	vst v63  }
0xe5: {  	s30 =	sadd.s32 $0x4420, s25;
	s31 =	sadd.s32 $0x40, s1  }
0xe6: {  	[hbm4b:s31+s3] =	stream.linear.scatter [tilespmem:s30], [sflag:s0], $0x80, $0x38;
	[tilespmem:$0x8600] =	vst v63  }
0xe7: {  	s28 =	sadd.s32 $0x44A8, s25;
	s29 =	sadd.s32 $0x50, s1  }
0xe8: {  	[hbm4b:s29+s3] =	stream.linear.scatter [tilespmem:s28], [sflag:s0], $0x80, $0x38;
	[tilespmem:$0x8600] =	vst v63  }
0xe9: {  	s30 =	sadd.s32 $0x4530, s25;
	s31 =	sadd.s32 $0x60, s1  }
0xea: {  	[hbm4b:s31+s3] =	stream.linear.scatter [tilespmem:s30], [sflag:s0], $0x80, $0x38;
	[tilespmem:$0x8600] =	vst v63  }
0xeb: {  	s28 =	sadd.s32 $0x45B8, s25;
	s29 =	sadd.s32 $0x70, s1  }
0xec: {  	[hbm4b:s29+s3] =	stream.linear.scatter [tilespmem:s28], [sflag:s0], $0x80, $0x38;
	[tilespmem:$0x8600] =	vst v63  }
0xed: {  	s30 =	sadd.s32 $0x4640, s25;
	s31 =	sadd.s32 $0x80, s1  }
0xee: {  	[hbm4b:s31+s3] =	stream.linear.scatter [tilespmem:s30], [sflag:s0], $0x80, $0x38;
	[tilespmem:$0x8600] =	vst v63  }
0xef: {  	s28 =	sadd.s32 $0x46C8, s25;
	s29 =	sadd.s32 $0x90, s1  }
0xf0: {  	[hbm4b:s29+s3] =	stream.linear.scatter [tilespmem:s28], [sflag:s0], $0x80, $0x38;
	[tilespmem:$0x8600] =	vst v63  }
0xf1: {  	s30 =	sadd.s32 $0x4750, s25;
	s31 =	sadd.s32 $0xA0, s1  }
0xf2: {  	[hbm4b:s31+s3] =	stream.linear.scatter [tilespmem:s30], [sflag:s0], $0x80, $0x38;
	[tilespmem:$0x8600] =	vst v63  }
0xf3: {  	s28 =	sadd.s32 $0x47D8, s25;
	s29 =	sadd.s32 $0xB0, s1  }
0xf4: {  	[hbm4b:s29+s3] =	stream.linear.scatter [tilespmem:s28], [sflag:s0], $0x80, $0x38;
	[tilespmem:$0x8600] =	vst v63  }
0xf5: {  	s30 =	sadd.s32 $0x4860, s25;
	s31 =	sadd.s32 $0xC0, s1  }
0xf6: {  	[hbm4b:s31+s3] =	stream.linear.scatter [tilespmem:s30], [sflag:s0], $0x80, $0x38;
	[tilespmem:$0x8600] =	vst v63  }
0xf7: {  	s28 =	sadd.s32 $0x48E8, s25;
	s29 =	sadd.s32 $0xD0, s1  }
0xf8: {  	[hbm4b:s29+s3] =	stream.linear.scatter [tilespmem:s28], [sflag:s0], $0x80, $0x38;
	[tilespmem:$0x8600] =	vst v63  }
0xf9: {  	s30 =	sadd.s32 $0x4970, s25;
	s31 =	sadd.s32 $0xE0, s1  }
0xfa: {  	[hbm4b:s31+s3] =	stream.linear.scatter [tilespmem:s30], [sflag:s0], $0x80, $0x38;
	[tilespmem:$0x8600] =	vst v63  }
0xfb: {  	s1 =	sadd.s32 $0xF0, s1;
	s28 =	sadd.s32 $0x49F8, s25  }
0xfc: {  	[hbm4b:s1+s3] =	stream.linear.scatter [tilespmem:s28], [sflag:s0], $0x80, $0x38;
	[tilespmem:$0x8600] =	vst v63  }
0xfd: {  	s29 =	sadd.s32 $0x4A80, s25;
	s1 =	sadd.s32 s26, s10  }
0xfe: {  	[hbm4b:s1+s3] =	stream.linear.scatter [tilespmem:s29], [sflag:s0], $0x80, $0x38;
	[tilespmem:$0x8600] =	vst v63  }
0xff: {  	s30 =	sadd.s32 $0x4B08, s25;
	s31 =	sadd.s32 $0x10, s1  }
0x100: {  	[hbm4b:s31+s3] =	stream.linear.scatter [tilespmem:s30], [sflag:s0], $0x80, $0x38;
	[tilespmem:$0x8600] =	vst v63  }
0x101: {  	s28 =	sadd.s32 $0x4B90, s25;
	s29 =	sadd.s32 $0x20, s1  }
0x102: {  	[hbm4b:s29+s3] =	stream.linear.scatter [tilespmem:s28], [sflag:s0], $0x80, $0x38;
	[tilespmem:$0x8600] =	vst v63  }
0x103: {  	s30 =	sadd.s32 $0x4C18, s25;
	s31 =	sadd.s32 $0x30, s1  }
0x104: {  	[hbm4b:s31+s3] =	stream.linear.scatter [tilespmem:s30], [sflag:s0], $0x80, $0x38;
	[tilespmem:$0x8600] =	vst v63  }
0x105: {  	s28 =	sadd.s32 $0x4CA0, s25;
	s29 =	sadd.s32 $0x40, s1  }
0x106: {  	[hbm4b:s29+s3] =	stream.linear.scatter [tilespmem:s28], [sflag:s0], $0x80, $0x38;
	[tilespmem:$0x8600] =	vst v63  }
0x107: {  	s30 =	sadd.s32 $0x4D28, s25;
	s31 =	sadd.s32 $0x50, s1  }
0x108: {  	[hbm4b:s31+s3] =	stream.linear.scatter [tilespmem:s30], [sflag:s0], $0x80, $0x38;
	[tilespmem:$0x8600] =	vst v63  }
0x109: {  	s28 =	sadd.s32 $0x4DB0, s25;
	s29 =	sadd.s32 $0x60, s1  }
0x10a: {  	[hbm4b:s29+s3] =	stream.linear.scatter [tilespmem:s28], [sflag:s0], $0x80, $0x38;
	[tilespmem:$0x8600] =	vst v63  }
0x10b: {  	s30 =	sadd.s32 $0x4E38, s25;
	s31 =	sadd.s32 $0x70, s1  }
0x10c: {  	[hbm4b:s31+s3] =	stream.linear.scatter [tilespmem:s30], [sflag:s0], $0x80, $0x38;
	[tilespmem:$0x8600] =	vst v63  }
0x10d: {  	s28 =	sadd.s32 $0x4EC0, s25;
	s29 =	sadd.s32 $0x80, s1  }
0x10e: {  	[hbm4b:s29+s3] =	stream.linear.scatter [tilespmem:s28], [sflag:s0], $0x80, $0x38;
	[tilespmem:$0x8600] =	vst v63  }
0x10f: {  	s30 =	sadd.s32 $0x4F48, s25;
	s31 =	sadd.s32 $0x90, s1  }
0x110: {  	[hbm4b:s31+s3] =	stream.linear.scatter [tilespmem:s30], [sflag:s0], $0x80, $0x38;
	[tilespmem:$0x8600] =	vst v63  }
0x111: {  	s28 =	sadd.s32 $0x4FD0, s25;
	s29 =	sadd.s32 $0xA0, s1  }
0x112: {  	[hbm4b:s29+s3] =	stream.linear.scatter [tilespmem:s28], [sflag:s0], $0x80, $0x38;
	[tilespmem:$0x8600] =	vst v63  }
0x113: {  	s30 =	sadd.s32 $0x5058, s25;
	s31 =	sadd.s32 $0xB0, s1  }
0x114: {  	[hbm4b:s31+s3] =	stream.linear.scatter [tilespmem:s30], [sflag:s0], $0x80, $0x38;
	[tilespmem:$0x8600] =	vst v63  }
0x115: {  	s28 =	sadd.s32 $0x50E0, s25;
	s29 =	sadd.s32 $0xC0, s1  }
0x116: {  	[hbm4b:s29+s3] =	stream.linear.scatter [tilespmem:s28], [sflag:s0], $0x80, $0x38;
	[tilespmem:$0x8600] =	vst v63  }
0x117: {  	s30 =	sadd.s32 $0x5168, s25;
	s31 =	sadd.s32 $0xD0, s1  }
0x118: {  	[hbm4b:s31+s3] =	stream.linear.scatter [tilespmem:s30], [sflag:s0], $0x80, $0x38;
	[tilespmem:$0x8600] =	vst v63  }
0x119: {  	s28 =	sadd.s32 $0x51F0, s25;
	s29 =	sadd.s32 $0xE0, s1;
	s30 =	sor.u32 $0x1, s24  }
0x11a: {  	[hbm4b:s29+s3] =	stream.linear.scatter [tilespmem:s28], [sflag:s0], $0x80, $0x38;
	[tilespmem:$0x8600] =	vst v63  }
0x11b: {  	s1 =	sadd.s32 $0xF0, s1;
	s31 =	sadd.s32 $0x5278, s25;
	s16 =	smul.u32 $0x4400, s30  }
0x11c: {  	[hbm4b:s1+s3] =	stream.linear.scatter [tilespmem:s31], [sflag:s0], $0x80, $0x38;
	[tilespmem:$0x8600] =	vst v63  }
0x11d: {  	s1 =	sshrl.u32 s16, $0x2  }
0x11e: {  	s0 =	sadd.s32 $0x6, s24;
	s16 =	sadd.s32 s26, s11;
	s25 =	sadd.s32 $0x4200, s1  }
0x11f: {  	[hbm4b:s16+s3] =	stream.linear.scatter [tilespmem:s25], [sflag:s0], $0x80, $0x38;
	[tilespmem:$0x8600] =	vst v63  }
0x120: {  	s28 =	sadd.s32 $0x4288, s1;
	s29 =	sadd.s32 $0x10, s16  }
0x121: {  	[hbm4b:s29+s3] =	stream.linear.scatter [tilespmem:s28], [sflag:s0], $0x80, $0x38;
	[tilespmem:$0x8600] =	vst v63  }
0x122: {  	s30 =	sadd.s32 $0x4310, s1;
	s31 =	sadd.s32 $0x20, s16  }
0x123: {  	[hbm4b:s31+s3] =	stream.linear.scatter [tilespmem:s30], [sflag:s0], $0x80, $0x38;
	[tilespmem:$0x8600] =	vst v63  }
0x124: {  	s24 =	sadd.s32 $0x4398, s1;
	s25 =	sadd.s32 $0x30, s16  }
0x125: {  	[hbm4b:s25+s3] =	stream.linear.scatter [tilespmem:s24], [sflag:s0], $0x80, $0x38;
	[tilespmem:$0x8600] =	vst v63  }
0x126: {  	s28 =	sadd.s32 $0x4420, s1;
	s29 =	sadd.s32 $0x40, s16  }
0x127: {  	[hbm4b:s29+s3] =	stream.linear.scatter [tilespmem:s28], [sflag:s0], $0x80, $0x38;
	[tilespmem:$0x8600] =	vst v63  }
0x128: {  	s30 =	sadd.s32 $0x44A8, s1;
	s31 =	sadd.s32 $0x50, s16  }
0x129: {  	[hbm4b:s31+s3] =	stream.linear.scatter [tilespmem:s30], [sflag:s0], $0x80, $0x38;
	[tilespmem:$0x8600] =	vst v63  }
0x12a: {  	s24 =	sadd.s32 $0x4530, s1;
	s25 =	sadd.s32 $0x60, s16  }
0x12b: {  	[hbm4b:s25+s3] =	stream.linear.scatter [tilespmem:s24], [sflag:s0], $0x80, $0x38;
	[tilespmem:$0x8600] =	vst v63  }
0x12c: {  	s28 =	sadd.s32 $0x45B8, s1;
	s29 =	sadd.s32 $0x70, s16  }
0x12d: {  	[hbm4b:s29+s3] =	stream.linear.scatter [tilespmem:s28], [sflag:s0], $0x80, $0x38;
	[tilespmem:$0x8600] =	vst v63  }
0x12e: {  	s30 =	sadd.s32 $0x4640, s1;
	s31 =	sadd.s32 $0x80, s16  }
0x12f: {  	[hbm4b:s31+s3] =	stream.linear.scatter [tilespmem:s30], [sflag:s0], $0x80, $0x38;
	[tilespmem:$0x8600] =	vst v63  }
0x130: {  	s24 =	sadd.s32 $0x46C8, s1;
	s25 =	sadd.s32 $0x90, s16  }
0x131: {  	[hbm4b:s25+s3] =	stream.linear.scatter [tilespmem:s24], [sflag:s0], $0x80, $0x38;
	[tilespmem:$0x8600] =	vst v63  }
0x132: {  	s28 =	sadd.s32 $0x4750, s1;
	s29 =	sadd.s32 $0xA0, s16  }
0x133: {  	[hbm4b:s29+s3] =	stream.linear.scatter [tilespmem:s28], [sflag:s0], $0x80, $0x38;
	[tilespmem:$0x8600] =	vst v63  }
0x134: {  	s30 =	sadd.s32 $0x47D8, s1;
	s31 =	sadd.s32 $0xB0, s16  }
0x135: {  	[hbm4b:s31+s3] =	stream.linear.scatter [tilespmem:s30], [sflag:s0], $0x80, $0x38;
	[tilespmem:$0x8600] =	vst v63  }
0x136: {  	s24 =	sadd.s32 $0x4860, s1;
	s25 =	sadd.s32 $0xC0, s16  }
0x137: {  	[hbm4b:s25+s3] =	stream.linear.scatter [tilespmem:s24], [sflag:s0], $0x80, $0x38;
	[tilespmem:$0x8600] =	vst v63  }
0x138: {  	s28 =	sadd.s32 $0x48E8, s1;
	s29 =	sadd.s32 $0xD0, s16  }
0x139: {  	[hbm4b:s29+s3] =	stream.linear.scatter [tilespmem:s28], [sflag:s0], $0x80, $0x38;
	[tilespmem:$0x8600] =	vst v63  }
0x13a: {  	s30 =	sadd.s32 $0x4970, s1;
	s31 =	sadd.s32 $0xE0, s16  }
0x13b: {  	[hbm4b:s31+s3] =	stream.linear.scatter [tilespmem:s30], [sflag:s0], $0x80, $0x38;
	[tilespmem:$0x8600] =	vst v63  }
0x13c: {  	s16 =	sadd.s32 $0xF0, s16;
	s25 =	sadd.s32 $0x49F8, s1  }
0x13d: {  	[hbm4b:s16+s3] =	stream.linear.scatter [tilespmem:s25], [sflag:s0], $0x80, $0x38;
	[tilespmem:$0x8600] =	vst v63  }
0x13e: {  	s16 =	sadd.s32 s26, s12;
	s26 =	sadd.s32 $0x4A80, s1  }
0x13f: {  	[hbm4b:s16+s3] =	stream.linear.scatter [tilespmem:s26], [sflag:s0], $0x80, $0x38;
	[tilespmem:$0x8600] =	vst v63  }
0x140: {  	s28 =	sadd.s32 $0x4B08, s1;
	s29 =	sadd.s32 $0x10, s16  }
0x141: {  	[hbm4b:s29+s3] =	stream.linear.scatter [tilespmem:s28], [sflag:s0], $0x80, $0x38;
	[tilespmem:$0x8600] =	vst v63  }
0x142: {  	s30 =	sadd.s32 $0x4B90, s1;
	s31 =	sadd.s32 $0x20, s16  }
0x143: {  	[hbm4b:s31+s3] =	stream.linear.scatter [tilespmem:s30], [sflag:s0], $0x80, $0x38;
	[tilespmem:$0x8600] =	vst v63  }
0x144: {  	s25 =	sadd.s32 $0x4C18, s1;
	s26 =	sadd.s32 $0x30, s16  }
0x145: {  	[hbm4b:s26+s3] =	stream.linear.scatter [tilespmem:s25], [sflag:s0], $0x80, $0x38;
	[tilespmem:$0x8600] =	vst v63  }
0x146: {  	s28 =	sadd.s32 $0x4CA0, s1;
	s29 =	sadd.s32 $0x40, s16  }
0x147: {  	[hbm4b:s29+s3] =	stream.linear.scatter [tilespmem:s28], [sflag:s0], $0x80, $0x38;
	[tilespmem:$0x8600] =	vst v63  }
0x148: {  	s30 =	sadd.s32 $0x4D28, s1;
	s31 =	sadd.s32 $0x50, s16  }
0x149: {  	[hbm4b:s31+s3] =	stream.linear.scatter [tilespmem:s30], [sflag:s0], $0x80, $0x38;
	[tilespmem:$0x8600] =	vst v63  }
0x14a: {  	s25 =	sadd.s32 $0x4DB0, s1;
	s26 =	sadd.s32 $0x60, s16  }
0x14b: {  	[hbm4b:s26+s3] =	stream.linear.scatter [tilespmem:s25], [sflag:s0], $0x80, $0x38;
	[tilespmem:$0x8600] =	vst v63  }
0x14c: {  	s28 =	sadd.s32 $0x4E38, s1;
	s29 =	sadd.s32 $0x70, s16  }
0x14d: {  	[hbm4b:s29+s3] =	stream.linear.scatter [tilespmem:s28], [sflag:s0], $0x80, $0x38;
	[tilespmem:$0x8600] =	vst v63  }
0x14e: {  	s30 =	sadd.s32 $0x4EC0, s1;
	s31 =	sadd.s32 $0x80, s16  }
0x14f: {  	[hbm4b:s31+s3] =	stream.linear.scatter [tilespmem:s30], [sflag:s0], $0x80, $0x38;
	[tilespmem:$0x8600] =	vst v63  }
0x150: {  	s25 =	sadd.s32 $0x4F48, s1;
	s26 =	sadd.s32 $0x90, s16  }
0x151: {  	[hbm4b:s26+s3] =	stream.linear.scatter [tilespmem:s25], [sflag:s0], $0x80, $0x38;
	[tilespmem:$0x8600] =	vst v63  }
0x152: {  	s28 =	sadd.s32 $0x4FD0, s1;
	s29 =	sadd.s32 $0xA0, s16  }
0x153: {  	[hbm4b:s29+s3] =	stream.linear.scatter [tilespmem:s28], [sflag:s0], $0x80, $0x38;
	[tilespmem:$0x8600] =	vst v63  }
0x154: {  	s30 =	sadd.s32 $0x5058, s1;
	s31 =	sadd.s32 $0xB0, s16  }
0x155: {  	[hbm4b:s31+s3] =	stream.linear.scatter [tilespmem:s30], [sflag:s0], $0x80, $0x38;
	[tilespmem:$0x8600] =	vst v63  }
0x156: {  	s25 =	sadd.s32 $0x50E0, s1;
	s26 =	sadd.s32 $0xC0, s16  }
0x157: {  	[hbm4b:s26+s3] =	stream.linear.scatter [tilespmem:s25], [sflag:s0], $0x80, $0x38;
	[tilespmem:$0x8600] =	vst v63  }
0x158: {  	p1 =	sne.s32 s23, $0x7D;
	s28 =	sadd.s32 $0x5168, s1;
	s29 =	sadd.s32 $0xD0, s16  }
0x159: {  	[hbm4b:s29+s3] =	stream.linear.scatter [tilespmem:s28], [sflag:s0], $0x80, $0x38;
	[tilespmem:$0x8600] =	vst v63  }
.Ltmp5:
0x15a: {  	_ = 	snop;
	(pc) =	sbr.rel @p1 .LBB2_2-.Ltmp5, $4  }
0x15b: {  	s30 =	sadd.s32 $0x51F0, s1;
	s31 =	sadd.s32 $0xE0, s16  }
0x15c: {  	[hbm4b:s31+s3] =	stream.linear.scatter [tilespmem:s30], [sflag:s0], $0x80, $0x38;
	[tilespmem:$0x8600] =	vst v63  }
0x15d: {  	p0 =	por !p0, !p0;
	s1 =	sadd.s32 $0x5278, s1;
	s16 =	sadd.s32 $0xF0, s16  }
0x15e: {  	[hbm4b:s16+s3] =	stream.linear.scatter [tilespmem:s1], [sflag:s0], $0x80, $0x38;
	[tilespmem:$0x8600] =	vst v63  }
0x15f: {  	_ =	swait.ge [sflag:s18], $0x800  }
0x160: {  	[sflag:s18] =	ssyncset.done $0x0  }
0x161: {  	[sflag:s18] =	ssyncadd.s32 $0xFFFFF800  }
0x162: {  	_ =	swait.ge [sflag:s18], $0x800  }
0x163: {  	[sflag:s18] =	ssyncset.done $0x0  }
0x164: {  	[sflag:s18] =	ssyncadd.s32 $0xFFFFF800  }
0x165: {  	_ =	swait.ge [sflag:s19], $0x800  }
0x166: {  	[sflag:s19] =	ssyncset.done $0x0  }
0x167: {  	[sflag:s19] =	ssyncadd.s32 $0xFFFFF800  }
0x168: {  	_ =	swait.ge [sflag:s19], $0x800  }
0x169: {  	[sflag:s19] =	ssyncset.done $0x0  }
0x16a: {  	[sflag:s19] =	ssyncadd.s32 $0xFFFFF800  }
0x16b: {  	_ =	swait.ge [sflag:s20], $0x800  }
0x16c: {  	[sflag:s20] =	ssyncset.done $0x0  }
0x16d: {  	[sflag:s20] =	ssyncadd.s32 $0xFFFFF800  }
0x16e: {  	_ =	swait.ge [sflag:s20], $0x800  }
0x16f: {  	[sflag:s20] =	ssyncset.done $0x0  }
0x170: {  	s22 =	sadd.s32 $0x1, s22;
	[sflag:s20] =	ssyncadd.s32 $0xFFFFF800  }
0x171: {  	p0 =	sne.s32 s22, s13;
	_ =	swait.ge [sflag:s21], $0x800  }
.Ltmp6:
0x172: {  	[sflag:s21] =	ssyncset.done $0x0;
	(pc) =	sbr.rel @p0 .LBB2_1-.Ltmp6, $4  }
0x173: {  	[sflag:s21] =	ssyncadd.s32 $0xFFFFF800  }
0x174: {  	_ =	swait.ge [sflag:s21], $0x800  }
0x175: {  	[sflag:s21] =	ssyncset.done $0x0  }
0x176: {  	[sflag:s21] =	ssyncadd.s32 $0xFFFFF800  }
0x177: {  	_ =	sfence.sel $0x180000  }
0x178: {  	[bflag:$0x0] =	sbarrier.arrive $0xFFFF  }
0x179: {  	_ =	strace $0x9000004A  }
0x17a: {  	s0 =	stileid.u32;
	[bflag:$0x2] =	sbarrier.arrive $0xFFFF  }
0x17b: {  	p0 =	sne.s32 s0, $0x0;
	s0 =	rddreg [dreg:$0x2]  }
0x17c: {  	s0 =	sadd.s32 @!p0 $0x100000, s0  }
0x17d: {  	[sflag:s0] =	ssyncadd.tile.s32 @!p0 $0x1;
	_ =	shalt  }
.Lfunc_end2:
_tile_overlayer_lowered:
.L_overlay_start_2:
0x17e: {  	(tag) =	ssettag $0x2  }
0x17f: {  	s0 =	rddreg [dreg:$0x0];
	s2 =	stileid.u32  }
0x180: {  	s1 =	rddreg [dreg:$0x1];
	p0 =	sne.s32 s2, $0x0  }
0x181: {  	s3 =	rddreg [dreg:$0x2];
	[bflag:$0x3] =	sbarrier.arrive $0xFFFF;
	s2 =	simm.s32 @!p0 $0x1C09  }
0x182: {  	[timem:s3], [sflag:s2] =	dma.local @!p0 [hbm:s0], s1  }
0x183: {  	s0 =	simm.s32 @!p0 $0x9  }
0x184: {  	_ =	swait.ge @!p0 [sflag:s0], s1  }
0x185: {  	s1 =	ssub.s32 @!p0 $0x0, s1;
	[sflag:s0] =	ssyncset.done @!p0 $0x0  }
0x186: {  	[sflag:s0] =	ssyncadd.s32 @!p0 s1  }
0x187: {  	[bflag:$0x3] =	sbarrier.arrive $0xFFFF  }
0x188: {  	_ =	shalt  }

</sc_bundles>
